<compile_context>
chip_gen: v7x
topology: tpu7x:2x2x1
jax: 0.10.2.dev20260603
libtpu: 0.0.44.dev20260713+nightly
codegen_flags: <defaults>
</compile_context>

<pallas_src>
import functools

import jax
import jax.numpy as jnp
from jax import lax
from jax.experimental import pallas as pl
from jax.experimental.pallas import tpu as pltpu
from jax.experimental.pallas import tpu_sc as plsc

D = 64
BATCH = 4096
SEQ = 200
L = 16
NC, NS = 2, 16
NW = NC * NS
BBLK = BATCH // NW
NGRP = BBLK // L
EPS = 1e-5


def _rsqrt(v):
    bits = lax.bitcast_convert_type(v, jnp.int32)
    y = lax.bitcast_convert_type(
        0x5F3759DF - lax.shift_right_logical(bits, 1), jnp.float32)
    h = 0.5 * v
    y = y * (1.5 - h * y * y)
    y = y * (1.5 - h * y * y)
    return y


def _make_kernel():
    mesh = plsc.VectorSubcoreMesh(
        core_axis_name="c", subcore_axis_name="s",
        num_cores=NC, num_subcores=NS)

    @functools.partial(
        pl.kernel, mesh=mesh,
        compiler_params=pltpu.CompilerParams(
            needs_layout_passes=False, use_tc_tiling_on_sc=False),
        out_type=jax.ShapeDtypeStruct((SEQ, D // 8, NW, 8, BBLK), jnp.float32),
        scratch_types=[
            pltpu.VMEM((SEQ, BBLK), jnp.int32),
            pltpu.VMEM((SEQ, BBLK), jnp.int32),
            pltpu.VMEM((BBLK, 2 * D), jnp.float32),
            pltpu.VMEM((BBLK, 2 * D), jnp.float32),
            pltpu.VMEM((D // 8, 8, BBLK), jnp.float32),
            pltpu.VMEM((D // 8, 8, BBLK), jnp.float32),
            pltpu.VMEM((D,), jnp.float32),
            pltpu.VMEM((D,), jnp.float32),
            pltpu.SemaphoreType.DMA,
            pltpu.SemaphoreType.DMA,
            pltpu.SemaphoreType.DMA,
            pltpu.SemaphoreType.DMA,
        ],
    )
    def k(xt_hbm, table2_hbm, w_hbm, bias_hbm, out_hbm,
          idx_v, idxp_v, rows0_v, rows1_v, outb0_v, outb1_v, w_v, b_v,
          sg0, sg1, sw0, sw1):
        wid = lax.axis_index("s") * NC + lax.axis_index("c")

        pltpu.sync_copy(w_hbm, w_v)
        pltpu.sync_copy(bias_hbm, b_v)
        pltpu.sync_copy(xt_hbm.at[:, pl.ds(wid * BBLK, BBLK)], idx_v)

        def shift_body(i, _):
            for c in range(NGRP):
                idxp_v[i, pl.ds(c * L, L)] = lax.shift_right_logical(
                    idx_v[i, pl.ds(c * L, L)], 1)
            return 0
        lax.fori_loop(0, SEQ, shift_body, 0)

        rows_bufs = (rows0_v, rows1_v)
        out_bufs = (outb0_v, outb1_v)
        sems_g = (sg0, sg1)
        sems_w = (sw0, sw1)

        def gather(buf, g, wait):
            d = pltpu.make_async_copy(
                table2_hbm.at[idxp_v.at[g]], rows_bufs[buf], sems_g[buf])
            d.wait() if wait else d.start()

        def write(buf, g, wait):
            d = pltpu.make_async_copy(
                out_bufs[buf], out_hbm.at[g, :, wid], sems_w[buf])
            d.wait() if wait else d.start()

        w_vecs = [w_v[pl.ds(k * L, L)] for k in range(D // L)]
        b_vecs = [b_v[pl.ds(k * L, L)] for k in range(D // L)]
        w_sc = [w_vecs[c // L][c % L] for c in range(D)]
        b_sc = [b_vecs[c // L][c % L] for c in range(D)]
        lane = jnp.arange(L, dtype=jnp.int32)

        def compute(buf, g):
            rows_ref = rows_bufs[buf]
            outb_ref = out_bufs[buf]

            def grp_body(grp, _):
                raw = idx_v[g, pl.ds(grp * L, L)]
                col0 = lax.shift_left(lax.bitwise_and(raw, 1), 6)
                ridx = grp * L + lane
                acc_s = jnp.zeros((L,), jnp.float32)
                acc_q = jnp.zeros((L,), jnp.float32)
                cidx = col0
                for d in range(D):
                    v = plsc.load_gather(rows_ref, [ridx, cidx])
                    acc_s = acc_s + v
                    acc_q = acc_q + v * v
                    cidx = cidx + 1
                mean = acc_s * (1.0 / D)
                var = acc_q * (1.0 / D) - mean * mean + EPS
                rstd = _rsqrt(var)
                cidx = col0
                for d in range(D):
                    v = plsc.load_gather(rows_ref, [ridx, cidx])
                    rw = rstd * w_sc[d]
                    off = b_sc[d] - mean * rw
                    outb_ref[d // 8, d % 8, pl.ds(grp * L, L)] = v * rw + off
                    cidx = cidx + 1
                return 0
            lax.fori_loop(0, NGRP, grp_body, 0)

        gather(0, 0, False)
        gather(1, 1, False)

        def tile_body(ss, _):
            for b in range(2):
                g = 2 * ss + b
                gather(b, g, True)

                @pl.when(ss >= 1)
                def _():
                    write(b, g - 2, True)

                compute(b, g)

                @pl.when(ss < SEQ // 2 - 1)
                def _():
                    gather(b, g + 2, False)

                write(b, g, False)
            return 0

        lax.fori_loop(0, SEQ // 2, tile_body, 0)

        write(0, SEQ - 2, True)
        write(1, SEQ - 1, True)

    return k


_kernel = _make_kernel()


@jax.jit
def kernel(x, table, ln_weight, ln_bias):
    xt = jnp.transpose(x.astype(jnp.int32), (1, 0))
    table2 = table.reshape(table.shape[0] // 2, 2 * D)
    out5d = _kernel(xt, table2, ln_weight, ln_bias)
    return jnp.transpose(out5d, (2, 4, 0, 1, 3)).reshape(BATCH, SEQ, D)

# --- scband reference (transcript-rebuilt; emitter-appended) ---
"""Pipeline reference for scband-gene-encoder-25237227832055 (READ-ONLY COPY).

The authoritative reference and input builder live on the scoring server;
editing this copy changes nothing except your own understanding.
"""

import jax, jax.numpy as jnp
import numpy as np

NUM_EMBEDDINGS = 1000000
EMBED_DIM = 64
BATCH = 4096
SEQ = 200
EPS = 1e-5

def setup_inputs(seed: int = 0) -> dict:
    key = jax.random.key(seed)
    k1, k2 = jax.random.split(key)
    x = jax.random.randint(k1, (BATCH, SEQ), 0, NUM_EMBEDDINGS, dtype=jnp.int64 if jax.config.jax_enable_x64 else jnp.int32)
    table = jax.random.normal(k2, (NUM_EMBEDDINGS, EMBED_DIM), dtype=jnp.float32)
    ln_weight = jnp.ones((EMBED_DIM,), dtype=jnp.float32)
    ln_bias = jnp.zeros((EMBED_DIM,), dtype=jnp.float32)
    return {"x": x, "table": table, "ln_weight": ln_weight, "ln_bias": ln_bias}

def reference(x, table, ln_weight, ln_bias):
    # embedding lookup (gather)
    e = jnp.take(table, x, axis=0)  # [B, S, D]
    # LayerNorm over last dim
    mean = jnp.mean(e, axis=-1, keepdims=True)
    var = jnp.mean(jnp.square(e - mean), axis=-1, keepdims=True)
    normed = (e - mean) / jnp.sqrt(var + EPS)
    return normed * ln_weight + ln_bias

if __name__ == "__main__":
    import jax
    _d = setup_inputs()
    print(jax.jit(kernel)(*tuple(_d.values())))

</pallas_src>

<mosaic_0001>
#map = affine_map<(d0, d1) -> (0, 0)>
#map1 = affine_map<(d0, d1) -> (0)>
#map2 = affine_map<(d0, d1) -> (0, 0, 0, 0, 0)>
module attributes {stable_mosaic.version = 14 : i64} {
  func.func @k(%arg0: i32, %arg1: i32, %arg2: memref<200x4096xi32, #tpu.memory_space<hbm>>, %arg3: memref<500000x128xf32, #tpu.memory_space<hbm>>, %arg4: memref<64xf32, #tpu.memory_space<hbm>>, %arg5: memref<64xf32, #tpu.memory_space<hbm>>, %arg6: memref<200x8x32x8x128xf32, #tpu.memory_space<hbm>>, %arg7: memref<200x128xi32, #tpu.memory_space<vmem>>, %arg8: memref<200x128xi32, #tpu.memory_space<vmem>>, %arg9: memref<128x128xf32, #tpu.memory_space<vmem>>, %arg10: memref<128x128xf32, #tpu.memory_space<vmem>>, %arg11: memref<8x8x128xf32, #tpu.memory_space<vmem>>, %arg12: memref<8x8x128xf32, #tpu.memory_space<vmem>>, %arg13: memref<64xf32, #tpu.memory_space<vmem>>, %arg14: memref<64xf32, #tpu.memory_space<vmem>>, %arg15: memref<!tpu.dma_semaphore, #tpu.memory_space<semaphore_mem>>, %arg16: memref<!tpu.dma_semaphore, #tpu.memory_space<semaphore_mem>>, %arg17: memref<!tpu.dma_semaphore, #tpu.memory_space<semaphore_mem>>, %arg18: memref<!tpu.dma_semaphore, #tpu.memory_space<semaphore_mem>>) attributes {dimension_semantics = [#tpu.dimension_semantics<core_parallel>, #tpu.dimension_semantics<subcore_parallel>], iteration_bounds = array<i64: 2, 16>, scalar_prefetch = 0 : i64, scratch_operands = 12 : i64, tpu.core_type = #tpu.core_type<sc_vector_subcore>, window_params = [{transform_indices = #map}, {transform_indices = #map}, {transform_indices = #map1}, {transform_indices = #map1}, {transform_indices = #map2}]} {
    %mul3A = arith.constant 2 : i32
    %mul3A_0 = arith.muli %arg1, %mul3A : i32
    %add3A = arith.addi %mul3A_0, %arg0 : i32
    "tpu.region"() ({
      %run_scoped3A = tpu.sem_alloc : memref<!tpu.dma_semaphore, #tpu.memory_space<semaphore_mem>>
      tpu.enqueue_dma source(%arg4 : memref<64xf32, #tpu.memory_space<hbm>>) target(%arg13 : memref<64xf32, #tpu.memory_space<vmem>>) target_semaphore(%run_scoped3A : memref<!tpu.dma_semaphore, #tpu.memory_space<semaphore_mem>>)
      tpu.wait_dma2 semaphore(%run_scoped3A : memref<!tpu.dma_semaphore, #tpu.memory_space<semaphore_mem>>) src(%arg4 : memref<64xf32, #tpu.memory_space<hbm>>) dst(%arg13 : memref<64xf32, #tpu.memory_space<vmem>>)
      tpu.yield
    }) : () -> ()
    "tpu.region"() ({
      %run_scoped3A = tpu.sem_alloc : memref<!tpu.dma_semaphore, #tpu.memory_space<semaphore_mem>>
      tpu.enqueue_dma source(%arg5 : memref<64xf32, #tpu.memory_space<hbm>>) target(%arg14 : memref<64xf32, #tpu.memory_space<vmem>>) target_semaphore(%run_scoped3A : memref<!tpu.dma_semaphore, #tpu.memory_space<semaphore_mem>>)
      tpu.wait_dma2 semaphore(%run_scoped3A : memref<!tpu.dma_semaphore, #tpu.memory_space<semaphore_mem>>) src(%arg5 : memref<64xf32, #tpu.memory_space<hbm>>) dst(%arg14 : memref<64xf32, #tpu.memory_space<vmem>>)
      tpu.yield
    }) : () -> ()
    %mul3A_1 = arith.constant 128 : i32
    %mul3A_2 = arith.muli %add3A, %mul3A_1 : i32
    "tpu.region"() ({
      %run_scoped3A = tpu.sem_alloc : memref<!tpu.dma_semaphore, #tpu.memory_space<semaphore_mem>>
      %dma_start3A_319 = arith.constant 0 : i32
      %dma_start3A_320 = tpu.memref_slice %arg2[%dma_start3A_319, %mul3A_2] : memref<200x4096xi32, #tpu.memory_space<hbm>> -> memref<200x128xi32, #tpu.memory_space<hbm>>
      %dma_start3A_321 = arith.constant 0 : i32
      %dma_start3A_322 = tpu.memref_slice %arg2[%dma_start3A_321, %mul3A_2] : memref<200x4096xi32, #tpu.memory_space<hbm>> -> memref<200x128xi32, #tpu.memory_space<hbm>>
      tpu.enqueue_dma source(%dma_start3A_322 : memref<200x128xi32, #tpu.memory_space<hbm>>) target(%arg7 : memref<200x128xi32, #tpu.memory_space<vmem>>) target_semaphore(%run_scoped3A : memref<!tpu.dma_semaphore, #tpu.memory_space<semaphore_mem>>)
      %dma_wait3A_323 = arith.constant 0 : i32
      %dma_wait3A_324 = tpu.memref_slice %arg2[%dma_wait3A_323, %mul3A_2] : memref<200x4096xi32, #tpu.memory_space<hbm>> -> memref<200x128xi32, #tpu.memory_space<hbm>>
      %dma_wait3A_325 = arith.constant 0 : i32
      %dma_wait3A_326 = tpu.memref_slice %arg2[%dma_wait3A_325, %mul3A_2] : memref<200x4096xi32, #tpu.memory_space<hbm>> -> memref<200x128xi32, #tpu.memory_space<hbm>>
      tpu.wait_dma2 semaphore(%run_scoped3A : memref<!tpu.dma_semaphore, #tpu.memory_space<semaphore_mem>>) src(%dma_wait3A_326 : memref<200x128xi32, #tpu.memory_space<hbm>>) dst(%arg7 : memref<200x128xi32, #tpu.memory_space<vmem>>)
      tpu.yield
    }) : () -> ()
    %scan3A = arith.constant 0 : i32
    %scan3A_3 = arith.constant 0 : i32
    %scan3A_4 = arith.constant 200 : i32
    %scan3A_5 = arith.addi %scan3A_3, %scan3A_4 : i32
    %scan3A_6 = arith.constant 1 : i32
    %scan3A_7 = scf.for %scan3A_319 = %scan3A_3 to %scan3A_5 step %scan3A_6 iter_args(%scan3A_320 = %scan3A) -> (i32)  : i32 {
      %get3A_321 = arith.index_cast %scan3A_319 : i32 to index
      %get3A_322 = arith.constant 0 : index
      %get3A_323 = tpu.vector_load %arg7[%get3A_321, %get3A_322] {strides = array<i32>} : memref<200x128xi32, #tpu.memory_space<vmem>>, vector<16xi32>,
      %shift_right_logical3A = arith.constant 1 : i32
      %shift_right_logical3A_324 = vector.broadcast %shift_right_logical3A : i32 to vector<16xi32>
      %shift_right_logical3A_325 = arith.shrui %get3A_323, %shift_right_logical3A_324 : vector<16xi32>
      %swap3A = arith.index_cast %scan3A_319 : i32 to index
      %swap3A_326 = arith.constant 0 : index
      %swap3A_327 = tpu.vector_load %arg8[%swap3A, %swap3A_326] {strides = array<i32>} : memref<200x128xi32, #tpu.memory_space<vmem>>, vector<16xi32>,
      tpu.vector_store %arg8[%swap3A, %swap3A_326], %shift_right_logical3A_325 {strides = array<i32>} : memref<200x128xi32, #tpu.memory_space<vmem>>, vector<16xi32>,
      %get3A_328 = arith.index_cast %scan3A_319 : i32 to index
      %get3A_329 = arith.constant 16 : index
      %get3A_330 = tpu.vector_load %arg7[%get3A_328, %get3A_329] {strides = array<i32>} : memref<200x128xi32, #tpu.memory_space<vmem>>, vector<16xi32>,
      %shift_right_logical3A_331 = arith.constant 1 : i32
      %shift_right_logical3A_332 = vector.broadcast %shift_right_logical3A_331 : i32 to vector<16xi32>
      %shift_right_logical3A_333 = arith.shrui %get3A_330, %shift_right_logical3A_332 : vector<16xi32>
      %swap3A_334 = arith.index_cast %scan3A_319 : i32 to index
      %swap3A_335 = arith.constant 16 : index
      %swap3A_336 = tpu.vector_load %arg8[%swap3A_334, %swap3A_335] {strides = array<i32>} : memref<200x128xi32, #tpu.memory_space<vmem>>, vector<16xi32>,
      tpu.vector_store %arg8[%swap3A_334, %swap3A_335], %shift_right_logical3A_333 {strides = array<i32>} : memref<200x128xi32, #tpu.memory_space<vmem>>, vector<16xi32>,
      %get3A_337 = arith.index_cast %scan3A_319 : i32 to index
      %get3A_338 = arith.constant 32 : index
      %get3A_339 = tpu.vector_load %arg7[%get3A_337, %get3A_338] {strides = array<i32>} : memref<200x128xi32, #tpu.memory_space<vmem>>, vector<16xi32>,
      %shift_right_logical3A_340 = arith.constant 1 : i32
      %shift_right_logical3A_341 = vector.broadcast %shift_right_logical3A_340 : i32 to vector<16xi32>
      %shift_right_logical3A_342 = arith.shrui %get3A_339, %shift_right_logical3A_341 : vector<16xi32>
      %swap3A_343 = arith.index_cast %scan3A_319 : i32 to index
      %swap3A_344 = arith.constant 32 : index
      %swap3A_345 = tpu.vector_load %arg8[%swap3A_343, %swap3A_344] {strides = array<i32>} : memref<200x128xi32, #tpu.memory_space<vmem>>, vector<16xi32>,
      tpu.vector_store %arg8[%swap3A_343, %swap3A_344], %shift_right_logical3A_342 {strides = array<i32>} : memref<200x128xi32, #tpu.memory_space<vmem>>, vector<16xi32>,
      %get3A_346 = arith.index_cast %scan3A_319 : i32 to index
      %get3A_347 = arith.constant 48 : index
      %get3A_348 = tpu.vector_load %arg7[%get3A_346, %get3A_347] {strides = array<i32>} : memref<200x128xi32, #tpu.memory_space<vmem>>, vector<16xi32>,
      %shift_right_logical3A_349 = arith.constant 1 : i32
      %shift_right_logical3A_350 = vector.broadcast %shift_right_logical3A_349 : i32 to vector<16xi32>
      %shift_right_logical3A_351 = arith.shrui %get3A_348, %shift_right_logical3A_350 : vector<16xi32>
      %swap3A_352 = arith.index_cast %scan3A_319 : i32 to index
      %swap3A_353 = arith.constant 48 : index
      %swap3A_354 = tpu.vector_load %arg8[%swap3A_352, %swap3A_353] {strides = array<i32>} : memref<200x128xi32, #tpu.memory_space<vmem>>, vector<16xi32>,
      tpu.vector_store %arg8[%swap3A_352, %swap3A_353], %shift_right_logical3A_351 {strides = array<i32>} : memref<200x128xi32, #tpu.memory_space<vmem>>, vector<16xi32>,
      %get3A_355 = arith.index_cast %scan3A_319 : i32 to index
      %get3A_356 = arith.constant 64 : index
      %get3A_357 = tpu.vector_load %arg7[%get3A_355, %get3A_356] {strides = array<i32>} : memref<200x128xi32, #tpu.memory_space<vmem>>, vector<16xi32>,
      %shift_right_logical3A_358 = arith.constant 1 : i32
      %shift_right_logical3A_359 = vector.broadcast %shift_right_logical3A_358 : i32 to vector<16xi32>
      %shift_right_logical3A_360 = arith.shrui %get3A_357, %shift_right_logical3A_359 : vector<16xi32>
      %swap3A_361 = arith.index_cast %scan3A_319 : i32 to index
      %swap3A_362 = arith.constant 64 : index
      %swap3A_363 = tpu.vector_load %arg8[%swap3A_361, %swap3A_362] {strides = array<i32>} : memref<200x128xi32, #tpu.memory_space<vmem>>, vector<16xi32>,
      tpu.vector_store %arg8[%swap3A_361, %swap3A_362], %shift_right_logical3A_360 {strides = array<i32>} : memref<200x128xi32, #tpu.memory_space<vmem>>, vector<16xi32>,
      %get3A_364 = arith.index_cast %scan3A_319 : i32 to index
      %get3A_365 = arith.constant 80 : index
      %get3A_366 = tpu.vector_load %arg7[%get3A_364, %get3A_365] {strides = array<i32>} : memref<200x128xi32, #tpu.memory_space<vmem>>, vector<16xi32>,
      %shift_right_logical3A_367 = arith.constant 1 : i32
      %shift_right_logical3A_368 = vector.broadcast %shift_right_logical3A_367 : i32 to vector<16xi32>
      %shift_right_logical3A_369 = arith.shrui %get3A_366, %shift_right_logical3A_368 : vector<16xi32>
      %swap3A_370 = arith.index_cast %scan3A_319 : i32 to index
      %swap3A_371 = arith.constant 80 : index
      %swap3A_372 = tpu.vector_load %arg8[%swap3A_370, %swap3A_371] {strides = array<i32>} : memref<200x128xi32, #tpu.memory_space<vmem>>, vector<16xi32>,
      tpu.vector_store %arg8[%swap3A_370, %swap3A_371], %shift_right_logical3A_369 {strides = array<i32>} : memref<200x128xi32, #tpu.memory_space<vmem>>, vector<16xi32>,
      %get3A_373 = arith.index_cast %scan3A_319 : i32 to index
      %get3A_374 = arith.constant 96 : index
      %get3A_375 = tpu.vector_load %arg7[%get3A_373, %get3A_374] {strides = array<i32>} : memref<200x128xi32, #tpu.memory_space<vmem>>, vector<16xi32>,
      %shift_right_logical3A_376 = arith.constant 1 : i32
      %shift_right_logical3A_377 = vector.broadcast %shift_right_logical3A_376 : i32 to vector<16xi32>
      %shift_right_logical3A_378 = arith.shrui %get3A_375, %shift_right_logical3A_377 : vector<16xi32>
      %swap3A_379 = arith.index_cast %scan3A_319 : i32 to index
      %swap3A_380 = arith.constant 96 : index
      %swap3A_381 = tpu.vector_load %arg8[%swap3A_379, %swap3A_380] {strides = array<i32>} : memref<200x128xi32, #tpu.memory_space<vmem>>, vector<16xi32>,
      tpu.vector_store %arg8[%swap3A_379, %swap3A_380], %shift_right_logical3A_378 {strides = array<i32>} : memref<200x128xi32, #tpu.memory_space<vmem>>, vector<16xi32>,
      %get3A_382 = arith.index_cast %scan3A_319 : i32 to index
      %get3A_383 = arith.constant 112 : index
      %get3A_384 = tpu.vector_load %arg7[%get3A_382, %get3A_383] {strides = array<i32>} : memref<200x128xi32, #tpu.memory_space<vmem>>, vector<16xi32>,
      %shift_right_logical3A_385 = arith.constant 1 : i32
      %shift_right_logical3A_386 = vector.broadcast %shift_right_logical3A_385 : i32 to vector<16xi32>
      %shift_right_logical3A_387 = arith.shrui %get3A_384, %shift_right_logical3A_386 : vector<16xi32>
      %swap3A_388 = arith.index_cast %scan3A_319 : i32 to index
      %swap3A_389 = arith.constant 112 : index
      %swap3A_390 = tpu.vector_load %arg8[%swap3A_388, %swap3A_389] {strides = array<i32>} : memref<200x128xi32, #tpu.memory_space<vmem>>, vector<16xi32>,
      tpu.vector_store %arg8[%swap3A_388, %swap3A_389], %shift_right_logical3A_387 {strides = array<i32>} : memref<200x128xi32, #tpu.memory_space<vmem>>, vector<16xi32>,
      %scan3A_391 = arith.constant 0 : i32
      scf.yield %scan3A_391 : i32
    }
    %scan3A_8 = arith.constant 200 : i32
    %get3A = arith.constant 0 : index
    %get3A_9 = tpu.vector_load %arg13[%get3A] {strides = array<i32>} : memref<64xf32, #tpu.memory_space<vmem>>, vector<16xf32>,
    %get3A_10 = arith.constant 16 : index
    %get3A_11 = tpu.vector_load %arg13[%get3A_10] {strides = array<i32>} : memref<64xf32, #tpu.memory_space<vmem>>, vector<16xf32>,
    %get3A_12 = arith.constant 32 : index
    %get3A_13 = tpu.vector_load %arg13[%get3A_12] {strides = array<i32>} : memref<64xf32, #tpu.memory_space<vmem>>, vector<16xf32>,
    %get3A_14 = arith.constant 48 : index
    %get3A_15 = tpu.vector_load %arg13[%get3A_14] {strides = array<i32>} : memref<64xf32, #tpu.memory_space<vmem>>, vector<16xf32>,
    %get3A_16 = arith.constant 0 : index
    %get3A_17 = tpu.vector_load %arg14[%get3A_16] {strides = array<i32>} : memref<64xf32, #tpu.memory_space<vmem>>, vector<16xf32>,
    %get3A_18 = arith.constant 16 : index
    %get3A_19 = tpu.vector_load %arg14[%get3A_18] {strides = array<i32>} : memref<64xf32, #tpu.memory_space<vmem>>, vector<16xf32>,
    %get3A_20 = arith.constant 32 : index
    %get3A_21 = tpu.vector_load %arg14[%get3A_20] {strides = array<i32>} : memref<64xf32, #tpu.memory_space<vmem>>, vector<16xf32>,
    %get3A_22 = arith.constant 48 : index
    %get3A_23 = tpu.vector_load %arg14[%get3A_22] {strides = array<i32>} : memref<64xf32, #tpu.memory_space<vmem>>, vector<16xf32>,
    %slice3A = vector.extract_strided_slice %get3A_9 {offsets = [0], sizes = [1], strides = [1]} : vector<16xf32> to vector<1xf32>
    %squeeze3A = vector.extract %slice3A[0] : f32 from vector<1xf32>
    %slice3A_24 = vector.extract_strided_slice %get3A_9 {offsets = [1], sizes = [1], strides = [1]} : vector<16xf32> to vector<1xf32>
    %squeeze3A_25 = vector.extract %slice3A_24[0] : f32 from vector<1xf32>
    %slice3A_26 = vector.extract_strided_slice %get3A_9 {offsets = [2], sizes = [1], strides = [1]} : vector<16xf32> to vector<1xf32>
    %squeeze3A_27 = vector.extract %slice3A_26[0] : f32 from vector<1xf32>
    %slice3A_28 = vector.extract_strided_slice %get3A_9 {offsets = [3], sizes = [1], strides = [1]} : vector<16xf32> to vector<1xf32>
    %squeeze3A_29 = vector.extract %slice3A_28[0] : f32 from vector<1xf32>
    %slice3A_30 = vector.extract_strided_slice %get3A_9 {offsets = [4], sizes = [1], strides = [1]} : vector<16xf32> to vector<1xf32>
    %squeeze3A_31 = vector.extract %slice3A_30[0] : f32 from vector<1xf32>
    %slice3A_32 = vector.extract_strided_slice %get3A_9 {offsets = [5], sizes = [1], strides = [1]} : vector<16xf32> to vector<1xf32>
    %squeeze3A_33 = vector.extract %slice3A_32[0] : f32 from vector<1xf32>
    %slice3A_34 = vector.extract_strided_slice %get3A_9 {offsets = [6], sizes = [1], strides = [1]} : vector<16xf32> to vector<1xf32>
    %squeeze3A_35 = vector.extract %slice3A_34[0] : f32 from vector<1xf32>
    %slice3A_36 = vector.extract_strided_slice %get3A_9 {offsets = [7], sizes = [1], strides = [1]} : vector<16xf32> to vector<1xf32>
    %squeeze3A_37 = vector.extract %slice3A_36[0] : f32 from vector<1xf32>
    %slice3A_38 = vector.extract_strided_slice %get3A_9 {offsets = [8], sizes = [1], strides = [1]} : vector<16xf32> to vector<1xf32>
    %squeeze3A_39 = vector.extract %slice3A_38[0] : f32 from vector<1xf32>
    %slice3A_40 = vector.extract_strided_slice %get3A_9 {offsets = [9], sizes = [1], strides = [1]} : vector<16xf32> to vector<1xf32>
    %squeeze3A_41 = vector.extract %slice3A_40[0] : f32 from vector<1xf32>
    %slice3A_42 = vector.extract_strided_slice %get3A_9 {offsets = [10], sizes = [1], strides = [1]} : vector<16xf32> to vector<1xf32>
    %squeeze3A_43 = vector.extract %slice3A_42[0] : f32 from vector<1xf32>
    %slice3A_44 = vector.extract_strided_slice %get3A_9 {offsets = [11], sizes = [1], strides = [1]} : vector<16xf32> to vector<1xf32>
    %squeeze3A_45 = vector.extract %slice3A_44[0] : f32 from vector<1xf32>
    %slice3A_46 = vector.extract_strided_slice %get3A_9 {offsets = [12], sizes = [1], strides = [1]} : vector<16xf32> to vector<1xf32>
    %squeeze3A_47 = vector.extract %slice3A_46[0] : f32 from vector<1xf32>
    %slice3A_48 = vector.extract_strided_slice %get3A_9 {offsets = [13], sizes = [1], strides = [1]} : vector<16xf32> to vector<1xf32>
    %squeeze3A_49 = vector.extract %slice3A_48[0] : f32 from vector<1xf32>
    %slice3A_50 = vector.extract_strided_slice %get3A_9 {offsets = [14], sizes = [1], strides = [1]} : vector<16xf32> to vector<1xf32>
    %squeeze3A_51 = vector.extract %slice3A_50[0] : f32 from vector<1xf32>
    %slice3A_52 = vector.extract_strided_slice %get3A_9 {offsets = [15], sizes = [1], strides = [1]} : vector<16xf32> to vector<1xf32>
    %squeeze3A_53 = vector.extract %slice3A_52[0] : f32 from vector<1xf32>
    %slice3A_54 = vector.extract_strided_slice %get3A_11 {offsets = [0], sizes = [1], strides = [1]} : vector<16xf32> to vector<1xf32>
    %squeeze3A_55 = vector.extract %slice3A_54[0] : f32 from vector<1xf32>
    %slice3A_56 = vector.extract_strided_slice %get3A_11 {offsets = [1], sizes = [1], strides = [1]} : vector<16xf32> to vector<1xf32>
    %squeeze3A_57 = vector.extract %slice3A_56[0] : f32 from vector<1xf32>
    %slice3A_58 = vector.extract_strided_slice %get3A_11 {offsets = [2], sizes = [1], strides = [1]} : vector<16xf32> to vector<1xf32>
    %squeeze3A_59 = vector.extract %slice3A_58[0] : f32 from vector<1xf32>
    %slice3A_60 = vector.extract_strided_slice %get3A_11 {offsets = [3], sizes = [1], strides = [1]} : vector<16xf32> to vector<1xf32>
    %squeeze3A_61 = vector.extract %slice3A_60[0] : f32 from vector<1xf32>
    %slice3A_62 = vector.extract_strided_slice %get3A_11 {offsets = [4], sizes = [1], strides = [1]} : vector<16xf32> to vector<1xf32>
    %squeeze3A_63 = vector.extract %slice3A_62[0] : f32 from vector<1xf32>
    %slice3A_64 = vector.extract_strided_slice %get3A_11 {offsets = [5], sizes = [1], strides = [1]} : vector<16xf32> to vector<1xf32>
    %squeeze3A_65 = vector.extract %slice3A_64[0] : f32 from vector<1xf32>
    %slice3A_66 = vector.extract_strided_slice %get3A_11 {offsets = [6], sizes = [1], strides = [1]} : vector<16xf32> to vector<1xf32>
    %squeeze3A_67 = vector.extract %slice3A_66[0] : f32 from vector<1xf32>
    %slice3A_68 = vector.extract_strided_slice %get3A_11 {offsets = [7], sizes = [1], strides = [1]} : vector<16xf32> to vector<1xf32>
    %squeeze3A_69 = vector.extract %slice3A_68[0] : f32 from vector<1xf32>
    %slice3A_70 = vector.extract_strided_slice %get3A_11 {offsets = [8], sizes = [1], strides = [1]} : vector<16xf32> to vector<1xf32>
    %squeeze3A_71 = vector.extract %slice3A_70[0] : f32 from vector<1xf32>
    %slice3A_72 = vector.extract_strided_slice %get3A_11 {offsets = [9], sizes = [1], strides = [1]} : vector<16xf32> to vector<1xf32>
    %squeeze3A_73 = vector.extract %slice3A_72[0] : f32 from vector<1xf32>
    %slice3A_74 = vector.extract_strided_slice %get3A_11 {offsets = [10], sizes = [1], strides = [1]} : vector<16xf32> to vector<1xf32>
    %squeeze3A_75 = vector.extract %slice3A_74[0] : f32 from vector<1xf32>
    %slice3A_76 = vector.extract_strided_slice %get3A_11 {offsets = [11], sizes = [1], strides = [1]} : vector<16xf32> to vector<1xf32>
    %squeeze3A_77 = vector.extract %slice3A_76[0] : f32 from vector<1xf32>
    %slice3A_78 = vector.extract_strided_slice %get3A_11 {offsets = [12], sizes = [1], strides = [1]} : vector<16xf32> to vector<1xf32>
    %squeeze3A_79 = vector.extract %slice3A_78[0] : f32 from vector<1xf32>
    %slice3A_80 = vector.extract_strided_slice %get3A_11 {offsets = [13], sizes = [1], strides = [1]} : vector<16xf32> to vector<1xf32>
    %squeeze3A_81 = vector.extract %slice3A_80[0] : f32 from vector<1xf32>
    %slice3A_82 = vector.extract_strided_slice %get3A_11 {offsets = [14], sizes = [1], strides = [1]} : vector<16xf32> to vector<1xf32>
    %squeeze3A_83 = vector.extract %slice3A_82[0] : f32 from vector<1xf32>
    %slice3A_84 = vector.extract_strided_slice %get3A_11 {offsets = [15], sizes = [1], strides = [1]} : vector<16xf32> to vector<1xf32>
    %squeeze3A_85 = vector.extract %slice3A_84[0] : f32 from vector<1xf32>
    %slice3A_86 = vector.extract_strided_slice %get3A_13 {offsets = [0], sizes = [1], strides = [1]} : vector<16xf32> to vector<1xf32>
    %squeeze3A_87 = vector.extract %slice3A_86[0] : f32 from vector<1xf32>
    %slice3A_88 = vector.extract_strided_slice %get3A_13 {offsets = [1], sizes = [1], strides = [1]} : vector<16xf32> to vector<1xf32>
    %squeeze3A_89 = vector.extract %slice3A_88[0] : f32 from vector<1xf32>
    %slice3A_90 = vector.extract_strided_slice %get3A_13 {offsets = [2], sizes = [1], strides = [1]} : vector<16xf32> to vector<1xf32>
    %squeeze3A_91 = vector.extract %slice3A_90[0] : f32 from vector<1xf32>
    %slice3A_92 = vector.extract_strided_slice %get3A_13 {offsets = [3], sizes = [1], strides = [1]} : vector<16xf32> to vector<1xf32>
    %squeeze3A_93 = vector.extract %slice3A_92[0] : f32 from vector<1xf32>
    %slice3A_94 = vector.extract_strided_slice %get3A_13 {offsets = [4], sizes = [1], strides = [1]} : vector<16xf32> to vector<1xf32>
    %squeeze3A_95 = vector.extract %slice3A_94[0] : f32 from vector<1xf32>
    %slice3A_96 = vector.extract_strided_slice %get3A_13 {offsets = [5], sizes = [1], strides = [1]} : vector<16xf32> to vector<1xf32>
    %squeeze3A_97 = vector.extract %slice3A_96[0] : f32 from vector<1xf32>
    %slice3A_98 = vector.extract_strided_slice %get3A_13 {offsets = [6], sizes = [1], strides = [1]} : vector<16xf32> to vector<1xf32>
    %squeeze3A_99 = vector.extract %slice3A_98[0] : f32 from vector<1xf32>
    %slice3A_100 = vector.extract_strided_slice %get3A_13 {offsets = [7], sizes = [1], strides = [1]} : vector<16xf32> to vector<1xf32>
    %squeeze3A_101 = vector.extract %slice3A_100[0] : f32 from vector<1xf32>
    %slice3A_102 = vector.extract_strided_slice %get3A_13 {offsets = [8], sizes = [1], strides = [1]} : vector<16xf32> to vector<1xf32>
    %squeeze3A_103 = vector.extract %slice3A_102[0] : f32 from vector<1xf32>
    %slice3A_104 = vector.extract_strided_slice %get3A_13 {offsets = [9], sizes = [1], strides = [1]} : vector<16xf32> to vector<1xf32>
    %squeeze3A_105 = vector.extract %slice3A_104[0] : f32 from vector<1xf32>
    %slice3A_106 = vector.extract_strided_slice %get3A_13 {offsets = [10], sizes = [1], strides = [1]} : vector<16xf32> to vector<1xf32>
    %squeeze3A_107 = vector.extract %slice3A_106[0] : f32 from vector<1xf32>
    %slice3A_108 = vector.extract_strided_slice %get3A_13 {offsets = [11], sizes = [1], strides = [1]} : vector<16xf32> to vector<1xf32>
    %squeeze3A_109 = vector.extract %slice3A_108[0] : f32 from vector<1xf32>
    %slice3A_110 = vector.extract_strided_slice %get3A_13 {offsets = [12], sizes = [1], strides = [1]} : vector<16xf32> to vector<1xf32>
    %squeeze3A_111 = vector.extract %slice3A_110[0] : f32 from vector<1xf32>
    %slice3A_112 = vector.extract_strided_slice %get3A_13 {offsets = [13], sizes = [1], strides = [1]} : vector<16xf32> to vector<1xf32>
    %squeeze3A_113 = vector.extract %slice3A_112[0] : f32 from vector<1xf32>
    %slice3A_114 = vector.extract_strided_slice %get3A_13 {offsets = [14], sizes = [1], strides = [1]} : vector<16xf32> to vector<1xf32>
    %squeeze3A_115 = vector.extract %slice3A_114[0] : f32 from vector<1xf32>
    %slice3A_116 = vector.extract_strided_slice %get3A_13 {offsets = [15], sizes = [1], strides = [1]} : vector<16xf32> to vector<1xf32>
    %squeeze3A_117 = vector.extract %slice3A_116[0] : f32 from vector<1xf32>
    %slice3A_118 = vector.extract_strided_slice %get3A_15 {offsets = [0], sizes = [1], strides = [1]} : vector<16xf32> to vector<1xf32>
    %squeeze3A_119 = vector.extract %slice3A_118[0] : f32 from vector<1xf32>
    %slice3A_120 = vector.extract_strided_slice %get3A_15 {offsets = [1], sizes = [1], strides = [1]} : vector<16xf32> to vector<1xf32>
    %squeeze3A_121 = vector.extract %slice3A_120[0] : f32 from vector<1xf32>
    %slice3A_122 = vector.extract_strided_slice %get3A_15 {offsets = [2], sizes = [1], strides = [1]} : vector<16xf32> to vector<1xf32>
    %squeeze3A_123 = vector.extract %slice3A_122[0] : f32 from vector<1xf32>
    %slice3A_124 = vector.extract_strided_slice %get3A_15 {offsets = [3], sizes = [1], strides = [1]} : vector<16xf32> to vector<1xf32>
    %squeeze3A_125 = vector.extract %slice3A_124[0] : f32 from vector<1xf32>
    %slice3A_126 = vector.extract_strided_slice %get3A_15 {offsets = [4], sizes = [1], strides = [1]} : vector<16xf32> to vector<1xf32>
    %squeeze3A_127 = vector.extract %slice3A_126[0] : f32 from vector<1xf32>
    %slice3A_128 = vector.extract_strided_slice %get3A_15 {offsets = [5], sizes = [1], strides = [1]} : vector<16xf32> to vector<1xf32>
    %squeeze3A_129 = vector.extract %slice3A_128[0] : f32 from vector<1xf32>
    %slice3A_130 = vector.extract_strided_slice %get3A_15 {offsets = [6], sizes = [1], strides = [1]} : vector<16xf32> to vector<1xf32>
    %squeeze3A_131 = vector.extract %slice3A_130[0] : f32 from vector<1xf32>
    %slice3A_132 = vector.extract_strided_slice %get3A_15 {offsets = [7], sizes = [1], strides = [1]} : vector<16xf32> to vector<1xf32>
    %squeeze3A_133 = vector.extract %slice3A_132[0] : f32 from vector<1xf32>
    %slice3A_134 = vector.extract_strided_slice %get3A_15 {offsets = [8], sizes = [1], strides = [1]} : vector<16xf32> to vector<1xf32>
    %squeeze3A_135 = vector.extract %slice3A_134[0] : f32 from vector<1xf32>
    %slice3A_136 = vector.extract_strided_slice %get3A_15 {offsets = [9], sizes = [1], strides = [1]} : vector<16xf32> to vector<1xf32>
    %squeeze3A_137 = vector.extract %slice3A_136[0] : f32 from vector<1xf32>
    %slice3A_138 = vector.extract_strided_slice %get3A_15 {offsets = [10], sizes = [1], strides = [1]} : vector<16xf32> to vector<1xf32>
    %squeeze3A_139 = vector.extract %slice3A_138[0] : f32 from vector<1xf32>
    %slice3A_140 = vector.extract_strided_slice %get3A_15 {offsets = [11], sizes = [1], strides = [1]} : vector<16xf32> to vector<1xf32>
    %squeeze3A_141 = vector.extract %slice3A_140[0] : f32 from vector<1xf32>
    %slice3A_142 = vector.extract_strided_slice %get3A_15 {offsets = [12], sizes = [1], strides = [1]} : vector<16xf32> to vector<1xf32>
    %squeeze3A_143 = vector.extract %slice3A_142[0] : f32 from vector<1xf32>
    %slice3A_144 = vector.extract_strided_slice %get3A_15 {offsets = [13], sizes = [1], strides = [1]} : vector<16xf32> to vector<1xf32>
    %squeeze3A_145 = vector.extract %slice3A_144[0] : f32 from vector<1xf32>
    %slice3A_146 = vector.extract_strided_slice %get3A_15 {offsets = [14], sizes = [1], strides = [1]} : vector<16xf32> to vector<1xf32>
    %squeeze3A_147 = vector.extract %slice3A_146[0] : f32 from vector<1xf32>
    %slice3A_148 = vector.extract_strided_slice %get3A_15 {offsets = [15], sizes = [1], strides = [1]} : vector<16xf32> to vector<1xf32>
    %squeeze3A_149 = vector.extract %slice3A_148[0] : f32 from vector<1xf32>
    %slice3A_150 = vector.extract_strided_slice %get3A_17 {offsets = [0], sizes = [1], strides = [1]} : vector<16xf32> to vector<1xf32>
    %squeeze3A_151 = vector.extract %slice3A_150[0] : f32 from vector<1xf32>
    %slice3A_152 = vector.extract_strided_slice %get3A_17 {offsets = [1], sizes = [1], strides = [1]} : vector<16xf32> to vector<1xf32>
    %squeeze3A_153 = vector.extract %slice3A_152[0] : f32 from vector<1xf32>
    %slice3A_154 = vector.extract_strided_slice %get3A_17 {offsets = [2], sizes = [1], strides = [1]} : vector<16xf32> to vector<1xf32>
    %squeeze3A_155 = vector.extract %slice3A_154[0] : f32 from vector<1xf32>
    %slice3A_156 = vector.extract_strided_slice %get3A_17 {offsets = [3], sizes = [1], strides = [1]} : vector<16xf32> to vector<1xf32>
    %squeeze3A_157 = vector.extract %slice3A_156[0] : f32 from vector<1xf32>
    %slice3A_158 = vector.extract_strided_slice %get3A_17 {offsets = [4], sizes = [1], strides = [1]} : vector<16xf32> to vector<1xf32>
    %squeeze3A_159 = vector.extract %slice3A_158[0] : f32 from vector<1xf32>
    %slice3A_160 = vector.extract_strided_slice %get3A_17 {offsets = [5], sizes = [1], strides = [1]} : vector<16xf32> to vector<1xf32>
    %squeeze3A_161 = vector.extract %slice3A_160[0] : f32 from vector<1xf32>
    %slice3A_162 = vector.extract_strided_slice %get3A_17 {offsets = [6], sizes = [1], strides = [1]} : vector<16xf32> to vector<1xf32>
    %squeeze3A_163 = vector.extract %slice3A_162[0] : f32 from vector<1xf32>
    %slice3A_164 = vector.extract_strided_slice %get3A_17 {offsets = [7], sizes = [1], strides = [1]} : vector<16xf32> to vector<1xf32>
    %squeeze3A_165 = vector.extract %slice3A_164[0] : f32 from vector<1xf32>
    %slice3A_166 = vector.extract_strided_slice %get3A_17 {offsets = [8], sizes = [1], strides = [1]} : vector<16xf32> to vector<1xf32>
    %squeeze3A_167 = vector.extract %slice3A_166[0] : f32 from vector<1xf32>
    %slice3A_168 = vector.extract_strided_slice %get3A_17 {offsets = [9], sizes = [1], strides = [1]} : vector<16xf32> to vector<1xf32>
    %squeeze3A_169 = vector.extract %slice3A_168[0] : f32 from vector<1xf32>
    %slice3A_170 = vector.extract_strided_slice %get3A_17 {offsets = [10], sizes = [1], strides = [1]} : vector<16xf32> to vector<1xf32>
    %squeeze3A_171 = vector.extract %slice3A_170[0] : f32 from vector<1xf32>
    %slice3A_172 = vector.extract_strided_slice %get3A_17 {offsets = [11], sizes = [1], strides = [1]} : vector<16xf32> to vector<1xf32>
    %squeeze3A_173 = vector.extract %slice3A_172[0] : f32 from vector<1xf32>
    %slice3A_174 = vector.extract_strided_slice %get3A_17 {offsets = [12], sizes = [1], strides = [1]} : vector<16xf32> to vector<1xf32>
    %squeeze3A_175 = vector.extract %slice3A_174[0] : f32 from vector<1xf32>
    %slice3A_176 = vector.extract_strided_slice %get3A_17 {offsets = [13], sizes = [1], strides = [1]} : vector<16xf32> to vector<1xf32>
    %squeeze3A_177 = vector.extract %slice3A_176[0] : f32 from vector<1xf32>
    %slice3A_178 = vector.extract_strided_slice %get3A_17 {offsets = [14], sizes = [1], strides = [1]} : vector<16xf32> to vector<1xf32>
    %squeeze3A_179 = vector.extract %slice3A_178[0] : f32 from vector<1xf32>
    %slice3A_180 = vector.extract_strided_slice %get3A_17 {offsets = [15], sizes = [1], strides = [1]} : vector<16xf32> to vector<1xf32>
    %squeeze3A_181 = vector.extract %slice3A_180[0] : f32 from vector<1xf32>
    %slice3A_182 = vector.extract_strided_slice %get3A_19 {offsets = [0], sizes = [1], strides = [1]} : vector<16xf32> to vector<1xf32>
    %squeeze3A_183 = vector.extract %slice3A_182[0] : f32 from vector<1xf32>
    %slice3A_184 = vector.extract_strided_slice %get3A_19 {offsets = [1], sizes = [1], strides = [1]} : vector<16xf32> to vector<1xf32>
    %squeeze3A_185 = vector.extract %slice3A_184[0] : f32 from vector<1xf32>
    %slice3A_186 = vector.extract_strided_slice %get3A_19 {offsets = [2], sizes = [1], strides = [1]} : vector<16xf32> to vector<1xf32>
    %squeeze3A_187 = vector.extract %slice3A_186[0] : f32 from vector<1xf32>
    %slice3A_188 = vector.extract_strided_slice %get3A_19 {offsets = [3], sizes = [1], strides = [1]} : vector<16xf32> to vector<1xf32>
    %squeeze3A_189 = vector.extract %slice3A_188[0] : f32 from vector<1xf32>
    %slice3A_190 = vector.extract_strided_slice %get3A_19 {offsets = [4], sizes = [1], strides = [1]} : vector<16xf32> to vector<1xf32>
    %squeeze3A_191 = vector.extract %slice3A_190[0] : f32 from vector<1xf32>
    %slice3A_192 = vector.extract_strided_slice %get3A_19 {offsets = [5], sizes = [1], strides = [1]} : vector<16xf32> to vector<1xf32>
    %squeeze3A_193 = vector.extract %slice3A_192[0] : f32 from vector<1xf32>
    %slice3A_194 = vector.extract_strided_slice %get3A_19 {offsets = [6], sizes = [1], strides = [1]} : vector<16xf32> to vector<1xf32>
    %squeeze3A_195 = vector.extract %slice3A_194[0] : f32 from vector<1xf32>
    %slice3A_196 = vector.extract_strided_slice %get3A_19 {offsets = [7], sizes = [1], strides = [1]} : vector<16xf32> to vector<1xf32>
    %squeeze3A_197 = vector.extract %slice3A_196[0] : f32 from vector<1xf32>
    %slice3A_198 = vector.extract_strided_slice %get3A_19 {offsets = [8], sizes = [1], strides = [1]} : vector<16xf32> to vector<1xf32>
    %squeeze3A_199 = vector.extract %slice3A_198[0] : f32 from vector<1xf32>
    %slice3A_200 = vector.extract_strided_slice %get3A_19 {offsets = [9], sizes = [1], strides = [1]} : vector<16xf32> to vector<1xf32>
    %squeeze3A_201 = vector.extract %slice3A_200[0] : f32 from vector<1xf32>
    %slice3A_202 = vector.extract_strided_slice %get3A_19 {offsets = [10], sizes = [1], strides = [1]} : vector<16xf32> to vector<1xf32>
    %squeeze3A_203 = vector.extract %slice3A_202[0] : f32 from vector<1xf32>
    %slice3A_204 = vector.extract_strided_slice %get3A_19 {offsets = [11], sizes = [1], strides = [1]} : vector<16xf32> to vector<1xf32>
    %squeeze3A_205 = vector.extract %slice3A_204[0] : f32 from vector<1xf32>
    %slice3A_206 = vector.extract_strided_slice %get3A_19 {offsets = [12], sizes = [1], strides = [1]} : vector<16xf32> to vector<1xf32>
    %squeeze3A_207 = vector.extract %slice3A_206[0] : f32 from vector<1xf32>
    %slice3A_208 = vector.extract_strided_slice %get3A_19 {offsets = [13], sizes = [1], strides = [1]} : vector<16xf32> to vector<1xf32>
    %squeeze3A_209 = vector.extract %slice3A_208[0] : f32 from vector<1xf32>
    %slice3A_210 = vector.extract_strided_slice %get3A_19 {offsets = [14], sizes = [1], strides = [1]} : vector<16xf32> to vector<1xf32>
    %squeeze3A_211 = vector.extract %slice3A_210[0] : f32 from vector<1xf32>
    %slice3A_212 = vector.extract_strided_slice %get3A_19 {offsets = [15], sizes = [1], strides = [1]} : vector<16xf32> to vector<1xf32>
    %squeeze3A_213 = vector.extract %slice3A_212[0] : f32 from vector<1xf32>
    %slice3A_214 = vector.extract_strided_slice %get3A_21 {offsets = [0], sizes = [1], strides = [1]} : vector<16xf32> to vector<1xf32>
    %squeeze3A_215 = vector.extract %slice3A_214[0] : f32 from vector<1xf32>
    %slice3A_216 = vector.extract_strided_slice %get3A_21 {offsets = [1], sizes = [1], strides = [1]} : vector<16xf32> to vector<1xf32>
    %squeeze3A_217 = vector.extract %slice3A_216[0] : f32 from vector<1xf32>
    %slice3A_218 = vector.extract_strided_slice %get3A_21 {offsets = [2], sizes = [1], strides = [1]} : vector<16xf32> to vector<1xf32>
    %squeeze3A_219 = vector.extract %slice3A_218[0] : f32 from vector<1xf32>
    %slice3A_220 = vector.extract_strided_slice %get3A_21 {offsets = [3], sizes = [1], strides = [1]} : vector<16xf32> to vector<1xf32>
    %squeeze3A_221 = vector.extract %slice3A_220[0] : f32 from vector<1xf32>
    %slice3A_222 = vector.extract_strided_slice %get3A_21 {offsets = [4], sizes = [1], strides = [1]} : vector<16xf32> to vector<1xf32>
    %squeeze3A_223 = vector.extract %slice3A_222[0] : f32 from vector<1xf32>
    %slice3A_224 = vector.extract_strided_slice %get3A_21 {offsets = [5], sizes = [1], strides = [1]} : vector<16xf32> to vector<1xf32>
    %squeeze3A_225 = vector.extract %slice3A_224[0] : f32 from vector<1xf32>
    %slice3A_226 = vector.extract_strided_slice %get3A_21 {offsets = [6], sizes = [1], strides = [1]} : vector<16xf32> to vector<1xf32>
    %squeeze3A_227 = vector.extract %slice3A_226[0] : f32 from vector<1xf32>
    %slice3A_228 = vector.extract_strided_slice %get3A_21 {offsets = [7], sizes = [1], strides = [1]} : vector<16xf32> to vector<1xf32>
    %squeeze3A_229 = vector.extract %slice3A_228[0] : f32 from vector<1xf32>
    %slice3A_230 = vector.extract_strided_slice %get3A_21 {offsets = [8], sizes = [1], strides = [1]} : vector<16xf32> to vector<1xf32>
    %squeeze3A_231 = vector.extract %slice3A_230[0] : f32 from vector<1xf32>
    %slice3A_232 = vector.extract_strided_slice %get3A_21 {offsets = [9], sizes = [1], strides = [1]} : vector<16xf32> to vector<1xf32>
    %squeeze3A_233 = vector.extract %slice3A_232[0] : f32 from vector<1xf32>
    %slice3A_234 = vector.extract_strided_slice %get3A_21 {offsets = [10], sizes = [1], strides = [1]} : vector<16xf32> to vector<1xf32>
    %squeeze3A_235 = vector.extract %slice3A_234[0] : f32 from vector<1xf32>
    %slice3A_236 = vector.extract_strided_slice %get3A_21 {offsets = [11], sizes = [1], strides = [1]} : vector<16xf32> to vector<1xf32>
    %squeeze3A_237 = vector.extract %slice3A_236[0] : f32 from vector<1xf32>
    %slice3A_238 = vector.extract_strided_slice %get3A_21 {offsets = [12], sizes = [1], strides = [1]} : vector<16xf32> to vector<1xf32>
    %squeeze3A_239 = vector.extract %slice3A_238[0] : f32 from vector<1xf32>
    %slice3A_240 = vector.extract_strided_slice %get3A_21 {offsets = [13], sizes = [1], strides = [1]} : vector<16xf32> to vector<1xf32>
    %squeeze3A_241 = vector.extract %slice3A_240[0] : f32 from vector<1xf32>
    %slice3A_242 = vector.extract_strided_slice %get3A_21 {offsets = [14], sizes = [1], strides = [1]} : vector<16xf32> to vector<1xf32>
    %squeeze3A_243 = vector.extract %slice3A_242[0] : f32 from vector<1xf32>
    %slice3A_244 = vector.extract_strided_slice %get3A_21 {offsets = [15], sizes = [1], strides = [1]} : vector<16xf32> to vector<1xf32>
    %squeeze3A_245 = vector.extract %slice3A_244[0] : f32 from vector<1xf32>
    %slice3A_246 = vector.extract_strided_slice %get3A_23 {offsets = [0], sizes = [1], strides = [1]} : vector<16xf32> to vector<1xf32>
    %squeeze3A_247 = vector.extract %slice3A_246[0] : f32 from vector<1xf32>
    %slice3A_248 = vector.extract_strided_slice %get3A_23 {offsets = [1], sizes = [1], strides = [1]} : vector<16xf32> to vector<1xf32>
    %squeeze3A_249 = vector.extract %slice3A_248[0] : f32 from vector<1xf32>
    %slice3A_250 = vector.extract_strided_slice %get3A_23 {offsets = [2], sizes = [1], strides = [1]} : vector<16xf32> to vector<1xf32>
    %squeeze3A_251 = vector.extract %slice3A_250[0] : f32 from vector<1xf32>
    %slice3A_252 = vector.extract_strided_slice %get3A_23 {offsets = [3], sizes = [1], strides = [1]} : vector<16xf32> to vector<1xf32>
    %squeeze3A_253 = vector.extract %slice3A_252[0] : f32 from vector<1xf32>
    %slice3A_254 = vector.extract_strided_slice %get3A_23 {offsets = [4], sizes = [1], strides = [1]} : vector<16xf32> to vector<1xf32>
    %squeeze3A_255 = vector.extract %slice3A_254[0] : f32 from vector<1xf32>
    %slice3A_256 = vector.extract_strided_slice %get3A_23 {offsets = [5], sizes = [1], strides = [1]} : vector<16xf32> to vector<1xf32>
    %squeeze3A_257 = vector.extract %slice3A_256[0] : f32 from vector<1xf32>
    %slice3A_258 = vector.extract_strided_slice %get3A_23 {offsets = [6], sizes = [1], strides = [1]} : vector<16xf32> to vector<1xf32>
    %squeeze3A_259 = vector.extract %slice3A_258[0] : f32 from vector<1xf32>
    %slice3A_260 = vector.extract_strided_slice %get3A_23 {offsets = [7], sizes = [1], strides = [1]} : vector<16xf32> to vector<1xf32>
    %squeeze3A_261 = vector.extract %slice3A_260[0] : f32 from vector<1xf32>
    %slice3A_262 = vector.extract_strided_slice %get3A_23 {offsets = [8], sizes = [1], strides = [1]} : vector<16xf32> to vector<1xf32>
    %squeeze3A_263 = vector.extract %slice3A_262[0] : f32 from vector<1xf32>
    %slice3A_264 = vector.extract_strided_slice %get3A_23 {offsets = [9], sizes = [1], strides = [1]} : vector<16xf32> to vector<1xf32>
    %squeeze3A_265 = vector.extract %slice3A_264[0] : f32 from vector<1xf32>
    %slice3A_266 = vector.extract_strided_slice %get3A_23 {offsets = [10], sizes = [1], strides = [1]} : vector<16xf32> to vector<1xf32>
    %squeeze3A_267 = vector.extract %slice3A_266[0] : f32 from vector<1xf32>
    %slice3A_268 = vector.extract_strided_slice %get3A_23 {offsets = [11], sizes = [1], strides = [1]} : vector<16xf32> to vector<1xf32>
    %squeeze3A_269 = vector.extract %slice3A_268[0] : f32 from vector<1xf32>
    %slice3A_270 = vector.extract_strided_slice %get3A_23 {offsets = [12], sizes = [1], strides = [1]} : vector<16xf32> to vector<1xf32>
    %squeeze3A_271 = vector.extract %slice3A_270[0] : f32 from vector<1xf32>
    %slice3A_272 = vector.extract_strided_slice %get3A_23 {offsets = [13], sizes = [1], strides = [1]} : vector<16xf32> to vector<1xf32>
    %squeeze3A_273 = vector.extract %slice3A_272[0] : f32 from vector<1xf32>
    %slice3A_274 = vector.extract_strided_slice %get3A_23 {offsets = [14], sizes = [1], strides = [1]} : vector<16xf32> to vector<1xf32>
    %squeeze3A_275 = vector.extract %slice3A_274[0] : f32 from vector<1xf32>
    %slice3A_276 = vector.extract_strided_slice %get3A_23 {offsets = [15], sizes = [1], strides = [1]} : vector<16xf32> to vector<1xf32>
    %squeeze3A_277 = vector.extract %slice3A_276[0] : f32 from vector<1xf32>
    %iota3A = tpu.iota {dimensions = array<i32: 0>} : vector<16xi32>
    %dma_start3A = arith.constant 0 : i32
    %dma_start3A_278 = arith.constant 0 : i32
    %dma_start3A_279 = tpu.memref_slice %arg8[%dma_start3A, %dma_start3A_278] : memref<200x128xi32, #tpu.memory_space<vmem>> -> memref<1x128xi32, #tpu.memory_space<vmem>>
    %dma_start3A_280 = tpu.memref_squeeze %dma_start3A_279 : memref<1x128xi32, #tpu.memory_space<vmem>> -> memref<128xi32, #tpu.memory_space<vmem>>
    %dma_start3A_281 = arith.constant 0 : i32
    %dma_start3A_282 = arith.constant 0 : i32
    %dma_start3A_283 = tpu.memref_slice %arg3[%dma_start3A_281, %dma_start3A_282] : memref<500000x128xf32, #tpu.memory_space<hbm>> -> memref<500000x128xf32, #tpu.memory_space<hbm>>
    tpu.enqueue_indirect_dma source(%dma_start3A_283 : memref<500000x128xf32, #tpu.memory_space<hbm>>) target(%arg9 : memref<128x128xf32, #tpu.memory_space<vmem>>) offsets(%dma_start3A_280 : memref<128xi32, #tpu.memory_space<vmem>>) semaphore(%arg15 : memref<!tpu.dma_semaphore, #tpu.memory_space<semaphore_mem>>)
    %dma_start3A_284 = arith.constant 1 : i32
    %dma_start3A_285 = arith.constant 0 : i32
    %dma_start3A_286 = tpu.memref_slice %arg8[%dma_start3A_284, %dma_start3A_285] : memref<200x128xi32, #tpu.memory_space<vmem>> -> memref<1x128xi32, #tpu.memory_space<vmem>>
    %dma_start3A_287 = tpu.memref_squeeze %dma_start3A_286 : memref<1x128xi32, #tpu.memory_space<vmem>> -> memref<128xi32, #tpu.memory_space<vmem>>
    %dma_start3A_288 = arith.constant 0 : i32
    %dma_start3A_289 = arith.constant 0 : i32
    %dma_start3A_290 = tpu.memref_slice %arg3[%dma_start3A_288, %dma_start3A_289] : memref<500000x128xf32, #tpu.memory_space<hbm>> -> memref<500000x128xf32, #tpu.memory_space<hbm>>
    tpu.enqueue_indirect_dma source(%dma_start3A_290 : memref<500000x128xf32, #tpu.memory_space<hbm>>) target(%arg10 : memref<128x128xf32, #tpu.memory_space<vmem>>) offsets(%dma_start3A_287 : memref<128xi32, #tpu.memory_space<vmem>>) semaphore(%arg16 : memref<!tpu.dma_semaphore, #tpu.memory_space<semaphore_mem>>)
    %scan3A_291 = arith.constant 0 : i32
    %scan3A_292 = arith.constant 0 : i32
    %scan3A_293 = arith.constant 100 : i32
    %scan3A_294 = arith.addi %scan3A_292, %scan3A_293 : i32
    %scan3A_295 = arith.constant 1 : i32
    %scan3A_296 = scf.for %scan3A_319 = %scan3A_292 to %scan3A_294 step %scan3A_295 iter_args(%scan3A_320 = %scan3A_291) -> (i32)  : i32 {
      %mul3A_321 = arith.constant 2 : i32
      %mul3A_322 = arith.muli %mul3A_321, %scan3A_319 : i32
      %add3A_323 = arith.constant 0 : i32
      %add3A_324 = arith.addi %mul3A_322, %add3A_323 : i32
      %dma_wait3A_325 = arith.constant 0 : i32
      %dma_wait3A_326 = tpu.memref_slice %arg8[%add3A_324, %dma_wait3A_325] : memref<200x128xi32, #tpu.memory_space<vmem>> -> memref<1x128xi32, #tpu.memory_space<vmem>>
      %dma_wait3A_327 = tpu.memref_squeeze %dma_wait3A_326 : memref<1x128xi32, #tpu.memory_space<vmem>> -> memref<128xi32, #tpu.memory_space<vmem>>
      %dma_wait3A_328 = arith.constant 0 : i32
      %dma_wait3A_329 = arith.constant 0 : i32
      %dma_wait3A_330 = tpu.memref_slice %arg3[%dma_wait3A_328, %dma_wait3A_329] : memref<500000x128xf32, #tpu.memory_space<hbm>> -> memref<500000x128xf32, #tpu.memory_space<hbm>>
      tpu.wait_indirect_dma semaphore(%arg15 : memref<!tpu.dma_semaphore, #tpu.memory_space<semaphore_mem>>) src(%dma_wait3A_330 : memref<500000x128xf32, #tpu.memory_space<hbm>>) dst(%arg9 : memref<128x128xf32, #tpu.memory_space<vmem>>)
      %ge3A = arith.constant 1 : i32
      %ge3A_331 = arith.cmpi sge, %scan3A_319, %ge3A : i32
      %convert_element_type3A = arith.extui %ge3A_331 : i1 to i32
      %cond3A = arith.constant 0 : i32
      %cond3A_332 = arith.cmpi ne, %convert_element_type3A, %cond3A : i32
      scf.if %cond3A_332 {
        %sub3A = arith.constant 2 : i32
        %sub3A_392 = arith.subi %add3A_324, %sub3A : i32
        %dma_wait3A_393 = arith.constant 0 : i32
        %dma_wait3A_394 = arith.constant 0 : i32
        %dma_wait3A_395 = arith.constant 0 : i32
        %dma_wait3A_396 = tpu.memref_slice %arg6[%sub3A_392, %dma_wait3A_393, %add3A, %dma_wait3A_394, %dma_wait3A_395] : memref<200x8x32x8x128xf32, #tpu.memory_space<hbm>> -> memref<1x8x1x8x128xf32, #tpu.memory_space<hbm>>
        %dma_wait3A_397 = tpu.memref_squeeze %dma_wait3A_396 : memref<1x8x1x8x128xf32, #tpu.memory_space<hbm>> -> memref<8x8x128xf32, #tpu.memory_space<hbm>>
        %dma_wait3A_398 = arith.constant 0 : i32
        %dma_wait3A_399 = arith.constant 0 : i32
        %dma_wait3A_400 = arith.constant 0 : i32
        %dma_wait3A_401 = tpu.memref_slice %arg6[%sub3A_392, %dma_wait3A_398, %add3A, %dma_wait3A_399, %dma_wait3A_400] : memref<200x8x32x8x128xf32, #tpu.memory_space<hbm>> -> memref<1x8x1x8x128xf32, #tpu.memory_space<hbm>>
        %dma_wait3A_402 = tpu.memref_squeeze %dma_wait3A_401 : memref<1x8x1x8x128xf32, #tpu.memory_space<hbm>> -> memref<8x8x128xf32, #tpu.memory_space<hbm>>
        tpu.wait_dma2 semaphore(%arg17 : memref<!tpu.dma_semaphore, #tpu.memory_space<semaphore_mem>>) src(%arg11 : memref<8x8x128xf32, #tpu.memory_space<vmem>>) dst(%dma_wait3A_402 : memref<8x8x128xf32, #tpu.memory_space<hbm>>)
      } else {
      }
      %scan3A_333 = arith.constant 0 : i32
      %scan3A_334 = arith.constant 0 : i32
      %scan3A_335 = arith.constant 8 : i32
      %scan3A_336 = arith.addi %scan3A_334, %scan3A_335 : i32
      %scan3A_337 = arith.constant 1 : i32
      %scan3A_338 = scf.for %scan3A_392 = %scan3A_334 to %scan3A_336 step %scan3A_337 iter_args(%scan3A_393 = %scan3A_333) -> (i32)  : i32 {
        %mul3A_394 = arith.constant 16 : i32
        %mul3A_395 = arith.muli %scan3A_392, %mul3A_394 : i32
        %get3A_396 = arith.index_cast %add3A_324 : i32 to index
        %get3A_397 = arith.index_cast %mul3A_395 : i32 to index
        %get3A_398 = tpu.vector_load %arg7[%get3A_396, %get3A_397] {strides = array<i32>} : memref<200x128xi32, #tpu.memory_space<vmem>>, vector<16xi32>,
        %and3A = arith.constant 1 : i32
        %and3A_399 = vector.broadcast %and3A : i32 to vector<16xi32>
        %and3A_400 = arith.andi %get3A_398, %and3A_399 : vector<16xi32>
        %shift_left3A = arith.constant 6 : i32
        %shift_left3A_401 = vector.broadcast %shift_left3A : i32 to vector<16xi32>
        %shift_left3A_402 = arith.shli %and3A_400, %shift_left3A_401 : vector<16xi32>
        %mul3A_403 = arith.constant 16 : i32
        %mul3A_404 = arith.muli %scan3A_392, %mul3A_403 : i32
        %add3A_405 = vector.broadcast %mul3A_404 : i32 to vector<16xi32>
        %add3A_406 = arith.addi %add3A_405, %iota3A : vector<16xi32>
        %broadcast_in_dim3A = arith.constant 0.000000e+00 : f32
        %broadcast_in_dim3A_407 = vector.broadcast %broadcast_in_dim3A : f32 to vector<16xf32>
        %broadcast_in_dim3A_408 = arith.constant 0.000000e+00 : f32
        %broadcast_in_dim3A_409 = vector.broadcast %broadcast_in_dim3A_408 : f32 to vector<16xf32>
        %gather3A = tpu.vector_load_idx %arg9[%add3A_406, %shift_left3A_402] : memref<128x128xf32, #tpu.memory_space<vmem>>[vector<16xi32>, vector<16xi32>], vector<16xf32>,
        %add3A_410 = arith.addf %broadcast_in_dim3A_407, %gather3A : vector<16xf32>
        %mul3A_411 = arith.mulf %gather3A, %gather3A : vector<16xf32>
        %add3A_412 = arith.addf %broadcast_in_dim3A_409, %mul3A_411 : vector<16xf32>
        %add3A_413 = arith.constant 1 : i32
        %add3A_414 = vector.broadcast %add3A_413 : i32 to vector<16xi32>
        %add3A_415 = arith.addi %shift_left3A_402, %add3A_414 : vector<16xi32>
        %gather3A_416 = tpu.vector_load_idx %arg9[%add3A_406, %add3A_415] : memref<128x128xf32, #tpu.memory_space<vmem>>[vector<16xi32>, vector<16xi32>], vector<16xf32>,
        %add3A_417 = arith.addf %add3A_410, %gather3A_416 : vector<16xf32>
        %mul3A_418 = arith.mulf %gather3A_416, %gather3A_416 : vector<16xf32>
        %add3A_419 = arith.addf %add3A_412, %mul3A_418 : vector<16xf32>
        %add3A_420 = arith.constant 1 : i32
        %add3A_421 = vector.broadcast %add3A_420 : i32 to vector<16xi32>
        %add3A_422 = arith.addi %add3A_415, %add3A_421 : vector<16xi32>
        %gather3A_423 = tpu.vector_load_idx %arg9[%add3A_406, %add3A_422] : memref<128x128xf32, #tpu.memory_space<vmem>>[vector<16xi32>, vector<16xi32>], vector<16xf32>,
        %add3A_424 = arith.addf %add3A_417, %gather3A_423 : vector<16xf32>
        %mul3A_425 = arith.mulf %gather3A_423, %gather3A_423 : vector<16xf32>
        %add3A_426 = arith.addf %add3A_419, %mul3A_425 : vector<16xf32>
        %add3A_427 = arith.constant 1 : i32
        %add3A_428 = vector.broadcast %add3A_427 : i32 to vector<16xi32>
        %add3A_429 = arith.addi %add3A_422, %add3A_428 : vector<16xi32>
        %gather3A_430 = tpu.vector_load_idx %arg9[%add3A_406, %add3A_429] : memref<128x128xf32, #tpu.memory_space<vmem>>[vector<16xi32>, vector<16xi32>], vector<16xf32>,
        %add3A_431 = arith.addf %add3A_424, %gather3A_430 : vector<16xf32>
        %mul3A_432 = arith.mulf %gather3A_430, %gather3A_430 : vector<16xf32>
        %add3A_433 = arith.addf %add3A_426, %mul3A_432 : vector<16xf32>
        %add3A_434 = arith.constant 1 : i32
        %add3A_435 = vector.broadcast %add3A_434 : i32 to vector<16xi32>
        %add3A_436 = arith.addi %add3A_429, %add3A_435 : vector<16xi32>
        %gather3A_437 = tpu.vector_load_idx %arg9[%add3A_406, %add3A_436] : memref<128x128xf32, #tpu.memory_space<vmem>>[vector<16xi32>, vector<16xi32>], vector<16xf32>,
        %add3A_438 = arith.addf %add3A_431, %gather3A_437 : vector<16xf32>
        %mul3A_439 = arith.mulf %gather3A_437, %gather3A_437 : vector<16xf32>
        %add3A_440 = arith.addf %add3A_433, %mul3A_439 : vector<16xf32>
        %add3A_441 = arith.constant 1 : i32
        %add3A_442 = vector.broadcast %add3A_441 : i32 to vector<16xi32>
        %add3A_443 = arith.addi %add3A_436, %add3A_442 : vector<16xi32>
        %gather3A_444 = tpu.vector_load_idx %arg9[%add3A_406, %add3A_443] : memref<128x128xf32, #tpu.memory_space<vmem>>[vector<16xi32>, vector<16xi32>], vector<16xf32>,
        %add3A_445 = arith.addf %add3A_438, %gather3A_444 : vector<16xf32>
        %mul3A_446 = arith.mulf %gather3A_444, %gather3A_444 : vector<16xf32>
        %add3A_447 = arith.addf %add3A_440, %mul3A_446 : vector<16xf32>
        %add3A_448 = arith.constant 1 : i32
        %add3A_449 = vector.broadcast %add3A_448 : i32 to vector<16xi32>
        %add3A_450 = arith.addi %add3A_443, %add3A_449 : vector<16xi32>
        %gather3A_451 = tpu.vector_load_idx %arg9[%add3A_406, %add3A_450] : memref<128x128xf32, #tpu.memory_space<vmem>>[vector<16xi32>, vector<16xi32>], vector<16xf32>,
        %add3A_452 = arith.addf %add3A_445, %gather3A_451 : vector<16xf32>
        %mul3A_453 = arith.mulf %gather3A_451, %gather3A_451 : vector<16xf32>
        %add3A_454 = arith.addf %add3A_447, %mul3A_453 : vector<16xf32>
        %add3A_455 = arith.constant 1 : i32
        %add3A_456 = vector.broadcast %add3A_455 : i32 to vector<16xi32>
        %add3A_457 = arith.addi %add3A_450, %add3A_456 : vector<16xi32>
        %gather3A_458 = tpu.vector_load_idx %arg9[%add3A_406, %add3A_457] : memref<128x128xf32, #tpu.memory_space<vmem>>[vector<16xi32>, vector<16xi32>], vector<16xf32>,
        %add3A_459 = arith.addf %add3A_452, %gather3A_458 : vector<16xf32>
        %mul3A_460 = arith.mulf %gather3A_458, %gather3A_458 : vector<16xf32>
        %add3A_461 = arith.addf %add3A_454, %mul3A_460 : vector<16xf32>
        %add3A_462 = arith.constant 1 : i32
        %add3A_463 = vector.broadcast %add3A_462 : i32 to vector<16xi32>
        %add3A_464 = arith.addi %add3A_457, %add3A_463 : vector<16xi32>
        %gather3A_465 = tpu.vector_load_idx %arg9[%add3A_406, %add3A_464] : memref<128x128xf32, #tpu.memory_space<vmem>>[vector<16xi32>, vector<16xi32>], vector<16xf32>,
        %add3A_466 = arith.addf %add3A_459, %gather3A_465 : vector<16xf32>
        %mul3A_467 = arith.mulf %gather3A_465, %gather3A_465 : vector<16xf32>
        %add3A_468 = arith.addf %add3A_461, %mul3A_467 : vector<16xf32>
        %add3A_469 = arith.constant 1 : i32
        %add3A_470 = vector.broadcast %add3A_469 : i32 to vector<16xi32>
        %add3A_471 = arith.addi %add3A_464, %add3A_470 : vector<16xi32>
        %gather3A_472 = tpu.vector_load_idx %arg9[%add3A_406, %add3A_471] : memref<128x128xf32, #tpu.memory_space<vmem>>[vector<16xi32>, vector<16xi32>], vector<16xf32>,
        %add3A_473 = arith.addf %add3A_466, %gather3A_472 : vector<16xf32>
        %mul3A_474 = arith.mulf %gather3A_472, %gather3A_472 : vector<16xf32>
        %add3A_475 = arith.addf %add3A_468, %mul3A_474 : vector<16xf32>
        %add3A_476 = arith.constant 1 : i32
        %add3A_477 = vector.broadcast %add3A_476 : i32 to vector<16xi32>
        %add3A_478 = arith.addi %add3A_471, %add3A_477 : vector<16xi32>
        %gather3A_479 = tpu.vector_load_idx %arg9[%add3A_406, %add3A_478] : memref<128x128xf32, #tpu.memory_space<vmem>>[vector<16xi32>, vector<16xi32>], vector<16xf32>,
        %add3A_480 = arith.addf %add3A_473, %gather3A_479 : vector<16xf32>
        %mul3A_481 = arith.mulf %gather3A_479, %gather3A_479 : vector<16xf32>
        %add3A_482 = arith.addf %add3A_475, %mul3A_481 : vector<16xf32>
        %add3A_483 = arith.constant 1 : i32
        %add3A_484 = vector.broadcast %add3A_483 : i32 to vector<16xi32>
        %add3A_485 = arith.addi %add3A_478, %add3A_484 : vector<16xi32>
        %gather3A_486 = tpu.vector_load_idx %arg9[%add3A_406, %add3A_485] : memref<128x128xf32, #tpu.memory_space<vmem>>[vector<16xi32>, vector<16xi32>], vector<16xf32>,
        %add3A_487 = arith.addf %add3A_480, %gather3A_486 : vector<16xf32>
        %mul3A_488 = arith.mulf %gather3A_486, %gather3A_486 : vector<16xf32>
        %add3A_489 = arith.addf %add3A_482, %mul3A_488 : vector<16xf32>
        %add3A_490 = arith.constant 1 : i32
        %add3A_491 = vector.broadcast %add3A_490 : i32 to vector<16xi32>
        %add3A_492 = arith.addi %add3A_485, %add3A_491 : vector<16xi32>
        %gather3A_493 = tpu.vector_load_idx %arg9[%add3A_406, %add3A_492] : memref<128x128xf32, #tpu.memory_space<vmem>>[vector<16xi32>, vector<16xi32>], vector<16xf32>,
        %add3A_494 = arith.addf %add3A_487, %gather3A_493 : vector<16xf32>
        %mul3A_495 = arith.mulf %gather3A_493, %gather3A_493 : vector<16xf32>
        %add3A_496 = arith.addf %add3A_489, %mul3A_495 : vector<16xf32>
        %add3A_497 = arith.constant 1 : i32
        %add3A_498 = vector.broadcast %add3A_497 : i32 to vector<16xi32>
        %add3A_499 = arith.addi %add3A_492, %add3A_498 : vector<16xi32>
        %gather3A_500 = tpu.vector_load_idx %arg9[%add3A_406, %add3A_499] : memref<128x128xf32, #tpu.memory_space<vmem>>[vector<16xi32>, vector<16xi32>], vector<16xf32>,
        %add3A_501 = arith.addf %add3A_494, %gather3A_500 : vector<16xf32>
        %mul3A_502 = arith.mulf %gather3A_500, %gather3A_500 : vector<16xf32>
        %add3A_503 = arith.addf %add3A_496, %mul3A_502 : vector<16xf32>
        %add3A_504 = arith.constant 1 : i32
        %add3A_505 = vector.broadcast %add3A_504 : i32 to vector<16xi32>
        %add3A_506 = arith.addi %add3A_499, %add3A_505 : vector<16xi32>
        %gather3A_507 = tpu.vector_load_idx %arg9[%add3A_406, %add3A_506] : memref<128x128xf32, #tpu.memory_space<vmem>>[vector<16xi32>, vector<16xi32>], vector<16xf32>,
        %add3A_508 = arith.addf %add3A_501, %gather3A_507 : vector<16xf32>
        %mul3A_509 = arith.mulf %gather3A_507, %gather3A_507 : vector<16xf32>
        %add3A_510 = arith.addf %add3A_503, %mul3A_509 : vector<16xf32>
        %add3A_511 = arith.constant 1 : i32
        %add3A_512 = vector.broadcast %add3A_511 : i32 to vector<16xi32>
        %add3A_513 = arith.addi %add3A_506, %add3A_512 : vector<16xi32>
        %gather3A_514 = tpu.vector_load_idx %arg9[%add3A_406, %add3A_513] : memref<128x128xf32, #tpu.memory_space<vmem>>[vector<16xi32>, vector<16xi32>], vector<16xf32>,
        %add3A_515 = arith.addf %add3A_508, %gather3A_514 : vector<16xf32>
        %mul3A_516 = arith.mulf %gather3A_514, %gather3A_514 : vector<16xf32>
        %add3A_517 = arith.addf %add3A_510, %mul3A_516 : vector<16xf32>
        %add3A_518 = arith.constant 1 : i32
        %add3A_519 = vector.broadcast %add3A_518 : i32 to vector<16xi32>
        %add3A_520 = arith.addi %add3A_513, %add3A_519 : vector<16xi32>
        %gather3A_521 = tpu.vector_load_idx %arg9[%add3A_406, %add3A_520] : memref<128x128xf32, #tpu.memory_space<vmem>>[vector<16xi32>, vector<16xi32>], vector<16xf32>,
        %add3A_522 = arith.addf %add3A_515, %gather3A_521 : vector<16xf32>
        %mul3A_523 = arith.mulf %gather3A_521, %gather3A_521 : vector<16xf32>
        %add3A_524 = arith.addf %add3A_517, %mul3A_523 : vector<16xf32>
        %add3A_525 = arith.constant 1 : i32
        %add3A_526 = vector.broadcast %add3A_525 : i32 to vector<16xi32>
        %add3A_527 = arith.addi %add3A_520, %add3A_526 : vector<16xi32>
        %gather3A_528 = tpu.vector_load_idx %arg9[%add3A_406, %add3A_527] : memref<128x128xf32, #tpu.memory_space<vmem>>[vector<16xi32>, vector<16xi32>], vector<16xf32>,
        %add3A_529 = arith.addf %add3A_522, %gather3A_528 : vector<16xf32>
        %mul3A_530 = arith.mulf %gather3A_528, %gather3A_528 : vector<16xf32>
        %add3A_531 = arith.addf %add3A_524, %mul3A_530 : vector<16xf32>
        %add3A_532 = arith.constant 1 : i32
        %add3A_533 = vector.broadcast %add3A_532 : i32 to vector<16xi32>
        %add3A_534 = arith.addi %add3A_527, %add3A_533 : vector<16xi32>
        %gather3A_535 = tpu.vector_load_idx %arg9[%add3A_406, %add3A_534] : memref<128x128xf32, #tpu.memory_space<vmem>>[vector<16xi32>, vector<16xi32>], vector<16xf32>,
        %add3A_536 = arith.addf %add3A_529, %gather3A_535 : vector<16xf32>
        %mul3A_537 = arith.mulf %gather3A_535, %gather3A_535 : vector<16xf32>
        %add3A_538 = arith.addf %add3A_531, %mul3A_537 : vector<16xf32>
        %add3A_539 = arith.constant 1 : i32
        %add3A_540 = vector.broadcast %add3A_539 : i32 to vector<16xi32>
        %add3A_541 = arith.addi %add3A_534, %add3A_540 : vector<16xi32>
        %gather3A_542 = tpu.vector_load_idx %arg9[%add3A_406, %add3A_541] : memref<128x128xf32, #tpu.memory_space<vmem>>[vector<16xi32>, vector<16xi32>], vector<16xf32>,
        %add3A_543 = arith.addf %add3A_536, %gather3A_542 : vector<16xf32>
        %mul3A_544 = arith.mulf %gather3A_542, %gather3A_542 : vector<16xf32>
        %add3A_545 = arith.addf %add3A_538, %mul3A_544 : vector<16xf32>
        %add3A_546 = arith.constant 1 : i32
        %add3A_547 = vector.broadcast %add3A_546 : i32 to vector<16xi32>
        %add3A_548 = arith.addi %add3A_541, %add3A_547 : vector<16xi32>
        %gather3A_549 = tpu.vector_load_idx %arg9[%add3A_406, %add3A_548] : memref<128x128xf32, #tpu.memory_space<vmem>>[vector<16xi32>, vector<16xi32>], vector<16xf32>,
        %add3A_550 = arith.addf %add3A_543, %gather3A_549 : vector<16xf32>
        %mul3A_551 = arith.mulf %gather3A_549, %gather3A_549 : vector<16xf32>
        %add3A_552 = arith.addf %add3A_545, %mul3A_551 : vector<16xf32>
        %add3A_553 = arith.constant 1 : i32
        %add3A_554 = vector.broadcast %add3A_553 : i32 to vector<16xi32>
        %add3A_555 = arith.addi %add3A_548, %add3A_554 : vector<16xi32>
        %gather3A_556 = tpu.vector_load_idx %arg9[%add3A_406, %add3A_555] : memref<128x128xf32, #tpu.memory_space<vmem>>[vector<16xi32>, vector<16xi32>], vector<16xf32>,
        %add3A_557 = arith.addf %add3A_550, %gather3A_556 : vector<16xf32>
        %mul3A_558 = arith.mulf %gather3A_556, %gather3A_556 : vector<16xf32>
        %add3A_559 = arith.addf %add3A_552, %mul3A_558 : vector<16xf32>
        %add3A_560 = arith.constant 1 : i32
        %add3A_561 = vector.broadcast %add3A_560 : i32 to vector<16xi32>
        %add3A_562 = arith.addi %add3A_555, %add3A_561 : vector<16xi32>
        %gather3A_563 = tpu.vector_load_idx %arg9[%add3A_406, %add3A_562] : memref<128x128xf32, #tpu.memory_space<vmem>>[vector<16xi32>, vector<16xi32>], vector<16xf32>,
        %add3A_564 = arith.addf %add3A_557, %gather3A_563 : vector<16xf32>
        %mul3A_565 = arith.mulf %gather3A_563, %gather3A_563 : vector<16xf32>
        %add3A_566 = arith.addf %add3A_559, %mul3A_565 : vector<16xf32>
        %add3A_567 = arith.constant 1 : i32
        %add3A_568 = vector.broadcast %add3A_567 : i32 to vector<16xi32>
        %add3A_569 = arith.addi %add3A_562, %add3A_568 : vector<16xi32>
        %gather3A_570 = tpu.vector_load_idx %arg9[%add3A_406, %add3A_569] : memref<128x128xf32, #tpu.memory_space<vmem>>[vector<16xi32>, vector<16xi32>], vector<16xf32>,
        %add3A_571 = arith.addf %add3A_564, %gather3A_570 : vector<16xf32>
        %mul3A_572 = arith.mulf %gather3A_570, %gather3A_570 : vector<16xf32>
        %add3A_573 = arith.addf %add3A_566, %mul3A_572 : vector<16xf32>
        %add3A_574 = arith.constant 1 : i32
        %add3A_575 = vector.broadcast %add3A_574 : i32 to vector<16xi32>
        %add3A_576 = arith.addi %add3A_569, %add3A_575 : vector<16xi32>
        %gather3A_577 = tpu.vector_load_idx %arg9[%add3A_406, %add3A_576] : memref<128x128xf32, #tpu.memory_space<vmem>>[vector<16xi32>, vector<16xi32>], vector<16xf32>,
        %add3A_578 = arith.addf %add3A_571, %gather3A_577 : vector<16xf32>
        %mul3A_579 = arith.mulf %gather3A_577, %gather3A_577 : vector<16xf32>
        %add3A_580 = arith.addf %add3A_573, %mul3A_579 : vector<16xf32>
        %add3A_581 = arith.constant 1 : i32
        %add3A_582 = vector.broadcast %add3A_581 : i32 to vector<16xi32>
        %add3A_583 = arith.addi %add3A_576, %add3A_582 : vector<16xi32>
        %gather3A_584 = tpu.vector_load_idx %arg9[%add3A_406, %add3A_583] : memref<128x128xf32, #tpu.memory_space<vmem>>[vector<16xi32>, vector<16xi32>], vector<16xf32>,
        %add3A_585 = arith.addf %add3A_578, %gather3A_584 : vector<16xf32>
        %mul3A_586 = arith.mulf %gather3A_584, %gather3A_584 : vector<16xf32>
        %add3A_587 = arith.addf %add3A_580, %mul3A_586 : vector<16xf32>
        %add3A_588 = arith.constant 1 : i32
        %add3A_589 = vector.broadcast %add3A_588 : i32 to vector<16xi32>
        %add3A_590 = arith.addi %add3A_583, %add3A_589 : vector<16xi32>
        %gather3A_591 = tpu.vector_load_idx %arg9[%add3A_406, %add3A_590] : memref<128x128xf32, #tpu.memory_space<vmem>>[vector<16xi32>, vector<16xi32>], vector<16xf32>,
        %add3A_592 = arith.addf %add3A_585, %gather3A_591 : vector<16xf32>
        %mul3A_593 = arith.mulf %gather3A_591, %gather3A_591 : vector<16xf32>
        %add3A_594 = arith.addf %add3A_587, %mul3A_593 : vector<16xf32>
        %add3A_595 = arith.constant 1 : i32
        %add3A_596 = vector.broadcast %add3A_595 : i32 to vector<16xi32>
        %add3A_597 = arith.addi %add3A_590, %add3A_596 : vector<16xi32>
        %gather3A_598 = tpu.vector_load_idx %arg9[%add3A_406, %add3A_597] : memref<128x128xf32, #tpu.memory_space<vmem>>[vector<16xi32>, vector<16xi32>], vector<16xf32>,
        %add3A_599 = arith.addf %add3A_592, %gather3A_598 : vector<16xf32>
        %mul3A_600 = arith.mulf %gather3A_598, %gather3A_598 : vector<16xf32>
        %add3A_601 = arith.addf %add3A_594, %mul3A_600 : vector<16xf32>
        %add3A_602 = arith.constant 1 : i32
        %add3A_603 = vector.broadcast %add3A_602 : i32 to vector<16xi32>
        %add3A_604 = arith.addi %add3A_597, %add3A_603 : vector<16xi32>
        %gather3A_605 = tpu.vector_load_idx %arg9[%add3A_406, %add3A_604] : memref<128x128xf32, #tpu.memory_space<vmem>>[vector<16xi32>, vector<16xi32>], vector<16xf32>,
        %add3A_606 = arith.addf %add3A_599, %gather3A_605 : vector<16xf32>
        %mul3A_607 = arith.mulf %gather3A_605, %gather3A_605 : vector<16xf32>
        %add3A_608 = arith.addf %add3A_601, %mul3A_607 : vector<16xf32>
        %add3A_609 = arith.constant 1 : i32
        %add3A_610 = vector.broadcast %add3A_609 : i32 to vector<16xi32>
        %add3A_611 = arith.addi %add3A_604, %add3A_610 : vector<16xi32>
        %gather3A_612 = tpu.vector_load_idx %arg9[%add3A_406, %add3A_611] : memref<128x128xf32, #tpu.memory_space<vmem>>[vector<16xi32>, vector<16xi32>], vector<16xf32>,
        %add3A_613 = arith.addf %add3A_606, %gather3A_612 : vector<16xf32>
        %mul3A_614 = arith.mulf %gather3A_612, %gather3A_612 : vector<16xf32>
        %add3A_615 = arith.addf %add3A_608, %mul3A_614 : vector<16xf32>
        %add3A_616 = arith.constant 1 : i32
        %add3A_617 = vector.broadcast %add3A_616 : i32 to vector<16xi32>
        %add3A_618 = arith.addi %add3A_611, %add3A_617 : vector<16xi32>
        %gather3A_619 = tpu.vector_load_idx %arg9[%add3A_406, %add3A_618] : memref<128x128xf32, #tpu.memory_space<vmem>>[vector<16xi32>, vector<16xi32>], vector<16xf32>,
        %add3A_620 = arith.addf %add3A_613, %gather3A_619 : vector<16xf32>
        %mul3A_621 = arith.mulf %gather3A_619, %gather3A_619 : vector<16xf32>
        %add3A_622 = arith.addf %add3A_615, %mul3A_621 : vector<16xf32>
        %add3A_623 = arith.constant 1 : i32
        %add3A_624 = vector.broadcast %add3A_623 : i32 to vector<16xi32>
        %add3A_625 = arith.addi %add3A_618, %add3A_624 : vector<16xi32>
        %gather3A_626 = tpu.vector_load_idx %arg9[%add3A_406, %add3A_625] : memref<128x128xf32, #tpu.memory_space<vmem>>[vector<16xi32>, vector<16xi32>], vector<16xf32>,
        %add3A_627 = arith.addf %add3A_620, %gather3A_626 : vector<16xf32>
        %mul3A_628 = arith.mulf %gather3A_626, %gather3A_626 : vector<16xf32>
        %add3A_629 = arith.addf %add3A_622, %mul3A_628 : vector<16xf32>
        %add3A_630 = arith.constant 1 : i32
        %add3A_631 = vector.broadcast %add3A_630 : i32 to vector<16xi32>
        %add3A_632 = arith.addi %add3A_625, %add3A_631 : vector<16xi32>
        %gather3A_633 = tpu.vector_load_idx %arg9[%add3A_406, %add3A_632] : memref<128x128xf32, #tpu.memory_space<vmem>>[vector<16xi32>, vector<16xi32>], vector<16xf32>,
        %add3A_634 = arith.addf %add3A_627, %gather3A_633 : vector<16xf32>
        %mul3A_635 = arith.mulf %gather3A_633, %gather3A_633 : vector<16xf32>
        %add3A_636 = arith.addf %add3A_629, %mul3A_635 : vector<16xf32>
        %add3A_637 = arith.constant 1 : i32
        %add3A_638 = vector.broadcast %add3A_637 : i32 to vector<16xi32>
        %add3A_639 = arith.addi %add3A_632, %add3A_638 : vector<16xi32>
        %gather3A_640 = tpu.vector_load_idx %arg9[%add3A_406, %add3A_639] : memref<128x128xf32, #tpu.memory_space<vmem>>[vector<16xi32>, vector<16xi32>], vector<16xf32>,
        %add3A_641 = arith.addf %add3A_634, %gather3A_640 : vector<16xf32>
        %mul3A_642 = arith.mulf %gather3A_640, %gather3A_640 : vector<16xf32>
        %add3A_643 = arith.addf %add3A_636, %mul3A_642 : vector<16xf32>
        %add3A_644 = arith.constant 1 : i32
        %add3A_645 = vector.broadcast %add3A_644 : i32 to vector<16xi32>
        %add3A_646 = arith.addi %add3A_639, %add3A_645 : vector<16xi32>
        %gather3A_647 = tpu.vector_load_idx %arg9[%add3A_406, %add3A_646] : memref<128x128xf32, #tpu.memory_space<vmem>>[vector<16xi32>, vector<16xi32>], vector<16xf32>,
        %add3A_648 = arith.addf %add3A_641, %gather3A_647 : vector<16xf32>
        %mul3A_649 = arith.mulf %gather3A_647, %gather3A_647 : vector<16xf32>
        %add3A_650 = arith.addf %add3A_643, %mul3A_649 : vector<16xf32>
        %add3A_651 = arith.constant 1 : i32
        %add3A_652 = vector.broadcast %add3A_651 : i32 to vector<16xi32>
        %add3A_653 = arith.addi %add3A_646, %add3A_652 : vector<16xi32>
        %gather3A_654 = tpu.vector_load_idx %arg9[%add3A_406, %add3A_653] : memref<128x128xf32, #tpu.memory_space<vmem>>[vector<16xi32>, vector<16xi32>], vector<16xf32>,
        %add3A_655 = arith.addf %add3A_648, %gather3A_654 : vector<16xf32>
        %mul3A_656 = arith.mulf %gather3A_654, %gather3A_654 : vector<16xf32>
        %add3A_657 = arith.addf %add3A_650, %mul3A_656 : vector<16xf32>
        %add3A_658 = arith.constant 1 : i32
        %add3A_659 = vector.broadcast %add3A_658 : i32 to vector<16xi32>
        %add3A_660 = arith.addi %add3A_653, %add3A_659 : vector<16xi32>
        %gather3A_661 = tpu.vector_load_idx %arg9[%add3A_406, %add3A_660] : memref<128x128xf32, #tpu.memory_space<vmem>>[vector<16xi32>, vector<16xi32>], vector<16xf32>,
        %add3A_662 = arith.addf %add3A_655, %gather3A_661 : vector<16xf32>
        %mul3A_663 = arith.mulf %gather3A_661, %gather3A_661 : vector<16xf32>
        %add3A_664 = arith.addf %add3A_657, %mul3A_663 : vector<16xf32>
        %add3A_665 = arith.constant 1 : i32
        %add3A_666 = vector.broadcast %add3A_665 : i32 to vector<16xi32>
        %add3A_667 = arith.addi %add3A_660, %add3A_666 : vector<16xi32>
        %gather3A_668 = tpu.vector_load_idx %arg9[%add3A_406, %add3A_667] : memref<128x128xf32, #tpu.memory_space<vmem>>[vector<16xi32>, vector<16xi32>], vector<16xf32>,
        %add3A_669 = arith.addf %add3A_662, %gather3A_668 : vector<16xf32>
        %mul3A_670 = arith.mulf %gather3A_668, %gather3A_668 : vector<16xf32>
        %add3A_671 = arith.addf %add3A_664, %mul3A_670 : vector<16xf32>
        %add3A_672 = arith.constant 1 : i32
        %add3A_673 = vector.broadcast %add3A_672 : i32 to vector<16xi32>
        %add3A_674 = arith.addi %add3A_667, %add3A_673 : vector<16xi32>
        %gather3A_675 = tpu.vector_load_idx %arg9[%add3A_406, %add3A_674] : memref<128x128xf32, #tpu.memory_space<vmem>>[vector<16xi32>, vector<16xi32>], vector<16xf32>,
        %add3A_676 = arith.addf %add3A_669, %gather3A_675 : vector<16xf32>
        %mul3A_677 = arith.mulf %gather3A_675, %gather3A_675 : vector<16xf32>
        %add3A_678 = arith.addf %add3A_671, %mul3A_677 : vector<16xf32>
        %add3A_679 = arith.constant 1 : i32
        %add3A_680 = vector.broadcast %add3A_679 : i32 to vector<16xi32>
        %add3A_681 = arith.addi %add3A_674, %add3A_680 : vector<16xi32>
        %gather3A_682 = tpu.vector_load_idx %arg9[%add3A_406, %add3A_681] : memref<128x128xf32, #tpu.memory_space<vmem>>[vector<16xi32>, vector<16xi32>], vector<16xf32>,
        %add3A_683 = arith.addf %add3A_676, %gather3A_682 : vector<16xf32>
        %mul3A_684 = arith.mulf %gather3A_682, %gather3A_682 : vector<16xf32>
        %add3A_685 = arith.addf %add3A_678, %mul3A_684 : vector<16xf32>
        %add3A_686 = arith.constant 1 : i32
        %add3A_687 = vector.broadcast %add3A_686 : i32 to vector<16xi32>
        %add3A_688 = arith.addi %add3A_681, %add3A_687 : vector<16xi32>
        %gather3A_689 = tpu.vector_load_idx %arg9[%add3A_406, %add3A_688] : memref<128x128xf32, #tpu.memory_space<vmem>>[vector<16xi32>, vector<16xi32>], vector<16xf32>,
        %add3A_690 = arith.addf %add3A_683, %gather3A_689 : vector<16xf32>
        %mul3A_691 = arith.mulf %gather3A_689, %gather3A_689 : vector<16xf32>
        %add3A_692 = arith.addf %add3A_685, %mul3A_691 : vector<16xf32>
        %add3A_693 = arith.constant 1 : i32
        %add3A_694 = vector.broadcast %add3A_693 : i32 to vector<16xi32>
        %add3A_695 = arith.addi %add3A_688, %add3A_694 : vector<16xi32>
        %gather3A_696 = tpu.vector_load_idx %arg9[%add3A_406, %add3A_695] : memref<128x128xf32, #tpu.memory_space<vmem>>[vector<16xi32>, vector<16xi32>], vector<16xf32>,
        %add3A_697 = arith.addf %add3A_690, %gather3A_696 : vector<16xf32>
        %mul3A_698 = arith.mulf %gather3A_696, %gather3A_696 : vector<16xf32>
        %add3A_699 = arith.addf %add3A_692, %mul3A_698 : vector<16xf32>
        %add3A_700 = arith.constant 1 : i32
        %add3A_701 = vector.broadcast %add3A_700 : i32 to vector<16xi32>
        %add3A_702 = arith.addi %add3A_695, %add3A_701 : vector<16xi32>
        %gather3A_703 = tpu.vector_load_idx %arg9[%add3A_406, %add3A_702] : memref<128x128xf32, #tpu.memory_space<vmem>>[vector<16xi32>, vector<16xi32>], vector<16xf32>,
        %add3A_704 = arith.addf %add3A_697, %gather3A_703 : vector<16xf32>
        %mul3A_705 = arith.mulf %gather3A_703, %gather3A_703 : vector<16xf32>
        %add3A_706 = arith.addf %add3A_699, %mul3A_705 : vector<16xf32>
        %add3A_707 = arith.constant 1 : i32
        %add3A_708 = vector.broadcast %add3A_707 : i32 to vector<16xi32>
        %add3A_709 = arith.addi %add3A_702, %add3A_708 : vector<16xi32>
        %gather3A_710 = tpu.vector_load_idx %arg9[%add3A_406, %add3A_709] : memref<128x128xf32, #tpu.memory_space<vmem>>[vector<16xi32>, vector<16xi32>], vector<16xf32>,
        %add3A_711 = arith.addf %add3A_704, %gather3A_710 : vector<16xf32>
        %mul3A_712 = arith.mulf %gather3A_710, %gather3A_710 : vector<16xf32>
        %add3A_713 = arith.addf %add3A_706, %mul3A_712 : vector<16xf32>
        %add3A_714 = arith.constant 1 : i32
        %add3A_715 = vector.broadcast %add3A_714 : i32 to vector<16xi32>
        %add3A_716 = arith.addi %add3A_709, %add3A_715 : vector<16xi32>
        %gather3A_717 = tpu.vector_load_idx %arg9[%add3A_406, %add3A_716] : memref<128x128xf32, #tpu.memory_space<vmem>>[vector<16xi32>, vector<16xi32>], vector<16xf32>,
        %add3A_718 = arith.addf %add3A_711, %gather3A_717 : vector<16xf32>
        %mul3A_719 = arith.mulf %gather3A_717, %gather3A_717 : vector<16xf32>
        %add3A_720 = arith.addf %add3A_713, %mul3A_719 : vector<16xf32>
        %add3A_721 = arith.constant 1 : i32
        %add3A_722 = vector.broadcast %add3A_721 : i32 to vector<16xi32>
        %add3A_723 = arith.addi %add3A_716, %add3A_722 : vector<16xi32>
        %gather3A_724 = tpu.vector_load_idx %arg9[%add3A_406, %add3A_723] : memref<128x128xf32, #tpu.memory_space<vmem>>[vector<16xi32>, vector<16xi32>], vector<16xf32>,
        %add3A_725 = arith.addf %add3A_718, %gather3A_724 : vector<16xf32>
        %mul3A_726 = arith.mulf %gather3A_724, %gather3A_724 : vector<16xf32>
        %add3A_727 = arith.addf %add3A_720, %mul3A_726 : vector<16xf32>
        %add3A_728 = arith.constant 1 : i32
        %add3A_729 = vector.broadcast %add3A_728 : i32 to vector<16xi32>
        %add3A_730 = arith.addi %add3A_723, %add3A_729 : vector<16xi32>
        %gather3A_731 = tpu.vector_load_idx %arg9[%add3A_406, %add3A_730] : memref<128x128xf32, #tpu.memory_space<vmem>>[vector<16xi32>, vector<16xi32>], vector<16xf32>,
        %add3A_732 = arith.addf %add3A_725, %gather3A_731 : vector<16xf32>
        %mul3A_733 = arith.mulf %gather3A_731, %gather3A_731 : vector<16xf32>
        %add3A_734 = arith.addf %add3A_727, %mul3A_733 : vector<16xf32>
        %add3A_735 = arith.constant 1 : i32
        %add3A_736 = vector.broadcast %add3A_735 : i32 to vector<16xi32>
        %add3A_737 = arith.addi %add3A_730, %add3A_736 : vector<16xi32>
        %gather3A_738 = tpu.vector_load_idx %arg9[%add3A_406, %add3A_737] : memref<128x128xf32, #tpu.memory_space<vmem>>[vector<16xi32>, vector<16xi32>], vector<16xf32>,
        %add3A_739 = arith.addf %add3A_732, %gather3A_738 : vector<16xf32>
        %mul3A_740 = arith.mulf %gather3A_738, %gather3A_738 : vector<16xf32>
        %add3A_741 = arith.addf %add3A_734, %mul3A_740 : vector<16xf32>
        %add3A_742 = arith.constant 1 : i32
        %add3A_743 = vector.broadcast %add3A_742 : i32 to vector<16xi32>
        %add3A_744 = arith.addi %add3A_737, %add3A_743 : vector<16xi32>
        %gather3A_745 = tpu.vector_load_idx %arg9[%add3A_406, %add3A_744] : memref<128x128xf32, #tpu.memory_space<vmem>>[vector<16xi32>, vector<16xi32>], vector<16xf32>,
        %add3A_746 = arith.addf %add3A_739, %gather3A_745 : vector<16xf32>
        %mul3A_747 = arith.mulf %gather3A_745, %gather3A_745 : vector<16xf32>
        %add3A_748 = arith.addf %add3A_741, %mul3A_747 : vector<16xf32>
        %add3A_749 = arith.constant 1 : i32
        %add3A_750 = vector.broadcast %add3A_749 : i32 to vector<16xi32>
        %add3A_751 = arith.addi %add3A_744, %add3A_750 : vector<16xi32>
        %gather3A_752 = tpu.vector_load_idx %arg9[%add3A_406, %add3A_751] : memref<128x128xf32, #tpu.memory_space<vmem>>[vector<16xi32>, vector<16xi32>], vector<16xf32>,
        %add3A_753 = arith.addf %add3A_746, %gather3A_752 : vector<16xf32>
        %mul3A_754 = arith.mulf %gather3A_752, %gather3A_752 : vector<16xf32>
        %add3A_755 = arith.addf %add3A_748, %mul3A_754 : vector<16xf32>
        %add3A_756 = arith.constant 1 : i32
        %add3A_757 = vector.broadcast %add3A_756 : i32 to vector<16xi32>
        %add3A_758 = arith.addi %add3A_751, %add3A_757 : vector<16xi32>
        %gather3A_759 = tpu.vector_load_idx %arg9[%add3A_406, %add3A_758] : memref<128x128xf32, #tpu.memory_space<vmem>>[vector<16xi32>, vector<16xi32>], vector<16xf32>,
        %add3A_760 = arith.addf %add3A_753, %gather3A_759 : vector<16xf32>
        %mul3A_761 = arith.mulf %gather3A_759, %gather3A_759 : vector<16xf32>
        %add3A_762 = arith.addf %add3A_755, %mul3A_761 : vector<16xf32>
        %add3A_763 = arith.constant 1 : i32
        %add3A_764 = vector.broadcast %add3A_763 : i32 to vector<16xi32>
        %add3A_765 = arith.addi %add3A_758, %add3A_764 : vector<16xi32>
        %gather3A_766 = tpu.vector_load_idx %arg9[%add3A_406, %add3A_765] : memref<128x128xf32, #tpu.memory_space<vmem>>[vector<16xi32>, vector<16xi32>], vector<16xf32>,
        %add3A_767 = arith.addf %add3A_760, %gather3A_766 : vector<16xf32>
        %mul3A_768 = arith.mulf %gather3A_766, %gather3A_766 : vector<16xf32>
        %add3A_769 = arith.addf %add3A_762, %mul3A_768 : vector<16xf32>
        %add3A_770 = arith.constant 1 : i32
        %add3A_771 = vector.broadcast %add3A_770 : i32 to vector<16xi32>
        %add3A_772 = arith.addi %add3A_765, %add3A_771 : vector<16xi32>
        %gather3A_773 = tpu.vector_load_idx %arg9[%add3A_406, %add3A_772] : memref<128x128xf32, #tpu.memory_space<vmem>>[vector<16xi32>, vector<16xi32>], vector<16xf32>,
        %add3A_774 = arith.addf %add3A_767, %gather3A_773 : vector<16xf32>
        %mul3A_775 = arith.mulf %gather3A_773, %gather3A_773 : vector<16xf32>
        %add3A_776 = arith.addf %add3A_769, %mul3A_775 : vector<16xf32>
        %add3A_777 = arith.constant 1 : i32
        %add3A_778 = vector.broadcast %add3A_777 : i32 to vector<16xi32>
        %add3A_779 = arith.addi %add3A_772, %add3A_778 : vector<16xi32>
        %gather3A_780 = tpu.vector_load_idx %arg9[%add3A_406, %add3A_779] : memref<128x128xf32, #tpu.memory_space<vmem>>[vector<16xi32>, vector<16xi32>], vector<16xf32>,
        %add3A_781 = arith.addf %add3A_774, %gather3A_780 : vector<16xf32>
        %mul3A_782 = arith.mulf %gather3A_780, %gather3A_780 : vector<16xf32>
        %add3A_783 = arith.addf %add3A_776, %mul3A_782 : vector<16xf32>
        %add3A_784 = arith.constant 1 : i32
        %add3A_785 = vector.broadcast %add3A_784 : i32 to vector<16xi32>
        %add3A_786 = arith.addi %add3A_779, %add3A_785 : vector<16xi32>
        %gather3A_787 = tpu.vector_load_idx %arg9[%add3A_406, %add3A_786] : memref<128x128xf32, #tpu.memory_space<vmem>>[vector<16xi32>, vector<16xi32>], vector<16xf32>,
        %add3A_788 = arith.addf %add3A_781, %gather3A_787 : vector<16xf32>
        %mul3A_789 = arith.mulf %gather3A_787, %gather3A_787 : vector<16xf32>
        %add3A_790 = arith.addf %add3A_783, %mul3A_789 : vector<16xf32>
        %add3A_791 = arith.constant 1 : i32
        %add3A_792 = vector.broadcast %add3A_791 : i32 to vector<16xi32>
        %add3A_793 = arith.addi %add3A_786, %add3A_792 : vector<16xi32>
        %gather3A_794 = tpu.vector_load_idx %arg9[%add3A_406, %add3A_793] : memref<128x128xf32, #tpu.memory_space<vmem>>[vector<16xi32>, vector<16xi32>], vector<16xf32>,
        %add3A_795 = arith.addf %add3A_788, %gather3A_794 : vector<16xf32>
        %mul3A_796 = arith.mulf %gather3A_794, %gather3A_794 : vector<16xf32>
        %add3A_797 = arith.addf %add3A_790, %mul3A_796 : vector<16xf32>
        %add3A_798 = arith.constant 1 : i32
        %add3A_799 = vector.broadcast %add3A_798 : i32 to vector<16xi32>
        %add3A_800 = arith.addi %add3A_793, %add3A_799 : vector<16xi32>
        %gather3A_801 = tpu.vector_load_idx %arg9[%add3A_406, %add3A_800] : memref<128x128xf32, #tpu.memory_space<vmem>>[vector<16xi32>, vector<16xi32>], vector<16xf32>,
        %add3A_802 = arith.addf %add3A_795, %gather3A_801 : vector<16xf32>
        %mul3A_803 = arith.mulf %gather3A_801, %gather3A_801 : vector<16xf32>
        %add3A_804 = arith.addf %add3A_797, %mul3A_803 : vector<16xf32>
        %add3A_805 = arith.constant 1 : i32
        %add3A_806 = vector.broadcast %add3A_805 : i32 to vector<16xi32>
        %add3A_807 = arith.addi %add3A_800, %add3A_806 : vector<16xi32>
        %gather3A_808 = tpu.vector_load_idx %arg9[%add3A_406, %add3A_807] : memref<128x128xf32, #tpu.memory_space<vmem>>[vector<16xi32>, vector<16xi32>], vector<16xf32>,
        %add3A_809 = arith.addf %add3A_802, %gather3A_808 : vector<16xf32>
        %mul3A_810 = arith.mulf %gather3A_808, %gather3A_808 : vector<16xf32>
        %add3A_811 = arith.addf %add3A_804, %mul3A_810 : vector<16xf32>
        %add3A_812 = arith.constant 1 : i32
        %add3A_813 = vector.broadcast %add3A_812 : i32 to vector<16xi32>
        %add3A_814 = arith.addi %add3A_807, %add3A_813 : vector<16xi32>
        %gather3A_815 = tpu.vector_load_idx %arg9[%add3A_406, %add3A_814] : memref<128x128xf32, #tpu.memory_space<vmem>>[vector<16xi32>, vector<16xi32>], vector<16xf32>,
        %add3A_816 = arith.addf %add3A_809, %gather3A_815 : vector<16xf32>
        %mul3A_817 = arith.mulf %gather3A_815, %gather3A_815 : vector<16xf32>
        %add3A_818 = arith.addf %add3A_811, %mul3A_817 : vector<16xf32>
        %add3A_819 = arith.constant 1 : i32
        %add3A_820 = vector.broadcast %add3A_819 : i32 to vector<16xi32>
        %add3A_821 = arith.addi %add3A_814, %add3A_820 : vector<16xi32>
        %gather3A_822 = tpu.vector_load_idx %arg9[%add3A_406, %add3A_821] : memref<128x128xf32, #tpu.memory_space<vmem>>[vector<16xi32>, vector<16xi32>], vector<16xf32>,
        %add3A_823 = arith.addf %add3A_816, %gather3A_822 : vector<16xf32>
        %mul3A_824 = arith.mulf %gather3A_822, %gather3A_822 : vector<16xf32>
        %add3A_825 = arith.addf %add3A_818, %mul3A_824 : vector<16xf32>
        %add3A_826 = arith.constant 1 : i32
        %add3A_827 = vector.broadcast %add3A_826 : i32 to vector<16xi32>
        %add3A_828 = arith.addi %add3A_821, %add3A_827 : vector<16xi32>
        %gather3A_829 = tpu.vector_load_idx %arg9[%add3A_406, %add3A_828] : memref<128x128xf32, #tpu.memory_space<vmem>>[vector<16xi32>, vector<16xi32>], vector<16xf32>,
        %add3A_830 = arith.addf %add3A_823, %gather3A_829 : vector<16xf32>
        %mul3A_831 = arith.mulf %gather3A_829, %gather3A_829 : vector<16xf32>
        %add3A_832 = arith.addf %add3A_825, %mul3A_831 : vector<16xf32>
        %add3A_833 = arith.constant 1 : i32
        %add3A_834 = vector.broadcast %add3A_833 : i32 to vector<16xi32>
        %add3A_835 = arith.addi %add3A_828, %add3A_834 : vector<16xi32>
        %gather3A_836 = tpu.vector_load_idx %arg9[%add3A_406, %add3A_835] : memref<128x128xf32, #tpu.memory_space<vmem>>[vector<16xi32>, vector<16xi32>], vector<16xf32>,
        %add3A_837 = arith.addf %add3A_830, %gather3A_836 : vector<16xf32>
        %mul3A_838 = arith.mulf %gather3A_836, %gather3A_836 : vector<16xf32>
        %add3A_839 = arith.addf %add3A_832, %mul3A_838 : vector<16xf32>
        %add3A_840 = arith.constant 1 : i32
        %add3A_841 = vector.broadcast %add3A_840 : i32 to vector<16xi32>
        %add3A_842 = arith.addi %add3A_835, %add3A_841 : vector<16xi32>
        %gather3A_843 = tpu.vector_load_idx %arg9[%add3A_406, %add3A_842] : memref<128x128xf32, #tpu.memory_space<vmem>>[vector<16xi32>, vector<16xi32>], vector<16xf32>,
        %add3A_844 = arith.addf %add3A_837, %gather3A_843 : vector<16xf32>
        %mul3A_845 = arith.mulf %gather3A_843, %gather3A_843 : vector<16xf32>
        %add3A_846 = arith.addf %add3A_839, %mul3A_845 : vector<16xf32>
        %add3A_847 = arith.constant 1 : i32
        %add3A_848 = vector.broadcast %add3A_847 : i32 to vector<16xi32>
        %add3A_849 = arith.addi %add3A_842, %add3A_848 : vector<16xi32>
        %gather3A_850 = tpu.vector_load_idx %arg9[%add3A_406, %add3A_849] : memref<128x128xf32, #tpu.memory_space<vmem>>[vector<16xi32>, vector<16xi32>], vector<16xf32>,
        %add3A_851 = arith.addf %add3A_844, %gather3A_850 : vector<16xf32>
        %mul3A_852 = arith.mulf %gather3A_850, %gather3A_850 : vector<16xf32>
        %add3A_853 = arith.addf %add3A_846, %mul3A_852 : vector<16xf32>
        %add3A_854 = arith.constant 1 : i32
        %add3A_855 = vector.broadcast %add3A_854 : i32 to vector<16xi32>
        %add3A_856 = arith.addi %add3A_849, %add3A_855 : vector<16xi32>
        %mul3A_857 = arith.constant 1.562500e-02 : f32
        %mul3A_858 = vector.broadcast %mul3A_857 : f32 to vector<16xf32>
        %mul3A_859 = arith.mulf %add3A_851, %mul3A_858 : vector<16xf32>
        %mul3A_860 = arith.constant 1.562500e-02 : f32
        %mul3A_861 = vector.broadcast %mul3A_860 : f32 to vector<16xf32>
        %mul3A_862 = arith.mulf %add3A_853, %mul3A_861 : vector<16xf32>
        %mul3A_863 = arith.mulf %mul3A_859, %mul3A_859 : vector<16xf32>
        %sub3A = arith.subf %mul3A_862, %mul3A_863 : vector<16xf32>
        %add3A_864 = arith.constant 9.99999974E-6 : f32
        %add3A_865 = vector.broadcast %add3A_864 : f32 to vector<16xf32>
        %add3A_866 = arith.addf %sub3A, %add3A_865 : vector<16xf32>
        %bitcast_convert_type3A = tpu.bitcast %add3A_866 : vector<16xf32> -> vector<16xi32>
        %shift_right_logical3A = arith.constant 1 : i32
        %shift_right_logical3A_867 = vector.broadcast %shift_right_logical3A : i32 to vector<16xi32>
        %shift_right_logical3A_868 = arith.shrui %bitcast_convert_type3A, %shift_right_logical3A_867 : vector<16xi32>
        %sub3A_869 = arith.constant 1597463007 : i32
        %sub3A_870 = vector.broadcast %sub3A_869 : i32 to vector<16xi32>
        %sub3A_871 = arith.subi %sub3A_870, %shift_right_logical3A_868 : vector<16xi32>
        %bitcast_convert_type3A_872 = tpu.bitcast %sub3A_871 : vector<16xi32> -> vector<16xf32>
        %mul3A_873 = arith.constant 5.000000e-01 : f32
        %mul3A_874 = vector.broadcast %mul3A_873 : f32 to vector<16xf32>
        %mul3A_875 = arith.mulf %mul3A_874, %add3A_866 : vector<16xf32>
        %mul3A_876 = arith.mulf %mul3A_875, %bitcast_convert_type3A_872 : vector<16xf32>
        %mul3A_877 = arith.mulf %mul3A_876, %bitcast_convert_type3A_872 : vector<16xf32>
        %sub3A_878 = arith.constant 1.500000e+00 : f32
        %sub3A_879 = vector.broadcast %sub3A_878 : f32 to vector<16xf32>
        %sub3A_880 = arith.subf %sub3A_879, %mul3A_877 : vector<16xf32>
        %mul3A_881 = arith.mulf %bitcast_convert_type3A_872, %sub3A_880 : vector<16xf32>
        %mul3A_882 = arith.mulf %mul3A_875, %mul3A_881 : vector<16xf32>
        %mul3A_883 = arith.mulf %mul3A_882, %mul3A_881 : vector<16xf32>
        %sub3A_884 = arith.constant 1.500000e+00 : f32
        %sub3A_885 = vector.broadcast %sub3A_884 : f32 to vector<16xf32>
        %sub3A_886 = arith.subf %sub3A_885, %mul3A_883 : vector<16xf32>
        %mul3A_887 = arith.mulf %mul3A_881, %sub3A_886 : vector<16xf32>
        %gather3A_888 = tpu.vector_load_idx %arg9[%add3A_406, %shift_left3A_402] : memref<128x128xf32, #tpu.memory_space<vmem>>[vector<16xi32>, vector<16xi32>], vector<16xf32>,
        %mul3A_889 = vector.broadcast %squeeze3A : f32 to vector<16xf32>
        %mul3A_890 = arith.mulf %mul3A_887, %mul3A_889 : vector<16xf32>
        %mul3A_891 = arith.mulf %mul3A_859, %mul3A_890 : vector<16xf32>
        %sub3A_892 = vector.broadcast %squeeze3A_151 : f32 to vector<16xf32>
        %sub3A_893 = arith.subf %sub3A_892, %mul3A_891 : vector<16xf32>
        %mul3A_894 = arith.mulf %gather3A_888, %mul3A_890 : vector<16xf32>
        %add3A_895 = arith.addf %mul3A_894, %sub3A_893 : vector<16xf32>
        %mul3A_896 = arith.constant 16 : i32
        %mul3A_897 = arith.muli %scan3A_392, %mul3A_896 : i32
        %swap3A = arith.constant 0 : i32
        %swap3A_898 = arith.constant 0 : i32
        %swap3A_899 = arith.index_cast %swap3A : i32 to index
        %swap3A_900 = arith.index_cast %swap3A_898 : i32 to index
        %swap3A_901 = arith.index_cast %mul3A_897 : i32 to index
        %swap3A_902 = tpu.vector_load %arg11[%swap3A_899, %swap3A_900, %swap3A_901] {strides = array<i32>} : memref<8x8x128xf32, #tpu.memory_space<vmem>>, vector<16xf32>,
        tpu.vector_store %arg11[%swap3A_899, %swap3A_900, %swap3A_901], %add3A_895 {strides = array<i32>} : memref<8x8x128xf32, #tpu.memory_space<vmem>>, vector<16xf32>,
        %add3A_903 = arith.constant 1 : i32
        %add3A_904 = vector.broadcast %add3A_903 : i32 to vector<16xi32>
        %add3A_905 = arith.addi %shift_left3A_402, %add3A_904 : vector<16xi32>
        %gather3A_906 = tpu.vector_load_idx %arg9[%add3A_406, %add3A_905] : memref<128x128xf32, #tpu.memory_space<vmem>>[vector<16xi32>, vector<16xi32>], vector<16xf32>,
        %mul3A_907 = vector.broadcast %squeeze3A_25 : f32 to vector<16xf32>
        %mul3A_908 = arith.mulf %mul3A_887, %mul3A_907 : vector<16xf32>
        %mul3A_909 = arith.mulf %mul3A_859, %mul3A_908 : vector<16xf32>
        %sub3A_910 = vector.broadcast %squeeze3A_153 : f32 to vector<16xf32>
        %sub3A_911 = arith.subf %sub3A_910, %mul3A_909 : vector<16xf32>
        %mul3A_912 = arith.mulf %gather3A_906, %mul3A_908 : vector<16xf32>
        %add3A_913 = arith.addf %mul3A_912, %sub3A_911 : vector<16xf32>
        %mul3A_914 = arith.constant 16 : i32
        %mul3A_915 = arith.muli %scan3A_392, %mul3A_914 : i32
        %swap3A_916 = arith.constant 0 : i32
        %swap3A_917 = arith.constant 1 : i32
        %swap3A_918 = arith.index_cast %swap3A_916 : i32 to index
        %swap3A_919 = arith.index_cast %swap3A_917 : i32 to index
        %swap3A_920 = arith.index_cast %mul3A_915 : i32 to index
        %swap3A_921 = tpu.vector_load %arg11[%swap3A_918, %swap3A_919, %swap3A_920] {strides = array<i32>} : memref<8x8x128xf32, #tpu.memory_space<vmem>>, vector<16xf32>,
        tpu.vector_store %arg11[%swap3A_918, %swap3A_919, %swap3A_920], %add3A_913 {strides = array<i32>} : memref<8x8x128xf32, #tpu.memory_space<vmem>>, vector<16xf32>,
        %add3A_922 = arith.constant 1 : i32
        %add3A_923 = vector.broadcast %add3A_922 : i32 to vector<16xi32>
        %add3A_924 = arith.addi %add3A_905, %add3A_923 : vector<16xi32>
        %gather3A_925 = tpu.vector_load_idx %arg9[%add3A_406, %add3A_924] : memref<128x128xf32, #tpu.memory_space<vmem>>[vector<16xi32>, vector<16xi32>], vector<16xf32>,
        %mul3A_926 = vector.broadcast %squeeze3A_27 : f32 to vector<16xf32>
        %mul3A_927 = arith.mulf %mul3A_887, %mul3A_926 : vector<16xf32>
        %mul3A_928 = arith.mulf %mul3A_859, %mul3A_927 : vector<16xf32>
        %sub3A_929 = vector.broadcast %squeeze3A_155 : f32 to vector<16xf32>
        %sub3A_930 = arith.subf %sub3A_929, %mul3A_928 : vector<16xf32>
        %mul3A_931 = arith.mulf %gather3A_925, %mul3A_927 : vector<16xf32>
        %add3A_932 = arith.addf %mul3A_931, %sub3A_930 : vector<16xf32>
        %mul3A_933 = arith.constant 16 : i32
        %mul3A_934 = arith.muli %scan3A_392, %mul3A_933 : i32
        %swap3A_935 = arith.constant 0 : i32
        %swap3A_936 = arith.constant 2 : i32
        %swap3A_937 = arith.index_cast %swap3A_935 : i32 to index
        %swap3A_938 = arith.index_cast %swap3A_936 : i32 to index
        %swap3A_939 = arith.index_cast %mul3A_934 : i32 to index
        %swap3A_940 = tpu.vector_load %arg11[%swap3A_937, %swap3A_938, %swap3A_939] {strides = array<i32>} : memref<8x8x128xf32, #tpu.memory_space<vmem>>, vector<16xf32>,
        tpu.vector_store %arg11[%swap3A_937, %swap3A_938, %swap3A_939], %add3A_932 {strides = array<i32>} : memref<8x8x128xf32, #tpu.memory_space<vmem>>, vector<16xf32>,
        %add3A_941 = arith.constant 1 : i32
        %add3A_942 = vector.broadcast %add3A_941 : i32 to vector<16xi32>
        %add3A_943 = arith.addi %add3A_924, %add3A_942 : vector<16xi32>
        %gather3A_944 = tpu.vector_load_idx %arg9[%add3A_406, %add3A_943] : memref<128x128xf32, #tpu.memory_space<vmem>>[vector<16xi32>, vector<16xi32>], vector<16xf32>,
        %mul3A_945 = vector.broadcast %squeeze3A_29 : f32 to vector<16xf32>
        %mul3A_946 = arith.mulf %mul3A_887, %mul3A_945 : vector<16xf32>
        %mul3A_947 = arith.mulf %mul3A_859, %mul3A_946 : vector<16xf32>
        %sub3A_948 = vector.broadcast %squeeze3A_157 : f32 to vector<16xf32>
        %sub3A_949 = arith.subf %sub3A_948, %mul3A_947 : vector<16xf32>
        %mul3A_950 = arith.mulf %gather3A_944, %mul3A_946 : vector<16xf32>
        %add3A_951 = arith.addf %mul3A_950, %sub3A_949 : vector<16xf32>
        %mul3A_952 = arith.constant 16 : i32
        %mul3A_953 = arith.muli %scan3A_392, %mul3A_952 : i32
        %swap3A_954 = arith.constant 0 : i32
        %swap3A_955 = arith.constant 3 : i32
        %swap3A_956 = arith.index_cast %swap3A_954 : i32 to index
        %swap3A_957 = arith.index_cast %swap3A_955 : i32 to index
        %swap3A_958 = arith.index_cast %mul3A_953 : i32 to index
        %swap3A_959 = tpu.vector_load %arg11[%swap3A_956, %swap3A_957, %swap3A_958] {strides = array<i32>} : memref<8x8x128xf32, #tpu.memory_space<vmem>>, vector<16xf32>,
        tpu.vector_store %arg11[%swap3A_956, %swap3A_957, %swap3A_958], %add3A_951 {strides = array<i32>} : memref<8x8x128xf32, #tpu.memory_space<vmem>>, vector<16xf32>,
        %add3A_960 = arith.constant 1 : i32
        %add3A_961 = vector.broadcast %add3A_960 : i32 to vector<16xi32>
        %add3A_962 = arith.addi %add3A_943, %add3A_961 : vector<16xi32>
        %gather3A_963 = tpu.vector_load_idx %arg9[%add3A_406, %add3A_962] : memref<128x128xf32, #tpu.memory_space<vmem>>[vector<16xi32>, vector<16xi32>], vector<16xf32>,
        %mul3A_964 = vector.broadcast %squeeze3A_31 : f32 to vector<16xf32>
        %mul3A_965 = arith.mulf %mul3A_887, %mul3A_964 : vector<16xf32>
        %mul3A_966 = arith.mulf %mul3A_859, %mul3A_965 : vector<16xf32>
        %sub3A_967 = vector.broadcast %squeeze3A_159 : f32 to vector<16xf32>
        %sub3A_968 = arith.subf %sub3A_967, %mul3A_966 : vector<16xf32>
        %mul3A_969 = arith.mulf %gather3A_963, %mul3A_965 : vector<16xf32>
        %add3A_970 = arith.addf %mul3A_969, %sub3A_968 : vector<16xf32>
        %mul3A_971 = arith.constant 16 : i32
        %mul3A_972 = arith.muli %scan3A_392, %mul3A_971 : i32
        %swap3A_973 = arith.constant 0 : i32
        %swap3A_974 = arith.constant 4 : i32
        %swap3A_975 = arith.index_cast %swap3A_973 : i32 to index
        %swap3A_976 = arith.index_cast %swap3A_974 : i32 to index
        %swap3A_977 = arith.index_cast %mul3A_972 : i32 to index
        %swap3A_978 = tpu.vector_load %arg11[%swap3A_975, %swap3A_976, %swap3A_977] {strides = array<i32>} : memref<8x8x128xf32, #tpu.memory_space<vmem>>, vector<16xf32>,
        tpu.vector_store %arg11[%swap3A_975, %swap3A_976, %swap3A_977], %add3A_970 {strides = array<i32>} : memref<8x8x128xf32, #tpu.memory_space<vmem>>, vector<16xf32>,
        %add3A_979 = arith.constant 1 : i32
        %add3A_980 = vector.broadcast %add3A_979 : i32 to vector<16xi32>
        %add3A_981 = arith.addi %add3A_962, %add3A_980 : vector<16xi32>
        %gather3A_982 = tpu.vector_load_idx %arg9[%add3A_406, %add3A_981] : memref<128x128xf32, #tpu.memory_space<vmem>>[vector<16xi32>, vector<16xi32>], vector<16xf32>,
        %mul3A_983 = vector.broadcast %squeeze3A_33 : f32 to vector<16xf32>
        %mul3A_984 = arith.mulf %mul3A_887, %mul3A_983 : vector<16xf32>
        %mul3A_985 = arith.mulf %mul3A_859, %mul3A_984 : vector<16xf32>
        %sub3A_986 = vector.broadcast %squeeze3A_161 : f32 to vector<16xf32>
        %sub3A_987 = arith.subf %sub3A_986, %mul3A_985 : vector<16xf32>
        %mul3A_988 = arith.mulf %gather3A_982, %mul3A_984 : vector<16xf32>
        %add3A_989 = arith.addf %mul3A_988, %sub3A_987 : vector<16xf32>
        %mul3A_990 = arith.constant 16 : i32
        %mul3A_991 = arith.muli %scan3A_392, %mul3A_990 : i32
        %swap3A_992 = arith.constant 0 : i32
        %swap3A_993 = arith.constant 5 : i32
        %swap3A_994 = arith.index_cast %swap3A_992 : i32 to index
        %swap3A_995 = arith.index_cast %swap3A_993 : i32 to index
        %swap3A_996 = arith.index_cast %mul3A_991 : i32 to index
        %swap3A_997 = tpu.vector_load %arg11[%swap3A_994, %swap3A_995, %swap3A_996] {strides = array<i32>} : memref<8x8x128xf32, #tpu.memory_space<vmem>>, vector<16xf32>,
        tpu.vector_store %arg11[%swap3A_994, %swap3A_995, %swap3A_996], %add3A_989 {strides = array<i32>} : memref<8x8x128xf32, #tpu.memory_space<vmem>>, vector<16xf32>,
        %add3A_998 = arith.constant 1 : i32
        %add3A_999 = vector.broadcast %add3A_998 : i32 to vector<16xi32>
        %add3A_1000 = arith.addi %add3A_981, %add3A_999 : vector<16xi32>
        %gather3A_1001 = tpu.vector_load_idx %arg9[%add3A_406, %add3A_1000] : memref<128x128xf32, #tpu.memory_space<vmem>>[vector<16xi32>, vector<16xi32>], vector<16xf32>,
        %mul3A_1002 = vector.broadcast %squeeze3A_35 : f32 to vector<16xf32>
        %mul3A_1003 = arith.mulf %mul3A_887, %mul3A_1002 : vector<16xf32>
        %mul3A_1004 = arith.mulf %mul3A_859, %mul3A_1003 : vector<16xf32>
        %sub3A_1005 = vector.broadcast %squeeze3A_163 : f32 to vector<16xf32>
        %sub3A_1006 = arith.subf %sub3A_1005, %mul3A_1004 : vector<16xf32>
        %mul3A_1007 = arith.mulf %gather3A_1001, %mul3A_1003 : vector<16xf32>
        %add3A_1008 = arith.addf %mul3A_1007, %sub3A_1006 : vector<16xf32>
        %mul3A_1009 = arith.constant 16 : i32
        %mul3A_1010 = arith.muli %scan3A_392, %mul3A_1009 : i32
        %swap3A_1011 = arith.constant 0 : i32
        %swap3A_1012 = arith.constant 6 : i32
        %swap3A_1013 = arith.index_cast %swap3A_1011 : i32 to index
        %swap3A_1014 = arith.index_cast %swap3A_1012 : i32 to index
        %swap3A_1015 = arith.index_cast %mul3A_1010 : i32 to index
        %swap3A_1016 = tpu.vector_load %arg11[%swap3A_1013, %swap3A_1014, %swap3A_1015] {strides = array<i32>} : memref<8x8x128xf32, #tpu.memory_space<vmem>>, vector<16xf32>,
        tpu.vector_store %arg11[%swap3A_1013, %swap3A_1014, %swap3A_1015], %add3A_1008 {strides = array<i32>} : memref<8x8x128xf32, #tpu.memory_space<vmem>>, vector<16xf32>,
        %add3A_1017 = arith.constant 1 : i32
        %add3A_1018 = vector.broadcast %add3A_1017 : i32 to vector<16xi32>
        %add3A_1019 = arith.addi %add3A_1000, %add3A_1018 : vector<16xi32>
        %gather3A_1020 = tpu.vector_load_idx %arg9[%add3A_406, %add3A_1019] : memref<128x128xf32, #tpu.memory_space<vmem>>[vector<16xi32>, vector<16xi32>], vector<16xf32>,
        %mul3A_1021 = vector.broadcast %squeeze3A_37 : f32 to vector<16xf32>
        %mul3A_1022 = arith.mulf %mul3A_887, %mul3A_1021 : vector<16xf32>
        %mul3A_1023 = arith.mulf %mul3A_859, %mul3A_1022 : vector<16xf32>
        %sub3A_1024 = vector.broadcast %squeeze3A_165 : f32 to vector<16xf32>
        %sub3A_1025 = arith.subf %sub3A_1024, %mul3A_1023 : vector<16xf32>
        %mul3A_1026 = arith.mulf %gather3A_1020, %mul3A_1022 : vector<16xf32>
        %add3A_1027 = arith.addf %mul3A_1026, %sub3A_1025 : vector<16xf32>
        %mul3A_1028 = arith.constant 16 : i32
        %mul3A_1029 = arith.muli %scan3A_392, %mul3A_1028 : i32
        %swap3A_1030 = arith.constant 0 : i32
        %swap3A_1031 = arith.constant 7 : i32
        %swap3A_1032 = arith.index_cast %swap3A_1030 : i32 to index
        %swap3A_1033 = arith.index_cast %swap3A_1031 : i32 to index
        %swap3A_1034 = arith.index_cast %mul3A_1029 : i32 to index
        %swap3A_1035 = tpu.vector_load %arg11[%swap3A_1032, %swap3A_1033, %swap3A_1034] {strides = array<i32>} : memref<8x8x128xf32, #tpu.memory_space<vmem>>, vector<16xf32>,
        tpu.vector_store %arg11[%swap3A_1032, %swap3A_1033, %swap3A_1034], %add3A_1027 {strides = array<i32>} : memref<8x8x128xf32, #tpu.memory_space<vmem>>, vector<16xf32>,
        %add3A_1036 = arith.constant 1 : i32
        %add3A_1037 = vector.broadcast %add3A_1036 : i32 to vector<16xi32>
        %add3A_1038 = arith.addi %add3A_1019, %add3A_1037 : vector<16xi32>
        %gather3A_1039 = tpu.vector_load_idx %arg9[%add3A_406, %add3A_1038] : memref<128x128xf32, #tpu.memory_space<vmem>>[vector<16xi32>, vector<16xi32>], vector<16xf32>,
        %mul3A_1040 = vector.broadcast %squeeze3A_39 : f32 to vector<16xf32>
        %mul3A_1041 = arith.mulf %mul3A_887, %mul3A_1040 : vector<16xf32>
        %mul3A_1042 = arith.mulf %mul3A_859, %mul3A_1041 : vector<16xf32>
        %sub3A_1043 = vector.broadcast %squeeze3A_167 : f32 to vector<16xf32>
        %sub3A_1044 = arith.subf %sub3A_1043, %mul3A_1042 : vector<16xf32>
        %mul3A_1045 = arith.mulf %gather3A_1039, %mul3A_1041 : vector<16xf32>
        %add3A_1046 = arith.addf %mul3A_1045, %sub3A_1044 : vector<16xf32>
        %mul3A_1047 = arith.constant 16 : i32
        %mul3A_1048 = arith.muli %scan3A_392, %mul3A_1047 : i32
        %swap3A_1049 = arith.constant 1 : i32
        %swap3A_1050 = arith.constant 0 : i32
        %swap3A_1051 = arith.index_cast %swap3A_1049 : i32 to index
        %swap3A_1052 = arith.index_cast %swap3A_1050 : i32 to index
        %swap3A_1053 = arith.index_cast %mul3A_1048 : i32 to index
        %swap3A_1054 = tpu.vector_load %arg11[%swap3A_1051, %swap3A_1052, %swap3A_1053] {strides = array<i32>} : memref<8x8x128xf32, #tpu.memory_space<vmem>>, vector<16xf32>,
        tpu.vector_store %arg11[%swap3A_1051, %swap3A_1052, %swap3A_1053], %add3A_1046 {strides = array<i32>} : memref<8x8x128xf32, #tpu.memory_space<vmem>>, vector<16xf32>,
        %add3A_1055 = arith.constant 1 : i32
        %add3A_1056 = vector.broadcast %add3A_1055 : i32 to vector<16xi32>
        %add3A_1057 = arith.addi %add3A_1038, %add3A_1056 : vector<16xi32>
        %gather3A_1058 = tpu.vector_load_idx %arg9[%add3A_406, %add3A_1057] : memref<128x128xf32, #tpu.memory_space<vmem>>[vector<16xi32>, vector<16xi32>], vector<16xf32>,
        %mul3A_1059 = vector.broadcast %squeeze3A_41 : f32 to vector<16xf32>
        %mul3A_1060 = arith.mulf %mul3A_887, %mul3A_1059 : vector<16xf32>
        %mul3A_1061 = arith.mulf %mul3A_859, %mul3A_1060 : vector<16xf32>
        %sub3A_1062 = vector.broadcast %squeeze3A_169 : f32 to vector<16xf32>
        %sub3A_1063 = arith.subf %sub3A_1062, %mul3A_1061 : vector<16xf32>
        %mul3A_1064 = arith.mulf %gather3A_1058, %mul3A_1060 : vector<16xf32>
        %add3A_1065 = arith.addf %mul3A_1064, %sub3A_1063 : vector<16xf32>
        %mul3A_1066 = arith.constant 16 : i32
        %mul3A_1067 = arith.muli %scan3A_392, %mul3A_1066 : i32
        %swap3A_1068 = arith.constant 1 : i32
        %swap3A_1069 = arith.constant 1 : i32
        %swap3A_1070 = arith.index_cast %swap3A_1068 : i32 to index
        %swap3A_1071 = arith.index_cast %swap3A_1069 : i32 to index
        %swap3A_1072 = arith.index_cast %mul3A_1067 : i32 to index
        %swap3A_1073 = tpu.vector_load %arg11[%swap3A_1070, %swap3A_1071, %swap3A_1072] {strides = array<i32>} : memref<8x8x128xf32, #tpu.memory_space<vmem>>, vector<16xf32>,
        tpu.vector_store %arg11[%swap3A_1070, %swap3A_1071, %swap3A_1072], %add3A_1065 {strides = array<i32>} : memref<8x8x128xf32, #tpu.memory_space<vmem>>, vector<16xf32>,
        %add3A_1074 = arith.constant 1 : i32
        %add3A_1075 = vector.broadcast %add3A_1074 : i32 to vector<16xi32>
        %add3A_1076 = arith.addi %add3A_1057, %add3A_1075 : vector<16xi32>
        %gather3A_1077 = tpu.vector_load_idx %arg9[%add3A_406, %add3A_1076] : memref<128x128xf32, #tpu.memory_space<vmem>>[vector<16xi32>, vector<16xi32>], vector<16xf32>,
        %mul3A_1078 = vector.broadcast %squeeze3A_43 : f32 to vector<16xf32>
        %mul3A_1079 = arith.mulf %mul3A_887, %mul3A_1078 : vector<16xf32>
        %mul3A_1080 = arith.mulf %mul3A_859, %mul3A_1079 : vector<16xf32>
        %sub3A_1081 = vector.broadcast %squeeze3A_171 : f32 to vector<16xf32>
        %sub3A_1082 = arith.subf %sub3A_1081, %mul3A_1080 : vector<16xf32>
        %mul3A_1083 = arith.mulf %gather3A_1077, %mul3A_1079 : vector<16xf32>
        %add3A_1084 = arith.addf %mul3A_1083, %sub3A_1082 : vector<16xf32>
        %mul3A_1085 = arith.constant 16 : i32
        %mul3A_1086 = arith.muli %scan3A_392, %mul3A_1085 : i32
        %swap3A_1087 = arith.constant 1 : i32
        %swap3A_1088 = arith.constant 2 : i32
        %swap3A_1089 = arith.index_cast %swap3A_1087 : i32 to index
        %swap3A_1090 = arith.index_cast %swap3A_1088 : i32 to index
        %swap3A_1091 = arith.index_cast %mul3A_1086 : i32 to index
        %swap3A_1092 = tpu.vector_load %arg11[%swap3A_1089, %swap3A_1090, %swap3A_1091] {strides = array<i32>} : memref<8x8x128xf32, #tpu.memory_space<vmem>>, vector<16xf32>,
        tpu.vector_store %arg11[%swap3A_1089, %swap3A_1090, %swap3A_1091], %add3A_1084 {strides = array<i32>} : memref<8x8x128xf32, #tpu.memory_space<vmem>>, vector<16xf32>,
        %add3A_1093 = arith.constant 1 : i32
        %add3A_1094 = vector.broadcast %add3A_1093 : i32 to vector<16xi32>
        %add3A_1095 = arith.addi %add3A_1076, %add3A_1094 : vector<16xi32>
        %gather3A_1096 = tpu.vector_load_idx %arg9[%add3A_406, %add3A_1095] : memref<128x128xf32, #tpu.memory_space<vmem>>[vector<16xi32>, vector<16xi32>], vector<16xf32>,
        %mul3A_1097 = vector.broadcast %squeeze3A_45 : f32 to vector<16xf32>
        %mul3A_1098 = arith.mulf %mul3A_887, %mul3A_1097 : vector<16xf32>
        %mul3A_1099 = arith.mulf %mul3A_859, %mul3A_1098 : vector<16xf32>
        %sub3A_1100 = vector.broadcast %squeeze3A_173 : f32 to vector<16xf32>
        %sub3A_1101 = arith.subf %sub3A_1100, %mul3A_1099 : vector<16xf32>
        %mul3A_1102 = arith.mulf %gather3A_1096, %mul3A_1098 : vector<16xf32>
        %add3A_1103 = arith.addf %mul3A_1102, %sub3A_1101 : vector<16xf32>
        %mul3A_1104 = arith.constant 16 : i32
        %mul3A_1105 = arith.muli %scan3A_392, %mul3A_1104 : i32
        %swap3A_1106 = arith.constant 1 : i32
        %swap3A_1107 = arith.constant 3 : i32
        %swap3A_1108 = arith.index_cast %swap3A_1106 : i32 to index
        %swap3A_1109 = arith.index_cast %swap3A_1107 : i32 to index
        %swap3A_1110 = arith.index_cast %mul3A_1105 : i32 to index
        %swap3A_1111 = tpu.vector_load %arg11[%swap3A_1108, %swap3A_1109, %swap3A_1110] {strides = array<i32>} : memref<8x8x128xf32, #tpu.memory_space<vmem>>, vector<16xf32>,
        tpu.vector_store %arg11[%swap3A_1108, %swap3A_1109, %swap3A_1110], %add3A_1103 {strides = array<i32>} : memref<8x8x128xf32, #tpu.memory_space<vmem>>, vector<16xf32>,
        %add3A_1112 = arith.constant 1 : i32
        %add3A_1113 = vector.broadcast %add3A_1112 : i32 to vector<16xi32>
        %add3A_1114 = arith.addi %add3A_1095, %add3A_1113 : vector<16xi32>
        %gather3A_1115 = tpu.vector_load_idx %arg9[%add3A_406, %add3A_1114] : memref<128x128xf32, #tpu.memory_space<vmem>>[vector<16xi32>, vector<16xi32>], vector<16xf32>,
        %mul3A_1116 = vector.broadcast %squeeze3A_47 : f32 to vector<16xf32>
        %mul3A_1117 = arith.mulf %mul3A_887, %mul3A_1116 : vector<16xf32>
        %mul3A_1118 = arith.mulf %mul3A_859, %mul3A_1117 : vector<16xf32>
        %sub3A_1119 = vector.broadcast %squeeze3A_175 : f32 to vector<16xf32>
        %sub3A_1120 = arith.subf %sub3A_1119, %mul3A_1118 : vector<16xf32>
        %mul3A_1121 = arith.mulf %gather3A_1115, %mul3A_1117 : vector<16xf32>
        %add3A_1122 = arith.addf %mul3A_1121, %sub3A_1120 : vector<16xf32>
        %mul3A_1123 = arith.constant 16 : i32
        %mul3A_1124 = arith.muli %scan3A_392, %mul3A_1123 : i32
        %swap3A_1125 = arith.constant 1 : i32
        %swap3A_1126 = arith.constant 4 : i32
        %swap3A_1127 = arith.index_cast %swap3A_1125 : i32 to index
        %swap3A_1128 = arith.index_cast %swap3A_1126 : i32 to index
        %swap3A_1129 = arith.index_cast %mul3A_1124 : i32 to index
        %swap3A_1130 = tpu.vector_load %arg11[%swap3A_1127, %swap3A_1128, %swap3A_1129] {strides = array<i32>} : memref<8x8x128xf32, #tpu.memory_space<vmem>>, vector<16xf32>,
        tpu.vector_store %arg11[%swap3A_1127, %swap3A_1128, %swap3A_1129], %add3A_1122 {strides = array<i32>} : memref<8x8x128xf32, #tpu.memory_space<vmem>>, vector<16xf32>,
        %add3A_1131 = arith.constant 1 : i32
        %add3A_1132 = vector.broadcast %add3A_1131 : i32 to vector<16xi32>
        %add3A_1133 = arith.addi %add3A_1114, %add3A_1132 : vector<16xi32>
        %gather3A_1134 = tpu.vector_load_idx %arg9[%add3A_406, %add3A_1133] : memref<128x128xf32, #tpu.memory_space<vmem>>[vector<16xi32>, vector<16xi32>], vector<16xf32>,
        %mul3A_1135 = vector.broadcast %squeeze3A_49 : f32 to vector<16xf32>
        %mul3A_1136 = arith.mulf %mul3A_887, %mul3A_1135 : vector<16xf32>
        %mul3A_1137 = arith.mulf %mul3A_859, %mul3A_1136 : vector<16xf32>
        %sub3A_1138 = vector.broadcast %squeeze3A_177 : f32 to vector<16xf32>
        %sub3A_1139 = arith.subf %sub3A_1138, %mul3A_1137 : vector<16xf32>
        %mul3A_1140 = arith.mulf %gather3A_1134, %mul3A_1136 : vector<16xf32>
        %add3A_1141 = arith.addf %mul3A_1140, %sub3A_1139 : vector<16xf32>
        %mul3A_1142 = arith.constant 16 : i32
        %mul3A_1143 = arith.muli %scan3A_392, %mul3A_1142 : i32
        %swap3A_1144 = arith.constant 1 : i32
        %swap3A_1145 = arith.constant 5 : i32
        %swap3A_1146 = arith.index_cast %swap3A_1144 : i32 to index
        %swap3A_1147 = arith.index_cast %swap3A_1145 : i32 to index
        %swap3A_1148 = arith.index_cast %mul3A_1143 : i32 to index
        %swap3A_1149 = tpu.vector_load %arg11[%swap3A_1146, %swap3A_1147, %swap3A_1148] {strides = array<i32>} : memref<8x8x128xf32, #tpu.memory_space<vmem>>, vector<16xf32>,
        tpu.vector_store %arg11[%swap3A_1146, %swap3A_1147, %swap3A_1148], %add3A_1141 {strides = array<i32>} : memref<8x8x128xf32, #tpu.memory_space<vmem>>, vector<16xf32>,
        %add3A_1150 = arith.constant 1 : i32
        %add3A_1151 = vector.broadcast %add3A_1150 : i32 to vector<16xi32>
        %add3A_1152 = arith.addi %add3A_1133, %add3A_1151 : vector<16xi32>
        %gather3A_1153 = tpu.vector_load_idx %arg9[%add3A_406, %add3A_1152] : memref<128x128xf32, #tpu.memory_space<vmem>>[vector<16xi32>, vector<16xi32>], vector<16xf32>,
        %mul3A_1154 = vector.broadcast %squeeze3A_51 : f32 to vector<16xf32>
        %mul3A_1155 = arith.mulf %mul3A_887, %mul3A_1154 : vector<16xf32>
        %mul3A_1156 = arith.mulf %mul3A_859, %mul3A_1155 : vector<16xf32>
        %sub3A_1157 = vector.broadcast %squeeze3A_179 : f32 to vector<16xf32>
        %sub3A_1158 = arith.subf %sub3A_1157, %mul3A_1156 : vector<16xf32>
        %mul3A_1159 = arith.mulf %gather3A_1153, %mul3A_1155 : vector<16xf32>
        %add3A_1160 = arith.addf %mul3A_1159, %sub3A_1158 : vector<16xf32>
        %mul3A_1161 = arith.constant 16 : i32
        %mul3A_1162 = arith.muli %scan3A_392, %mul3A_1161 : i32
        %swap3A_1163 = arith.constant 1 : i32
        %swap3A_1164 = arith.constant 6 : i32
        %swap3A_1165 = arith.index_cast %swap3A_1163 : i32 to index
        %swap3A_1166 = arith.index_cast %swap3A_1164 : i32 to index
        %swap3A_1167 = arith.index_cast %mul3A_1162 : i32 to index
        %swap3A_1168 = tpu.vector_load %arg11[%swap3A_1165, %swap3A_1166, %swap3A_1167] {strides = array<i32>} : memref<8x8x128xf32, #tpu.memory_space<vmem>>, vector<16xf32>,
        tpu.vector_store %arg11[%swap3A_1165, %swap3A_1166, %swap3A_1167], %add3A_1160 {strides = array<i32>} : memref<8x8x128xf32, #tpu.memory_space<vmem>>, vector<16xf32>,
        %add3A_1169 = arith.constant 1 : i32
        %add3A_1170 = vector.broadcast %add3A_1169 : i32 to vector<16xi32>
        %add3A_1171 = arith.addi %add3A_1152, %add3A_1170 : vector<16xi32>
        %gather3A_1172 = tpu.vector_load_idx %arg9[%add3A_406, %add3A_1171] : memref<128x128xf32, #tpu.memory_space<vmem>>[vector<16xi32>, vector<16xi32>], vector<16xf32>,
        %mul3A_1173 = vector.broadcast %squeeze3A_53 : f32 to vector<16xf32>
        %mul3A_1174 = arith.mulf %mul3A_887, %mul3A_1173 : vector<16xf32>
        %mul3A_1175 = arith.mulf %mul3A_859, %mul3A_1174 : vector<16xf32>
        %sub3A_1176 = vector.broadcast %squeeze3A_181 : f32 to vector<16xf32>
        %sub3A_1177 = arith.subf %sub3A_1176, %mul3A_1175 : vector<16xf32>
        %mul3A_1178 = arith.mulf %gather3A_1172, %mul3A_1174 : vector<16xf32>
        %add3A_1179 = arith.addf %mul3A_1178, %sub3A_1177 : vector<16xf32>
        %mul3A_1180 = arith.constant 16 : i32
        %mul3A_1181 = arith.muli %scan3A_392, %mul3A_1180 : i32
        %swap3A_1182 = arith.constant 1 : i32
        %swap3A_1183 = arith.constant 7 : i32
        %swap3A_1184 = arith.index_cast %swap3A_1182 : i32 to index
        %swap3A_1185 = arith.index_cast %swap3A_1183 : i32 to index
        %swap3A_1186 = arith.index_cast %mul3A_1181 : i32 to index
        %swap3A_1187 = tpu.vector_load %arg11[%swap3A_1184, %swap3A_1185, %swap3A_1186] {strides = array<i32>} : memref<8x8x128xf32, #tpu.memory_space<vmem>>, vector<16xf32>,
        tpu.vector_store %arg11[%swap3A_1184, %swap3A_1185, %swap3A_1186], %add3A_1179 {strides = array<i32>} : memref<8x8x128xf32, #tpu.memory_space<vmem>>, vector<16xf32>,
        %add3A_1188 = arith.constant 1 : i32
        %add3A_1189 = vector.broadcast %add3A_1188 : i32 to vector<16xi32>
        %add3A_1190 = arith.addi %add3A_1171, %add3A_1189 : vector<16xi32>
        %gather3A_1191 = tpu.vector_load_idx %arg9[%add3A_406, %add3A_1190] : memref<128x128xf32, #tpu.memory_space<vmem>>[vector<16xi32>, vector<16xi32>], vector<16xf32>,
        %mul3A_1192 = vector.broadcast %squeeze3A_55 : f32 to vector<16xf32>
        %mul3A_1193 = arith.mulf %mul3A_887, %mul3A_1192 : vector<16xf32>
        %mul3A_1194 = arith.mulf %mul3A_859, %mul3A_1193 : vector<16xf32>
        %sub3A_1195 = vector.broadcast %squeeze3A_183 : f32 to vector<16xf32>
        %sub3A_1196 = arith.subf %sub3A_1195, %mul3A_1194 : vector<16xf32>
        %mul3A_1197 = arith.mulf %gather3A_1191, %mul3A_1193 : vector<16xf32>
        %add3A_1198 = arith.addf %mul3A_1197, %sub3A_1196 : vector<16xf32>
        %mul3A_1199 = arith.constant 16 : i32
        %mul3A_1200 = arith.muli %scan3A_392, %mul3A_1199 : i32
        %swap3A_1201 = arith.constant 2 : i32
        %swap3A_1202 = arith.constant 0 : i32
        %swap3A_1203 = arith.index_cast %swap3A_1201 : i32 to index
        %swap3A_1204 = arith.index_cast %swap3A_1202 : i32 to index
        %swap3A_1205 = arith.index_cast %mul3A_1200 : i32 to index
        %swap3A_1206 = tpu.vector_load %arg11[%swap3A_1203, %swap3A_1204, %swap3A_1205] {strides = array<i32>} : memref<8x8x128xf32, #tpu.memory_space<vmem>>, vector<16xf32>,
        tpu.vector_store %arg11[%swap3A_1203, %swap3A_1204, %swap3A_1205], %add3A_1198 {strides = array<i32>} : memref<8x8x128xf32, #tpu.memory_space<vmem>>, vector<16xf32>,
        %add3A_1207 = arith.constant 1 : i32
        %add3A_1208 = vector.broadcast %add3A_1207 : i32 to vector<16xi32>
        %add3A_1209 = arith.addi %add3A_1190, %add3A_1208 : vector<16xi32>
        %gather3A_1210 = tpu.vector_load_idx %arg9[%add3A_406, %add3A_1209] : memref<128x128xf32, #tpu.memory_space<vmem>>[vector<16xi32>, vector<16xi32>], vector<16xf32>,
        %mul3A_1211 = vector.broadcast %squeeze3A_57 : f32 to vector<16xf32>
        %mul3A_1212 = arith.mulf %mul3A_887, %mul3A_1211 : vector<16xf32>
        %mul3A_1213 = arith.mulf %mul3A_859, %mul3A_1212 : vector<16xf32>
        %sub3A_1214 = vector.broadcast %squeeze3A_185 : f32 to vector<16xf32>
        %sub3A_1215 = arith.subf %sub3A_1214, %mul3A_1213 : vector<16xf32>
        %mul3A_1216 = arith.mulf %gather3A_1210, %mul3A_1212 : vector<16xf32>
        %add3A_1217 = arith.addf %mul3A_1216, %sub3A_1215 : vector<16xf32>
        %mul3A_1218 = arith.constant 16 : i32
        %mul3A_1219 = arith.muli %scan3A_392, %mul3A_1218 : i32
        %swap3A_1220 = arith.constant 2 : i32
        %swap3A_1221 = arith.constant 1 : i32
        %swap3A_1222 = arith.index_cast %swap3A_1220 : i32 to index
        %swap3A_1223 = arith.index_cast %swap3A_1221 : i32 to index
        %swap3A_1224 = arith.index_cast %mul3A_1219 : i32 to index
        %swap3A_1225 = tpu.vector_load %arg11[%swap3A_1222, %swap3A_1223, %swap3A_1224] {strides = array<i32>} : memref<8x8x128xf32, #tpu.memory_space<vmem>>, vector<16xf32>,
        tpu.vector_store %arg11[%swap3A_1222, %swap3A_1223, %swap3A_1224], %add3A_1217 {strides = array<i32>} : memref<8x8x128xf32, #tpu.memory_space<vmem>>, vector<16xf32>,
        %add3A_1226 = arith.constant 1 : i32
        %add3A_1227 = vector.broadcast %add3A_1226 : i32 to vector<16xi32>
        %add3A_1228 = arith.addi %add3A_1209, %add3A_1227 : vector<16xi32>
        %gather3A_1229 = tpu.vector_load_idx %arg9[%add3A_406, %add3A_1228] : memref<128x128xf32, #tpu.memory_space<vmem>>[vector<16xi32>, vector<16xi32>], vector<16xf32>,
        %mul3A_1230 = vector.broadcast %squeeze3A_59 : f32 to vector<16xf32>
        %mul3A_1231 = arith.mulf %mul3A_887, %mul3A_1230 : vector<16xf32>
        %mul3A_1232 = arith.mulf %mul3A_859, %mul3A_1231 : vector<16xf32>
        %sub3A_1233 = vector.broadcast %squeeze3A_187 : f32 to vector<16xf32>
        %sub3A_1234 = arith.subf %sub3A_1233, %mul3A_1232 : vector<16xf32>
        %mul3A_1235 = arith.mulf %gather3A_1229, %mul3A_1231 : vector<16xf32>
        %add3A_1236 = arith.addf %mul3A_1235, %sub3A_1234 : vector<16xf32>
        %mul3A_1237 = arith.constant 16 : i32
        %mul3A_1238 = arith.muli %scan3A_392, %mul3A_1237 : i32
        %swap3A_1239 = arith.constant 2 : i32
        %swap3A_1240 = arith.constant 2 : i32
        %swap3A_1241 = arith.index_cast %swap3A_1239 : i32 to index
        %swap3A_1242 = arith.index_cast %swap3A_1240 : i32 to index
        %swap3A_1243 = arith.index_cast %mul3A_1238 : i32 to index
        %swap3A_1244 = tpu.vector_load %arg11[%swap3A_1241, %swap3A_1242, %swap3A_1243] {strides = array<i32>} : memref<8x8x128xf32, #tpu.memory_space<vmem>>, vector<16xf32>,
        tpu.vector_store %arg11[%swap3A_1241, %swap3A_1242, %swap3A_1243], %add3A_1236 {strides = array<i32>} : memref<8x8x128xf32, #tpu.memory_space<vmem>>, vector<16xf32>,
        %add3A_1245 = arith.constant 1 : i32
        %add3A_1246 = vector.broadcast %add3A_1245 : i32 to vector<16xi32>
        %add3A_1247 = arith.addi %add3A_1228, %add3A_1246 : vector<16xi32>
        %gather3A_1248 = tpu.vector_load_idx %arg9[%add3A_406, %add3A_1247] : memref<128x128xf32, #tpu.memory_space<vmem>>[vector<16xi32>, vector<16xi32>], vector<16xf32>,
        %mul3A_1249 = vector.broadcast %squeeze3A_61 : f32 to vector<16xf32>
        %mul3A_1250 = arith.mulf %mul3A_887, %mul3A_1249 : vector<16xf32>
        %mul3A_1251 = arith.mulf %mul3A_859, %mul3A_1250 : vector<16xf32>
        %sub3A_1252 = vector.broadcast %squeeze3A_189 : f32 to vector<16xf32>
        %sub3A_1253 = arith.subf %sub3A_1252, %mul3A_1251 : vector<16xf32>
        %mul3A_1254 = arith.mulf %gather3A_1248, %mul3A_1250 : vector<16xf32>
        %add3A_1255 = arith.addf %mul3A_1254, %sub3A_1253 : vector<16xf32>
        %mul3A_1256 = arith.constant 16 : i32
        %mul3A_1257 = arith.muli %scan3A_392, %mul3A_1256 : i32
        %swap3A_1258 = arith.constant 2 : i32
        %swap3A_1259 = arith.constant 3 : i32
        %swap3A_1260 = arith.index_cast %swap3A_1258 : i32 to index
        %swap3A_1261 = arith.index_cast %swap3A_1259 : i32 to index
        %swap3A_1262 = arith.index_cast %mul3A_1257 : i32 to index
        %swap3A_1263 = tpu.vector_load %arg11[%swap3A_1260, %swap3A_1261, %swap3A_1262] {strides = array<i32>} : memref<8x8x128xf32, #tpu.memory_space<vmem>>, vector<16xf32>,
        tpu.vector_store %arg11[%swap3A_1260, %swap3A_1261, %swap3A_1262], %add3A_1255 {strides = array<i32>} : memref<8x8x128xf32, #tpu.memory_space<vmem>>, vector<16xf32>,
        %add3A_1264 = arith.constant 1 : i32
        %add3A_1265 = vector.broadcast %add3A_1264 : i32 to vector<16xi32>
        %add3A_1266 = arith.addi %add3A_1247, %add3A_1265 : vector<16xi32>
        %gather3A_1267 = tpu.vector_load_idx %arg9[%add3A_406, %add3A_1266] : memref<128x128xf32, #tpu.memory_space<vmem>>[vector<16xi32>, vector<16xi32>], vector<16xf32>,
        %mul3A_1268 = vector.broadcast %squeeze3A_63 : f32 to vector<16xf32>
        %mul3A_1269 = arith.mulf %mul3A_887, %mul3A_1268 : vector<16xf32>
        %mul3A_1270 = arith.mulf %mul3A_859, %mul3A_1269 : vector<16xf32>
        %sub3A_1271 = vector.broadcast %squeeze3A_191 : f32 to vector<16xf32>
        %sub3A_1272 = arith.subf %sub3A_1271, %mul3A_1270 : vector<16xf32>
        %mul3A_1273 = arith.mulf %gather3A_1267, %mul3A_1269 : vector<16xf32>
        %add3A_1274 = arith.addf %mul3A_1273, %sub3A_1272 : vector<16xf32>
        %mul3A_1275 = arith.constant 16 : i32
        %mul3A_1276 = arith.muli %scan3A_392, %mul3A_1275 : i32
        %swap3A_1277 = arith.constant 2 : i32
        %swap3A_1278 = arith.constant 4 : i32
        %swap3A_1279 = arith.index_cast %swap3A_1277 : i32 to index
        %swap3A_1280 = arith.index_cast %swap3A_1278 : i32 to index
        %swap3A_1281 = arith.index_cast %mul3A_1276 : i32 to index
        %swap3A_1282 = tpu.vector_load %arg11[%swap3A_1279, %swap3A_1280, %swap3A_1281] {strides = array<i32>} : memref<8x8x128xf32, #tpu.memory_space<vmem>>, vector<16xf32>,
        tpu.vector_store %arg11[%swap3A_1279, %swap3A_1280, %swap3A_1281], %add3A_1274 {strides = array<i32>} : memref<8x8x128xf32, #tpu.memory_space<vmem>>, vector<16xf32>,
        %add3A_1283 = arith.constant 1 : i32
        %add3A_1284 = vector.broadcast %add3A_1283 : i32 to vector<16xi32>
        %add3A_1285 = arith.addi %add3A_1266, %add3A_1284 : vector<16xi32>
        %gather3A_1286 = tpu.vector_load_idx %arg9[%add3A_406, %add3A_1285] : memref<128x128xf32, #tpu.memory_space<vmem>>[vector<16xi32>, vector<16xi32>], vector<16xf32>,
        %mul3A_1287 = vector.broadcast %squeeze3A_65 : f32 to vector<16xf32>
        %mul3A_1288 = arith.mulf %mul3A_887, %mul3A_1287 : vector<16xf32>
        %mul3A_1289 = arith.mulf %mul3A_859, %mul3A_1288 : vector<16xf32>
        %sub3A_1290 = vector.broadcast %squeeze3A_193 : f32 to vector<16xf32>
        %sub3A_1291 = arith.subf %sub3A_1290, %mul3A_1289 : vector<16xf32>
        %mul3A_1292 = arith.mulf %gather3A_1286, %mul3A_1288 : vector<16xf32>
        %add3A_1293 = arith.addf %mul3A_1292, %sub3A_1291 : vector<16xf32>
        %mul3A_1294 = arith.constant 16 : i32
        %mul3A_1295 = arith.muli %scan3A_392, %mul3A_1294 : i32
        %swap3A_1296 = arith.constant 2 : i32
        %swap3A_1297 = arith.constant 5 : i32
        %swap3A_1298 = arith.index_cast %swap3A_1296 : i32 to index
        %swap3A_1299 = arith.index_cast %swap3A_1297 : i32 to index
        %swap3A_1300 = arith.index_cast %mul3A_1295 : i32 to index
        %swap3A_1301 = tpu.vector_load %arg11[%swap3A_1298, %swap3A_1299, %swap3A_1300] {strides = array<i32>} : memref<8x8x128xf32, #tpu.memory_space<vmem>>, vector<16xf32>,
        tpu.vector_store %arg11[%swap3A_1298, %swap3A_1299, %swap3A_1300], %add3A_1293 {strides = array<i32>} : memref<8x8x128xf32, #tpu.memory_space<vmem>>, vector<16xf32>,
        %add3A_1302 = arith.constant 1 : i32
        %add3A_1303 = vector.broadcast %add3A_1302 : i32 to vector<16xi32>
        %add3A_1304 = arith.addi %add3A_1285, %add3A_1303 : vector<16xi32>
        %gather3A_1305 = tpu.vector_load_idx %arg9[%add3A_406, %add3A_1304] : memref<128x128xf32, #tpu.memory_space<vmem>>[vector<16xi32>, vector<16xi32>], vector<16xf32>,
        %mul3A_1306 = vector.broadcast %squeeze3A_67 : f32 to vector<16xf32>
        %mul3A_1307 = arith.mulf %mul3A_887, %mul3A_1306 : vector<16xf32>
        %mul3A_1308 = arith.mulf %mul3A_859, %mul3A_1307 : vector<16xf32>
        %sub3A_1309 = vector.broadcast %squeeze3A_195 : f32 to vector<16xf32>
        %sub3A_1310 = arith.subf %sub3A_1309, %mul3A_1308 : vector<16xf32>
        %mul3A_1311 = arith.mulf %gather3A_1305, %mul3A_1307 : vector<16xf32>
        %add3A_1312 = arith.addf %mul3A_1311, %sub3A_1310 : vector<16xf32>
        %mul3A_1313 = arith.constant 16 : i32
        %mul3A_1314 = arith.muli %scan3A_392, %mul3A_1313 : i32
        %swap3A_1315 = arith.constant 2 : i32
        %swap3A_1316 = arith.constant 6 : i32
        %swap3A_1317 = arith.index_cast %swap3A_1315 : i32 to index
        %swap3A_1318 = arith.index_cast %swap3A_1316 : i32 to index
        %swap3A_1319 = arith.index_cast %mul3A_1314 : i32 to index
        %swap3A_1320 = tpu.vector_load %arg11[%swap3A_1317, %swap3A_1318, %swap3A_1319] {strides = array<i32>} : memref<8x8x128xf32, #tpu.memory_space<vmem>>, vector<16xf32>,
        tpu.vector_store %arg11[%swap3A_1317, %swap3A_1318, %swap3A_1319], %add3A_1312 {strides = array<i32>} : memref<8x8x128xf32, #tpu.memory_space<vmem>>, vector<16xf32>,
        %add3A_1321 = arith.constant 1 : i32
        %add3A_1322 = vector.broadcast %add3A_1321 : i32 to vector<16xi32>
        %add3A_1323 = arith.addi %add3A_1304, %add3A_1322 : vector<16xi32>
        %gather3A_1324 = tpu.vector_load_idx %arg9[%add3A_406, %add3A_1323] : memref<128x128xf32, #tpu.memory_space<vmem>>[vector<16xi32>, vector<16xi32>], vector<16xf32>,
        %mul3A_1325 = vector.broadcast %squeeze3A_69 : f32 to vector<16xf32>
        %mul3A_1326 = arith.mulf %mul3A_887, %mul3A_1325 : vector<16xf32>
        %mul3A_1327 = arith.mulf %mul3A_859, %mul3A_1326 : vector<16xf32>
        %sub3A_1328 = vector.broadcast %squeeze3A_197 : f32 to vector<16xf32>
        %sub3A_1329 = arith.subf %sub3A_1328, %mul3A_1327 : vector<16xf32>
        %mul3A_1330 = arith.mulf %gather3A_1324, %mul3A_1326 : vector<16xf32>
        %add3A_1331 = arith.addf %mul3A_1330, %sub3A_1329 : vector<16xf32>
        %mul3A_1332 = arith.constant 16 : i32
        %mul3A_1333 = arith.muli %scan3A_392, %mul3A_1332 : i32
        %swap3A_1334 = arith.constant 2 : i32
        %swap3A_1335 = arith.constant 7 : i32
        %swap3A_1336 = arith.index_cast %swap3A_1334 : i32 to index
        %swap3A_1337 = arith.index_cast %swap3A_1335 : i32 to index
        %swap3A_1338 = arith.index_cast %mul3A_1333 : i32 to index
        %swap3A_1339 = tpu.vector_load %arg11[%swap3A_1336, %swap3A_1337, %swap3A_1338] {strides = array<i32>} : memref<8x8x128xf32, #tpu.memory_space<vmem>>, vector<16xf32>,
        tpu.vector_store %arg11[%swap3A_1336, %swap3A_1337, %swap3A_1338], %add3A_1331 {strides = array<i32>} : memref<8x8x128xf32, #tpu.memory_space<vmem>>, vector<16xf32>,
        %add3A_1340 = arith.constant 1 : i32
        %add3A_1341 = vector.broadcast %add3A_1340 : i32 to vector<16xi32>
        %add3A_1342 = arith.addi %add3A_1323, %add3A_1341 : vector<16xi32>
        %gather3A_1343 = tpu.vector_load_idx %arg9[%add3A_406, %add3A_1342] : memref<128x128xf32, #tpu.memory_space<vmem>>[vector<16xi32>, vector<16xi32>], vector<16xf32>,
        %mul3A_1344 = vector.broadcast %squeeze3A_71 : f32 to vector<16xf32>
        %mul3A_1345 = arith.mulf %mul3A_887, %mul3A_1344 : vector<16xf32>
        %mul3A_1346 = arith.mulf %mul3A_859, %mul3A_1345 : vector<16xf32>
        %sub3A_1347 = vector.broadcast %squeeze3A_199 : f32 to vector<16xf32>
        %sub3A_1348 = arith.subf %sub3A_1347, %mul3A_1346 : vector<16xf32>
        %mul3A_1349 = arith.mulf %gather3A_1343, %mul3A_1345 : vector<16xf32>
        %add3A_1350 = arith.addf %mul3A_1349, %sub3A_1348 : vector<16xf32>
        %mul3A_1351 = arith.constant 16 : i32
        %mul3A_1352 = arith.muli %scan3A_392, %mul3A_1351 : i32
        %swap3A_1353 = arith.constant 3 : i32
        %swap3A_1354 = arith.constant 0 : i32
        %swap3A_1355 = arith.index_cast %swap3A_1353 : i32 to index
        %swap3A_1356 = arith.index_cast %swap3A_1354 : i32 to index
        %swap3A_1357 = arith.index_cast %mul3A_1352 : i32 to index
        %swap3A_1358 = tpu.vector_load %arg11[%swap3A_1355, %swap3A_1356, %swap3A_1357] {strides = array<i32>} : memref<8x8x128xf32, #tpu.memory_space<vmem>>, vector<16xf32>,
        tpu.vector_store %arg11[%swap3A_1355, %swap3A_1356, %swap3A_1357], %add3A_1350 {strides = array<i32>} : memref<8x8x128xf32, #tpu.memory_space<vmem>>, vector<16xf32>,
        %add3A_1359 = arith.constant 1 : i32
        %add3A_1360 = vector.broadcast %add3A_1359 : i32 to vector<16xi32>
        %add3A_1361 = arith.addi %add3A_1342, %add3A_1360 : vector<16xi32>
        %gather3A_1362 = tpu.vector_load_idx %arg9[%add3A_406, %add3A_1361] : memref<128x128xf32, #tpu.memory_space<vmem>>[vector<16xi32>, vector<16xi32>], vector<16xf32>,
        %mul3A_1363 = vector.broadcast %squeeze3A_73 : f32 to vector<16xf32>
        %mul3A_1364 = arith.mulf %mul3A_887, %mul3A_1363 : vector<16xf32>
        %mul3A_1365 = arith.mulf %mul3A_859, %mul3A_1364 : vector<16xf32>
        %sub3A_1366 = vector.broadcast %squeeze3A_201 : f32 to vector<16xf32>
        %sub3A_1367 = arith.subf %sub3A_1366, %mul3A_1365 : vector<16xf32>
        %mul3A_1368 = arith.mulf %gather3A_1362, %mul3A_1364 : vector<16xf32>
        %add3A_1369 = arith.addf %mul3A_1368, %sub3A_1367 : vector<16xf32>
        %mul3A_1370 = arith.constant 16 : i32
        %mul3A_1371 = arith.muli %scan3A_392, %mul3A_1370 : i32
        %swap3A_1372 = arith.constant 3 : i32
        %swap3A_1373 = arith.constant 1 : i32
        %swap3A_1374 = arith.index_cast %swap3A_1372 : i32 to index
        %swap3A_1375 = arith.index_cast %swap3A_1373 : i32 to index
        %swap3A_1376 = arith.index_cast %mul3A_1371 : i32 to index
        %swap3A_1377 = tpu.vector_load %arg11[%swap3A_1374, %swap3A_1375, %swap3A_1376] {strides = array<i32>} : memref<8x8x128xf32, #tpu.memory_space<vmem>>, vector<16xf32>,
        tpu.vector_store %arg11[%swap3A_1374, %swap3A_1375, %swap3A_1376], %add3A_1369 {strides = array<i32>} : memref<8x8x128xf32, #tpu.memory_space<vmem>>, vector<16xf32>,
        %add3A_1378 = arith.constant 1 : i32
        %add3A_1379 = vector.broadcast %add3A_1378 : i32 to vector<16xi32>
        %add3A_1380 = arith.addi %add3A_1361, %add3A_1379 : vector<16xi32>
        %gather3A_1381 = tpu.vector_load_idx %arg9[%add3A_406, %add3A_1380] : memref<128x128xf32, #tpu.memory_space<vmem>>[vector<16xi32>, vector<16xi32>], vector<16xf32>,
        %mul3A_1382 = vector.broadcast %squeeze3A_75 : f32 to vector<16xf32>
        %mul3A_1383 = arith.mulf %mul3A_887, %mul3A_1382 : vector<16xf32>
        %mul3A_1384 = arith.mulf %mul3A_859, %mul3A_1383 : vector<16xf32>
        %sub3A_1385 = vector.broadcast %squeeze3A_203 : f32 to vector<16xf32>
        %sub3A_1386 = arith.subf %sub3A_1385, %mul3A_1384 : vector<16xf32>
        %mul3A_1387 = arith.mulf %gather3A_1381, %mul3A_1383 : vector<16xf32>
        %add3A_1388 = arith.addf %mul3A_1387, %sub3A_1386 : vector<16xf32>
        %mul3A_1389 = arith.constant 16 : i32
        %mul3A_1390 = arith.muli %scan3A_392, %mul3A_1389 : i32
        %swap3A_1391 = arith.constant 3 : i32
        %swap3A_1392 = arith.constant 2 : i32
        %swap3A_1393 = arith.index_cast %swap3A_1391 : i32 to index
        %swap3A_1394 = arith.index_cast %swap3A_1392 : i32 to index
        %swap3A_1395 = arith.index_cast %mul3A_1390 : i32 to index
        %swap3A_1396 = tpu.vector_load %arg11[%swap3A_1393, %swap3A_1394, %swap3A_1395] {strides = array<i32>} : memref<8x8x128xf32, #tpu.memory_space<vmem>>, vector<16xf32>,
        tpu.vector_store %arg11[%swap3A_1393, %swap3A_1394, %swap3A_1395], %add3A_1388 {strides = array<i32>} : memref<8x8x128xf32, #tpu.memory_space<vmem>>, vector<16xf32>,
        %add3A_1397 = arith.constant 1 : i32
        %add3A_1398 = vector.broadcast %add3A_1397 : i32 to vector<16xi32>
        %add3A_1399 = arith.addi %add3A_1380, %add3A_1398 : vector<16xi32>
        %gather3A_1400 = tpu.vector_load_idx %arg9[%add3A_406, %add3A_1399] : memref<128x128xf32, #tpu.memory_space<vmem>>[vector<16xi32>, vector<16xi32>], vector<16xf32>,
        %mul3A_1401 = vector.broadcast %squeeze3A_77 : f32 to vector<16xf32>
        %mul3A_1402 = arith.mulf %mul3A_887, %mul3A_1401 : vector<16xf32>
        %mul3A_1403 = arith.mulf %mul3A_859, %mul3A_1402 : vector<16xf32>
        %sub3A_1404 = vector.broadcast %squeeze3A_205 : f32 to vector<16xf32>
        %sub3A_1405 = arith.subf %sub3A_1404, %mul3A_1403 : vector<16xf32>
        %mul3A_1406 = arith.mulf %gather3A_1400, %mul3A_1402 : vector<16xf32>
        %add3A_1407 = arith.addf %mul3A_1406, %sub3A_1405 : vector<16xf32>
        %mul3A_1408 = arith.constant 16 : i32
        %mul3A_1409 = arith.muli %scan3A_392, %mul3A_1408 : i32
        %swap3A_1410 = arith.constant 3 : i32
        %swap3A_1411 = arith.constant 3 : i32
        %swap3A_1412 = arith.index_cast %swap3A_1410 : i32 to index
        %swap3A_1413 = arith.index_cast %swap3A_1411 : i32 to index
        %swap3A_1414 = arith.index_cast %mul3A_1409 : i32 to index
        %swap3A_1415 = tpu.vector_load %arg11[%swap3A_1412, %swap3A_1413, %swap3A_1414] {strides = array<i32>} : memref<8x8x128xf32, #tpu.memory_space<vmem>>, vector<16xf32>,
        tpu.vector_store %arg11[%swap3A_1412, %swap3A_1413, %swap3A_1414], %add3A_1407 {strides = array<i32>} : memref<8x8x128xf32, #tpu.memory_space<vmem>>, vector<16xf32>,
        %add3A_1416 = arith.constant 1 : i32
        %add3A_1417 = vector.broadcast %add3A_1416 : i32 to vector<16xi32>
        %add3A_1418 = arith.addi %add3A_1399, %add3A_1417 : vector<16xi32>
        %gather3A_1419 = tpu.vector_load_idx %arg9[%add3A_406, %add3A_1418] : memref<128x128xf32, #tpu.memory_space<vmem>>[vector<16xi32>, vector<16xi32>], vector<16xf32>,
        %mul3A_1420 = vector.broadcast %squeeze3A_79 : f32 to vector<16xf32>
        %mul3A_1421 = arith.mulf %mul3A_887, %mul3A_1420 : vector<16xf32>
        %mul3A_1422 = arith.mulf %mul3A_859, %mul3A_1421 : vector<16xf32>
        %sub3A_1423 = vector.broadcast %squeeze3A_207 : f32 to vector<16xf32>
        %sub3A_1424 = arith.subf %sub3A_1423, %mul3A_1422 : vector<16xf32>
        %mul3A_1425 = arith.mulf %gather3A_1419, %mul3A_1421 : vector<16xf32>
        %add3A_1426 = arith.addf %mul3A_1425, %sub3A_1424 : vector<16xf32>
        %mul3A_1427 = arith.constant 16 : i32
        %mul3A_1428 = arith.muli %scan3A_392, %mul3A_1427 : i32
        %swap3A_1429 = arith.constant 3 : i32
        %swap3A_1430 = arith.constant 4 : i32
        %swap3A_1431 = arith.index_cast %swap3A_1429 : i32 to index
        %swap3A_1432 = arith.index_cast %swap3A_1430 : i32 to index
        %swap3A_1433 = arith.index_cast %mul3A_1428 : i32 to index
        %swap3A_1434 = tpu.vector_load %arg11[%swap3A_1431, %swap3A_1432, %swap3A_1433] {strides = array<i32>} : memref<8x8x128xf32, #tpu.memory_space<vmem>>, vector<16xf32>,
        tpu.vector_store %arg11[%swap3A_1431, %swap3A_1432, %swap3A_1433], %add3A_1426 {strides = array<i32>} : memref<8x8x128xf32, #tpu.memory_space<vmem>>, vector<16xf32>,
        %add3A_1435 = arith.constant 1 : i32
        %add3A_1436 = vector.broadcast %add3A_1435 : i32 to vector<16xi32>
        %add3A_1437 = arith.addi %add3A_1418, %add3A_1436 : vector<16xi32>
        %gather3A_1438 = tpu.vector_load_idx %arg9[%add3A_406, %add3A_1437] : memref<128x128xf32, #tpu.memory_space<vmem>>[vector<16xi32>, vector<16xi32>], vector<16xf32>,
        %mul3A_1439 = vector.broadcast %squeeze3A_81 : f32 to vector<16xf32>
        %mul3A_1440 = arith.mulf %mul3A_887, %mul3A_1439 : vector<16xf32>
        %mul3A_1441 = arith.mulf %mul3A_859, %mul3A_1440 : vector<16xf32>
        %sub3A_1442 = vector.broadcast %squeeze3A_209 : f32 to vector<16xf32>
        %sub3A_1443 = arith.subf %sub3A_1442, %mul3A_1441 : vector<16xf32>
        %mul3A_1444 = arith.mulf %gather3A_1438, %mul3A_1440 : vector<16xf32>
        %add3A_1445 = arith.addf %mul3A_1444, %sub3A_1443 : vector<16xf32>
        %mul3A_1446 = arith.constant 16 : i32
        %mul3A_1447 = arith.muli %scan3A_392, %mul3A_1446 : i32
        %swap3A_1448 = arith.constant 3 : i32
        %swap3A_1449 = arith.constant 5 : i32
        %swap3A_1450 = arith.index_cast %swap3A_1448 : i32 to index
        %swap3A_1451 = arith.index_cast %swap3A_1449 : i32 to index
        %swap3A_1452 = arith.index_cast %mul3A_1447 : i32 to index
        %swap3A_1453 = tpu.vector_load %arg11[%swap3A_1450, %swap3A_1451, %swap3A_1452] {strides = array<i32>} : memref<8x8x128xf32, #tpu.memory_space<vmem>>, vector<16xf32>,
        tpu.vector_store %arg11[%swap3A_1450, %swap3A_1451, %swap3A_1452], %add3A_1445 {strides = array<i32>} : memref<8x8x128xf32, #tpu.memory_space<vmem>>, vector<16xf32>,
        %add3A_1454 = arith.constant 1 : i32
        %add3A_1455 = vector.broadcast %add3A_1454 : i32 to vector<16xi32>
        %add3A_1456 = arith.addi %add3A_1437, %add3A_1455 : vector<16xi32>
        %gather3A_1457 = tpu.vector_load_idx %arg9[%add3A_406, %add3A_1456] : memref<128x128xf32, #tpu.memory_space<vmem>>[vector<16xi32>, vector<16xi32>], vector<16xf32>,
        %mul3A_1458 = vector.broadcast %squeeze3A_83 : f32 to vector<16xf32>
        %mul3A_1459 = arith.mulf %mul3A_887, %mul3A_1458 : vector<16xf32>
        %mul3A_1460 = arith.mulf %mul3A_859, %mul3A_1459 : vector<16xf32>
        %sub3A_1461 = vector.broadcast %squeeze3A_211 : f32 to vector<16xf32>
        %sub3A_1462 = arith.subf %sub3A_1461, %mul3A_1460 : vector<16xf32>
        %mul3A_1463 = arith.mulf %gather3A_1457, %mul3A_1459 : vector<16xf32>
        %add3A_1464 = arith.addf %mul3A_1463, %sub3A_1462 : vector<16xf32>
        %mul3A_1465 = arith.constant 16 : i32
        %mul3A_1466 = arith.muli %scan3A_392, %mul3A_1465 : i32
        %swap3A_1467 = arith.constant 3 : i32
        %swap3A_1468 = arith.constant 6 : i32
        %swap3A_1469 = arith.index_cast %swap3A_1467 : i32 to index
        %swap3A_1470 = arith.index_cast %swap3A_1468 : i32 to index
        %swap3A_1471 = arith.index_cast %mul3A_1466 : i32 to index
        %swap3A_1472 = tpu.vector_load %arg11[%swap3A_1469, %swap3A_1470, %swap3A_1471] {strides = array<i32>} : memref<8x8x128xf32, #tpu.memory_space<vmem>>, vector<16xf32>,
        tpu.vector_store %arg11[%swap3A_1469, %swap3A_1470, %swap3A_1471], %add3A_1464 {strides = array<i32>} : memref<8x8x128xf32, #tpu.memory_space<vmem>>, vector<16xf32>,
        %add3A_1473 = arith.constant 1 : i32
        %add3A_1474 = vector.broadcast %add3A_1473 : i32 to vector<16xi32>
        %add3A_1475 = arith.addi %add3A_1456, %add3A_1474 : vector<16xi32>
        %gather3A_1476 = tpu.vector_load_idx %arg9[%add3A_406, %add3A_1475] : memref<128x128xf32, #tpu.memory_space<vmem>>[vector<16xi32>, vector<16xi32>], vector<16xf32>,
        %mul3A_1477 = vector.broadcast %squeeze3A_85 : f32 to vector<16xf32>
        %mul3A_1478 = arith.mulf %mul3A_887, %mul3A_1477 : vector<16xf32>
        %mul3A_1479 = arith.mulf %mul3A_859, %mul3A_1478 : vector<16xf32>
        %sub3A_1480 = vector.broadcast %squeeze3A_213 : f32 to vector<16xf32>
        %sub3A_1481 = arith.subf %sub3A_1480, %mul3A_1479 : vector<16xf32>
        %mul3A_1482 = arith.mulf %gather3A_1476, %mul3A_1478 : vector<16xf32>
        %add3A_1483 = arith.addf %mul3A_1482, %sub3A_1481 : vector<16xf32>
        %mul3A_1484 = arith.constant 16 : i32
        %mul3A_1485 = arith.muli %scan3A_392, %mul3A_1484 : i32
        %swap3A_1486 = arith.constant 3 : i32
        %swap3A_1487 = arith.constant 7 : i32
        %swap3A_1488 = arith.index_cast %swap3A_1486 : i32 to index
        %swap3A_1489 = arith.index_cast %swap3A_1487 : i32 to index
        %swap3A_1490 = arith.index_cast %mul3A_1485 : i32 to index
        %swap3A_1491 = tpu.vector_load %arg11[%swap3A_1488, %swap3A_1489, %swap3A_1490] {strides = array<i32>} : memref<8x8x128xf32, #tpu.memory_space<vmem>>, vector<16xf32>,
        tpu.vector_store %arg11[%swap3A_1488, %swap3A_1489, %swap3A_1490], %add3A_1483 {strides = array<i32>} : memref<8x8x128xf32, #tpu.memory_space<vmem>>, vector<16xf32>,
        %add3A_1492 = arith.constant 1 : i32
        %add3A_1493 = vector.broadcast %add3A_1492 : i32 to vector<16xi32>
        %add3A_1494 = arith.addi %add3A_1475, %add3A_1493 : vector<16xi32>
        %gather3A_1495 = tpu.vector_load_idx %arg9[%add3A_406, %add3A_1494] : memref<128x128xf32, #tpu.memory_space<vmem>>[vector<16xi32>, vector<16xi32>], vector<16xf32>,
        %mul3A_1496 = vector.broadcast %squeeze3A_87 : f32 to vector<16xf32>
        %mul3A_1497 = arith.mulf %mul3A_887, %mul3A_1496 : vector<16xf32>
        %mul3A_1498 = arith.mulf %mul3A_859, %mul3A_1497 : vector<16xf32>
        %sub3A_1499 = vector.broadcast %squeeze3A_215 : f32 to vector<16xf32>
        %sub3A_1500 = arith.subf %sub3A_1499, %mul3A_1498 : vector<16xf32>
        %mul3A_1501 = arith.mulf %gather3A_1495, %mul3A_1497 : vector<16xf32>
        %add3A_1502 = arith.addf %mul3A_1501, %sub3A_1500 : vector<16xf32>
        %mul3A_1503 = arith.constant 16 : i32
        %mul3A_1504 = arith.muli %scan3A_392, %mul3A_1503 : i32
        %swap3A_1505 = arith.constant 4 : i32
        %swap3A_1506 = arith.constant 0 : i32
        %swap3A_1507 = arith.index_cast %swap3A_1505 : i32 to index
        %swap3A_1508 = arith.index_cast %swap3A_1506 : i32 to index
        %swap3A_1509 = arith.index_cast %mul3A_1504 : i32 to index
        %swap3A_1510 = tpu.vector_load %arg11[%swap3A_1507, %swap3A_1508, %swap3A_1509] {strides = array<i32>} : memref<8x8x128xf32, #tpu.memory_space<vmem>>, vector<16xf32>,
        tpu.vector_store %arg11[%swap3A_1507, %swap3A_1508, %swap3A_1509], %add3A_1502 {strides = array<i32>} : memref<8x8x128xf32, #tpu.memory_space<vmem>>, vector<16xf32>,
        %add3A_1511 = arith.constant 1 : i32
        %add3A_1512 = vector.broadcast %add3A_1511 : i32 to vector<16xi32>
        %add3A_1513 = arith.addi %add3A_1494, %add3A_1512 : vector<16xi32>
        %gather3A_1514 = tpu.vector_load_idx %arg9[%add3A_406, %add3A_1513] : memref<128x128xf32, #tpu.memory_space<vmem>>[vector<16xi32>, vector<16xi32>], vector<16xf32>,
        %mul3A_1515 = vector.broadcast %squeeze3A_89 : f32 to vector<16xf32>
        %mul3A_1516 = arith.mulf %mul3A_887, %mul3A_1515 : vector<16xf32>
        %mul3A_1517 = arith.mulf %mul3A_859, %mul3A_1516 : vector<16xf32>
        %sub3A_1518 = vector.broadcast %squeeze3A_217 : f32 to vector<16xf32>
        %sub3A_1519 = arith.subf %sub3A_1518, %mul3A_1517 : vector<16xf32>
        %mul3A_1520 = arith.mulf %gather3A_1514, %mul3A_1516 : vector<16xf32>
        %add3A_1521 = arith.addf %mul3A_1520, %sub3A_1519 : vector<16xf32>
        %mul3A_1522 = arith.constant 16 : i32
        %mul3A_1523 = arith.muli %scan3A_392, %mul3A_1522 : i32
        %swap3A_1524 = arith.constant 4 : i32
        %swap3A_1525 = arith.constant 1 : i32
        %swap3A_1526 = arith.index_cast %swap3A_1524 : i32 to index
        %swap3A_1527 = arith.index_cast %swap3A_1525 : i32 to index
        %swap3A_1528 = arith.index_cast %mul3A_1523 : i32 to index
        %swap3A_1529 = tpu.vector_load %arg11[%swap3A_1526, %swap3A_1527, %swap3A_1528] {strides = array<i32>} : memref<8x8x128xf32, #tpu.memory_space<vmem>>, vector<16xf32>,
        tpu.vector_store %arg11[%swap3A_1526, %swap3A_1527, %swap3A_1528], %add3A_1521 {strides = array<i32>} : memref<8x8x128xf32, #tpu.memory_space<vmem>>, vector<16xf32>,
        %add3A_1530 = arith.constant 1 : i32
        %add3A_1531 = vector.broadcast %add3A_1530 : i32 to vector<16xi32>
        %add3A_1532 = arith.addi %add3A_1513, %add3A_1531 : vector<16xi32>
        %gather3A_1533 = tpu.vector_load_idx %arg9[%add3A_406, %add3A_1532] : memref<128x128xf32, #tpu.memory_space<vmem>>[vector<16xi32>, vector<16xi32>], vector<16xf32>,
        %mul3A_1534 = vector.broadcast %squeeze3A_91 : f32 to vector<16xf32>
        %mul3A_1535 = arith.mulf %mul3A_887, %mul3A_1534 : vector<16xf32>
        %mul3A_1536 = arith.mulf %mul3A_859, %mul3A_1535 : vector<16xf32>
        %sub3A_1537 = vector.broadcast %squeeze3A_219 : f32 to vector<16xf32>
        %sub3A_1538 = arith.subf %sub3A_1537, %mul3A_1536 : vector<16xf32>
        %mul3A_1539 = arith.mulf %gather3A_1533, %mul3A_1535 : vector<16xf32>
        %add3A_1540 = arith.addf %mul3A_1539, %sub3A_1538 : vector<16xf32>
        %mul3A_1541 = arith.constant 16 : i32
        %mul3A_1542 = arith.muli %scan3A_392, %mul3A_1541 : i32
        %swap3A_1543 = arith.constant 4 : i32
        %swap3A_1544 = arith.constant 2 : i32
        %swap3A_1545 = arith.index_cast %swap3A_1543 : i32 to index
        %swap3A_1546 = arith.index_cast %swap3A_1544 : i32 to index
        %swap3A_1547 = arith.index_cast %mul3A_1542 : i32 to index
        %swap3A_1548 = tpu.vector_load %arg11[%swap3A_1545, %swap3A_1546, %swap3A_1547] {strides = array<i32>} : memref<8x8x128xf32, #tpu.memory_space<vmem>>, vector<16xf32>,
        tpu.vector_store %arg11[%swap3A_1545, %swap3A_1546, %swap3A_1547], %add3A_1540 {strides = array<i32>} : memref<8x8x128xf32, #tpu.memory_space<vmem>>, vector<16xf32>,
        %add3A_1549 = arith.constant 1 : i32
        %add3A_1550 = vector.broadcast %add3A_1549 : i32 to vector<16xi32>
        %add3A_1551 = arith.addi %add3A_1532, %add3A_1550 : vector<16xi32>
        %gather3A_1552 = tpu.vector_load_idx %arg9[%add3A_406, %add3A_1551] : memref<128x128xf32, #tpu.memory_space<vmem>>[vector<16xi32>, vector<16xi32>], vector<16xf32>,
        %mul3A_1553 = vector.broadcast %squeeze3A_93 : f32 to vector<16xf32>
        %mul3A_1554 = arith.mulf %mul3A_887, %mul3A_1553 : vector<16xf32>
        %mul3A_1555 = arith.mulf %mul3A_859, %mul3A_1554 : vector<16xf32>
        %sub3A_1556 = vector.broadcast %squeeze3A_221 : f32 to vector<16xf32>
        %sub3A_1557 = arith.subf %sub3A_1556, %mul3A_1555 : vector<16xf32>
        %mul3A_1558 = arith.mulf %gather3A_1552, %mul3A_1554 : vector<16xf32>
        %add3A_1559 = arith.addf %mul3A_1558, %sub3A_1557 : vector<16xf32>
        %mul3A_1560 = arith.constant 16 : i32
        %mul3A_1561 = arith.muli %scan3A_392, %mul3A_1560 : i32
        %swap3A_1562 = arith.constant 4 : i32
        %swap3A_1563 = arith.constant 3 : i32
        %swap3A_1564 = arith.index_cast %swap3A_1562 : i32 to index
        %swap3A_1565 = arith.index_cast %swap3A_1563 : i32 to index
        %swap3A_1566 = arith.index_cast %mul3A_1561 : i32 to index
        %swap3A_1567 = tpu.vector_load %arg11[%swap3A_1564, %swap3A_1565, %swap3A_1566] {strides = array<i32>} : memref<8x8x128xf32, #tpu.memory_space<vmem>>, vector<16xf32>,
        tpu.vector_store %arg11[%swap3A_1564, %swap3A_1565, %swap3A_1566], %add3A_1559 {strides = array<i32>} : memref<8x8x128xf32, #tpu.memory_space<vmem>>, vector<16xf32>,
        %add3A_1568 = arith.constant 1 : i32
        %add3A_1569 = vector.broadcast %add3A_1568 : i32 to vector<16xi32>
        %add3A_1570 = arith.addi %add3A_1551, %add3A_1569 : vector<16xi32>
        %gather3A_1571 = tpu.vector_load_idx %arg9[%add3A_406, %add3A_1570] : memref<128x128xf32, #tpu.memory_space<vmem>>[vector<16xi32>, vector<16xi32>], vector<16xf32>,
        %mul3A_1572 = vector.broadcast %squeeze3A_95 : f32 to vector<16xf32>
        %mul3A_1573 = arith.mulf %mul3A_887, %mul3A_1572 : vector<16xf32>
        %mul3A_1574 = arith.mulf %mul3A_859, %mul3A_1573 : vector<16xf32>
        %sub3A_1575 = vector.broadcast %squeeze3A_223 : f32 to vector<16xf32>
        %sub3A_1576 = arith.subf %sub3A_1575, %mul3A_1574 : vector<16xf32>
        %mul3A_1577 = arith.mulf %gather3A_1571, %mul3A_1573 : vector<16xf32>
        %add3A_1578 = arith.addf %mul3A_1577, %sub3A_1576 : vector<16xf32>
        %mul3A_1579 = arith.constant 16 : i32
        %mul3A_1580 = arith.muli %scan3A_392, %mul3A_1579 : i32
        %swap3A_1581 = arith.constant 4 : i32
        %swap3A_1582 = arith.constant 4 : i32
        %swap3A_1583 = arith.index_cast %swap3A_1581 : i32 to index
        %swap3A_1584 = arith.index_cast %swap3A_1582 : i32 to index
        %swap3A_1585 = arith.index_cast %mul3A_1580 : i32 to index
        %swap3A_1586 = tpu.vector_load %arg11[%swap3A_1583, %swap3A_1584, %swap3A_1585] {strides = array<i32>} : memref<8x8x128xf32, #tpu.memory_space<vmem>>, vector<16xf32>,
        tpu.vector_store %arg11[%swap3A_1583, %swap3A_1584, %swap3A_1585], %add3A_1578 {strides = array<i32>} : memref<8x8x128xf32, #tpu.memory_space<vmem>>, vector<16xf32>,
        %add3A_1587 = arith.constant 1 : i32
        %add3A_1588 = vector.broadcast %add3A_1587 : i32 to vector<16xi32>
        %add3A_1589 = arith.addi %add3A_1570, %add3A_1588 : vector<16xi32>
        %gather3A_1590 = tpu.vector_load_idx %arg9[%add3A_406, %add3A_1589] : memref<128x128xf32, #tpu.memory_space<vmem>>[vector<16xi32>, vector<16xi32>], vector<16xf32>,
        %mul3A_1591 = vector.broadcast %squeeze3A_97 : f32 to vector<16xf32>
        %mul3A_1592 = arith.mulf %mul3A_887, %mul3A_1591 : vector<16xf32>
        %mul3A_1593 = arith.mulf %mul3A_859, %mul3A_1592 : vector<16xf32>
        %sub3A_1594 = vector.broadcast %squeeze3A_225 : f32 to vector<16xf32>
        %sub3A_1595 = arith.subf %sub3A_1594, %mul3A_1593 : vector<16xf32>
        %mul3A_1596 = arith.mulf %gather3A_1590, %mul3A_1592 : vector<16xf32>
        %add3A_1597 = arith.addf %mul3A_1596, %sub3A_1595 : vector<16xf32>
        %mul3A_1598 = arith.constant 16 : i32
        %mul3A_1599 = arith.muli %scan3A_392, %mul3A_1598 : i32
        %swap3A_1600 = arith.constant 4 : i32
        %swap3A_1601 = arith.constant 5 : i32
        %swap3A_1602 = arith.index_cast %swap3A_1600 : i32 to index
        %swap3A_1603 = arith.index_cast %swap3A_1601 : i32 to index
        %swap3A_1604 = arith.index_cast %mul3A_1599 : i32 to index
        %swap3A_1605 = tpu.vector_load %arg11[%swap3A_1602, %swap3A_1603, %swap3A_1604] {strides = array<i32>} : memref<8x8x128xf32, #tpu.memory_space<vmem>>, vector<16xf32>,
        tpu.vector_store %arg11[%swap3A_1602, %swap3A_1603, %swap3A_1604], %add3A_1597 {strides = array<i32>} : memref<8x8x128xf32, #tpu.memory_space<vmem>>, vector<16xf32>,
        %add3A_1606 = arith.constant 1 : i32
        %add3A_1607 = vector.broadcast %add3A_1606 : i32 to vector<16xi32>
        %add3A_1608 = arith.addi %add3A_1589, %add3A_1607 : vector<16xi32>
        %gather3A_1609 = tpu.vector_load_idx %arg9[%add3A_406, %add3A_1608] : memref<128x128xf32, #tpu.memory_space<vmem>>[vector<16xi32>, vector<16xi32>], vector<16xf32>,
        %mul3A_1610 = vector.broadcast %squeeze3A_99 : f32 to vector<16xf32>
        %mul3A_1611 = arith.mulf %mul3A_887, %mul3A_1610 : vector<16xf32>
        %mul3A_1612 = arith.mulf %mul3A_859, %mul3A_1611 : vector<16xf32>
        %sub3A_1613 = vector.broadcast %squeeze3A_227 : f32 to vector<16xf32>
        %sub3A_1614 = arith.subf %sub3A_1613, %mul3A_1612 : vector<16xf32>
        %mul3A_1615 = arith.mulf %gather3A_1609, %mul3A_1611 : vector<16xf32>
        %add3A_1616 = arith.addf %mul3A_1615, %sub3A_1614 : vector<16xf32>
        %mul3A_1617 = arith.constant 16 : i32
        %mul3A_1618 = arith.muli %scan3A_392, %mul3A_1617 : i32
        %swap3A_1619 = arith.constant 4 : i32
        %swap3A_1620 = arith.constant 6 : i32
        %swap3A_1621 = arith.index_cast %swap3A_1619 : i32 to index
        %swap3A_1622 = arith.index_cast %swap3A_1620 : i32 to index
        %swap3A_1623 = arith.index_cast %mul3A_1618 : i32 to index
        %swap3A_1624 = tpu.vector_load %arg11[%swap3A_1621, %swap3A_1622, %swap3A_1623] {strides = array<i32>} : memref<8x8x128xf32, #tpu.memory_space<vmem>>, vector<16xf32>,
        tpu.vector_store %arg11[%swap3A_1621, %swap3A_1622, %swap3A_1623], %add3A_1616 {strides = array<i32>} : memref<8x8x128xf32, #tpu.memory_space<vmem>>, vector<16xf32>,
        %add3A_1625 = arith.constant 1 : i32
        %add3A_1626 = vector.broadcast %add3A_1625 : i32 to vector<16xi32>
        %add3A_1627 = arith.addi %add3A_1608, %add3A_1626 : vector<16xi32>
        %gather3A_1628 = tpu.vector_load_idx %arg9[%add3A_406, %add3A_1627] : memref<128x128xf32, #tpu.memory_space<vmem>>[vector<16xi32>, vector<16xi32>], vector<16xf32>,
        %mul3A_1629 = vector.broadcast %squeeze3A_101 : f32 to vector<16xf32>
        %mul3A_1630 = arith.mulf %mul3A_887, %mul3A_1629 : vector<16xf32>
        %mul3A_1631 = arith.mulf %mul3A_859, %mul3A_1630 : vector<16xf32>
        %sub3A_1632 = vector.broadcast %squeeze3A_229 : f32 to vector<16xf32>
        %sub3A_1633 = arith.subf %sub3A_1632, %mul3A_1631 : vector<16xf32>
        %mul3A_1634 = arith.mulf %gather3A_1628, %mul3A_1630 : vector<16xf32>
        %add3A_1635 = arith.addf %mul3A_1634, %sub3A_1633 : vector<16xf32>
        %mul3A_1636 = arith.constant 16 : i32
        %mul3A_1637 = arith.muli %scan3A_392, %mul3A_1636 : i32
        %swap3A_1638 = arith.constant 4 : i32
        %swap3A_1639 = arith.constant 7 : i32
        %swap3A_1640 = arith.index_cast %swap3A_1638 : i32 to index
        %swap3A_1641 = arith.index_cast %swap3A_1639 : i32 to index
        %swap3A_1642 = arith.index_cast %mul3A_1637 : i32 to index
        %swap3A_1643 = tpu.vector_load %arg11[%swap3A_1640, %swap3A_1641, %swap3A_1642] {strides = array<i32>} : memref<8x8x128xf32, #tpu.memory_space<vmem>>, vector<16xf32>,
        tpu.vector_store %arg11[%swap3A_1640, %swap3A_1641, %swap3A_1642], %add3A_1635 {strides = array<i32>} : memref<8x8x128xf32, #tpu.memory_space<vmem>>, vector<16xf32>,
        %add3A_1644 = arith.constant 1 : i32
        %add3A_1645 = vector.broadcast %add3A_1644 : i32 to vector<16xi32>
        %add3A_1646 = arith.addi %add3A_1627, %add3A_1645 : vector<16xi32>
        %gather3A_1647 = tpu.vector_load_idx %arg9[%add3A_406, %add3A_1646] : memref<128x128xf32, #tpu.memory_space<vmem>>[vector<16xi32>, vector<16xi32>], vector<16xf32>,
        %mul3A_1648 = vector.broadcast %squeeze3A_103 : f32 to vector<16xf32>
        %mul3A_1649 = arith.mulf %mul3A_887, %mul3A_1648 : vector<16xf32>
        %mul3A_1650 = arith.mulf %mul3A_859, %mul3A_1649 : vector<16xf32>
        %sub3A_1651 = vector.broadcast %squeeze3A_231 : f32 to vector<16xf32>
        %sub3A_1652 = arith.subf %sub3A_1651, %mul3A_1650 : vector<16xf32>
        %mul3A_1653 = arith.mulf %gather3A_1647, %mul3A_1649 : vector<16xf32>
        %add3A_1654 = arith.addf %mul3A_1653, %sub3A_1652 : vector<16xf32>
        %mul3A_1655 = arith.constant 16 : i32
        %mul3A_1656 = arith.muli %scan3A_392, %mul3A_1655 : i32
        %swap3A_1657 = arith.constant 5 : i32
        %swap3A_1658 = arith.constant 0 : i32
        %swap3A_1659 = arith.index_cast %swap3A_1657 : i32 to index
        %swap3A_1660 = arith.index_cast %swap3A_1658 : i32 to index
        %swap3A_1661 = arith.index_cast %mul3A_1656 : i32 to index
        %swap3A_1662 = tpu.vector_load %arg11[%swap3A_1659, %swap3A_1660, %swap3A_1661] {strides = array<i32>} : memref<8x8x128xf32, #tpu.memory_space<vmem>>, vector<16xf32>,
        tpu.vector_store %arg11[%swap3A_1659, %swap3A_1660, %swap3A_1661], %add3A_1654 {strides = array<i32>} : memref<8x8x128xf32, #tpu.memory_space<vmem>>, vector<16xf32>,
        %add3A_1663 = arith.constant 1 : i32
        %add3A_1664 = vector.broadcast %add3A_1663 : i32 to vector<16xi32>
        %add3A_1665 = arith.addi %add3A_1646, %add3A_1664 : vector<16xi32>
        %gather3A_1666 = tpu.vector_load_idx %arg9[%add3A_406, %add3A_1665] : memref<128x128xf32, #tpu.memory_space<vmem>>[vector<16xi32>, vector<16xi32>], vector<16xf32>,
        %mul3A_1667 = vector.broadcast %squeeze3A_105 : f32 to vector<16xf32>
        %mul3A_1668 = arith.mulf %mul3A_887, %mul3A_1667 : vector<16xf32>
        %mul3A_1669 = arith.mulf %mul3A_859, %mul3A_1668 : vector<16xf32>
        %sub3A_1670 = vector.broadcast %squeeze3A_233 : f32 to vector<16xf32>
        %sub3A_1671 = arith.subf %sub3A_1670, %mul3A_1669 : vector<16xf32>
        %mul3A_1672 = arith.mulf %gather3A_1666, %mul3A_1668 : vector<16xf32>
        %add3A_1673 = arith.addf %mul3A_1672, %sub3A_1671 : vector<16xf32>
        %mul3A_1674 = arith.constant 16 : i32
        %mul3A_1675 = arith.muli %scan3A_392, %mul3A_1674 : i32
        %swap3A_1676 = arith.constant 5 : i32
        %swap3A_1677 = arith.constant 1 : i32
        %swap3A_1678 = arith.index_cast %swap3A_1676 : i32 to index
        %swap3A_1679 = arith.index_cast %swap3A_1677 : i32 to index
        %swap3A_1680 = arith.index_cast %mul3A_1675 : i32 to index
        %swap3A_1681 = tpu.vector_load %arg11[%swap3A_1678, %swap3A_1679, %swap3A_1680] {strides = array<i32>} : memref<8x8x128xf32, #tpu.memory_space<vmem>>, vector<16xf32>,
        tpu.vector_store %arg11[%swap3A_1678, %swap3A_1679, %swap3A_1680], %add3A_1673 {strides = array<i32>} : memref<8x8x128xf32, #tpu.memory_space<vmem>>, vector<16xf32>,
        %add3A_1682 = arith.constant 1 : i32
        %add3A_1683 = vector.broadcast %add3A_1682 : i32 to vector<16xi32>
        %add3A_1684 = arith.addi %add3A_1665, %add3A_1683 : vector<16xi32>
        %gather3A_1685 = tpu.vector_load_idx %arg9[%add3A_406, %add3A_1684] : memref<128x128xf32, #tpu.memory_space<vmem>>[vector<16xi32>, vector<16xi32>], vector<16xf32>,
        %mul3A_1686 = vector.broadcast %squeeze3A_107 : f32 to vector<16xf32>
        %mul3A_1687 = arith.mulf %mul3A_887, %mul3A_1686 : vector<16xf32>
        %mul3A_1688 = arith.mulf %mul3A_859, %mul3A_1687 : vector<16xf32>
        %sub3A_1689 = vector.broadcast %squeeze3A_235 : f32 to vector<16xf32>
        %sub3A_1690 = arith.subf %sub3A_1689, %mul3A_1688 : vector<16xf32>
        %mul3A_1691 = arith.mulf %gather3A_1685, %mul3A_1687 : vector<16xf32>
        %add3A_1692 = arith.addf %mul3A_1691, %sub3A_1690 : vector<16xf32>
        %mul3A_1693 = arith.constant 16 : i32
        %mul3A_1694 = arith.muli %scan3A_392, %mul3A_1693 : i32
        %swap3A_1695 = arith.constant 5 : i32
        %swap3A_1696 = arith.constant 2 : i32
        %swap3A_1697 = arith.index_cast %swap3A_1695 : i32 to index
        %swap3A_1698 = arith.index_cast %swap3A_1696 : i32 to index
        %swap3A_1699 = arith.index_cast %mul3A_1694 : i32 to index
        %swap3A_1700 = tpu.vector_load %arg11[%swap3A_1697, %swap3A_1698, %swap3A_1699] {strides = array<i32>} : memref<8x8x128xf32, #tpu.memory_space<vmem>>, vector<16xf32>,
        tpu.vector_store %arg11[%swap3A_1697, %swap3A_1698, %swap3A_1699], %add3A_1692 {strides = array<i32>} : memref<8x8x128xf32, #tpu.memory_space<vmem>>, vector<16xf32>,
        %add3A_1701 = arith.constant 1 : i32
        %add3A_1702 = vector.broadcast %add3A_1701 : i32 to vector<16xi32>
        %add3A_1703 = arith.addi %add3A_1684, %add3A_1702 : vector<16xi32>
        %gather3A_1704 = tpu.vector_load_idx %arg9[%add3A_406, %add3A_1703] : memref<128x128xf32, #tpu.memory_space<vmem>>[vector<16xi32>, vector<16xi32>], vector<16xf32>,
        %mul3A_1705 = vector.broadcast %squeeze3A_109 : f32 to vector<16xf32>
        %mul3A_1706 = arith.mulf %mul3A_887, %mul3A_1705 : vector<16xf32>
        %mul3A_1707 = arith.mulf %mul3A_859, %mul3A_1706 : vector<16xf32>
        %sub3A_1708 = vector.broadcast %squeeze3A_237 : f32 to vector<16xf32>
        %sub3A_1709 = arith.subf %sub3A_1708, %mul3A_1707 : vector<16xf32>
        %mul3A_1710 = arith.mulf %gather3A_1704, %mul3A_1706 : vector<16xf32>
        %add3A_1711 = arith.addf %mul3A_1710, %sub3A_1709 : vector<16xf32>
        %mul3A_1712 = arith.constant 16 : i32
        %mul3A_1713 = arith.muli %scan3A_392, %mul3A_1712 : i32
        %swap3A_1714 = arith.constant 5 : i32
        %swap3A_1715 = arith.constant 3 : i32
        %swap3A_1716 = arith.index_cast %swap3A_1714 : i32 to index
        %swap3A_1717 = arith.index_cast %swap3A_1715 : i32 to index
        %swap3A_1718 = arith.index_cast %mul3A_1713 : i32 to index
        %swap3A_1719 = tpu.vector_load %arg11[%swap3A_1716, %swap3A_1717, %swap3A_1718] {strides = array<i32>} : memref<8x8x128xf32, #tpu.memory_space<vmem>>, vector<16xf32>,
        tpu.vector_store %arg11[%swap3A_1716, %swap3A_1717, %swap3A_1718], %add3A_1711 {strides = array<i32>} : memref<8x8x128xf32, #tpu.memory_space<vmem>>, vector<16xf32>,
        %add3A_1720 = arith.constant 1 : i32
        %add3A_1721 = vector.broadcast %add3A_1720 : i32 to vector<16xi32>
        %add3A_1722 = arith.addi %add3A_1703, %add3A_1721 : vector<16xi32>
        %gather3A_1723 = tpu.vector_load_idx %arg9[%add3A_406, %add3A_1722] : memref<128x128xf32, #tpu.memory_space<vmem>>[vector<16xi32>, vector<16xi32>], vector<16xf32>,
        %mul3A_1724 = vector.broadcast %squeeze3A_111 : f32 to vector<16xf32>
        %mul3A_1725 = arith.mulf %mul3A_887, %mul3A_1724 : vector<16xf32>
        %mul3A_1726 = arith.mulf %mul3A_859, %mul3A_1725 : vector<16xf32>
        %sub3A_1727 = vector.broadcast %squeeze3A_239 : f32 to vector<16xf32>
        %sub3A_1728 = arith.subf %sub3A_1727, %mul3A_1726 : vector<16xf32>
        %mul3A_1729 = arith.mulf %gather3A_1723, %mul3A_1725 : vector<16xf32>
        %add3A_1730 = arith.addf %mul3A_1729, %sub3A_1728 : vector<16xf32>
        %mul3A_1731 = arith.constant 16 : i32
        %mul3A_1732 = arith.muli %scan3A_392, %mul3A_1731 : i32
        %swap3A_1733 = arith.constant 5 : i32
        %swap3A_1734 = arith.constant 4 : i32
        %swap3A_1735 = arith.index_cast %swap3A_1733 : i32 to index
        %swap3A_1736 = arith.index_cast %swap3A_1734 : i32 to index
        %swap3A_1737 = arith.index_cast %mul3A_1732 : i32 to index
        %swap3A_1738 = tpu.vector_load %arg11[%swap3A_1735, %swap3A_1736, %swap3A_1737] {strides = array<i32>} : memref<8x8x128xf32, #tpu.memory_space<vmem>>, vector<16xf32>,
        tpu.vector_store %arg11[%swap3A_1735, %swap3A_1736, %swap3A_1737], %add3A_1730 {strides = array<i32>} : memref<8x8x128xf32, #tpu.memory_space<vmem>>, vector<16xf32>,
        %add3A_1739 = arith.constant 1 : i32
        %add3A_1740 = vector.broadcast %add3A_1739 : i32 to vector<16xi32>
        %add3A_1741 = arith.addi %add3A_1722, %add3A_1740 : vector<16xi32>
        %gather3A_1742 = tpu.vector_load_idx %arg9[%add3A_406, %add3A_1741] : memref<128x128xf32, #tpu.memory_space<vmem>>[vector<16xi32>, vector<16xi32>], vector<16xf32>,
        %mul3A_1743 = vector.broadcast %squeeze3A_113 : f32 to vector<16xf32>
        %mul3A_1744 = arith.mulf %mul3A_887, %mul3A_1743 : vector<16xf32>
        %mul3A_1745 = arith.mulf %mul3A_859, %mul3A_1744 : vector<16xf32>
        %sub3A_1746 = vector.broadcast %squeeze3A_241 : f32 to vector<16xf32>
        %sub3A_1747 = arith.subf %sub3A_1746, %mul3A_1745 : vector<16xf32>
        %mul3A_1748 = arith.mulf %gather3A_1742, %mul3A_1744 : vector<16xf32>
        %add3A_1749 = arith.addf %mul3A_1748, %sub3A_1747 : vector<16xf32>
        %mul3A_1750 = arith.constant 16 : i32
        %mul3A_1751 = arith.muli %scan3A_392, %mul3A_1750 : i32
        %swap3A_1752 = arith.constant 5 : i32
        %swap3A_1753 = arith.constant 5 : i32
        %swap3A_1754 = arith.index_cast %swap3A_1752 : i32 to index
        %swap3A_1755 = arith.index_cast %swap3A_1753 : i32 to index
        %swap3A_1756 = arith.index_cast %mul3A_1751 : i32 to index
        %swap3A_1757 = tpu.vector_load %arg11[%swap3A_1754, %swap3A_1755, %swap3A_1756] {strides = array<i32>} : memref<8x8x128xf32, #tpu.memory_space<vmem>>, vector<16xf32>,
        tpu.vector_store %arg11[%swap3A_1754, %swap3A_1755, %swap3A_1756], %add3A_1749 {strides = array<i32>} : memref<8x8x128xf32, #tpu.memory_space<vmem>>, vector<16xf32>,
        %add3A_1758 = arith.constant 1 : i32
        %add3A_1759 = vector.broadcast %add3A_1758 : i32 to vector<16xi32>
        %add3A_1760 = arith.addi %add3A_1741, %add3A_1759 : vector<16xi32>
        %gather3A_1761 = tpu.vector_load_idx %arg9[%add3A_406, %add3A_1760] : memref<128x128xf32, #tpu.memory_space<vmem>>[vector<16xi32>, vector<16xi32>], vector<16xf32>,
        %mul3A_1762 = vector.broadcast %squeeze3A_115 : f32 to vector<16xf32>
        %mul3A_1763 = arith.mulf %mul3A_887, %mul3A_1762 : vector<16xf32>
        %mul3A_1764 = arith.mulf %mul3A_859, %mul3A_1763 : vector<16xf32>
        %sub3A_1765 = vector.broadcast %squeeze3A_243 : f32 to vector<16xf32>
        %sub3A_1766 = arith.subf %sub3A_1765, %mul3A_1764 : vector<16xf32>
        %mul3A_1767 = arith.mulf %gather3A_1761, %mul3A_1763 : vector<16xf32>
        %add3A_1768 = arith.addf %mul3A_1767, %sub3A_1766 : vector<16xf32>
        %mul3A_1769 = arith.constant 16 : i32
        %mul3A_1770 = arith.muli %scan3A_392, %mul3A_1769 : i32
        %swap3A_1771 = arith.constant 5 : i32
        %swap3A_1772 = arith.constant 6 : i32
        %swap3A_1773 = arith.index_cast %swap3A_1771 : i32 to index
        %swap3A_1774 = arith.index_cast %swap3A_1772 : i32 to index
        %swap3A_1775 = arith.index_cast %mul3A_1770 : i32 to index
        %swap3A_1776 = tpu.vector_load %arg11[%swap3A_1773, %swap3A_1774, %swap3A_1775] {strides = array<i32>} : memref<8x8x128xf32, #tpu.memory_space<vmem>>, vector<16xf32>,
        tpu.vector_store %arg11[%swap3A_1773, %swap3A_1774, %swap3A_1775], %add3A_1768 {strides = array<i32>} : memref<8x8x128xf32, #tpu.memory_space<vmem>>, vector<16xf32>,
        %add3A_1777 = arith.constant 1 : i32
        %add3A_1778 = vector.broadcast %add3A_1777 : i32 to vector<16xi32>
        %add3A_1779 = arith.addi %add3A_1760, %add3A_1778 : vector<16xi32>
        %gather3A_1780 = tpu.vector_load_idx %arg9[%add3A_406, %add3A_1779] : memref<128x128xf32, #tpu.memory_space<vmem>>[vector<16xi32>, vector<16xi32>], vector<16xf32>,
        %mul3A_1781 = vector.broadcast %squeeze3A_117 : f32 to vector<16xf32>
        %mul3A_1782 = arith.mulf %mul3A_887, %mul3A_1781 : vector<16xf32>
        %mul3A_1783 = arith.mulf %mul3A_859, %mul3A_1782 : vector<16xf32>
        %sub3A_1784 = vector.broadcast %squeeze3A_245 : f32 to vector<16xf32>
        %sub3A_1785 = arith.subf %sub3A_1784, %mul3A_1783 : vector<16xf32>
        %mul3A_1786 = arith.mulf %gather3A_1780, %mul3A_1782 : vector<16xf32>
        %add3A_1787 = arith.addf %mul3A_1786, %sub3A_1785 : vector<16xf32>
        %mul3A_1788 = arith.constant 16 : i32
        %mul3A_1789 = arith.muli %scan3A_392, %mul3A_1788 : i32
        %swap3A_1790 = arith.constant 5 : i32
        %swap3A_1791 = arith.constant 7 : i32
        %swap3A_1792 = arith.index_cast %swap3A_1790 : i32 to index
        %swap3A_1793 = arith.index_cast %swap3A_1791 : i32 to index
        %swap3A_1794 = arith.index_cast %mul3A_1789 : i32 to index
        %swap3A_1795 = tpu.vector_load %arg11[%swap3A_1792, %swap3A_1793, %swap3A_1794] {strides = array<i32>} : memref<8x8x128xf32, #tpu.memory_space<vmem>>, vector<16xf32>,
        tpu.vector_store %arg11[%swap3A_1792, %swap3A_1793, %swap3A_1794], %add3A_1787 {strides = array<i32>} : memref<8x8x128xf32, #tpu.memory_space<vmem>>, vector<16xf32>,
        %add3A_1796 = arith.constant 1 : i32
        %add3A_1797 = vector.broadcast %add3A_1796 : i32 to vector<16xi32>
        %add3A_1798 = arith.addi %add3A_1779, %add3A_1797 : vector<16xi32>
        %gather3A_1799 = tpu.vector_load_idx %arg9[%add3A_406, %add3A_1798] : memref<128x128xf32, #tpu.memory_space<vmem>>[vector<16xi32>, vector<16xi32>], vector<16xf32>,
        %mul3A_1800 = vector.broadcast %squeeze3A_119 : f32 to vector<16xf32>
        %mul3A_1801 = arith.mulf %mul3A_887, %mul3A_1800 : vector<16xf32>
        %mul3A_1802 = arith.mulf %mul3A_859, %mul3A_1801 : vector<16xf32>
        %sub3A_1803 = vector.broadcast %squeeze3A_247 : f32 to vector<16xf32>
        %sub3A_1804 = arith.subf %sub3A_1803, %mul3A_1802 : vector<16xf32>
        %mul3A_1805 = arith.mulf %gather3A_1799, %mul3A_1801 : vector<16xf32>
        %add3A_1806 = arith.addf %mul3A_1805, %sub3A_1804 : vector<16xf32>
        %mul3A_1807 = arith.constant 16 : i32
        %mul3A_1808 = arith.muli %scan3A_392, %mul3A_1807 : i32
        %swap3A_1809 = arith.constant 6 : i32
        %swap3A_1810 = arith.constant 0 : i32
        %swap3A_1811 = arith.index_cast %swap3A_1809 : i32 to index
        %swap3A_1812 = arith.index_cast %swap3A_1810 : i32 to index
        %swap3A_1813 = arith.index_cast %mul3A_1808 : i32 to index
        %swap3A_1814 = tpu.vector_load %arg11[%swap3A_1811, %swap3A_1812, %swap3A_1813] {strides = array<i32>} : memref<8x8x128xf32, #tpu.memory_space<vmem>>, vector<16xf32>,
        tpu.vector_store %arg11[%swap3A_1811, %swap3A_1812, %swap3A_1813], %add3A_1806 {strides = array<i32>} : memref<8x8x128xf32, #tpu.memory_space<vmem>>, vector<16xf32>,
        %add3A_1815 = arith.constant 1 : i32
        %add3A_1816 = vector.broadcast %add3A_1815 : i32 to vector<16xi32>
        %add3A_1817 = arith.addi %add3A_1798, %add3A_1816 : vector<16xi32>
        %gather3A_1818 = tpu.vector_load_idx %arg9[%add3A_406, %add3A_1817] : memref<128x128xf32, #tpu.memory_space<vmem>>[vector<16xi32>, vector<16xi32>], vector<16xf32>,
        %mul3A_1819 = vector.broadcast %squeeze3A_121 : f32 to vector<16xf32>
        %mul3A_1820 = arith.mulf %mul3A_887, %mul3A_1819 : vector<16xf32>
        %mul3A_1821 = arith.mulf %mul3A_859, %mul3A_1820 : vector<16xf32>
        %sub3A_1822 = vector.broadcast %squeeze3A_249 : f32 to vector<16xf32>
        %sub3A_1823 = arith.subf %sub3A_1822, %mul3A_1821 : vector<16xf32>
        %mul3A_1824 = arith.mulf %gather3A_1818, %mul3A_1820 : vector<16xf32>
        %add3A_1825 = arith.addf %mul3A_1824, %sub3A_1823 : vector<16xf32>
        %mul3A_1826 = arith.constant 16 : i32
        %mul3A_1827 = arith.muli %scan3A_392, %mul3A_1826 : i32
        %swap3A_1828 = arith.constant 6 : i32
        %swap3A_1829 = arith.constant 1 : i32
        %swap3A_1830 = arith.index_cast %swap3A_1828 : i32 to index
        %swap3A_1831 = arith.index_cast %swap3A_1829 : i32 to index
        %swap3A_1832 = arith.index_cast %mul3A_1827 : i32 to index
        %swap3A_1833 = tpu.vector_load %arg11[%swap3A_1830, %swap3A_1831, %swap3A_1832] {strides = array<i32>} : memref<8x8x128xf32, #tpu.memory_space<vmem>>, vector<16xf32>,
        tpu.vector_store %arg11[%swap3A_1830, %swap3A_1831, %swap3A_1832], %add3A_1825 {strides = array<i32>} : memref<8x8x128xf32, #tpu.memory_space<vmem>>, vector<16xf32>,
        %add3A_1834 = arith.constant 1 : i32
        %add3A_1835 = vector.broadcast %add3A_1834 : i32 to vector<16xi32>
        %add3A_1836 = arith.addi %add3A_1817, %add3A_1835 : vector<16xi32>
        %gather3A_1837 = tpu.vector_load_idx %arg9[%add3A_406, %add3A_1836] : memref<128x128xf32, #tpu.memory_space<vmem>>[vector<16xi32>, vector<16xi32>], vector<16xf32>,
        %mul3A_1838 = vector.broadcast %squeeze3A_123 : f32 to vector<16xf32>
        %mul3A_1839 = arith.mulf %mul3A_887, %mul3A_1838 : vector<16xf32>
        %mul3A_1840 = arith.mulf %mul3A_859, %mul3A_1839 : vector<16xf32>
        %sub3A_1841 = vector.broadcast %squeeze3A_251 : f32 to vector<16xf32>
        %sub3A_1842 = arith.subf %sub3A_1841, %mul3A_1840 : vector<16xf32>
        %mul3A_1843 = arith.mulf %gather3A_1837, %mul3A_1839 : vector<16xf32>
        %add3A_1844 = arith.addf %mul3A_1843, %sub3A_1842 : vector<16xf32>
        %mul3A_1845 = arith.constant 16 : i32
        %mul3A_1846 = arith.muli %scan3A_392, %mul3A_1845 : i32
        %swap3A_1847 = arith.constant 6 : i32
        %swap3A_1848 = arith.constant 2 : i32
        %swap3A_1849 = arith.index_cast %swap3A_1847 : i32 to index
        %swap3A_1850 = arith.index_cast %swap3A_1848 : i32 to index
        %swap3A_1851 = arith.index_cast %mul3A_1846 : i32 to index
        %swap3A_1852 = tpu.vector_load %arg11[%swap3A_1849, %swap3A_1850, %swap3A_1851] {strides = array<i32>} : memref<8x8x128xf32, #tpu.memory_space<vmem>>, vector<16xf32>,
        tpu.vector_store %arg11[%swap3A_1849, %swap3A_1850, %swap3A_1851], %add3A_1844 {strides = array<i32>} : memref<8x8x128xf32, #tpu.memory_space<vmem>>, vector<16xf32>,
        %add3A_1853 = arith.constant 1 : i32
        %add3A_1854 = vector.broadcast %add3A_1853 : i32 to vector<16xi32>
        %add3A_1855 = arith.addi %add3A_1836, %add3A_1854 : vector<16xi32>
        %gather3A_1856 = tpu.vector_load_idx %arg9[%add3A_406, %add3A_1855] : memref<128x128xf32, #tpu.memory_space<vmem>>[vector<16xi32>, vector<16xi32>], vector<16xf32>,
        %mul3A_1857 = vector.broadcast %squeeze3A_125 : f32 to vector<16xf32>
        %mul3A_1858 = arith.mulf %mul3A_887, %mul3A_1857 : vector<16xf32>
        %mul3A_1859 = arith.mulf %mul3A_859, %mul3A_1858 : vector<16xf32>
        %sub3A_1860 = vector.broadcast %squeeze3A_253 : f32 to vector<16xf32>
        %sub3A_1861 = arith.subf %sub3A_1860, %mul3A_1859 : vector<16xf32>
        %mul3A_1862 = arith.mulf %gather3A_1856, %mul3A_1858 : vector<16xf32>
        %add3A_1863 = arith.addf %mul3A_1862, %sub3A_1861 : vector<16xf32>
        %mul3A_1864 = arith.constant 16 : i32
        %mul3A_1865 = arith.muli %scan3A_392, %mul3A_1864 : i32
        %swap3A_1866 = arith.constant 6 : i32
        %swap3A_1867 = arith.constant 3 : i32
        %swap3A_1868 = arith.index_cast %swap3A_1866 : i32 to index
        %swap3A_1869 = arith.index_cast %swap3A_1867 : i32 to index
        %swap3A_1870 = arith.index_cast %mul3A_1865 : i32 to index
        %swap3A_1871 = tpu.vector_load %arg11[%swap3A_1868, %swap3A_1869, %swap3A_1870] {strides = array<i32>} : memref<8x8x128xf32, #tpu.memory_space<vmem>>, vector<16xf32>,
        tpu.vector_store %arg11[%swap3A_1868, %swap3A_1869, %swap3A_1870], %add3A_1863 {strides = array<i32>} : memref<8x8x128xf32, #tpu.memory_space<vmem>>, vector<16xf32>,
        %add3A_1872 = arith.constant 1 : i32
        %add3A_1873 = vector.broadcast %add3A_1872 : i32 to vector<16xi32>
        %add3A_1874 = arith.addi %add3A_1855, %add3A_1873 : vector<16xi32>
        %gather3A_1875 = tpu.vector_load_idx %arg9[%add3A_406, %add3A_1874] : memref<128x128xf32, #tpu.memory_space<vmem>>[vector<16xi32>, vector<16xi32>], vector<16xf32>,
        %mul3A_1876 = vector.broadcast %squeeze3A_127 : f32 to vector<16xf32>
        %mul3A_1877 = arith.mulf %mul3A_887, %mul3A_1876 : vector<16xf32>
        %mul3A_1878 = arith.mulf %mul3A_859, %mul3A_1877 : vector<16xf32>
        %sub3A_1879 = vector.broadcast %squeeze3A_255 : f32 to vector<16xf32>
        %sub3A_1880 = arith.subf %sub3A_1879, %mul3A_1878 : vector<16xf32>
        %mul3A_1881 = arith.mulf %gather3A_1875, %mul3A_1877 : vector<16xf32>
        %add3A_1882 = arith.addf %mul3A_1881, %sub3A_1880 : vector<16xf32>
        %mul3A_1883 = arith.constant 16 : i32
        %mul3A_1884 = arith.muli %scan3A_392, %mul3A_1883 : i32
        %swap3A_1885 = arith.constant 6 : i32
        %swap3A_1886 = arith.constant 4 : i32
        %swap3A_1887 = arith.index_cast %swap3A_1885 : i32 to index
        %swap3A_1888 = arith.index_cast %swap3A_1886 : i32 to index
        %swap3A_1889 = arith.index_cast %mul3A_1884 : i32 to index
        %swap3A_1890 = tpu.vector_load %arg11[%swap3A_1887, %swap3A_1888, %swap3A_1889] {strides = array<i32>} : memref<8x8x128xf32, #tpu.memory_space<vmem>>, vector<16xf32>,
        tpu.vector_store %arg11[%swap3A_1887, %swap3A_1888, %swap3A_1889], %add3A_1882 {strides = array<i32>} : memref<8x8x128xf32, #tpu.memory_space<vmem>>, vector<16xf32>,
        %add3A_1891 = arith.constant 1 : i32
        %add3A_1892 = vector.broadcast %add3A_1891 : i32 to vector<16xi32>
        %add3A_1893 = arith.addi %add3A_1874, %add3A_1892 : vector<16xi32>
        %gather3A_1894 = tpu.vector_load_idx %arg9[%add3A_406, %add3A_1893] : memref<128x128xf32, #tpu.memory_space<vmem>>[vector<16xi32>, vector<16xi32>], vector<16xf32>,
        %mul3A_1895 = vector.broadcast %squeeze3A_129 : f32 to vector<16xf32>
        %mul3A_1896 = arith.mulf %mul3A_887, %mul3A_1895 : vector<16xf32>
        %mul3A_1897 = arith.mulf %mul3A_859, %mul3A_1896 : vector<16xf32>
        %sub3A_1898 = vector.broadcast %squeeze3A_257 : f32 to vector<16xf32>
        %sub3A_1899 = arith.subf %sub3A_1898, %mul3A_1897 : vector<16xf32>
        %mul3A_1900 = arith.mulf %gather3A_1894, %mul3A_1896 : vector<16xf32>
        %add3A_1901 = arith.addf %mul3A_1900, %sub3A_1899 : vector<16xf32>
        %mul3A_1902 = arith.constant 16 : i32
        %mul3A_1903 = arith.muli %scan3A_392, %mul3A_1902 : i32
        %swap3A_1904 = arith.constant 6 : i32
        %swap3A_1905 = arith.constant 5 : i32
        %swap3A_1906 = arith.index_cast %swap3A_1904 : i32 to index
        %swap3A_1907 = arith.index_cast %swap3A_1905 : i32 to index
        %swap3A_1908 = arith.index_cast %mul3A_1903 : i32 to index
        %swap3A_1909 = tpu.vector_load %arg11[%swap3A_1906, %swap3A_1907, %swap3A_1908] {strides = array<i32>} : memref<8x8x128xf32, #tpu.memory_space<vmem>>, vector<16xf32>,
        tpu.vector_store %arg11[%swap3A_1906, %swap3A_1907, %swap3A_1908], %add3A_1901 {strides = array<i32>} : memref<8x8x128xf32, #tpu.memory_space<vmem>>, vector<16xf32>,
        %add3A_1910 = arith.constant 1 : i32
        %add3A_1911 = vector.broadcast %add3A_1910 : i32 to vector<16xi32>
        %add3A_1912 = arith.addi %add3A_1893, %add3A_1911 : vector<16xi32>
        %gather3A_1913 = tpu.vector_load_idx %arg9[%add3A_406, %add3A_1912] : memref<128x128xf32, #tpu.memory_space<vmem>>[vector<16xi32>, vector<16xi32>], vector<16xf32>,
        %mul3A_1914 = vector.broadcast %squeeze3A_131 : f32 to vector<16xf32>
        %mul3A_1915 = arith.mulf %mul3A_887, %mul3A_1914 : vector<16xf32>
        %mul3A_1916 = arith.mulf %mul3A_859, %mul3A_1915 : vector<16xf32>
        %sub3A_1917 = vector.broadcast %squeeze3A_259 : f32 to vector<16xf32>
        %sub3A_1918 = arith.subf %sub3A_1917, %mul3A_1916 : vector<16xf32>
        %mul3A_1919 = arith.mulf %gather3A_1913, %mul3A_1915 : vector<16xf32>
        %add3A_1920 = arith.addf %mul3A_1919, %sub3A_1918 : vector<16xf32>
        %mul3A_1921 = arith.constant 16 : i32
        %mul3A_1922 = arith.muli %scan3A_392, %mul3A_1921 : i32
        %swap3A_1923 = arith.constant 6 : i32
        %swap3A_1924 = arith.constant 6 : i32
        %swap3A_1925 = arith.index_cast %swap3A_1923 : i32 to index
        %swap3A_1926 = arith.index_cast %swap3A_1924 : i32 to index
        %swap3A_1927 = arith.index_cast %mul3A_1922 : i32 to index
        %swap3A_1928 = tpu.vector_load %arg11[%swap3A_1925, %swap3A_1926, %swap3A_1927] {strides = array<i32>} : memref<8x8x128xf32, #tpu.memory_space<vmem>>, vector<16xf32>,
        tpu.vector_store %arg11[%swap3A_1925, %swap3A_1926, %swap3A_1927], %add3A_1920 {strides = array<i32>} : memref<8x8x128xf32, #tpu.memory_space<vmem>>, vector<16xf32>,
        %add3A_1929 = arith.constant 1 : i32
        %add3A_1930 = vector.broadcast %add3A_1929 : i32 to vector<16xi32>
        %add3A_1931 = arith.addi %add3A_1912, %add3A_1930 : vector<16xi32>
        %gather3A_1932 = tpu.vector_load_idx %arg9[%add3A_406, %add3A_1931] : memref<128x128xf32, #tpu.memory_space<vmem>>[vector<16xi32>, vector<16xi32>], vector<16xf32>,
        %mul3A_1933 = vector.broadcast %squeeze3A_133 : f32 to vector<16xf32>
        %mul3A_1934 = arith.mulf %mul3A_887, %mul3A_1933 : vector<16xf32>
        %mul3A_1935 = arith.mulf %mul3A_859, %mul3A_1934 : vector<16xf32>
        %sub3A_1936 = vector.broadcast %squeeze3A_261 : f32 to vector<16xf32>
        %sub3A_1937 = arith.subf %sub3A_1936, %mul3A_1935 : vector<16xf32>
        %mul3A_1938 = arith.mulf %gather3A_1932, %mul3A_1934 : vector<16xf32>
        %add3A_1939 = arith.addf %mul3A_1938, %sub3A_1937 : vector<16xf32>
        %mul3A_1940 = arith.constant 16 : i32
        %mul3A_1941 = arith.muli %scan3A_392, %mul3A_1940 : i32
        %swap3A_1942 = arith.constant 6 : i32
        %swap3A_1943 = arith.constant 7 : i32
        %swap3A_1944 = arith.index_cast %swap3A_1942 : i32 to index
        %swap3A_1945 = arith.index_cast %swap3A_1943 : i32 to index
        %swap3A_1946 = arith.index_cast %mul3A_1941 : i32 to index
        %swap3A_1947 = tpu.vector_load %arg11[%swap3A_1944, %swap3A_1945, %swap3A_1946] {strides = array<i32>} : memref<8x8x128xf32, #tpu.memory_space<vmem>>, vector<16xf32>,
        tpu.vector_store %arg11[%swap3A_1944, %swap3A_1945, %swap3A_1946], %add3A_1939 {strides = array<i32>} : memref<8x8x128xf32, #tpu.memory_space<vmem>>, vector<16xf32>,
        %add3A_1948 = arith.constant 1 : i32
        %add3A_1949 = vector.broadcast %add3A_1948 : i32 to vector<16xi32>
        %add3A_1950 = arith.addi %add3A_1931, %add3A_1949 : vector<16xi32>
        %gather3A_1951 = tpu.vector_load_idx %arg9[%add3A_406, %add3A_1950] : memref<128x128xf32, #tpu.memory_space<vmem>>[vector<16xi32>, vector<16xi32>], vector<16xf32>,
        %mul3A_1952 = vector.broadcast %squeeze3A_135 : f32 to vector<16xf32>
        %mul3A_1953 = arith.mulf %mul3A_887, %mul3A_1952 : vector<16xf32>
        %mul3A_1954 = arith.mulf %mul3A_859, %mul3A_1953 : vector<16xf32>
        %sub3A_1955 = vector.broadcast %squeeze3A_263 : f32 to vector<16xf32>
        %sub3A_1956 = arith.subf %sub3A_1955, %mul3A_1954 : vector<16xf32>
        %mul3A_1957 = arith.mulf %gather3A_1951, %mul3A_1953 : vector<16xf32>
        %add3A_1958 = arith.addf %mul3A_1957, %sub3A_1956 : vector<16xf32>
        %mul3A_1959 = arith.constant 16 : i32
        %mul3A_1960 = arith.muli %scan3A_392, %mul3A_1959 : i32
        %swap3A_1961 = arith.constant 7 : i32
        %swap3A_1962 = arith.constant 0 : i32
        %swap3A_1963 = arith.index_cast %swap3A_1961 : i32 to index
        %swap3A_1964 = arith.index_cast %swap3A_1962 : i32 to index
        %swap3A_1965 = arith.index_cast %mul3A_1960 : i32 to index
        %swap3A_1966 = tpu.vector_load %arg11[%swap3A_1963, %swap3A_1964, %swap3A_1965] {strides = array<i32>} : memref<8x8x128xf32, #tpu.memory_space<vmem>>, vector<16xf32>,
        tpu.vector_store %arg11[%swap3A_1963, %swap3A_1964, %swap3A_1965], %add3A_1958 {strides = array<i32>} : memref<8x8x128xf32, #tpu.memory_space<vmem>>, vector<16xf32>,
        %add3A_1967 = arith.constant 1 : i32
        %add3A_1968 = vector.broadcast %add3A_1967 : i32 to vector<16xi32>
        %add3A_1969 = arith.addi %add3A_1950, %add3A_1968 : vector<16xi32>
        %gather3A_1970 = tpu.vector_load_idx %arg9[%add3A_406, %add3A_1969] : memref<128x128xf32, #tpu.memory_space<vmem>>[vector<16xi32>, vector<16xi32>], vector<16xf32>,
        %mul3A_1971 = vector.broadcast %squeeze3A_137 : f32 to vector<16xf32>
        %mul3A_1972 = arith.mulf %mul3A_887, %mul3A_1971 : vector<16xf32>
        %mul3A_1973 = arith.mulf %mul3A_859, %mul3A_1972 : vector<16xf32>
        %sub3A_1974 = vector.broadcast %squeeze3A_265 : f32 to vector<16xf32>
        %sub3A_1975 = arith.subf %sub3A_1974, %mul3A_1973 : vector<16xf32>
        %mul3A_1976 = arith.mulf %gather3A_1970, %mul3A_1972 : vector<16xf32>
        %add3A_1977 = arith.addf %mul3A_1976, %sub3A_1975 : vector<16xf32>
        %mul3A_1978 = arith.constant 16 : i32
        %mul3A_1979 = arith.muli %scan3A_392, %mul3A_1978 : i32
        %swap3A_1980 = arith.constant 7 : i32
        %swap3A_1981 = arith.constant 1 : i32
        %swap3A_1982 = arith.index_cast %swap3A_1980 : i32 to index
        %swap3A_1983 = arith.index_cast %swap3A_1981 : i32 to index
        %swap3A_1984 = arith.index_cast %mul3A_1979 : i32 to index
        %swap3A_1985 = tpu.vector_load %arg11[%swap3A_1982, %swap3A_1983, %swap3A_1984] {strides = array<i32>} : memref<8x8x128xf32, #tpu.memory_space<vmem>>, vector<16xf32>,
        tpu.vector_store %arg11[%swap3A_1982, %swap3A_1983, %swap3A_1984], %add3A_1977 {strides = array<i32>} : memref<8x8x128xf32, #tpu.memory_space<vmem>>, vector<16xf32>,
        %add3A_1986 = arith.constant 1 : i32
        %add3A_1987 = vector.broadcast %add3A_1986 : i32 to vector<16xi32>
        %add3A_1988 = arith.addi %add3A_1969, %add3A_1987 : vector<16xi32>
        %gather3A_1989 = tpu.vector_load_idx %arg9[%add3A_406, %add3A_1988] : memref<128x128xf32, #tpu.memory_space<vmem>>[vector<16xi32>, vector<16xi32>], vector<16xf32>,
        %mul3A_1990 = vector.broadcast %squeeze3A_139 : f32 to vector<16xf32>
        %mul3A_1991 = arith.mulf %mul3A_887, %mul3A_1990 : vector<16xf32>
        %mul3A_1992 = arith.mulf %mul3A_859, %mul3A_1991 : vector<16xf32>
        %sub3A_1993 = vector.broadcast %squeeze3A_267 : f32 to vector<16xf32>
        %sub3A_1994 = arith.subf %sub3A_1993, %mul3A_1992 : vector<16xf32>
        %mul3A_1995 = arith.mulf %gather3A_1989, %mul3A_1991 : vector<16xf32>
        %add3A_1996 = arith.addf %mul3A_1995, %sub3A_1994 : vector<16xf32>
        %mul3A_1997 = arith.constant 16 : i32
        %mul3A_1998 = arith.muli %scan3A_392, %mul3A_1997 : i32
        %swap3A_1999 = arith.constant 7 : i32
        %swap3A_2000 = arith.constant 2 : i32
        %swap3A_2001 = arith.index_cast %swap3A_1999 : i32 to index
        %swap3A_2002 = arith.index_cast %swap3A_2000 : i32 to index
        %swap3A_2003 = arith.index_cast %mul3A_1998 : i32 to index
        %swap3A_2004 = tpu.vector_load %arg11[%swap3A_2001, %swap3A_2002, %swap3A_2003] {strides = array<i32>} : memref<8x8x128xf32, #tpu.memory_space<vmem>>, vector<16xf32>,
        tpu.vector_store %arg11[%swap3A_2001, %swap3A_2002, %swap3A_2003], %add3A_1996 {strides = array<i32>} : memref<8x8x128xf32, #tpu.memory_space<vmem>>, vector<16xf32>,
        %add3A_2005 = arith.constant 1 : i32
        %add3A_2006 = vector.broadcast %add3A_2005 : i32 to vector<16xi32>
        %add3A_2007 = arith.addi %add3A_1988, %add3A_2006 : vector<16xi32>
        %gather3A_2008 = tpu.vector_load_idx %arg9[%add3A_406, %add3A_2007] : memref<128x128xf32, #tpu.memory_space<vmem>>[vector<16xi32>, vector<16xi32>], vector<16xf32>,
        %mul3A_2009 = vector.broadcast %squeeze3A_141 : f32 to vector<16xf32>
        %mul3A_2010 = arith.mulf %mul3A_887, %mul3A_2009 : vector<16xf32>
        %mul3A_2011 = arith.mulf %mul3A_859, %mul3A_2010 : vector<16xf32>
        %sub3A_2012 = vector.broadcast %squeeze3A_269 : f32 to vector<16xf32>
        %sub3A_2013 = arith.subf %sub3A_2012, %mul3A_2011 : vector<16xf32>
        %mul3A_2014 = arith.mulf %gather3A_2008, %mul3A_2010 : vector<16xf32>
        %add3A_2015 = arith.addf %mul3A_2014, %sub3A_2013 : vector<16xf32>
        %mul3A_2016 = arith.constant 16 : i32
        %mul3A_2017 = arith.muli %scan3A_392, %mul3A_2016 : i32
        %swap3A_2018 = arith.constant 7 : i32
        %swap3A_2019 = arith.constant 3 : i32
        %swap3A_2020 = arith.index_cast %swap3A_2018 : i32 to index
        %swap3A_2021 = arith.index_cast %swap3A_2019 : i32 to index
        %swap3A_2022 = arith.index_cast %mul3A_2017 : i32 to index
        %swap3A_2023 = tpu.vector_load %arg11[%swap3A_2020, %swap3A_2021, %swap3A_2022] {strides = array<i32>} : memref<8x8x128xf32, #tpu.memory_space<vmem>>, vector<16xf32>,
        tpu.vector_store %arg11[%swap3A_2020, %swap3A_2021, %swap3A_2022], %add3A_2015 {strides = array<i32>} : memref<8x8x128xf32, #tpu.memory_space<vmem>>, vector<16xf32>,
        %add3A_2024 = arith.constant 1 : i32
        %add3A_2025 = vector.broadcast %add3A_2024 : i32 to vector<16xi32>
        %add3A_2026 = arith.addi %add3A_2007, %add3A_2025 : vector<16xi32>
        %gather3A_2027 = tpu.vector_load_idx %arg9[%add3A_406, %add3A_2026] : memref<128x128xf32, #tpu.memory_space<vmem>>[vector<16xi32>, vector<16xi32>], vector<16xf32>,
        %mul3A_2028 = vector.broadcast %squeeze3A_143 : f32 to vector<16xf32>
        %mul3A_2029 = arith.mulf %mul3A_887, %mul3A_2028 : vector<16xf32>
        %mul3A_2030 = arith.mulf %mul3A_859, %mul3A_2029 : vector<16xf32>
        %sub3A_2031 = vector.broadcast %squeeze3A_271 : f32 to vector<16xf32>
        %sub3A_2032 = arith.subf %sub3A_2031, %mul3A_2030 : vector<16xf32>
        %mul3A_2033 = arith.mulf %gather3A_2027, %mul3A_2029 : vector<16xf32>
        %add3A_2034 = arith.addf %mul3A_2033, %sub3A_2032 : vector<16xf32>
        %mul3A_2035 = arith.constant 16 : i32
        %mul3A_2036 = arith.muli %scan3A_392, %mul3A_2035 : i32
        %swap3A_2037 = arith.constant 7 : i32
        %swap3A_2038 = arith.constant 4 : i32
        %swap3A_2039 = arith.index_cast %swap3A_2037 : i32 to index
        %swap3A_2040 = arith.index_cast %swap3A_2038 : i32 to index
        %swap3A_2041 = arith.index_cast %mul3A_2036 : i32 to index
        %swap3A_2042 = tpu.vector_load %arg11[%swap3A_2039, %swap3A_2040, %swap3A_2041] {strides = array<i32>} : memref<8x8x128xf32, #tpu.memory_space<vmem>>, vector<16xf32>,
        tpu.vector_store %arg11[%swap3A_2039, %swap3A_2040, %swap3A_2041], %add3A_2034 {strides = array<i32>} : memref<8x8x128xf32, #tpu.memory_space<vmem>>, vector<16xf32>,
        %add3A_2043 = arith.constant 1 : i32
        %add3A_2044 = vector.broadcast %add3A_2043 : i32 to vector<16xi32>
        %add3A_2045 = arith.addi %add3A_2026, %add3A_2044 : vector<16xi32>
        %gather3A_2046 = tpu.vector_load_idx %arg9[%add3A_406, %add3A_2045] : memref<128x128xf32, #tpu.memory_space<vmem>>[vector<16xi32>, vector<16xi32>], vector<16xf32>,
        %mul3A_2047 = vector.broadcast %squeeze3A_145 : f32 to vector<16xf32>
        %mul3A_2048 = arith.mulf %mul3A_887, %mul3A_2047 : vector<16xf32>
        %mul3A_2049 = arith.mulf %mul3A_859, %mul3A_2048 : vector<16xf32>
        %sub3A_2050 = vector.broadcast %squeeze3A_273 : f32 to vector<16xf32>
        %sub3A_2051 = arith.subf %sub3A_2050, %mul3A_2049 : vector<16xf32>
        %mul3A_2052 = arith.mulf %gather3A_2046, %mul3A_2048 : vector<16xf32>
        %add3A_2053 = arith.addf %mul3A_2052, %sub3A_2051 : vector<16xf32>
        %mul3A_2054 = arith.constant 16 : i32
        %mul3A_2055 = arith.muli %scan3A_392, %mul3A_2054 : i32
        %swap3A_2056 = arith.constant 7 : i32
        %swap3A_2057 = arith.constant 5 : i32
        %swap3A_2058 = arith.index_cast %swap3A_2056 : i32 to index
        %swap3A_2059 = arith.index_cast %swap3A_2057 : i32 to index
        %swap3A_2060 = arith.index_cast %mul3A_2055 : i32 to index
        %swap3A_2061 = tpu.vector_load %arg11[%swap3A_2058, %swap3A_2059, %swap3A_2060] {strides = array<i32>} : memref<8x8x128xf32, #tpu.memory_space<vmem>>, vector<16xf32>,
        tpu.vector_store %arg11[%swap3A_2058, %swap3A_2059, %swap3A_2060], %add3A_2053 {strides = array<i32>} : memref<8x8x128xf32, #tpu.memory_space<vmem>>, vector<16xf32>,
        %add3A_2062 = arith.constant 1 : i32
        %add3A_2063 = vector.broadcast %add3A_2062 : i32 to vector<16xi32>
        %add3A_2064 = arith.addi %add3A_2045, %add3A_2063 : vector<16xi32>
        %gather3A_2065 = tpu.vector_load_idx %arg9[%add3A_406, %add3A_2064] : memref<128x128xf32, #tpu.memory_space<vmem>>[vector<16xi32>, vector<16xi32>], vector<16xf32>,
        %mul3A_2066 = vector.broadcast %squeeze3A_147 : f32 to vector<16xf32>
        %mul3A_2067 = arith.mulf %mul3A_887, %mul3A_2066 : vector<16xf32>
        %mul3A_2068 = arith.mulf %mul3A_859, %mul3A_2067 : vector<16xf32>
        %sub3A_2069 = vector.broadcast %squeeze3A_275 : f32 to vector<16xf32>
        %sub3A_2070 = arith.subf %sub3A_2069, %mul3A_2068 : vector<16xf32>
        %mul3A_2071 = arith.mulf %gather3A_2065, %mul3A_2067 : vector<16xf32>
        %add3A_2072 = arith.addf %mul3A_2071, %sub3A_2070 : vector<16xf32>
        %mul3A_2073 = arith.constant 16 : i32
        %mul3A_2074 = arith.muli %scan3A_392, %mul3A_2073 : i32
        %swap3A_2075 = arith.constant 7 : i32
        %swap3A_2076 = arith.constant 6 : i32
        %swap3A_2077 = arith.index_cast %swap3A_2075 : i32 to index
        %swap3A_2078 = arith.index_cast %swap3A_2076 : i32 to index
        %swap3A_2079 = arith.index_cast %mul3A_2074 : i32 to index
        %swap3A_2080 = tpu.vector_load %arg11[%swap3A_2077, %swap3A_2078, %swap3A_2079] {strides = array<i32>} : memref<8x8x128xf32, #tpu.memory_space<vmem>>, vector<16xf32>,
        tpu.vector_store %arg11[%swap3A_2077, %swap3A_2078, %swap3A_2079], %add3A_2072 {strides = array<i32>} : memref<8x8x128xf32, #tpu.memory_space<vmem>>, vector<16xf32>,
        %add3A_2081 = arith.constant 1 : i32
        %add3A_2082 = vector.broadcast %add3A_2081 : i32 to vector<16xi32>
        %add3A_2083 = arith.addi %add3A_2064, %add3A_2082 : vector<16xi32>
        %gather3A_2084 = tpu.vector_load_idx %arg9[%add3A_406, %add3A_2083] : memref<128x128xf32, #tpu.memory_space<vmem>>[vector<16xi32>, vector<16xi32>], vector<16xf32>,
        %mul3A_2085 = vector.broadcast %squeeze3A_149 : f32 to vector<16xf32>
        %mul3A_2086 = arith.mulf %mul3A_887, %mul3A_2085 : vector<16xf32>
        %mul3A_2087 = arith.mulf %mul3A_859, %mul3A_2086 : vector<16xf32>
        %sub3A_2088 = vector.broadcast %squeeze3A_277 : f32 to vector<16xf32>
        %sub3A_2089 = arith.subf %sub3A_2088, %mul3A_2087 : vector<16xf32>
        %mul3A_2090 = arith.mulf %gather3A_2084, %mul3A_2086 : vector<16xf32>
        %add3A_2091 = arith.addf %mul3A_2090, %sub3A_2089 : vector<16xf32>
        %mul3A_2092 = arith.constant 16 : i32
        %mul3A_2093 = arith.muli %scan3A_392, %mul3A_2092 : i32
        %swap3A_2094 = arith.constant 7 : i32
        %swap3A_2095 = arith.constant 7 : i32
        %swap3A_2096 = arith.index_cast %swap3A_2094 : i32 to index
        %swap3A_2097 = arith.index_cast %swap3A_2095 : i32 to index
        %swap3A_2098 = arith.index_cast %mul3A_2093 : i32 to index
        %swap3A_2099 = tpu.vector_load %arg11[%swap3A_2096, %swap3A_2097, %swap3A_2098] {strides = array<i32>} : memref<8x8x128xf32, #tpu.memory_space<vmem>>, vector<16xf32>,
        tpu.vector_store %arg11[%swap3A_2096, %swap3A_2097, %swap3A_2098], %add3A_2091 {strides = array<i32>} : memref<8x8x128xf32, #tpu.memory_space<vmem>>, vector<16xf32>,
        %add3A_2100 = arith.constant 1 : i32
        %add3A_2101 = vector.broadcast %add3A_2100 : i32 to vector<16xi32>
        %add3A_2102 = arith.addi %add3A_2083, %add3A_2101 : vector<16xi32>
        %scan3A_2103 = arith.constant 0 : i32
        scf.yield %scan3A_2103 : i32
      }
      %scan3A_339 = arith.constant 8 : i32
      %lt3A = arith.constant 99 : i32
      %lt3A_340 = arith.cmpi slt, %scan3A_319, %lt3A : i32
      %convert_element_type3A_341 = arith.extui %lt3A_340 : i1 to i32
      %cond3A_342 = arith.constant 0 : i32
      %cond3A_343 = arith.cmpi ne, %convert_element_type3A_341, %cond3A_342 : i32
      scf.if %cond3A_343 {
        %add3A_392 = arith.constant 2 : i32
        %add3A_393 = arith.addi %add3A_324, %add3A_392 : i32
        %dma_start3A_394 = arith.constant 0 : i32
        %dma_start3A_395 = tpu.memref_slice %arg8[%add3A_393, %dma_start3A_394] : memref<200x128xi32, #tpu.memory_space<vmem>> -> memref<1x128xi32, #tpu.memory_space<vmem>>
        %dma_start3A_396 = tpu.memref_squeeze %dma_start3A_395 : memref<1x128xi32, #tpu.memory_space<vmem>> -> memref<128xi32, #tpu.memory_space<vmem>>
        %dma_start3A_397 = arith.constant 0 : i32
        %dma_start3A_398 = arith.constant 0 : i32
        %dma_start3A_399 = tpu.memref_slice %arg3[%dma_start3A_397, %dma_start3A_398] : memref<500000x128xf32, #tpu.memory_space<hbm>> -> memref<500000x128xf32, #tpu.memory_space<hbm>>
        tpu.enqueue_indirect_dma source(%dma_start3A_399 : memref<500000x128xf32, #tpu.memory_space<hbm>>) target(%arg9 : memref<128x128xf32, #tpu.memory_space<vmem>>) offsets(%dma_start3A_396 : memref<128xi32, #tpu.memory_space<vmem>>) semaphore(%arg15 : memref<!tpu.dma_semaphore, #tpu.memory_space<semaphore_mem>>)
      } else {
      }
      %dma_start3A_344 = arith.constant 0 : i32
      %dma_start3A_345 = arith.constant 0 : i32
      %dma_start3A_346 = arith.constant 0 : i32
      %dma_start3A_347 = tpu.memref_slice %arg6[%add3A_324, %dma_start3A_344, %add3A, %dma_start3A_345, %dma_start3A_346] : memref<200x8x32x8x128xf32, #tpu.memory_space<hbm>> -> memref<1x8x1x8x128xf32, #tpu.memory_space<hbm>>
      %dma_start3A_348 = tpu.memref_squeeze %dma_start3A_347 : memref<1x8x1x8x128xf32, #tpu.memory_space<hbm>> -> memref<8x8x128xf32, #tpu.memory_space<hbm>>
      %dma_start3A_349 = arith.constant 0 : i32
      %dma_start3A_350 = arith.constant 0 : i32
      %dma_start3A_351 = arith.constant 0 : i32
      %dma_start3A_352 = tpu.memref_slice %arg6[%add3A_324, %dma_start3A_349, %add3A, %dma_start3A_350, %dma_start3A_351] : memref<200x8x32x8x128xf32, #tpu.memory_space<hbm>> -> memref<1x8x1x8x128xf32, #tpu.memory_space<hbm>>
      %dma_start3A_353 = tpu.memref_squeeze %dma_start3A_352 : memref<1x8x1x8x128xf32, #tpu.memory_space<hbm>> -> memref<8x8x128xf32, #tpu.memory_space<hbm>>
      tpu.enqueue_dma source(%arg11 : memref<8x8x128xf32, #tpu.memory_space<vmem>>) target(%dma_start3A_353 : memref<8x8x128xf32, #tpu.memory_space<hbm>>) target_semaphore(%arg17 : memref<!tpu.dma_semaphore, #tpu.memory_space<semaphore_mem>>)
      %mul3A_354 = arith.constant 2 : i32
      %mul3A_355 = arith.muli %mul3A_354, %scan3A_319 : i32
      %add3A_356 = arith.constant 1 : i32
      %add3A_357 = arith.addi %mul3A_355, %add3A_356 : i32
      %dma_wait3A_358 = arith.constant 0 : i32
      %dma_wait3A_359 = tpu.memref_slice %arg8[%add3A_357, %dma_wait3A_358] : memref<200x128xi32, #tpu.memory_space<vmem>> -> memref<1x128xi32, #tpu.memory_space<vmem>>
      %dma_wait3A_360 = tpu.memref_squeeze %dma_wait3A_359 : memref<1x128xi32, #tpu.memory_space<vmem>> -> memref<128xi32, #tpu.memory_space<vmem>>
      %dma_wait3A_361 = arith.constant 0 : i32
      %dma_wait3A_362 = arith.constant 0 : i32
      %dma_wait3A_363 = tpu.memref_slice %arg3[%dma_wait3A_361, %dma_wait3A_362] : memref<500000x128xf32, #tpu.memory_space<hbm>> -> memref<500000x128xf32, #tpu.memory_space<hbm>>
      tpu.wait_indirect_dma semaphore(%arg16 : memref<!tpu.dma_semaphore, #tpu.memory_space<semaphore_mem>>) src(%dma_wait3A_363 : memref<500000x128xf32, #tpu.memory_space<hbm>>) dst(%arg10 : memref<128x128xf32, #tpu.memory_space<vmem>>)
      %ge3A_364 = arith.constant 1 : i32
      %ge3A_365 = arith.cmpi sge, %scan3A_319, %ge3A_364 : i32
      %convert_element_type3A_366 = arith.extui %ge3A_365 : i1 to i32
      %cond3A_367 = arith.constant 0 : i32
      %cond3A_368 = arith.cmpi ne, %convert_element_type3A_366, %cond3A_367 : i32
      scf.if %cond3A_368 {
        %sub3A = arith.constant 2 : i32
        %sub3A_392 = arith.subi %add3A_357, %sub3A : i32
        %dma_wait3A_393 = arith.constant 0 : i32
        %dma_wait3A_394 = arith.constant 0 : i32
        %dma_wait3A_395 = arith.constant 0 : i32
        %dma_wait3A_396 = tpu.memref_slice %arg6[%sub3A_392, %dma_wait3A_393, %add3A, %dma_wait3A_394, %dma_wait3A_395] : memref<200x8x32x8x128xf32, #tpu.memory_space<hbm>> -> memref<1x8x1x8x128xf32, #tpu.memory_space<hbm>>
        %dma_wait3A_397 = tpu.memref_squeeze %dma_wait3A_396 : memref<1x8x1x8x128xf32, #tpu.memory_space<hbm>> -> memref<8x8x128xf32, #tpu.memory_space<hbm>>
        %dma_wait3A_398 = arith.constant 0 : i32
        %dma_wait3A_399 = arith.constant 0 : i32
        %dma_wait3A_400 = arith.constant 0 : i32
        %dma_wait3A_401 = tpu.memref_slice %arg6[%sub3A_392, %dma_wait3A_398, %add3A, %dma_wait3A_399, %dma_wait3A_400] : memref<200x8x32x8x128xf32, #tpu.memory_space<hbm>> -> memref<1x8x1x8x128xf32, #tpu.memory_space<hbm>>
        %dma_wait3A_402 = tpu.memref_squeeze %dma_wait3A_401 : memref<1x8x1x8x128xf32, #tpu.memory_space<hbm>> -> memref<8x8x128xf32, #tpu.memory_space<hbm>>
        tpu.wait_dma2 semaphore(%arg18 : memref<!tpu.dma_semaphore, #tpu.memory_space<semaphore_mem>>) src(%arg12 : memref<8x8x128xf32, #tpu.memory_space<vmem>>) dst(%dma_wait3A_402 : memref<8x8x128xf32, #tpu.memory_space<hbm>>)
      } else {
      }
      %scan3A_369 = arith.constant 0 : i32
      %scan3A_370 = arith.constant 0 : i32
      %scan3A_371 = arith.constant 8 : i32
      %scan3A_372 = arith.addi %scan3A_370, %scan3A_371 : i32
      %scan3A_373 = arith.constant 1 : i32
      %scan3A_374 = scf.for %scan3A_392 = %scan3A_370 to %scan3A_372 step %scan3A_373 iter_args(%scan3A_393 = %scan3A_369) -> (i32)  : i32 {
        %mul3A_394 = arith.constant 16 : i32
        %mul3A_395 = arith.muli %scan3A_392, %mul3A_394 : i32
        %get3A_396 = arith.index_cast %add3A_357 : i32 to index
        %get3A_397 = arith.index_cast %mul3A_395 : i32 to index
        %get3A_398 = tpu.vector_load %arg7[%get3A_396, %get3A_397] {strides = array<i32>} : memref<200x128xi32, #tpu.memory_space<vmem>>, vector<16xi32>,
        %and3A = arith.constant 1 : i32
        %and3A_399 = vector.broadcast %and3A : i32 to vector<16xi32>
        %and3A_400 = arith.andi %get3A_398, %and3A_399 : vector<16xi32>
        %shift_left3A = arith.constant 6 : i32
        %shift_left3A_401 = vector.broadcast %shift_left3A : i32 to vector<16xi32>
        %shift_left3A_402 = arith.shli %and3A_400, %shift_left3A_401 : vector<16xi32>
        %mul3A_403 = arith.constant 16 : i32
        %mul3A_404 = arith.muli %scan3A_392, %mul3A_403 : i32
        %add3A_405 = vector.broadcast %mul3A_404 : i32 to vector<16xi32>
        %add3A_406 = arith.addi %add3A_405, %iota3A : vector<16xi32>
        %broadcast_in_dim3A = arith.constant 0.000000e+00 : f32
        %broadcast_in_dim3A_407 = vector.broadcast %broadcast_in_dim3A : f32 to vector<16xf32>
        %broadcast_in_dim3A_408 = arith.constant 0.000000e+00 : f32
        %broadcast_in_dim3A_409 = vector.broadcast %broadcast_in_dim3A_408 : f32 to vector<16xf32>
        %gather3A = tpu.vector_load_idx %arg10[%add3A_406, %shift_left3A_402] : memref<128x128xf32, #tpu.memory_space<vmem>>[vector<16xi32>, vector<16xi32>], vector<16xf32>,
        %add3A_410 = arith.addf %broadcast_in_dim3A_407, %gather3A : vector<16xf32>
        %mul3A_411 = arith.mulf %gather3A, %gather3A : vector<16xf32>
        %add3A_412 = arith.addf %broadcast_in_dim3A_409, %mul3A_411 : vector<16xf32>
        %add3A_413 = arith.constant 1 : i32
        %add3A_414 = vector.broadcast %add3A_413 : i32 to vector<16xi32>
        %add3A_415 = arith.addi %shift_left3A_402, %add3A_414 : vector<16xi32>
        %gather3A_416 = tpu.vector_load_idx %arg10[%add3A_406, %add3A_415] : memref<128x128xf32, #tpu.memory_space<vmem>>[vector<16xi32>, vector<16xi32>], vector<16xf32>,
        %add3A_417 = arith.addf %add3A_410, %gather3A_416 : vector<16xf32>
        %mul3A_418 = arith.mulf %gather3A_416, %gather3A_416 : vector<16xf32>
        %add3A_419 = arith.addf %add3A_412, %mul3A_418 : vector<16xf32>
        %add3A_420 = arith.constant 1 : i32
        %add3A_421 = vector.broadcast %add3A_420 : i32 to vector<16xi32>
        %add3A_422 = arith.addi %add3A_415, %add3A_421 : vector<16xi32>
        %gather3A_423 = tpu.vector_load_idx %arg10[%add3A_406, %add3A_422] : memref<128x128xf32, #tpu.memory_space<vmem>>[vector<16xi32>, vector<16xi32>], vector<16xf32>,
        %add3A_424 = arith.addf %add3A_417, %gather3A_423 : vector<16xf32>
        %mul3A_425 = arith.mulf %gather3A_423, %gather3A_423 : vector<16xf32>
        %add3A_426 = arith.addf %add3A_419, %mul3A_425 : vector<16xf32>
        %add3A_427 = arith.constant 1 : i32
        %add3A_428 = vector.broadcast %add3A_427 : i32 to vector<16xi32>
        %add3A_429 = arith.addi %add3A_422, %add3A_428 : vector<16xi32>
        %gather3A_430 = tpu.vector_load_idx %arg10[%add3A_406, %add3A_429] : memref<128x128xf32, #tpu.memory_space<vmem>>[vector<16xi32>, vector<16xi32>], vector<16xf32>,
        %add3A_431 = arith.addf %add3A_424, %gather3A_430 : vector<16xf32>
        %mul3A_432 = arith.mulf %gather3A_430, %gather3A_430 : vector<16xf32>
        %add3A_433 = arith.addf %add3A_426, %mul3A_432 : vector<16xf32>
        %add3A_434 = arith.constant 1 : i32
        %add3A_435 = vector.broadcast %add3A_434 : i32 to vector<16xi32>
        %add3A_436 = arith.addi %add3A_429, %add3A_435 : vector<16xi32>
        %gather3A_437 = tpu.vector_load_idx %arg10[%add3A_406, %add3A_436] : memref<128x128xf32, #tpu.memory_space<vmem>>[vector<16xi32>, vector<16xi32>], vector<16xf32>,
        %add3A_438 = arith.addf %add3A_431, %gather3A_437 : vector<16xf32>
        %mul3A_439 = arith.mulf %gather3A_437, %gather3A_437 : vector<16xf32>
        %add3A_440 = arith.addf %add3A_433, %mul3A_439 : vector<16xf32>
        %add3A_441 = arith.constant 1 : i32
        %add3A_442 = vector.broadcast %add3A_441 : i32 to vector<16xi32>
        %add3A_443 = arith.addi %add3A_436, %add3A_442 : vector<16xi32>
        %gather3A_444 = tpu.vector_load_idx %arg10[%add3A_406, %add3A_443] : memref<128x128xf32, #tpu.memory_space<vmem>>[vector<16xi32>, vector<16xi32>], vector<16xf32>,
        %add3A_445 = arith.addf %add3A_438, %gather3A_444 : vector<16xf32>
        %mul3A_446 = arith.mulf %gather3A_444, %gather3A_444 : vector<16xf32>
        %add3A_447 = arith.addf %add3A_440, %mul3A_446 : vector<16xf32>
        %add3A_448 = arith.constant 1 : i32
        %add3A_449 = vector.broadcast %add3A_448 : i32 to vector<16xi32>
        %add3A_450 = arith.addi %add3A_443, %add3A_449 : vector<16xi32>
        %gather3A_451 = tpu.vector_load_idx %arg10[%add3A_406, %add3A_450] : memref<128x128xf32, #tpu.memory_space<vmem>>[vector<16xi32>, vector<16xi32>], vector<16xf32>,
        %add3A_452 = arith.addf %add3A_445, %gather3A_451 : vector<16xf32>
        %mul3A_453 = arith.mulf %gather3A_451, %gather3A_451 : vector<16xf32>
        %add3A_454 = arith.addf %add3A_447, %mul3A_453 : vector<16xf32>
        %add3A_455 = arith.constant 1 : i32
        %add3A_456 = vector.broadcast %add3A_455 : i32 to vector<16xi32>
        %add3A_457 = arith.addi %add3A_450, %add3A_456 : vector<16xi32>
        %gather3A_458 = tpu.vector_load_idx %arg10[%add3A_406, %add3A_457] : memref<128x128xf32, #tpu.memory_space<vmem>>[vector<16xi32>, vector<16xi32>], vector<16xf32>,
        %add3A_459 = arith.addf %add3A_452, %gather3A_458 : vector<16xf32>
        %mul3A_460 = arith.mulf %gather3A_458, %gather3A_458 : vector<16xf32>
        %add3A_461 = arith.addf %add3A_454, %mul3A_460 : vector<16xf32>
        %add3A_462 = arith.constant 1 : i32
        %add3A_463 = vector.broadcast %add3A_462 : i32 to vector<16xi32>
        %add3A_464 = arith.addi %add3A_457, %add3A_463 : vector<16xi32>
        %gather3A_465 = tpu.vector_load_idx %arg10[%add3A_406, %add3A_464] : memref<128x128xf32, #tpu.memory_space<vmem>>[vector<16xi32>, vector<16xi32>], vector<16xf32>,
        %add3A_466 = arith.addf %add3A_459, %gather3A_465 : vector<16xf32>
        %mul3A_467 = arith.mulf %gather3A_465, %gather3A_465 : vector<16xf32>
        %add3A_468 = arith.addf %add3A_461, %mul3A_467 : vector<16xf32>
        %add3A_469 = arith.constant 1 : i32
        %add3A_470 = vector.broadcast %add3A_469 : i32 to vector<16xi32>
        %add3A_471 = arith.addi %add3A_464, %add3A_470 : vector<16xi32>
        %gather3A_472 = tpu.vector_load_idx %arg10[%add3A_406, %add3A_471] : memref<128x128xf32, #tpu.memory_space<vmem>>[vector<16xi32>, vector<16xi32>], vector<16xf32>,
        %add3A_473 = arith.addf %add3A_466, %gather3A_472 : vector<16xf32>
        %mul3A_474 = arith.mulf %gather3A_472, %gather3A_472 : vector<16xf32>
        %add3A_475 = arith.addf %add3A_468, %mul3A_474 : vector<16xf32>
        %add3A_476 = arith.constant 1 : i32
        %add3A_477 = vector.broadcast %add3A_476 : i32 to vector<16xi32>
        %add3A_478 = arith.addi %add3A_471, %add3A_477 : vector<16xi32>
        %gather3A_479 = tpu.vector_load_idx %arg10[%add3A_406, %add3A_478] : memref<128x128xf32, #tpu.memory_space<vmem>>[vector<16xi32>, vector<16xi32>], vector<16xf32>,
        %add3A_480 = arith.addf %add3A_473, %gather3A_479 : vector<16xf32>
        %mul3A_481 = arith.mulf %gather3A_479, %gather3A_479 : vector<16xf32>
        %add3A_482 = arith.addf %add3A_475, %mul3A_481 : vector<16xf32>
        %add3A_483 = arith.constant 1 : i32
        %add3A_484 = vector.broadcast %add3A_483 : i32 to vector<16xi32>
        %add3A_485 = arith.addi %add3A_478, %add3A_484 : vector<16xi32>
        %gather3A_486 = tpu.vector_load_idx %arg10[%add3A_406, %add3A_485] : memref<128x128xf32, #tpu.memory_space<vmem>>[vector<16xi32>, vector<16xi32>], vector<16xf32>,
        %add3A_487 = arith.addf %add3A_480, %gather3A_486 : vector<16xf32>
        %mul3A_488 = arith.mulf %gather3A_486, %gather3A_486 : vector<16xf32>
        %add3A_489 = arith.addf %add3A_482, %mul3A_488 : vector<16xf32>
        %add3A_490 = arith.constant 1 : i32
        %add3A_491 = vector.broadcast %add3A_490 : i32 to vector<16xi32>
        %add3A_492 = arith.addi %add3A_485, %add3A_491 : vector<16xi32>
        %gather3A_493 = tpu.vector_load_idx %arg10[%add3A_406, %add3A_492] : memref<128x128xf32, #tpu.memory_space<vmem>>[vector<16xi32>, vector<16xi32>], vector<16xf32>,
        %add3A_494 = arith.addf %add3A_487, %gather3A_493 : vector<16xf32>
        %mul3A_495 = arith.mulf %gather3A_493, %gather3A_493 : vector<16xf32>
        %add3A_496 = arith.addf %add3A_489, %mul3A_495 : vector<16xf32>
        %add3A_497 = arith.constant 1 : i32
        %add3A_498 = vector.broadcast %add3A_497 : i32 to vector<16xi32>
        %add3A_499 = arith.addi %add3A_492, %add3A_498 : vector<16xi32>
        %gather3A_500 = tpu.vector_load_idx %arg10[%add3A_406, %add3A_499] : memref<128x128xf32, #tpu.memory_space<vmem>>[vector<16xi32>, vector<16xi32>], vector<16xf32>,
        %add3A_501 = arith.addf %add3A_494, %gather3A_500 : vector<16xf32>
        %mul3A_502 = arith.mulf %gather3A_500, %gather3A_500 : vector<16xf32>
        %add3A_503 = arith.addf %add3A_496, %mul3A_502 : vector<16xf32>
        %add3A_504 = arith.constant 1 : i32
        %add3A_505 = vector.broadcast %add3A_504 : i32 to vector<16xi32>
        %add3A_506 = arith.addi %add3A_499, %add3A_505 : vector<16xi32>
        %gather3A_507 = tpu.vector_load_idx %arg10[%add3A_406, %add3A_506] : memref<128x128xf32, #tpu.memory_space<vmem>>[vector<16xi32>, vector<16xi32>], vector<16xf32>,
        %add3A_508 = arith.addf %add3A_501, %gather3A_507 : vector<16xf32>
        %mul3A_509 = arith.mulf %gather3A_507, %gather3A_507 : vector<16xf32>
        %add3A_510 = arith.addf %add3A_503, %mul3A_509 : vector<16xf32>
        %add3A_511 = arith.constant 1 : i32
        %add3A_512 = vector.broadcast %add3A_511 : i32 to vector<16xi32>
        %add3A_513 = arith.addi %add3A_506, %add3A_512 : vector<16xi32>
        %gather3A_514 = tpu.vector_load_idx %arg10[%add3A_406, %add3A_513] : memref<128x128xf32, #tpu.memory_space<vmem>>[vector<16xi32>, vector<16xi32>], vector<16xf32>,
        %add3A_515 = arith.addf %add3A_508, %gather3A_514 : vector<16xf32>
        %mul3A_516 = arith.mulf %gather3A_514, %gather3A_514 : vector<16xf32>
        %add3A_517 = arith.addf %add3A_510, %mul3A_516 : vector<16xf32>
        %add3A_518 = arith.constant 1 : i32
        %add3A_519 = vector.broadcast %add3A_518 : i32 to vector<16xi32>
        %add3A_520 = arith.addi %add3A_513, %add3A_519 : vector<16xi32>
        %gather3A_521 = tpu.vector_load_idx %arg10[%add3A_406, %add3A_520] : memref<128x128xf32, #tpu.memory_space<vmem>>[vector<16xi32>, vector<16xi32>], vector<16xf32>,
        %add3A_522 = arith.addf %add3A_515, %gather3A_521 : vector<16xf32>
        %mul3A_523 = arith.mulf %gather3A_521, %gather3A_521 : vector<16xf32>
        %add3A_524 = arith.addf %add3A_517, %mul3A_523 : vector<16xf32>
        %add3A_525 = arith.constant 1 : i32
        %add3A_526 = vector.broadcast %add3A_525 : i32 to vector<16xi32>
        %add3A_527 = arith.addi %add3A_520, %add3A_526 : vector<16xi32>
        %gather3A_528 = tpu.vector_load_idx %arg10[%add3A_406, %add3A_527] : memref<128x128xf32, #tpu.memory_space<vmem>>[vector<16xi32>, vector<16xi32>], vector<16xf32>,
        %add3A_529 = arith.addf %add3A_522, %gather3A_528 : vector<16xf32>
        %mul3A_530 = arith.mulf %gather3A_528, %gather3A_528 : vector<16xf32>
        %add3A_531 = arith.addf %add3A_524, %mul3A_530 : vector<16xf32>
        %add3A_532 = arith.constant 1 : i32
        %add3A_533 = vector.broadcast %add3A_532 : i32 to vector<16xi32>
        %add3A_534 = arith.addi %add3A_527, %add3A_533 : vector<16xi32>
        %gather3A_535 = tpu.vector_load_idx %arg10[%add3A_406, %add3A_534] : memref<128x128xf32, #tpu.memory_space<vmem>>[vector<16xi32>, vector<16xi32>], vector<16xf32>,
        %add3A_536 = arith.addf %add3A_529, %gather3A_535 : vector<16xf32>
        %mul3A_537 = arith.mulf %gather3A_535, %gather3A_535 : vector<16xf32>
        %add3A_538 = arith.addf %add3A_531, %mul3A_537 : vector<16xf32>
        %add3A_539 = arith.constant 1 : i32
        %add3A_540 = vector.broadcast %add3A_539 : i32 to vector<16xi32>
        %add3A_541 = arith.addi %add3A_534, %add3A_540 : vector<16xi32>
        %gather3A_542 = tpu.vector_load_idx %arg10[%add3A_406, %add3A_541] : memref<128x128xf32, #tpu.memory_space<vmem>>[vector<16xi32>, vector<16xi32>], vector<16xf32>,
        %add3A_543 = arith.addf %add3A_536, %gather3A_542 : vector<16xf32>
        %mul3A_544 = arith.mulf %gather3A_542, %gather3A_542 : vector<16xf32>
        %add3A_545 = arith.addf %add3A_538, %mul3A_544 : vector<16xf32>
        %add3A_546 = arith.constant 1 : i32
        %add3A_547 = vector.broadcast %add3A_546 : i32 to vector<16xi32>
        %add3A_548 = arith.addi %add3A_541, %add3A_547 : vector<16xi32>
        %gather3A_549 = tpu.vector_load_idx %arg10[%add3A_406, %add3A_548] : memref<128x128xf32, #tpu.memory_space<vmem>>[vector<16xi32>, vector<16xi32>], vector<16xf32>,
        %add3A_550 = arith.addf %add3A_543, %gather3A_549 : vector<16xf32>
        %mul3A_551 = arith.mulf %gather3A_549, %gather3A_549 : vector<16xf32>
        %add3A_552 = arith.addf %add3A_545, %mul3A_551 : vector<16xf32>
        %add3A_553 = arith.constant 1 : i32
        %add3A_554 = vector.broadcast %add3A_553 : i32 to vector<16xi32>
        %add3A_555 = arith.addi %add3A_548, %add3A_554 : vector<16xi32>
        %gather3A_556 = tpu.vector_load_idx %arg10[%add3A_406, %add3A_555] : memref<128x128xf32, #tpu.memory_space<vmem>>[vector<16xi32>, vector<16xi32>], vector<16xf32>,
        %add3A_557 = arith.addf %add3A_550, %gather3A_556 : vector<16xf32>
        %mul3A_558 = arith.mulf %gather3A_556, %gather3A_556 : vector<16xf32>
        %add3A_559 = arith.addf %add3A_552, %mul3A_558 : vector<16xf32>
        %add3A_560 = arith.constant 1 : i32
        %add3A_561 = vector.broadcast %add3A_560 : i32 to vector<16xi32>
        %add3A_562 = arith.addi %add3A_555, %add3A_561 : vector<16xi32>
        %gather3A_563 = tpu.vector_load_idx %arg10[%add3A_406, %add3A_562] : memref<128x128xf32, #tpu.memory_space<vmem>>[vector<16xi32>, vector<16xi32>], vector<16xf32>,
        %add3A_564 = arith.addf %add3A_557, %gather3A_563 : vector<16xf32>
        %mul3A_565 = arith.mulf %gather3A_563, %gather3A_563 : vector<16xf32>
        %add3A_566 = arith.addf %add3A_559, %mul3A_565 : vector<16xf32>
        %add3A_567 = arith.constant 1 : i32
        %add3A_568 = vector.broadcast %add3A_567 : i32 to vector<16xi32>
        %add3A_569 = arith.addi %add3A_562, %add3A_568 : vector<16xi32>
        %gather3A_570 = tpu.vector_load_idx %arg10[%add3A_406, %add3A_569] : memref<128x128xf32, #tpu.memory_space<vmem>>[vector<16xi32>, vector<16xi32>], vector<16xf32>,
        %add3A_571 = arith.addf %add3A_564, %gather3A_570 : vector<16xf32>
        %mul3A_572 = arith.mulf %gather3A_570, %gather3A_570 : vector<16xf32>
        %add3A_573 = arith.addf %add3A_566, %mul3A_572 : vector<16xf32>
        %add3A_574 = arith.constant 1 : i32
        %add3A_575 = vector.broadcast %add3A_574 : i32 to vector<16xi32>
        %add3A_576 = arith.addi %add3A_569, %add3A_575 : vector<16xi32>
        %gather3A_577 = tpu.vector_load_idx %arg10[%add3A_406, %add3A_576] : memref<128x128xf32, #tpu.memory_space<vmem>>[vector<16xi32>, vector<16xi32>], vector<16xf32>,
        %add3A_578 = arith.addf %add3A_571, %gather3A_577 : vector<16xf32>
        %mul3A_579 = arith.mulf %gather3A_577, %gather3A_577 : vector<16xf32>
        %add3A_580 = arith.addf %add3A_573, %mul3A_579 : vector<16xf32>
        %add3A_581 = arith.constant 1 : i32
        %add3A_582 = vector.broadcast %add3A_581 : i32 to vector<16xi32>
        %add3A_583 = arith.addi %add3A_576, %add3A_582 : vector<16xi32>
        %gather3A_584 = tpu.vector_load_idx %arg10[%add3A_406, %add3A_583] : memref<128x128xf32, #tpu.memory_space<vmem>>[vector<16xi32>, vector<16xi32>], vector<16xf32>,
        %add3A_585 = arith.addf %add3A_578, %gather3A_584 : vector<16xf32>
        %mul3A_586 = arith.mulf %gather3A_584, %gather3A_584 : vector<16xf32>
        %add3A_587 = arith.addf %add3A_580, %mul3A_586 : vector<16xf32>
        %add3A_588 = arith.constant 1 : i32
        %add3A_589 = vector.broadcast %add3A_588 : i32 to vector<16xi32>
        %add3A_590 = arith.addi %add3A_583, %add3A_589 : vector<16xi32>
        %gather3A_591 = tpu.vector_load_idx %arg10[%add3A_406, %add3A_590] : memref<128x128xf32, #tpu.memory_space<vmem>>[vector<16xi32>, vector<16xi32>], vector<16xf32>,
        %add3A_592 = arith.addf %add3A_585, %gather3A_591 : vector<16xf32>
        %mul3A_593 = arith.mulf %gather3A_591, %gather3A_591 : vector<16xf32>
        %add3A_594 = arith.addf %add3A_587, %mul3A_593 : vector<16xf32>
        %add3A_595 = arith.constant 1 : i32
        %add3A_596 = vector.broadcast %add3A_595 : i32 to vector<16xi32>
        %add3A_597 = arith.addi %add3A_590, %add3A_596 : vector<16xi32>
        %gather3A_598 = tpu.vector_load_idx %arg10[%add3A_406, %add3A_597] : memref<128x128xf32, #tpu.memory_space<vmem>>[vector<16xi32>, vector<16xi32>], vector<16xf32>,
        %add3A_599 = arith.addf %add3A_592, %gather3A_598 : vector<16xf32>
        %mul3A_600 = arith.mulf %gather3A_598, %gather3A_598 : vector<16xf32>
        %add3A_601 = arith.addf %add3A_594, %mul3A_600 : vector<16xf32>
        %add3A_602 = arith.constant 1 : i32
        %add3A_603 = vector.broadcast %add3A_602 : i32 to vector<16xi32>
        %add3A_604 = arith.addi %add3A_597, %add3A_603 : vector<16xi32>
        %gather3A_605 = tpu.vector_load_idx %arg10[%add3A_406, %add3A_604] : memref<128x128xf32, #tpu.memory_space<vmem>>[vector<16xi32>, vector<16xi32>], vector<16xf32>,
        %add3A_606 = arith.addf %add3A_599, %gather3A_605 : vector<16xf32>
        %mul3A_607 = arith.mulf %gather3A_605, %gather3A_605 : vector<16xf32>
        %add3A_608 = arith.addf %add3A_601, %mul3A_607 : vector<16xf32>
        %add3A_609 = arith.constant 1 : i32
        %add3A_610 = vector.broadcast %add3A_609 : i32 to vector<16xi32>
        %add3A_611 = arith.addi %add3A_604, %add3A_610 : vector<16xi32>
        %gather3A_612 = tpu.vector_load_idx %arg10[%add3A_406, %add3A_611] : memref<128x128xf32, #tpu.memory_space<vmem>>[vector<16xi32>, vector<16xi32>], vector<16xf32>,
        %add3A_613 = arith.addf %add3A_606, %gather3A_612 : vector<16xf32>
        %mul3A_614 = arith.mulf %gather3A_612, %gather3A_612 : vector<16xf32>
        %add3A_615 = arith.addf %add3A_608, %mul3A_614 : vector<16xf32>
        %add3A_616 = arith.constant 1 : i32
        %add3A_617 = vector.broadcast %add3A_616 : i32 to vector<16xi32>
        %add3A_618 = arith.addi %add3A_611, %add3A_617 : vector<16xi32>
        %gather3A_619 = tpu.vector_load_idx %arg10[%add3A_406, %add3A_618] : memref<128x128xf32, #tpu.memory_space<vmem>>[vector<16xi32>, vector<16xi32>], vector<16xf32>,
        %add3A_620 = arith.addf %add3A_613, %gather3A_619 : vector<16xf32>
        %mul3A_621 = arith.mulf %gather3A_619, %gather3A_619 : vector<16xf32>
        %add3A_622 = arith.addf %add3A_615, %mul3A_621 : vector<16xf32>
        %add3A_623 = arith.constant 1 : i32
        %add3A_624 = vector.broadcast %add3A_623 : i32 to vector<16xi32>
        %add3A_625 = arith.addi %add3A_618, %add3A_624 : vector<16xi32>
        %gather3A_626 = tpu.vector_load_idx %arg10[%add3A_406, %add3A_625] : memref<128x128xf32, #tpu.memory_space<vmem>>[vector<16xi32>, vector<16xi32>], vector<16xf32>,
        %add3A_627 = arith.addf %add3A_620, %gather3A_626 : vector<16xf32>
        %mul3A_628 = arith.mulf %gather3A_626, %gather3A_626 : vector<16xf32>
        %add3A_629 = arith.addf %add3A_622, %mul3A_628 : vector<16xf32>
        %add3A_630 = arith.constant 1 : i32
        %add3A_631 = vector.broadcast %add3A_630 : i32 to vector<16xi32>
        %add3A_632 = arith.addi %add3A_625, %add3A_631 : vector<16xi32>
        %gather3A_633 = tpu.vector_load_idx %arg10[%add3A_406, %add3A_632] : memref<128x128xf32, #tpu.memory_space<vmem>>[vector<16xi32>, vector<16xi32>], vector<16xf32>,
        %add3A_634 = arith.addf %add3A_627, %gather3A_633 : vector<16xf32>
        %mul3A_635 = arith.mulf %gather3A_633, %gather3A_633 : vector<16xf32>
        %add3A_636 = arith.addf %add3A_629, %mul3A_635 : vector<16xf32>
        %add3A_637 = arith.constant 1 : i32
        %add3A_638 = vector.broadcast %add3A_637 : i32 to vector<16xi32>
        %add3A_639 = arith.addi %add3A_632, %add3A_638 : vector<16xi32>
        %gather3A_640 = tpu.vector_load_idx %arg10[%add3A_406, %add3A_639] : memref<128x128xf32, #tpu.memory_space<vmem>>[vector<16xi32>, vector<16xi32>], vector<16xf32>,
        %add3A_641 = arith.addf %add3A_634, %gather3A_640 : vector<16xf32>
        %mul3A_642 = arith.mulf %gather3A_640, %gather3A_640 : vector<16xf32>
        %add3A_643 = arith.addf %add3A_636, %mul3A_642 : vector<16xf32>
        %add3A_644 = arith.constant 1 : i32
        %add3A_645 = vector.broadcast %add3A_644 : i32 to vector<16xi32>
        %add3A_646 = arith.addi %add3A_639, %add3A_645 : vector<16xi32>
        %gather3A_647 = tpu.vector_load_idx %arg10[%add3A_406, %add3A_646] : memref<128x128xf32, #tpu.memory_space<vmem>>[vector<16xi32>, vector<16xi32>], vector<16xf32>,
        %add3A_648 = arith.addf %add3A_641, %gather3A_647 : vector<16xf32>
        %mul3A_649 = arith.mulf %gather3A_647, %gather3A_647 : vector<16xf32>
        %add3A_650 = arith.addf %add3A_643, %mul3A_649 : vector<16xf32>
        %add3A_651 = arith.constant 1 : i32
        %add3A_652 = vector.broadcast %add3A_651 : i32 to vector<16xi32>
        %add3A_653 = arith.addi %add3A_646, %add3A_652 : vector<16xi32>
        %gather3A_654 = tpu.vector_load_idx %arg10[%add3A_406, %add3A_653] : memref<128x128xf32, #tpu.memory_space<vmem>>[vector<16xi32>, vector<16xi32>], vector<16xf32>,
        %add3A_655 = arith.addf %add3A_648, %gather3A_654 : vector<16xf32>
        %mul3A_656 = arith.mulf %gather3A_654, %gather3A_654 : vector<16xf32>
        %add3A_657 = arith.addf %add3A_650, %mul3A_656 : vector<16xf32>
        %add3A_658 = arith.constant 1 : i32
        %add3A_659 = vector.broadcast %add3A_658 : i32 to vector<16xi32>
        %add3A_660 = arith.addi %add3A_653, %add3A_659 : vector<16xi32>
        %gather3A_661 = tpu.vector_load_idx %arg10[%add3A_406, %add3A_660] : memref<128x128xf32, #tpu.memory_space<vmem>>[vector<16xi32>, vector<16xi32>], vector<16xf32>,
        %add3A_662 = arith.addf %add3A_655, %gather3A_661 : vector<16xf32>
        %mul3A_663 = arith.mulf %gather3A_661, %gather3A_661 : vector<16xf32>
        %add3A_664 = arith.addf %add3A_657, %mul3A_663 : vector<16xf32>
        %add3A_665 = arith.constant 1 : i32
        %add3A_666 = vector.broadcast %add3A_665 : i32 to vector<16xi32>
        %add3A_667 = arith.addi %add3A_660, %add3A_666 : vector<16xi32>
        %gather3A_668 = tpu.vector_load_idx %arg10[%add3A_406, %add3A_667] : memref<128x128xf32, #tpu.memory_space<vmem>>[vector<16xi32>, vector<16xi32>], vector<16xf32>,
        %add3A_669 = arith.addf %add3A_662, %gather3A_668 : vector<16xf32>
        %mul3A_670 = arith.mulf %gather3A_668, %gather3A_668 : vector<16xf32>
        %add3A_671 = arith.addf %add3A_664, %mul3A_670 : vector<16xf32>
        %add3A_672 = arith.constant 1 : i32
        %add3A_673 = vector.broadcast %add3A_672 : i32 to vector<16xi32>
        %add3A_674 = arith.addi %add3A_667, %add3A_673 : vector<16xi32>
        %gather3A_675 = tpu.vector_load_idx %arg10[%add3A_406, %add3A_674] : memref<128x128xf32, #tpu.memory_space<vmem>>[vector<16xi32>, vector<16xi32>], vector<16xf32>,
        %add3A_676 = arith.addf %add3A_669, %gather3A_675 : vector<16xf32>
        %mul3A_677 = arith.mulf %gather3A_675, %gather3A_675 : vector<16xf32>
        %add3A_678 = arith.addf %add3A_671, %mul3A_677 : vector<16xf32>
        %add3A_679 = arith.constant 1 : i32
        %add3A_680 = vector.broadcast %add3A_679 : i32 to vector<16xi32>
        %add3A_681 = arith.addi %add3A_674, %add3A_680 : vector<16xi32>
        %gather3A_682 = tpu.vector_load_idx %arg10[%add3A_406, %add3A_681] : memref<128x128xf32, #tpu.memory_space<vmem>>[vector<16xi32>, vector<16xi32>], vector<16xf32>,
        %add3A_683 = arith.addf %add3A_676, %gather3A_682 : vector<16xf32>
        %mul3A_684 = arith.mulf %gather3A_682, %gather3A_682 : vector<16xf32>
        %add3A_685 = arith.addf %add3A_678, %mul3A_684 : vector<16xf32>
        %add3A_686 = arith.constant 1 : i32
        %add3A_687 = vector.broadcast %add3A_686 : i32 to vector<16xi32>
        %add3A_688 = arith.addi %add3A_681, %add3A_687 : vector<16xi32>
        %gather3A_689 = tpu.vector_load_idx %arg10[%add3A_406, %add3A_688] : memref<128x128xf32, #tpu.memory_space<vmem>>[vector<16xi32>, vector<16xi32>], vector<16xf32>,
        %add3A_690 = arith.addf %add3A_683, %gather3A_689 : vector<16xf32>
        %mul3A_691 = arith.mulf %gather3A_689, %gather3A_689 : vector<16xf32>
        %add3A_692 = arith.addf %add3A_685, %mul3A_691 : vector<16xf32>
        %add3A_693 = arith.constant 1 : i32
        %add3A_694 = vector.broadcast %add3A_693 : i32 to vector<16xi32>
        %add3A_695 = arith.addi %add3A_688, %add3A_694 : vector<16xi32>
        %gather3A_696 = tpu.vector_load_idx %arg10[%add3A_406, %add3A_695] : memref<128x128xf32, #tpu.memory_space<vmem>>[vector<16xi32>, vector<16xi32>], vector<16xf32>,
        %add3A_697 = arith.addf %add3A_690, %gather3A_696 : vector<16xf32>
        %mul3A_698 = arith.mulf %gather3A_696, %gather3A_696 : vector<16xf32>
        %add3A_699 = arith.addf %add3A_692, %mul3A_698 : vector<16xf32>
        %add3A_700 = arith.constant 1 : i32
        %add3A_701 = vector.broadcast %add3A_700 : i32 to vector<16xi32>
        %add3A_702 = arith.addi %add3A_695, %add3A_701 : vector<16xi32>
        %gather3A_703 = tpu.vector_load_idx %arg10[%add3A_406, %add3A_702] : memref<128x128xf32, #tpu.memory_space<vmem>>[vector<16xi32>, vector<16xi32>], vector<16xf32>,
        %add3A_704 = arith.addf %add3A_697, %gather3A_703 : vector<16xf32>
        %mul3A_705 = arith.mulf %gather3A_703, %gather3A_703 : vector<16xf32>
        %add3A_706 = arith.addf %add3A_699, %mul3A_705 : vector<16xf32>
        %add3A_707 = arith.constant 1 : i32
        %add3A_708 = vector.broadcast %add3A_707 : i32 to vector<16xi32>
        %add3A_709 = arith.addi %add3A_702, %add3A_708 : vector<16xi32>
        %gather3A_710 = tpu.vector_load_idx %arg10[%add3A_406, %add3A_709] : memref<128x128xf32, #tpu.memory_space<vmem>>[vector<16xi32>, vector<16xi32>], vector<16xf32>,
        %add3A_711 = arith.addf %add3A_704, %gather3A_710 : vector<16xf32>
        %mul3A_712 = arith.mulf %gather3A_710, %gather3A_710 : vector<16xf32>
        %add3A_713 = arith.addf %add3A_706, %mul3A_712 : vector<16xf32>
        %add3A_714 = arith.constant 1 : i32
        %add3A_715 = vector.broadcast %add3A_714 : i32 to vector<16xi32>
        %add3A_716 = arith.addi %add3A_709, %add3A_715 : vector<16xi32>
        %gather3A_717 = tpu.vector_load_idx %arg10[%add3A_406, %add3A_716] : memref<128x128xf32, #tpu.memory_space<vmem>>[vector<16xi32>, vector<16xi32>], vector<16xf32>,
        %add3A_718 = arith.addf %add3A_711, %gather3A_717 : vector<16xf32>
        %mul3A_719 = arith.mulf %gather3A_717, %gather3A_717 : vector<16xf32>
        %add3A_720 = arith.addf %add3A_713, %mul3A_719 : vector<16xf32>
        %add3A_721 = arith.constant 1 : i32
        %add3A_722 = vector.broadcast %add3A_721 : i32 to vector<16xi32>
        %add3A_723 = arith.addi %add3A_716, %add3A_722 : vector<16xi32>
        %gather3A_724 = tpu.vector_load_idx %arg10[%add3A_406, %add3A_723] : memref<128x128xf32, #tpu.memory_space<vmem>>[vector<16xi32>, vector<16xi32>], vector<16xf32>,
        %add3A_725 = arith.addf %add3A_718, %gather3A_724 : vector<16xf32>
        %mul3A_726 = arith.mulf %gather3A_724, %gather3A_724 : vector<16xf32>
        %add3A_727 = arith.addf %add3A_720, %mul3A_726 : vector<16xf32>
        %add3A_728 = arith.constant 1 : i32
        %add3A_729 = vector.broadcast %add3A_728 : i32 to vector<16xi32>
        %add3A_730 = arith.addi %add3A_723, %add3A_729 : vector<16xi32>
        %gather3A_731 = tpu.vector_load_idx %arg10[%add3A_406, %add3A_730] : memref<128x128xf32, #tpu.memory_space<vmem>>[vector<16xi32>, vector<16xi32>], vector<16xf32>,
        %add3A_732 = arith.addf %add3A_725, %gather3A_731 : vector<16xf32>
        %mul3A_733 = arith.mulf %gather3A_731, %gather3A_731 : vector<16xf32>
        %add3A_734 = arith.addf %add3A_727, %mul3A_733 : vector<16xf32>
        %add3A_735 = arith.constant 1 : i32
        %add3A_736 = vector.broadcast %add3A_735 : i32 to vector<16xi32>
        %add3A_737 = arith.addi %add3A_730, %add3A_736 : vector<16xi32>
        %gather3A_738 = tpu.vector_load_idx %arg10[%add3A_406, %add3A_737] : memref<128x128xf32, #tpu.memory_space<vmem>>[vector<16xi32>, vector<16xi32>], vector<16xf32>,
        %add3A_739 = arith.addf %add3A_732, %gather3A_738 : vector<16xf32>
        %mul3A_740 = arith.mulf %gather3A_738, %gather3A_738 : vector<16xf32>
        %add3A_741 = arith.addf %add3A_734, %mul3A_740 : vector<16xf32>
        %add3A_742 = arith.constant 1 : i32
        %add3A_743 = vector.broadcast %add3A_742 : i32 to vector<16xi32>
        %add3A_744 = arith.addi %add3A_737, %add3A_743 : vector<16xi32>
        %gather3A_745 = tpu.vector_load_idx %arg10[%add3A_406, %add3A_744] : memref<128x128xf32, #tpu.memory_space<vmem>>[vector<16xi32>, vector<16xi32>], vector<16xf32>,
        %add3A_746 = arith.addf %add3A_739, %gather3A_745 : vector<16xf32>
        %mul3A_747 = arith.mulf %gather3A_745, %gather3A_745 : vector<16xf32>
        %add3A_748 = arith.addf %add3A_741, %mul3A_747 : vector<16xf32>
        %add3A_749 = arith.constant 1 : i32
        %add3A_750 = vector.broadcast %add3A_749 : i32 to vector<16xi32>
        %add3A_751 = arith.addi %add3A_744, %add3A_750 : vector<16xi32>
        %gather3A_752 = tpu.vector_load_idx %arg10[%add3A_406, %add3A_751] : memref<128x128xf32, #tpu.memory_space<vmem>>[vector<16xi32>, vector<16xi32>], vector<16xf32>,
        %add3A_753 = arith.addf %add3A_746, %gather3A_752 : vector<16xf32>
        %mul3A_754 = arith.mulf %gather3A_752, %gather3A_752 : vector<16xf32>
        %add3A_755 = arith.addf %add3A_748, %mul3A_754 : vector<16xf32>
        %add3A_756 = arith.constant 1 : i32
        %add3A_757 = vector.broadcast %add3A_756 : i32 to vector<16xi32>
        %add3A_758 = arith.addi %add3A_751, %add3A_757 : vector<16xi32>
        %gather3A_759 = tpu.vector_load_idx %arg10[%add3A_406, %add3A_758] : memref<128x128xf32, #tpu.memory_space<vmem>>[vector<16xi32>, vector<16xi32>], vector<16xf32>,
        %add3A_760 = arith.addf %add3A_753, %gather3A_759 : vector<16xf32>
        %mul3A_761 = arith.mulf %gather3A_759, %gather3A_759 : vector<16xf32>
        %add3A_762 = arith.addf %add3A_755, %mul3A_761 : vector<16xf32>
        %add3A_763 = arith.constant 1 : i32
        %add3A_764 = vector.broadcast %add3A_763 : i32 to vector<16xi32>
        %add3A_765 = arith.addi %add3A_758, %add3A_764 : vector<16xi32>
        %gather3A_766 = tpu.vector_load_idx %arg10[%add3A_406, %add3A_765] : memref<128x128xf32, #tpu.memory_space<vmem>>[vector<16xi32>, vector<16xi32>], vector<16xf32>,
        %add3A_767 = arith.addf %add3A_760, %gather3A_766 : vector<16xf32>
        %mul3A_768 = arith.mulf %gather3A_766, %gather3A_766 : vector<16xf32>
        %add3A_769 = arith.addf %add3A_762, %mul3A_768 : vector<16xf32>
        %add3A_770 = arith.constant 1 : i32
        %add3A_771 = vector.broadcast %add3A_770 : i32 to vector<16xi32>
        %add3A_772 = arith.addi %add3A_765, %add3A_771 : vector<16xi32>
        %gather3A_773 = tpu.vector_load_idx %arg10[%add3A_406, %add3A_772] : memref<128x128xf32, #tpu.memory_space<vmem>>[vector<16xi32>, vector<16xi32>], vector<16xf32>,
        %add3A_774 = arith.addf %add3A_767, %gather3A_773 : vector<16xf32>
        %mul3A_775 = arith.mulf %gather3A_773, %gather3A_773 : vector<16xf32>
        %add3A_776 = arith.addf %add3A_769, %mul3A_775 : vector<16xf32>
        %add3A_777 = arith.constant 1 : i32
        %add3A_778 = vector.broadcast %add3A_777 : i32 to vector<16xi32>
        %add3A_779 = arith.addi %add3A_772, %add3A_778 : vector<16xi32>
        %gather3A_780 = tpu.vector_load_idx %arg10[%add3A_406, %add3A_779] : memref<128x128xf32, #tpu.memory_space<vmem>>[vector<16xi32>, vector<16xi32>], vector<16xf32>,
        %add3A_781 = arith.addf %add3A_774, %gather3A_780 : vector<16xf32>
        %mul3A_782 = arith.mulf %gather3A_780, %gather3A_780 : vector<16xf32>
        %add3A_783 = arith.addf %add3A_776, %mul3A_782 : vector<16xf32>
        %add3A_784 = arith.constant 1 : i32
        %add3A_785 = vector.broadcast %add3A_784 : i32 to vector<16xi32>
        %add3A_786 = arith.addi %add3A_779, %add3A_785 : vector<16xi32>
        %gather3A_787 = tpu.vector_load_idx %arg10[%add3A_406, %add3A_786] : memref<128x128xf32, #tpu.memory_space<vmem>>[vector<16xi32>, vector<16xi32>], vector<16xf32>,
        %add3A_788 = arith.addf %add3A_781, %gather3A_787 : vector<16xf32>
        %mul3A_789 = arith.mulf %gather3A_787, %gather3A_787 : vector<16xf32>
        %add3A_790 = arith.addf %add3A_783, %mul3A_789 : vector<16xf32>
        %add3A_791 = arith.constant 1 : i32
        %add3A_792 = vector.broadcast %add3A_791 : i32 to vector<16xi32>
        %add3A_793 = arith.addi %add3A_786, %add3A_792 : vector<16xi32>
        %gather3A_794 = tpu.vector_load_idx %arg10[%add3A_406, %add3A_793] : memref<128x128xf32, #tpu.memory_space<vmem>>[vector<16xi32>, vector<16xi32>], vector<16xf32>,
        %add3A_795 = arith.addf %add3A_788, %gather3A_794 : vector<16xf32>
        %mul3A_796 = arith.mulf %gather3A_794, %gather3A_794 : vector<16xf32>
        %add3A_797 = arith.addf %add3A_790, %mul3A_796 : vector<16xf32>
        %add3A_798 = arith.constant 1 : i32
        %add3A_799 = vector.broadcast %add3A_798 : i32 to vector<16xi32>
        %add3A_800 = arith.addi %add3A_793, %add3A_799 : vector<16xi32>
        %gather3A_801 = tpu.vector_load_idx %arg10[%add3A_406, %add3A_800] : memref<128x128xf32, #tpu.memory_space<vmem>>[vector<16xi32>, vector<16xi32>], vector<16xf32>,
        %add3A_802 = arith.addf %add3A_795, %gather3A_801 : vector<16xf32>
        %mul3A_803 = arith.mulf %gather3A_801, %gather3A_801 : vector<16xf32>
        %add3A_804 = arith.addf %add3A_797, %mul3A_803 : vector<16xf32>
        %add3A_805 = arith.constant 1 : i32
        %add3A_806 = vector.broadcast %add3A_805 : i32 to vector<16xi32>
        %add3A_807 = arith.addi %add3A_800, %add3A_806 : vector<16xi32>
        %gather3A_808 = tpu.vector_load_idx %arg10[%add3A_406, %add3A_807] : memref<128x128xf32, #tpu.memory_space<vmem>>[vector<16xi32>, vector<16xi32>], vector<16xf32>,
        %add3A_809 = arith.addf %add3A_802, %gather3A_808 : vector<16xf32>
        %mul3A_810 = arith.mulf %gather3A_808, %gather3A_808 : vector<16xf32>
        %add3A_811 = arith.addf %add3A_804, %mul3A_810 : vector<16xf32>
        %add3A_812 = arith.constant 1 : i32
        %add3A_813 = vector.broadcast %add3A_812 : i32 to vector<16xi32>
        %add3A_814 = arith.addi %add3A_807, %add3A_813 : vector<16xi32>
        %gather3A_815 = tpu.vector_load_idx %arg10[%add3A_406, %add3A_814] : memref<128x128xf32, #tpu.memory_space<vmem>>[vector<16xi32>, vector<16xi32>], vector<16xf32>,
        %add3A_816 = arith.addf %add3A_809, %gather3A_815 : vector<16xf32>
        %mul3A_817 = arith.mulf %gather3A_815, %gather3A_815 : vector<16xf32>
        %add3A_818 = arith.addf %add3A_811, %mul3A_817 : vector<16xf32>
        %add3A_819 = arith.constant 1 : i32
        %add3A_820 = vector.broadcast %add3A_819 : i32 to vector<16xi32>
        %add3A_821 = arith.addi %add3A_814, %add3A_820 : vector<16xi32>
        %gather3A_822 = tpu.vector_load_idx %arg10[%add3A_406, %add3A_821] : memref<128x128xf32, #tpu.memory_space<vmem>>[vector<16xi32>, vector<16xi32>], vector<16xf32>,
        %add3A_823 = arith.addf %add3A_816, %gather3A_822 : vector<16xf32>
        %mul3A_824 = arith.mulf %gather3A_822, %gather3A_822 : vector<16xf32>
        %add3A_825 = arith.addf %add3A_818, %mul3A_824 : vector<16xf32>
        %add3A_826 = arith.constant 1 : i32
        %add3A_827 = vector.broadcast %add3A_826 : i32 to vector<16xi32>
        %add3A_828 = arith.addi %add3A_821, %add3A_827 : vector<16xi32>
        %gather3A_829 = tpu.vector_load_idx %arg10[%add3A_406, %add3A_828] : memref<128x128xf32, #tpu.memory_space<vmem>>[vector<16xi32>, vector<16xi32>], vector<16xf32>,
        %add3A_830 = arith.addf %add3A_823, %gather3A_829 : vector<16xf32>
        %mul3A_831 = arith.mulf %gather3A_829, %gather3A_829 : vector<16xf32>
        %add3A_832 = arith.addf %add3A_825, %mul3A_831 : vector<16xf32>
        %add3A_833 = arith.constant 1 : i32
        %add3A_834 = vector.broadcast %add3A_833 : i32 to vector<16xi32>
        %add3A_835 = arith.addi %add3A_828, %add3A_834 : vector<16xi32>
        %gather3A_836 = tpu.vector_load_idx %arg10[%add3A_406, %add3A_835] : memref<128x128xf32, #tpu.memory_space<vmem>>[vector<16xi32>, vector<16xi32>], vector<16xf32>,
        %add3A_837 = arith.addf %add3A_830, %gather3A_836 : vector<16xf32>
        %mul3A_838 = arith.mulf %gather3A_836, %gather3A_836 : vector<16xf32>
        %add3A_839 = arith.addf %add3A_832, %mul3A_838 : vector<16xf32>
        %add3A_840 = arith.constant 1 : i32
        %add3A_841 = vector.broadcast %add3A_840 : i32 to vector<16xi32>
        %add3A_842 = arith.addi %add3A_835, %add3A_841 : vector<16xi32>
        %gather3A_843 = tpu.vector_load_idx %arg10[%add3A_406, %add3A_842] : memref<128x128xf32, #tpu.memory_space<vmem>>[vector<16xi32>, vector<16xi32>], vector<16xf32>,
        %add3A_844 = arith.addf %add3A_837, %gather3A_843 : vector<16xf32>
        %mul3A_845 = arith.mulf %gather3A_843, %gather3A_843 : vector<16xf32>
        %add3A_846 = arith.addf %add3A_839, %mul3A_845 : vector<16xf32>
        %add3A_847 = arith.constant 1 : i32
        %add3A_848 = vector.broadcast %add3A_847 : i32 to vector<16xi32>
        %add3A_849 = arith.addi %add3A_842, %add3A_848 : vector<16xi32>
        %gather3A_850 = tpu.vector_load_idx %arg10[%add3A_406, %add3A_849] : memref<128x128xf32, #tpu.memory_space<vmem>>[vector<16xi32>, vector<16xi32>], vector<16xf32>,
        %add3A_851 = arith.addf %add3A_844, %gather3A_850 : vector<16xf32>
        %mul3A_852 = arith.mulf %gather3A_850, %gather3A_850 : vector<16xf32>
        %add3A_853 = arith.addf %add3A_846, %mul3A_852 : vector<16xf32>
        %add3A_854 = arith.constant 1 : i32
        %add3A_855 = vector.broadcast %add3A_854 : i32 to vector<16xi32>
        %add3A_856 = arith.addi %add3A_849, %add3A_855 : vector<16xi32>
        %mul3A_857 = arith.constant 1.562500e-02 : f32
        %mul3A_858 = vector.broadcast %mul3A_857 : f32 to vector<16xf32>
        %mul3A_859 = arith.mulf %add3A_851, %mul3A_858 : vector<16xf32>
        %mul3A_860 = arith.constant 1.562500e-02 : f32
        %mul3A_861 = vector.broadcast %mul3A_860 : f32 to vector<16xf32>
        %mul3A_862 = arith.mulf %add3A_853, %mul3A_861 : vector<16xf32>
        %mul3A_863 = arith.mulf %mul3A_859, %mul3A_859 : vector<16xf32>
        %sub3A = arith.subf %mul3A_862, %mul3A_863 : vector<16xf32>
        %add3A_864 = arith.constant 9.99999974E-6 : f32
        %add3A_865 = vector.broadcast %add3A_864 : f32 to vector<16xf32>
        %add3A_866 = arith.addf %sub3A, %add3A_865 : vector<16xf32>
        %bitcast_convert_type3A = tpu.bitcast %add3A_866 : vector<16xf32> -> vector<16xi32>
        %shift_right_logical3A = arith.constant 1 : i32
        %shift_right_logical3A_867 = vector.broadcast %shift_right_logical3A : i32 to vector<16xi32>
        %shift_right_logical3A_868 = arith.shrui %bitcast_convert_type3A, %shift_right_logical3A_867 : vector<16xi32>
        %sub3A_869 = arith.constant 1597463007 : i32
        %sub3A_870 = vector.broadcast %sub3A_869 : i32 to vector<16xi32>
        %sub3A_871 = arith.subi %sub3A_870, %shift_right_logical3A_868 : vector<16xi32>
        %bitcast_convert_type3A_872 = tpu.bitcast %sub3A_871 : vector<16xi32> -> vector<16xf32>
        %mul3A_873 = arith.constant 5.000000e-01 : f32
        %mul3A_874 = vector.broadcast %mul3A_873 : f32 to vector<16xf32>
        %mul3A_875 = arith.mulf %mul3A_874, %add3A_866 : vector<16xf32>
        %mul3A_876 = arith.mulf %mul3A_875, %bitcast_convert_type3A_872 : vector<16xf32>
        %mul3A_877 = arith.mulf %mul3A_876, %bitcast_convert_type3A_872 : vector<16xf32>
        %sub3A_878 = arith.constant 1.500000e+00 : f32
        %sub3A_879 = vector.broadcast %sub3A_878 : f32 to vector<16xf32>
        %sub3A_880 = arith.subf %sub3A_879, %mul3A_877 : vector<16xf32>
        %mul3A_881 = arith.mulf %bitcast_convert_type3A_872, %sub3A_880 : vector<16xf32>
        %mul3A_882 = arith.mulf %mul3A_875, %mul3A_881 : vector<16xf32>
        %mul3A_883 = arith.mulf %mul3A_882, %mul3A_881 : vector<16xf32>
        %sub3A_884 = arith.constant 1.500000e+00 : f32
        %sub3A_885 = vector.broadcast %sub3A_884 : f32 to vector<16xf32>
        %sub3A_886 = arith.subf %sub3A_885, %mul3A_883 : vector<16xf32>
        %mul3A_887 = arith.mulf %mul3A_881, %sub3A_886 : vector<16xf32>
        %gather3A_888 = tpu.vector_load_idx %arg10[%add3A_406, %shift_left3A_402] : memref<128x128xf32, #tpu.memory_space<vmem>>[vector<16xi32>, vector<16xi32>], vector<16xf32>,
        %mul3A_889 = vector.broadcast %squeeze3A : f32 to vector<16xf32>
        %mul3A_890 = arith.mulf %mul3A_887, %mul3A_889 : vector<16xf32>
        %mul3A_891 = arith.mulf %mul3A_859, %mul3A_890 : vector<16xf32>
        %sub3A_892 = vector.broadcast %squeeze3A_151 : f32 to vector<16xf32>
        %sub3A_893 = arith.subf %sub3A_892, %mul3A_891 : vector<16xf32>
        %mul3A_894 = arith.mulf %gather3A_888, %mul3A_890 : vector<16xf32>
        %add3A_895 = arith.addf %mul3A_894, %sub3A_893 : vector<16xf32>
        %mul3A_896 = arith.constant 16 : i32
        %mul3A_897 = arith.muli %scan3A_392, %mul3A_896 : i32
        %swap3A = arith.constant 0 : i32
        %swap3A_898 = arith.constant 0 : i32
        %swap3A_899 = arith.index_cast %swap3A : i32 to index
        %swap3A_900 = arith.index_cast %swap3A_898 : i32 to index
        %swap3A_901 = arith.index_cast %mul3A_897 : i32 to index
        %swap3A_902 = tpu.vector_load %arg12[%swap3A_899, %swap3A_900, %swap3A_901] {strides = array<i32>} : memref<8x8x128xf32, #tpu.memory_space<vmem>>, vector<16xf32>,
        tpu.vector_store %arg12[%swap3A_899, %swap3A_900, %swap3A_901], %add3A_895 {strides = array<i32>} : memref<8x8x128xf32, #tpu.memory_space<vmem>>, vector<16xf32>,
        %add3A_903 = arith.constant 1 : i32
        %add3A_904 = vector.broadcast %add3A_903 : i32 to vector<16xi32>
        %add3A_905 = arith.addi %shift_left3A_402, %add3A_904 : vector<16xi32>
        %gather3A_906 = tpu.vector_load_idx %arg10[%add3A_406, %add3A_905] : memref<128x128xf32, #tpu.memory_space<vmem>>[vector<16xi32>, vector<16xi32>], vector<16xf32>,
        %mul3A_907 = vector.broadcast %squeeze3A_25 : f32 to vector<16xf32>
        %mul3A_908 = arith.mulf %mul3A_887, %mul3A_907 : vector<16xf32>
        %mul3A_909 = arith.mulf %mul3A_859, %mul3A_908 : vector<16xf32>
        %sub3A_910 = vector.broadcast %squeeze3A_153 : f32 to vector<16xf32>
        %sub3A_911 = arith.subf %sub3A_910, %mul3A_909 : vector<16xf32>
        %mul3A_912 = arith.mulf %gather3A_906, %mul3A_908 : vector<16xf32>
        %add3A_913 = arith.addf %mul3A_912, %sub3A_911 : vector<16xf32>
        %mul3A_914 = arith.constant 16 : i32
        %mul3A_915 = arith.muli %scan3A_392, %mul3A_914 : i32
        %swap3A_916 = arith.constant 0 : i32
        %swap3A_917 = arith.constant 1 : i32
        %swap3A_918 = arith.index_cast %swap3A_916 : i32 to index
        %swap3A_919 = arith.index_cast %swap3A_917 : i32 to index
        %swap3A_920 = arith.index_cast %mul3A_915 : i32 to index
        %swap3A_921 = tpu.vector_load %arg12[%swap3A_918, %swap3A_919, %swap3A_920] {strides = array<i32>} : memref<8x8x128xf32, #tpu.memory_space<vmem>>, vector<16xf32>,
        tpu.vector_store %arg12[%swap3A_918, %swap3A_919, %swap3A_920], %add3A_913 {strides = array<i32>} : memref<8x8x128xf32, #tpu.memory_space<vmem>>, vector<16xf32>,
        %add3A_922 = arith.constant 1 : i32
        %add3A_923 = vector.broadcast %add3A_922 : i32 to vector<16xi32>
        %add3A_924 = arith.addi %add3A_905, %add3A_923 : vector<16xi32>
        %gather3A_925 = tpu.vector_load_idx %arg10[%add3A_406, %add3A_924] : memref<128x128xf32, #tpu.memory_space<vmem>>[vector<16xi32>, vector<16xi32>], vector<16xf32>,
        %mul3A_926 = vector.broadcast %squeeze3A_27 : f32 to vector<16xf32>
        %mul3A_927 = arith.mulf %mul3A_887, %mul3A_926 : vector<16xf32>
        %mul3A_928 = arith.mulf %mul3A_859, %mul3A_927 : vector<16xf32>
        %sub3A_929 = vector.broadcast %squeeze3A_155 : f32 to vector<16xf32>
        %sub3A_930 = arith.subf %sub3A_929, %mul3A_928 : vector<16xf32>
        %mul3A_931 = arith.mulf %gather3A_925, %mul3A_927 : vector<16xf32>
        %add3A_932 = arith.addf %mul3A_931, %sub3A_930 : vector<16xf32>
        %mul3A_933 = arith.constant 16 : i32
        %mul3A_934 = arith.muli %scan3A_392, %mul3A_933 : i32
        %swap3A_935 = arith.constant 0 : i32
        %swap3A_936 = arith.constant 2 : i32
        %swap3A_937 = arith.index_cast %swap3A_935 : i32 to index
        %swap3A_938 = arith.index_cast %swap3A_936 : i32 to index
        %swap3A_939 = arith.index_cast %mul3A_934 : i32 to index
        %swap3A_940 = tpu.vector_load %arg12[%swap3A_937, %swap3A_938, %swap3A_939] {strides = array<i32>} : memref<8x8x128xf32, #tpu.memory_space<vmem>>, vector<16xf32>,
        tpu.vector_store %arg12[%swap3A_937, %swap3A_938, %swap3A_939], %add3A_932 {strides = array<i32>} : memref<8x8x128xf32, #tpu.memory_space<vmem>>, vector<16xf32>,
        %add3A_941 = arith.constant 1 : i32
        %add3A_942 = vector.broadcast %add3A_941 : i32 to vector<16xi32>
        %add3A_943 = arith.addi %add3A_924, %add3A_942 : vector<16xi32>
        %gather3A_944 = tpu.vector_load_idx %arg10[%add3A_406, %add3A_943] : memref<128x128xf32, #tpu.memory_space<vmem>>[vector<16xi32>, vector<16xi32>], vector<16xf32>,
        %mul3A_945 = vector.broadcast %squeeze3A_29 : f32 to vector<16xf32>
        %mul3A_946 = arith.mulf %mul3A_887, %mul3A_945 : vector<16xf32>
        %mul3A_947 = arith.mulf %mul3A_859, %mul3A_946 : vector<16xf32>
        %sub3A_948 = vector.broadcast %squeeze3A_157 : f32 to vector<16xf32>
        %sub3A_949 = arith.subf %sub3A_948, %mul3A_947 : vector<16xf32>
        %mul3A_950 = arith.mulf %gather3A_944, %mul3A_946 : vector<16xf32>
        %add3A_951 = arith.addf %mul3A_950, %sub3A_949 : vector<16xf32>
        %mul3A_952 = arith.constant 16 : i32
        %mul3A_953 = arith.muli %scan3A_392, %mul3A_952 : i32
        %swap3A_954 = arith.constant 0 : i32
        %swap3A_955 = arith.constant 3 : i32
        %swap3A_956 = arith.index_cast %swap3A_954 : i32 to index
        %swap3A_957 = arith.index_cast %swap3A_955 : i32 to index
        %swap3A_958 = arith.index_cast %mul3A_953 : i32 to index
        %swap3A_959 = tpu.vector_load %arg12[%swap3A_956, %swap3A_957, %swap3A_958] {strides = array<i32>} : memref<8x8x128xf32, #tpu.memory_space<vmem>>, vector<16xf32>,
        tpu.vector_store %arg12[%swap3A_956, %swap3A_957, %swap3A_958], %add3A_951 {strides = array<i32>} : memref<8x8x128xf32, #tpu.memory_space<vmem>>, vector<16xf32>,
        %add3A_960 = arith.constant 1 : i32
        %add3A_961 = vector.broadcast %add3A_960 : i32 to vector<16xi32>
        %add3A_962 = arith.addi %add3A_943, %add3A_961 : vector<16xi32>
        %gather3A_963 = tpu.vector_load_idx %arg10[%add3A_406, %add3A_962] : memref<128x128xf32, #tpu.memory_space<vmem>>[vector<16xi32>, vector<16xi32>], vector<16xf32>,
        %mul3A_964 = vector.broadcast %squeeze3A_31 : f32 to vector<16xf32>
        %mul3A_965 = arith.mulf %mul3A_887, %mul3A_964 : vector<16xf32>
        %mul3A_966 = arith.mulf %mul3A_859, %mul3A_965 : vector<16xf32>
        %sub3A_967 = vector.broadcast %squeeze3A_159 : f32 to vector<16xf32>
        %sub3A_968 = arith.subf %sub3A_967, %mul3A_966 : vector<16xf32>
        %mul3A_969 = arith.mulf %gather3A_963, %mul3A_965 : vector<16xf32>
        %add3A_970 = arith.addf %mul3A_969, %sub3A_968 : vector<16xf32>
        %mul3A_971 = arith.constant 16 : i32
        %mul3A_972 = arith.muli %scan3A_392, %mul3A_971 : i32
        %swap3A_973 = arith.constant 0 : i32
        %swap3A_974 = arith.constant 4 : i32
        %swap3A_975 = arith.index_cast %swap3A_973 : i32 to index
        %swap3A_976 = arith.index_cast %swap3A_974 : i32 to index
        %swap3A_977 = arith.index_cast %mul3A_972 : i32 to index
        %swap3A_978 = tpu.vector_load %arg12[%swap3A_975, %swap3A_976, %swap3A_977] {strides = array<i32>} : memref<8x8x128xf32, #tpu.memory_space<vmem>>, vector<16xf32>,
        tpu.vector_store %arg12[%swap3A_975, %swap3A_976, %swap3A_977], %add3A_970 {strides = array<i32>} : memref<8x8x128xf32, #tpu.memory_space<vmem>>, vector<16xf32>,
        %add3A_979 = arith.constant 1 : i32
        %add3A_980 = vector.broadcast %add3A_979 : i32 to vector<16xi32>
        %add3A_981 = arith.addi %add3A_962, %add3A_980 : vector<16xi32>
        %gather3A_982 = tpu.vector_load_idx %arg10[%add3A_406, %add3A_981] : memref<128x128xf32, #tpu.memory_space<vmem>>[vector<16xi32>, vector<16xi32>], vector<16xf32>,
        %mul3A_983 = vector.broadcast %squeeze3A_33 : f32 to vector<16xf32>
        %mul3A_984 = arith.mulf %mul3A_887, %mul3A_983 : vector<16xf32>
        %mul3A_985 = arith.mulf %mul3A_859, %mul3A_984 : vector<16xf32>
        %sub3A_986 = vector.broadcast %squeeze3A_161 : f32 to vector<16xf32>
        %sub3A_987 = arith.subf %sub3A_986, %mul3A_985 : vector<16xf32>
        %mul3A_988 = arith.mulf %gather3A_982, %mul3A_984 : vector<16xf32>
        %add3A_989 = arith.addf %mul3A_988, %sub3A_987 : vector<16xf32>
        %mul3A_990 = arith.constant 16 : i32
        %mul3A_991 = arith.muli %scan3A_392, %mul3A_990 : i32
        %swap3A_992 = arith.constant 0 : i32
        %swap3A_993 = arith.constant 5 : i32
        %swap3A_994 = arith.index_cast %swap3A_992 : i32 to index
        %swap3A_995 = arith.index_cast %swap3A_993 : i32 to index
        %swap3A_996 = arith.index_cast %mul3A_991 : i32 to index
        %swap3A_997 = tpu.vector_load %arg12[%swap3A_994, %swap3A_995, %swap3A_996] {strides = array<i32>} : memref<8x8x128xf32, #tpu.memory_space<vmem>>, vector<16xf32>,
        tpu.vector_store %arg12[%swap3A_994, %swap3A_995, %swap3A_996], %add3A_989 {strides = array<i32>} : memref<8x8x128xf32, #tpu.memory_space<vmem>>, vector<16xf32>,
        %add3A_998 = arith.constant 1 : i32
        %add3A_999 = vector.broadcast %add3A_998 : i32 to vector<16xi32>
        %add3A_1000 = arith.addi %add3A_981, %add3A_999 : vector<16xi32>
        %gather3A_1001 = tpu.vector_load_idx %arg10[%add3A_406, %add3A_1000] : memref<128x128xf32, #tpu.memory_space<vmem>>[vector<16xi32>, vector<16xi32>], vector<16xf32>,
        %mul3A_1002 = vector.broadcast %squeeze3A_35 : f32 to vector<16xf32>
        %mul3A_1003 = arith.mulf %mul3A_887, %mul3A_1002 : vector<16xf32>
        %mul3A_1004 = arith.mulf %mul3A_859, %mul3A_1003 : vector<16xf32>
        %sub3A_1005 = vector.broadcast %squeeze3A_163 : f32 to vector<16xf32>
        %sub3A_1006 = arith.subf %sub3A_1005, %mul3A_1004 : vector<16xf32>
        %mul3A_1007 = arith.mulf %gather3A_1001, %mul3A_1003 : vector<16xf32>
        %add3A_1008 = arith.addf %mul3A_1007, %sub3A_1006 : vector<16xf32>
        %mul3A_1009 = arith.constant 16 : i32
        %mul3A_1010 = arith.muli %scan3A_392, %mul3A_1009 : i32
        %swap3A_1011 = arith.constant 0 : i32
        %swap3A_1012 = arith.constant 6 : i32
        %swap3A_1013 = arith.index_cast %swap3A_1011 : i32 to index
        %swap3A_1014 = arith.index_cast %swap3A_1012 : i32 to index
        %swap3A_1015 = arith.index_cast %mul3A_1010 : i32 to index
        %swap3A_1016 = tpu.vector_load %arg12[%swap3A_1013, %swap3A_1014, %swap3A_1015] {strides = array<i32>} : memref<8x8x128xf32, #tpu.memory_space<vmem>>, vector<16xf32>,
        tpu.vector_store %arg12[%swap3A_1013, %swap3A_1014, %swap3A_1015], %add3A_1008 {strides = array<i32>} : memref<8x8x128xf32, #tpu.memory_space<vmem>>, vector<16xf32>,
        %add3A_1017 = arith.constant 1 : i32
        %add3A_1018 = vector.broadcast %add3A_1017 : i32 to vector<16xi32>
        %add3A_1019 = arith.addi %add3A_1000, %add3A_1018 : vector<16xi32>
        %gather3A_1020 = tpu.vector_load_idx %arg10[%add3A_406, %add3A_1019] : memref<128x128xf32, #tpu.memory_space<vmem>>[vector<16xi32>, vector<16xi32>], vector<16xf32>,
        %mul3A_1021 = vector.broadcast %squeeze3A_37 : f32 to vector<16xf32>
        %mul3A_1022 = arith.mulf %mul3A_887, %mul3A_1021 : vector<16xf32>
        %mul3A_1023 = arith.mulf %mul3A_859, %mul3A_1022 : vector<16xf32>
        %sub3A_1024 = vector.broadcast %squeeze3A_165 : f32 to vector<16xf32>
        %sub3A_1025 = arith.subf %sub3A_1024, %mul3A_1023 : vector<16xf32>
        %mul3A_1026 = arith.mulf %gather3A_1020, %mul3A_1022 : vector<16xf32>
        %add3A_1027 = arith.addf %mul3A_1026, %sub3A_1025 : vector<16xf32>
        %mul3A_1028 = arith.constant 16 : i32
        %mul3A_1029 = arith.muli %scan3A_392, %mul3A_1028 : i32
        %swap3A_1030 = arith.constant 0 : i32
        %swap3A_1031 = arith.constant 7 : i32
        %swap3A_1032 = arith.index_cast %swap3A_1030 : i32 to index
        %swap3A_1033 = arith.index_cast %swap3A_1031 : i32 to index
        %swap3A_1034 = arith.index_cast %mul3A_1029 : i32 to index
        %swap3A_1035 = tpu.vector_load %arg12[%swap3A_1032, %swap3A_1033, %swap3A_1034] {strides = array<i32>} : memref<8x8x128xf32, #tpu.memory_space<vmem>>, vector<16xf32>,
        tpu.vector_store %arg12[%swap3A_1032, %swap3A_1033, %swap3A_1034], %add3A_1027 {strides = array<i32>} : memref<8x8x128xf32, #tpu.memory_space<vmem>>, vector<16xf32>,
        %add3A_1036 = arith.constant 1 : i32
        %add3A_1037 = vector.broadcast %add3A_1036 : i32 to vector<16xi32>
        %add3A_1038 = arith.addi %add3A_1019, %add3A_1037 : vector<16xi32>
        %gather3A_1039 = tpu.vector_load_idx %arg10[%add3A_406, %add3A_1038] : memref<128x128xf32, #tpu.memory_space<vmem>>[vector<16xi32>, vector<16xi32>], vector<16xf32>,
        %mul3A_1040 = vector.broadcast %squeeze3A_39 : f32 to vector<16xf32>
        %mul3A_1041 = arith.mulf %mul3A_887, %mul3A_1040 : vector<16xf32>
        %mul3A_1042 = arith.mulf %mul3A_859, %mul3A_1041 : vector<16xf32>
        %sub3A_1043 = vector.broadcast %squeeze3A_167 : f32 to vector<16xf32>
        %sub3A_1044 = arith.subf %sub3A_1043, %mul3A_1042 : vector<16xf32>
        %mul3A_1045 = arith.mulf %gather3A_1039, %mul3A_1041 : vector<16xf32>
        %add3A_1046 = arith.addf %mul3A_1045, %sub3A_1044 : vector<16xf32>
        %mul3A_1047 = arith.constant 16 : i32
        %mul3A_1048 = arith.muli %scan3A_392, %mul3A_1047 : i32
        %swap3A_1049 = arith.constant 1 : i32
        %swap3A_1050 = arith.constant 0 : i32
        %swap3A_1051 = arith.index_cast %swap3A_1049 : i32 to index
        %swap3A_1052 = arith.index_cast %swap3A_1050 : i32 to index
        %swap3A_1053 = arith.index_cast %mul3A_1048 : i32 to index
        %swap3A_1054 = tpu.vector_load %arg12[%swap3A_1051, %swap3A_1052, %swap3A_1053] {strides = array<i32>} : memref<8x8x128xf32, #tpu.memory_space<vmem>>, vector<16xf32>,
        tpu.vector_store %arg12[%swap3A_1051, %swap3A_1052, %swap3A_1053], %add3A_1046 {strides = array<i32>} : memref<8x8x128xf32, #tpu.memory_space<vmem>>, vector<16xf32>,
        %add3A_1055 = arith.constant 1 : i32
        %add3A_1056 = vector.broadcast %add3A_1055 : i32 to vector<16xi32>
        %add3A_1057 = arith.addi %add3A_1038, %add3A_1056 : vector<16xi32>
        %gather3A_1058 = tpu.vector_load_idx %arg10[%add3A_406, %add3A_1057] : memref<128x128xf32, #tpu.memory_space<vmem>>[vector<16xi32>, vector<16xi32>], vector<16xf32>,
        %mul3A_1059 = vector.broadcast %squeeze3A_41 : f32 to vector<16xf32>
        %mul3A_1060 = arith.mulf %mul3A_887, %mul3A_1059 : vector<16xf32>
        %mul3A_1061 = arith.mulf %mul3A_859, %mul3A_1060 : vector<16xf32>
        %sub3A_1062 = vector.broadcast %squeeze3A_169 : f32 to vector<16xf32>
        %sub3A_1063 = arith.subf %sub3A_1062, %mul3A_1061 : vector<16xf32>
        %mul3A_1064 = arith.mulf %gather3A_1058, %mul3A_1060 : vector<16xf32>
        %add3A_1065 = arith.addf %mul3A_1064, %sub3A_1063 : vector<16xf32>
        %mul3A_1066 = arith.constant 16 : i32
        %mul3A_1067 = arith.muli %scan3A_392, %mul3A_1066 : i32
        %swap3A_1068 = arith.constant 1 : i32
        %swap3A_1069 = arith.constant 1 : i32
        %swap3A_1070 = arith.index_cast %swap3A_1068 : i32 to index
        %swap3A_1071 = arith.index_cast %swap3A_1069 : i32 to index
        %swap3A_1072 = arith.index_cast %mul3A_1067 : i32 to index
        %swap3A_1073 = tpu.vector_load %arg12[%swap3A_1070, %swap3A_1071, %swap3A_1072] {strides = array<i32>} : memref<8x8x128xf32, #tpu.memory_space<vmem>>, vector<16xf32>,
        tpu.vector_store %arg12[%swap3A_1070, %swap3A_1071, %swap3A_1072], %add3A_1065 {strides = array<i32>} : memref<8x8x128xf32, #tpu.memory_space<vmem>>, vector<16xf32>,
        %add3A_1074 = arith.constant 1 : i32
        %add3A_1075 = vector.broadcast %add3A_1074 : i32 to vector<16xi32>
        %add3A_1076 = arith.addi %add3A_1057, %add3A_1075 : vector<16xi32>
        %gather3A_1077 = tpu.vector_load_idx %arg10[%add3A_406, %add3A_1076] : memref<128x128xf32, #tpu.memory_space<vmem>>[vector<16xi32>, vector<16xi32>], vector<16xf32>,
        %mul3A_1078 = vector.broadcast %squeeze3A_43 : f32 to vector<16xf32>
        %mul3A_1079 = arith.mulf %mul3A_887, %mul3A_1078 : vector<16xf32>
        %mul3A_1080 = arith.mulf %mul3A_859, %mul3A_1079 : vector<16xf32>
        %sub3A_1081 = vector.broadcast %squeeze3A_171 : f32 to vector<16xf32>
        %sub3A_1082 = arith.subf %sub3A_1081, %mul3A_1080 : vector<16xf32>
        %mul3A_1083 = arith.mulf %gather3A_1077, %mul3A_1079 : vector<16xf32>
        %add3A_1084 = arith.addf %mul3A_1083, %sub3A_1082 : vector<16xf32>
        %mul3A_1085 = arith.constant 16 : i32
        %mul3A_1086 = arith.muli %scan3A_392, %mul3A_1085 : i32
        %swap3A_1087 = arith.constant 1 : i32
        %swap3A_1088 = arith.constant 2 : i32
        %swap3A_1089 = arith.index_cast %swap3A_1087 : i32 to index
        %swap3A_1090 = arith.index_cast %swap3A_1088 : i32 to index
        %swap3A_1091 = arith.index_cast %mul3A_1086 : i32 to index
        %swap3A_1092 = tpu.vector_load %arg12[%swap3A_1089, %swap3A_1090, %swap3A_1091] {strides = array<i32>} : memref<8x8x128xf32, #tpu.memory_space<vmem>>, vector<16xf32>,
        tpu.vector_store %arg12[%swap3A_1089, %swap3A_1090, %swap3A_1091], %add3A_1084 {strides = array<i32>} : memref<8x8x128xf32, #tpu.memory_space<vmem>>, vector<16xf32>,
        %add3A_1093 = arith.constant 1 : i32
        %add3A_1094 = vector.broadcast %add3A_1093 : i32 to vector<16xi32>
        %add3A_1095 = arith.addi %add3A_1076, %add3A_1094 : vector<16xi32>
        %gather3A_1096 = tpu.vector_load_idx %arg10[%add3A_406, %add3A_1095] : memref<128x128xf32, #tpu.memory_space<vmem>>[vector<16xi32>, vector<16xi32>], vector<16xf32>,
        %mul3A_1097 = vector.broadcast %squeeze3A_45 : f32 to vector<16xf32>
        %mul3A_1098 = arith.mulf %mul3A_887, %mul3A_1097 : vector<16xf32>
        %mul3A_1099 = arith.mulf %mul3A_859, %mul3A_1098 : vector<16xf32>
        %sub3A_1100 = vector.broadcast %squeeze3A_173 : f32 to vector<16xf32>
        %sub3A_1101 = arith.subf %sub3A_1100, %mul3A_1099 : vector<16xf32>
        %mul3A_1102 = arith.mulf %gather3A_1096, %mul3A_1098 : vector<16xf32>
        %add3A_1103 = arith.addf %mul3A_1102, %sub3A_1101 : vector<16xf32>
        %mul3A_1104 = arith.constant 16 : i32
        %mul3A_1105 = arith.muli %scan3A_392, %mul3A_1104 : i32
        %swap3A_1106 = arith.constant 1 : i32
        %swap3A_1107 = arith.constant 3 : i32
        %swap3A_1108 = arith.index_cast %swap3A_1106 : i32 to index
        %swap3A_1109 = arith.index_cast %swap3A_1107 : i32 to index
        %swap3A_1110 = arith.index_cast %mul3A_1105 : i32 to index
        %swap3A_1111 = tpu.vector_load %arg12[%swap3A_1108, %swap3A_1109, %swap3A_1110] {strides = array<i32>} : memref<8x8x128xf32, #tpu.memory_space<vmem>>, vector<16xf32>,
        tpu.vector_store %arg12[%swap3A_1108, %swap3A_1109, %swap3A_1110], %add3A_1103 {strides = array<i32>} : memref<8x8x128xf32, #tpu.memory_space<vmem>>, vector<16xf32>,
        %add3A_1112 = arith.constant 1 : i32
        %add3A_1113 = vector.broadcast %add3A_1112 : i32 to vector<16xi32>
        %add3A_1114 = arith.addi %add3A_1095, %add3A_1113 : vector<16xi32>
        %gather3A_1115 = tpu.vector_load_idx %arg10[%add3A_406, %add3A_1114] : memref<128x128xf32, #tpu.memory_space<vmem>>[vector<16xi32>, vector<16xi32>], vector<16xf32>,
        %mul3A_1116 = vector.broadcast %squeeze3A_47 : f32 to vector<16xf32>
        %mul3A_1117 = arith.mulf %mul3A_887, %mul3A_1116 : vector<16xf32>
        %mul3A_1118 = arith.mulf %mul3A_859, %mul3A_1117 : vector<16xf32>
        %sub3A_1119 = vector.broadcast %squeeze3A_175 : f32 to vector<16xf32>
        %sub3A_1120 = arith.subf %sub3A_1119, %mul3A_1118 : vector<16xf32>
        %mul3A_1121 = arith.mulf %gather3A_1115, %mul3A_1117 : vector<16xf32>
        %add3A_1122 = arith.addf %mul3A_1121, %sub3A_1120 : vector<16xf32>
        %mul3A_1123 = arith.constant 16 : i32
        %mul3A_1124 = arith.muli %scan3A_392, %mul3A_1123 : i32
        %swap3A_1125 = arith.constant 1 : i32
        %swap3A_1126 = arith.constant 4 : i32
        %swap3A_1127 = arith.index_cast %swap3A_1125 : i32 to index
        %swap3A_1128 = arith.index_cast %swap3A_1126 : i32 to index
        %swap3A_1129 = arith.index_cast %mul3A_1124 : i32 to index
        %swap3A_1130 = tpu.vector_load %arg12[%swap3A_1127, %swap3A_1128, %swap3A_1129] {strides = array<i32>} : memref<8x8x128xf32, #tpu.memory_space<vmem>>, vector<16xf32>,
        tpu.vector_store %arg12[%swap3A_1127, %swap3A_1128, %swap3A_1129], %add3A_1122 {strides = array<i32>} : memref<8x8x128xf32, #tpu.memory_space<vmem>>, vector<16xf32>,
        %add3A_1131 = arith.constant 1 : i32
        %add3A_1132 = vector.broadcast %add3A_1131 : i32 to vector<16xi32>
        %add3A_1133 = arith.addi %add3A_1114, %add3A_1132 : vector<16xi32>
        %gather3A_1134 = tpu.vector_load_idx %arg10[%add3A_406, %add3A_1133] : memref<128x128xf32, #tpu.memory_space<vmem>>[vector<16xi32>, vector<16xi32>], vector<16xf32>,
        %mul3A_1135 = vector.broadcast %squeeze3A_49 : f32 to vector<16xf32>
        %mul3A_1136 = arith.mulf %mul3A_887, %mul3A_1135 : vector<16xf32>
        %mul3A_1137 = arith.mulf %mul3A_859, %mul3A_1136 : vector<16xf32>
        %sub3A_1138 = vector.broadcast %squeeze3A_177 : f32 to vector<16xf32>
        %sub3A_1139 = arith.subf %sub3A_1138, %mul3A_1137 : vector<16xf32>
        %mul3A_1140 = arith.mulf %gather3A_1134, %mul3A_1136 : vector<16xf32>
        %add3A_1141 = arith.addf %mul3A_1140, %sub3A_1139 : vector<16xf32>
        %mul3A_1142 = arith.constant 16 : i32
        %mul3A_1143 = arith.muli %scan3A_392, %mul3A_1142 : i32
        %swap3A_1144 = arith.constant 1 : i32
        %swap3A_1145 = arith.constant 5 : i32
        %swap3A_1146 = arith.index_cast %swap3A_1144 : i32 to index
        %swap3A_1147 = arith.index_cast %swap3A_1145 : i32 to index
        %swap3A_1148 = arith.index_cast %mul3A_1143 : i32 to index
        %swap3A_1149 = tpu.vector_load %arg12[%swap3A_1146, %swap3A_1147, %swap3A_1148] {strides = array<i32>} : memref<8x8x128xf32, #tpu.memory_space<vmem>>, vector<16xf32>,
        tpu.vector_store %arg12[%swap3A_1146, %swap3A_1147, %swap3A_1148], %add3A_1141 {strides = array<i32>} : memref<8x8x128xf32, #tpu.memory_space<vmem>>, vector<16xf32>,
        %add3A_1150 = arith.constant 1 : i32
        %add3A_1151 = vector.broadcast %add3A_1150 : i32 to vector<16xi32>
        %add3A_1152 = arith.addi %add3A_1133, %add3A_1151 : vector<16xi32>
        %gather3A_1153 = tpu.vector_load_idx %arg10[%add3A_406, %add3A_1152] : memref<128x128xf32, #tpu.memory_space<vmem>>[vector<16xi32>, vector<16xi32>], vector<16xf32>,
        %mul3A_1154 = vector.broadcast %squeeze3A_51 : f32 to vector<16xf32>
        %mul3A_1155 = arith.mulf %mul3A_887, %mul3A_1154 : vector<16xf32>
        %mul3A_1156 = arith.mulf %mul3A_859, %mul3A_1155 : vector<16xf32>
        %sub3A_1157 = vector.broadcast %squeeze3A_179 : f32 to vector<16xf32>
        %sub3A_1158 = arith.subf %sub3A_1157, %mul3A_1156 : vector<16xf32>
        %mul3A_1159 = arith.mulf %gather3A_1153, %mul3A_1155 : vector<16xf32>
        %add3A_1160 = arith.addf %mul3A_1159, %sub3A_1158 : vector<16xf32>
        %mul3A_1161 = arith.constant 16 : i32
        %mul3A_1162 = arith.muli %scan3A_392, %mul3A_1161 : i32
        %swap3A_1163 = arith.constant 1 : i32
        %swap3A_1164 = arith.constant 6 : i32
        %swap3A_1165 = arith.index_cast %swap3A_1163 : i32 to index
        %swap3A_1166 = arith.index_cast %swap3A_1164 : i32 to index
        %swap3A_1167 = arith.index_cast %mul3A_1162 : i32 to index
        %swap3A_1168 = tpu.vector_load %arg12[%swap3A_1165, %swap3A_1166, %swap3A_1167] {strides = array<i32>} : memref<8x8x128xf32, #tpu.memory_space<vmem>>, vector<16xf32>,
        tpu.vector_store %arg12[%swap3A_1165, %swap3A_1166, %swap3A_1167], %add3A_1160 {strides = array<i32>} : memref<8x8x128xf32, #tpu.memory_space<vmem>>, vector<16xf32>,
        %add3A_1169 = arith.constant 1 : i32
        %add3A_1170 = vector.broadcast %add3A_1169 : i32 to vector<16xi32>
        %add3A_1171 = arith.addi %add3A_1152, %add3A_1170 : vector<16xi32>
        %gather3A_1172 = tpu.vector_load_idx %arg10[%add3A_406, %add3A_1171] : memref<128x128xf32, #tpu.memory_space<vmem>>[vector<16xi32>, vector<16xi32>], vector<16xf32>,
        %mul3A_1173 = vector.broadcast %squeeze3A_53 : f32 to vector<16xf32>
        %mul3A_1174 = arith.mulf %mul3A_887, %mul3A_1173 : vector<16xf32>
        %mul3A_1175 = arith.mulf %mul3A_859, %mul3A_1174 : vector<16xf32>
        %sub3A_1176 = vector.broadcast %squeeze3A_181 : f32 to vector<16xf32>
        %sub3A_1177 = arith.subf %sub3A_1176, %mul3A_1175 : vector<16xf32>
        %mul3A_1178 = arith.mulf %gather3A_1172, %mul3A_1174 : vector<16xf32>
        %add3A_1179 = arith.addf %mul3A_1178, %sub3A_1177 : vector<16xf32>
        %mul3A_1180 = arith.constant 16 : i32
        %mul3A_1181 = arith.muli %scan3A_392, %mul3A_1180 : i32
        %swap3A_1182 = arith.constant 1 : i32
        %swap3A_1183 = arith.constant 7 : i32
        %swap3A_1184 = arith.index_cast %swap3A_1182 : i32 to index
        %swap3A_1185 = arith.index_cast %swap3A_1183 : i32 to index
        %swap3A_1186 = arith.index_cast %mul3A_1181 : i32 to index
        %swap3A_1187 = tpu.vector_load %arg12[%swap3A_1184, %swap3A_1185, %swap3A_1186] {strides = array<i32>} : memref<8x8x128xf32, #tpu.memory_space<vmem>>, vector<16xf32>,
        tpu.vector_store %arg12[%swap3A_1184, %swap3A_1185, %swap3A_1186], %add3A_1179 {strides = array<i32>} : memref<8x8x128xf32, #tpu.memory_space<vmem>>, vector<16xf32>,
        %add3A_1188 = arith.constant 1 : i32
        %add3A_1189 = vector.broadcast %add3A_1188 : i32 to vector<16xi32>
        %add3A_1190 = arith.addi %add3A_1171, %add3A_1189 : vector<16xi32>
        %gather3A_1191 = tpu.vector_load_idx %arg10[%add3A_406, %add3A_1190] : memref<128x128xf32, #tpu.memory_space<vmem>>[vector<16xi32>, vector<16xi32>], vector<16xf32>,
        %mul3A_1192 = vector.broadcast %squeeze3A_55 : f32 to vector<16xf32>
        %mul3A_1193 = arith.mulf %mul3A_887, %mul3A_1192 : vector<16xf32>
        %mul3A_1194 = arith.mulf %mul3A_859, %mul3A_1193 : vector<16xf32>
        %sub3A_1195 = vector.broadcast %squeeze3A_183 : f32 to vector<16xf32>
        %sub3A_1196 = arith.subf %sub3A_1195, %mul3A_1194 : vector<16xf32>
        %mul3A_1197 = arith.mulf %gather3A_1191, %mul3A_1193 : vector<16xf32>
        %add3A_1198 = arith.addf %mul3A_1197, %sub3A_1196 : vector<16xf32>
        %mul3A_1199 = arith.constant 16 : i32
        %mul3A_1200 = arith.muli %scan3A_392, %mul3A_1199 : i32
        %swap3A_1201 = arith.constant 2 : i32
        %swap3A_1202 = arith.constant 0 : i32
        %swap3A_1203 = arith.index_cast %swap3A_1201 : i32 to index
        %swap3A_1204 = arith.index_cast %swap3A_1202 : i32 to index
        %swap3A_1205 = arith.index_cast %mul3A_1200 : i32 to index
        %swap3A_1206 = tpu.vector_load %arg12[%swap3A_1203, %swap3A_1204, %swap3A_1205] {strides = array<i32>} : memref<8x8x128xf32, #tpu.memory_space<vmem>>, vector<16xf32>,
        tpu.vector_store %arg12[%swap3A_1203, %swap3A_1204, %swap3A_1205], %add3A_1198 {strides = array<i32>} : memref<8x8x128xf32, #tpu.memory_space<vmem>>, vector<16xf32>,
        %add3A_1207 = arith.constant 1 : i32
        %add3A_1208 = vector.broadcast %add3A_1207 : i32 to vector<16xi32>
        %add3A_1209 = arith.addi %add3A_1190, %add3A_1208 : vector<16xi32>
        %gather3A_1210 = tpu.vector_load_idx %arg10[%add3A_406, %add3A_1209] : memref<128x128xf32, #tpu.memory_space<vmem>>[vector<16xi32>, vector<16xi32>], vector<16xf32>,
        %mul3A_1211 = vector.broadcast %squeeze3A_57 : f32 to vector<16xf32>
        %mul3A_1212 = arith.mulf %mul3A_887, %mul3A_1211 : vector<16xf32>
        %mul3A_1213 = arith.mulf %mul3A_859, %mul3A_1212 : vector<16xf32>
        %sub3A_1214 = vector.broadcast %squeeze3A_185 : f32 to vector<16xf32>
        %sub3A_1215 = arith.subf %sub3A_1214, %mul3A_1213 : vector<16xf32>
        %mul3A_1216 = arith.mulf %gather3A_1210, %mul3A_1212 : vector<16xf32>
        %add3A_1217 = arith.addf %mul3A_1216, %sub3A_1215 : vector<16xf32>
        %mul3A_1218 = arith.constant 16 : i32
        %mul3A_1219 = arith.muli %scan3A_392, %mul3A_1218 : i32
        %swap3A_1220 = arith.constant 2 : i32
        %swap3A_1221 = arith.constant 1 : i32
        %swap3A_1222 = arith.index_cast %swap3A_1220 : i32 to index
        %swap3A_1223 = arith.index_cast %swap3A_1221 : i32 to index
        %swap3A_1224 = arith.index_cast %mul3A_1219 : i32 to index
        %swap3A_1225 = tpu.vector_load %arg12[%swap3A_1222, %swap3A_1223, %swap3A_1224] {strides = array<i32>} : memref<8x8x128xf32, #tpu.memory_space<vmem>>, vector<16xf32>,
        tpu.vector_store %arg12[%swap3A_1222, %swap3A_1223, %swap3A_1224], %add3A_1217 {strides = array<i32>} : memref<8x8x128xf32, #tpu.memory_space<vmem>>, vector<16xf32>,
        %add3A_1226 = arith.constant 1 : i32
        %add3A_1227 = vector.broadcast %add3A_1226 : i32 to vector<16xi32>
        %add3A_1228 = arith.addi %add3A_1209, %add3A_1227 : vector<16xi32>
        %gather3A_1229 = tpu.vector_load_idx %arg10[%add3A_406, %add3A_1228] : memref<128x128xf32, #tpu.memory_space<vmem>>[vector<16xi32>, vector<16xi32>], vector<16xf32>,
        %mul3A_1230 = vector.broadcast %squeeze3A_59 : f32 to vector<16xf32>
        %mul3A_1231 = arith.mulf %mul3A_887, %mul3A_1230 : vector<16xf32>
        %mul3A_1232 = arith.mulf %mul3A_859, %mul3A_1231 : vector<16xf32>
        %sub3A_1233 = vector.broadcast %squeeze3A_187 : f32 to vector<16xf32>
        %sub3A_1234 = arith.subf %sub3A_1233, %mul3A_1232 : vector<16xf32>
        %mul3A_1235 = arith.mulf %gather3A_1229, %mul3A_1231 : vector<16xf32>
        %add3A_1236 = arith.addf %mul3A_1235, %sub3A_1234 : vector<16xf32>
        %mul3A_1237 = arith.constant 16 : i32
        %mul3A_1238 = arith.muli %scan3A_392, %mul3A_1237 : i32
        %swap3A_1239 = arith.constant 2 : i32
        %swap3A_1240 = arith.constant 2 : i32
        %swap3A_1241 = arith.index_cast %swap3A_1239 : i32 to index
        %swap3A_1242 = arith.index_cast %swap3A_1240 : i32 to index
        %swap3A_1243 = arith.index_cast %mul3A_1238 : i32 to index
        %swap3A_1244 = tpu.vector_load %arg12[%swap3A_1241, %swap3A_1242, %swap3A_1243] {strides = array<i32>} : memref<8x8x128xf32, #tpu.memory_space<vmem>>, vector<16xf32>,
        tpu.vector_store %arg12[%swap3A_1241, %swap3A_1242, %swap3A_1243], %add3A_1236 {strides = array<i32>} : memref<8x8x128xf32, #tpu.memory_space<vmem>>, vector<16xf32>,
        %add3A_1245 = arith.constant 1 : i32
        %add3A_1246 = vector.broadcast %add3A_1245 : i32 to vector<16xi32>
        %add3A_1247 = arith.addi %add3A_1228, %add3A_1246 : vector<16xi32>
        %gather3A_1248 = tpu.vector_load_idx %arg10[%add3A_406, %add3A_1247] : memref<128x128xf32, #tpu.memory_space<vmem>>[vector<16xi32>, vector<16xi32>], vector<16xf32>,
        %mul3A_1249 = vector.broadcast %squeeze3A_61 : f32 to vector<16xf32>
        %mul3A_1250 = arith.mulf %mul3A_887, %mul3A_1249 : vector<16xf32>
        %mul3A_1251 = arith.mulf %mul3A_859, %mul3A_1250 : vector<16xf32>
        %sub3A_1252 = vector.broadcast %squeeze3A_189 : f32 to vector<16xf32>
        %sub3A_1253 = arith.subf %sub3A_1252, %mul3A_1251 : vector<16xf32>
        %mul3A_1254 = arith.mulf %gather3A_1248, %mul3A_1250 : vector<16xf32>
        %add3A_1255 = arith.addf %mul3A_1254, %sub3A_1253 : vector<16xf32>
        %mul3A_1256 = arith.constant 16 : i32
        %mul3A_1257 = arith.muli %scan3A_392, %mul3A_1256 : i32
        %swap3A_1258 = arith.constant 2 : i32
        %swap3A_1259 = arith.constant 3 : i32
        %swap3A_1260 = arith.index_cast %swap3A_1258 : i32 to index
        %swap3A_1261 = arith.index_cast %swap3A_1259 : i32 to index
        %swap3A_1262 = arith.index_cast %mul3A_1257 : i32 to index
        %swap3A_1263 = tpu.vector_load %arg12[%swap3A_1260, %swap3A_1261, %swap3A_1262] {strides = array<i32>} : memref<8x8x128xf32, #tpu.memory_space<vmem>>, vector<16xf32>,
        tpu.vector_store %arg12[%swap3A_1260, %swap3A_1261, %swap3A_1262], %add3A_1255 {strides = array<i32>} : memref<8x8x128xf32, #tpu.memory_space<vmem>>, vector<16xf32>,
        %add3A_1264 = arith.constant 1 : i32
        %add3A_1265 = vector.broadcast %add3A_1264 : i32 to vector<16xi32>
        %add3A_1266 = arith.addi %add3A_1247, %add3A_1265 : vector<16xi32>
        %gather3A_1267 = tpu.vector_load_idx %arg10[%add3A_406, %add3A_1266] : memref<128x128xf32, #tpu.memory_space<vmem>>[vector<16xi32>, vector<16xi32>], vector<16xf32>,
        %mul3A_1268 = vector.broadcast %squeeze3A_63 : f32 to vector<16xf32>
        %mul3A_1269 = arith.mulf %mul3A_887, %mul3A_1268 : vector<16xf32>
        %mul3A_1270 = arith.mulf %mul3A_859, %mul3A_1269 : vector<16xf32>
        %sub3A_1271 = vector.broadcast %squeeze3A_191 : f32 to vector<16xf32>
        %sub3A_1272 = arith.subf %sub3A_1271, %mul3A_1270 : vector<16xf32>
        %mul3A_1273 = arith.mulf %gather3A_1267, %mul3A_1269 : vector<16xf32>
        %add3A_1274 = arith.addf %mul3A_1273, %sub3A_1272 : vector<16xf32>
        %mul3A_1275 = arith.constant 16 : i32
        %mul3A_1276 = arith.muli %scan3A_392, %mul3A_1275 : i32
        %swap3A_1277 = arith.constant 2 : i32
        %swap3A_1278 = arith.constant 4 : i32
        %swap3A_1279 = arith.index_cast %swap3A_1277 : i32 to index
        %swap3A_1280 = arith.index_cast %swap3A_1278 : i32 to index
        %swap3A_1281 = arith.index_cast %mul3A_1276 : i32 to index
        %swap3A_1282 = tpu.vector_load %arg12[%swap3A_1279, %swap3A_1280, %swap3A_1281] {strides = array<i32>} : memref<8x8x128xf32, #tpu.memory_space<vmem>>, vector<16xf32>,
        tpu.vector_store %arg12[%swap3A_1279, %swap3A_1280, %swap3A_1281], %add3A_1274 {strides = array<i32>} : memref<8x8x128xf32, #tpu.memory_space<vmem>>, vector<16xf32>,
        %add3A_1283 = arith.constant 1 : i32
        %add3A_1284 = vector.broadcast %add3A_1283 : i32 to vector<16xi32>
        %add3A_1285 = arith.addi %add3A_1266, %add3A_1284 : vector<16xi32>
        %gather3A_1286 = tpu.vector_load_idx %arg10[%add3A_406, %add3A_1285] : memref<128x128xf32, #tpu.memory_space<vmem>>[vector<16xi32>, vector<16xi32>], vector<16xf32>,
        %mul3A_1287 = vector.broadcast %squeeze3A_65 : f32 to vector<16xf32>
        %mul3A_1288 = arith.mulf %mul3A_887, %mul3A_1287 : vector<16xf32>
        %mul3A_1289 = arith.mulf %mul3A_859, %mul3A_1288 : vector<16xf32>
        %sub3A_1290 = vector.broadcast %squeeze3A_193 : f32 to vector<16xf32>
        %sub3A_1291 = arith.subf %sub3A_1290, %mul3A_1289 : vector<16xf32>
        %mul3A_1292 = arith.mulf %gather3A_1286, %mul3A_1288 : vector<16xf32>
        %add3A_1293 = arith.addf %mul3A_1292, %sub3A_1291 : vector<16xf32>
        %mul3A_1294 = arith.constant 16 : i32
        %mul3A_1295 = arith.muli %scan3A_392, %mul3A_1294 : i32
        %swap3A_1296 = arith.constant 2 : i32
        %swap3A_1297 = arith.constant 5 : i32
        %swap3A_1298 = arith.index_cast %swap3A_1296 : i32 to index
        %swap3A_1299 = arith.index_cast %swap3A_1297 : i32 to index
        %swap3A_1300 = arith.index_cast %mul3A_1295 : i32 to index
        %swap3A_1301 = tpu.vector_load %arg12[%swap3A_1298, %swap3A_1299, %swap3A_1300] {strides = array<i32>} : memref<8x8x128xf32, #tpu.memory_space<vmem>>, vector<16xf32>,
        tpu.vector_store %arg12[%swap3A_1298, %swap3A_1299, %swap3A_1300], %add3A_1293 {strides = array<i32>} : memref<8x8x128xf32, #tpu.memory_space<vmem>>, vector<16xf32>,
        %add3A_1302 = arith.constant 1 : i32
        %add3A_1303 = vector.broadcast %add3A_1302 : i32 to vector<16xi32>
        %add3A_1304 = arith.addi %add3A_1285, %add3A_1303 : vector<16xi32>
        %gather3A_1305 = tpu.vector_load_idx %arg10[%add3A_406, %add3A_1304] : memref<128x128xf32, #tpu.memory_space<vmem>>[vector<16xi32>, vector<16xi32>], vector<16xf32>,
        %mul3A_1306 = vector.broadcast %squeeze3A_67 : f32 to vector<16xf32>
        %mul3A_1307 = arith.mulf %mul3A_887, %mul3A_1306 : vector<16xf32>
        %mul3A_1308 = arith.mulf %mul3A_859, %mul3A_1307 : vector<16xf32>
        %sub3A_1309 = vector.broadcast %squeeze3A_195 : f32 to vector<16xf32>
        %sub3A_1310 = arith.subf %sub3A_1309, %mul3A_1308 : vector<16xf32>
        %mul3A_1311 = arith.mulf %gather3A_1305, %mul3A_1307 : vector<16xf32>
        %add3A_1312 = arith.addf %mul3A_1311, %sub3A_1310 : vector<16xf32>
        %mul3A_1313 = arith.constant 16 : i32
        %mul3A_1314 = arith.muli %scan3A_392, %mul3A_1313 : i32
        %swap3A_1315 = arith.constant 2 : i32
        %swap3A_1316 = arith.constant 6 : i32
        %swap3A_1317 = arith.index_cast %swap3A_1315 : i32 to index
        %swap3A_1318 = arith.index_cast %swap3A_1316 : i32 to index
        %swap3A_1319 = arith.index_cast %mul3A_1314 : i32 to index
        %swap3A_1320 = tpu.vector_load %arg12[%swap3A_1317, %swap3A_1318, %swap3A_1319] {strides = array<i32>} : memref<8x8x128xf32, #tpu.memory_space<vmem>>, vector<16xf32>,
        tpu.vector_store %arg12[%swap3A_1317, %swap3A_1318, %swap3A_1319], %add3A_1312 {strides = array<i32>} : memref<8x8x128xf32, #tpu.memory_space<vmem>>, vector<16xf32>,
        %add3A_1321 = arith.constant 1 : i32
        %add3A_1322 = vector.broadcast %add3A_1321 : i32 to vector<16xi32>
        %add3A_1323 = arith.addi %add3A_1304, %add3A_1322 : vector<16xi32>
        %gather3A_1324 = tpu.vector_load_idx %arg10[%add3A_406, %add3A_1323] : memref<128x128xf32, #tpu.memory_space<vmem>>[vector<16xi32>, vector<16xi32>], vector<16xf32>,
        %mul3A_1325 = vector.broadcast %squeeze3A_69 : f32 to vector<16xf32>
        %mul3A_1326 = arith.mulf %mul3A_887, %mul3A_1325 : vector<16xf32>
        %mul3A_1327 = arith.mulf %mul3A_859, %mul3A_1326 : vector<16xf32>
        %sub3A_1328 = vector.broadcast %squeeze3A_197 : f32 to vector<16xf32>
        %sub3A_1329 = arith.subf %sub3A_1328, %mul3A_1327 : vector<16xf32>
        %mul3A_1330 = arith.mulf %gather3A_1324, %mul3A_1326 : vector<16xf32>
        %add3A_1331 = arith.addf %mul3A_1330, %sub3A_1329 : vector<16xf32>
        %mul3A_1332 = arith.constant 16 : i32
        %mul3A_1333 = arith.muli %scan3A_392, %mul3A_1332 : i32
        %swap3A_1334 = arith.constant 2 : i32
        %swap3A_1335 = arith.constant 7 : i32
        %swap3A_1336 = arith.index_cast %swap3A_1334 : i32 to index
        %swap3A_1337 = arith.index_cast %swap3A_1335 : i32 to index
        %swap3A_1338 = arith.index_cast %mul3A_1333 : i32 to index
        %swap3A_1339 = tpu.vector_load %arg12[%swap3A_1336, %swap3A_1337, %swap3A_1338] {strides = array<i32>} : memref<8x8x128xf32, #tpu.memory_space<vmem>>, vector<16xf32>,
        tpu.vector_store %arg12[%swap3A_1336, %swap3A_1337, %swap3A_1338], %add3A_1331 {strides = array<i32>} : memref<8x8x128xf32, #tpu.memory_space<vmem>>, vector<16xf32>,
        %add3A_1340 = arith.constant 1 : i32
        %add3A_1341 = vector.broadcast %add3A_1340 : i32 to vector<16xi32>
        %add3A_1342 = arith.addi %add3A_1323, %add3A_1341 : vector<16xi32>
        %gather3A_1343 = tpu.vector_load_idx %arg10[%add3A_406, %add3A_1342] : memref<128x128xf32, #tpu.memory_space<vmem>>[vector<16xi32>, vector<16xi32>], vector<16xf32>,
        %mul3A_1344 = vector.broadcast %squeeze3A_71 : f32 to vector<16xf32>
        %mul3A_1345 = arith.mulf %mul3A_887, %mul3A_1344 : vector<16xf32>
        %mul3A_1346 = arith.mulf %mul3A_859, %mul3A_1345 : vector<16xf32>
        %sub3A_1347 = vector.broadcast %squeeze3A_199 : f32 to vector<16xf32>
        %sub3A_1348 = arith.subf %sub3A_1347, %mul3A_1346 : vector<16xf32>
        %mul3A_1349 = arith.mulf %gather3A_1343, %mul3A_1345 : vector<16xf32>
        %add3A_1350 = arith.addf %mul3A_1349, %sub3A_1348 : vector<16xf32>
        %mul3A_1351 = arith.constant 16 : i32
        %mul3A_1352 = arith.muli %scan3A_392, %mul3A_1351 : i32
        %swap3A_1353 = arith.constant 3 : i32
        %swap3A_1354 = arith.constant 0 : i32
        %swap3A_1355 = arith.index_cast %swap3A_1353 : i32 to index
        %swap3A_1356 = arith.index_cast %swap3A_1354 : i32 to index
        %swap3A_1357 = arith.index_cast %mul3A_1352 : i32 to index
        %swap3A_1358 = tpu.vector_load %arg12[%swap3A_1355, %swap3A_1356, %swap3A_1357] {strides = array<i32>} : memref<8x8x128xf32, #tpu.memory_space<vmem>>, vector<16xf32>,
        tpu.vector_store %arg12[%swap3A_1355, %swap3A_1356, %swap3A_1357], %add3A_1350 {strides = array<i32>} : memref<8x8x128xf32, #tpu.memory_space<vmem>>, vector<16xf32>,
        %add3A_1359 = arith.constant 1 : i32
        %add3A_1360 = vector.broadcast %add3A_1359 : i32 to vector<16xi32>
        %add3A_1361 = arith.addi %add3A_1342, %add3A_1360 : vector<16xi32>
        %gather3A_1362 = tpu.vector_load_idx %arg10[%add3A_406, %add3A_1361] : memref<128x128xf32, #tpu.memory_space<vmem>>[vector<16xi32>, vector<16xi32>], vector<16xf32>,
        %mul3A_1363 = vector.broadcast %squeeze3A_73 : f32 to vector<16xf32>
        %mul3A_1364 = arith.mulf %mul3A_887, %mul3A_1363 : vector<16xf32>
        %mul3A_1365 = arith.mulf %mul3A_859, %mul3A_1364 : vector<16xf32>
        %sub3A_1366 = vector.broadcast %squeeze3A_201 : f32 to vector<16xf32>
        %sub3A_1367 = arith.subf %sub3A_1366, %mul3A_1365 : vector<16xf32>
        %mul3A_1368 = arith.mulf %gather3A_1362, %mul3A_1364 : vector<16xf32>
        %add3A_1369 = arith.addf %mul3A_1368, %sub3A_1367 : vector<16xf32>
        %mul3A_1370 = arith.constant 16 : i32
        %mul3A_1371 = arith.muli %scan3A_392, %mul3A_1370 : i32
        %swap3A_1372 = arith.constant 3 : i32
        %swap3A_1373 = arith.constant 1 : i32
        %swap3A_1374 = arith.index_cast %swap3A_1372 : i32 to index
        %swap3A_1375 = arith.index_cast %swap3A_1373 : i32 to index
        %swap3A_1376 = arith.index_cast %mul3A_1371 : i32 to index
        %swap3A_1377 = tpu.vector_load %arg12[%swap3A_1374, %swap3A_1375, %swap3A_1376] {strides = array<i32>} : memref<8x8x128xf32, #tpu.memory_space<vmem>>, vector<16xf32>,
        tpu.vector_store %arg12[%swap3A_1374, %swap3A_1375, %swap3A_1376], %add3A_1369 {strides = array<i32>} : memref<8x8x128xf32, #tpu.memory_space<vmem>>, vector<16xf32>,
        %add3A_1378 = arith.constant 1 : i32
        %add3A_1379 = vector.broadcast %add3A_1378 : i32 to vector<16xi32>
        %add3A_1380 = arith.addi %add3A_1361, %add3A_1379 : vector<16xi32>
        %gather3A_1381 = tpu.vector_load_idx %arg10[%add3A_406, %add3A_1380] : memref<128x128xf32, #tpu.memory_space<vmem>>[vector<16xi32>, vector<16xi32>], vector<16xf32>,
        %mul3A_1382 = vector.broadcast %squeeze3A_75 : f32 to vector<16xf32>
        %mul3A_1383 = arith.mulf %mul3A_887, %mul3A_1382 : vector<16xf32>
        %mul3A_1384 = arith.mulf %mul3A_859, %mul3A_1383 : vector<16xf32>
        %sub3A_1385 = vector.broadcast %squeeze3A_203 : f32 to vector<16xf32>
        %sub3A_1386 = arith.subf %sub3A_1385, %mul3A_1384 : vector<16xf32>
        %mul3A_1387 = arith.mulf %gather3A_1381, %mul3A_1383 : vector<16xf32>
        %add3A_1388 = arith.addf %mul3A_1387, %sub3A_1386 : vector<16xf32>
        %mul3A_1389 = arith.constant 16 : i32
        %mul3A_1390 = arith.muli %scan3A_392, %mul3A_1389 : i32
        %swap3A_1391 = arith.constant 3 : i32
        %swap3A_1392 = arith.constant 2 : i32
        %swap3A_1393 = arith.index_cast %swap3A_1391 : i32 to index
        %swap3A_1394 = arith.index_cast %swap3A_1392 : i32 to index
        %swap3A_1395 = arith.index_cast %mul3A_1390 : i32 to index
        %swap3A_1396 = tpu.vector_load %arg12[%swap3A_1393, %swap3A_1394, %swap3A_1395] {strides = array<i32>} : memref<8x8x128xf32, #tpu.memory_space<vmem>>, vector<16xf32>,
        tpu.vector_store %arg12[%swap3A_1393, %swap3A_1394, %swap3A_1395], %add3A_1388 {strides = array<i32>} : memref<8x8x128xf32, #tpu.memory_space<vmem>>, vector<16xf32>,
        %add3A_1397 = arith.constant 1 : i32
        %add3A_1398 = vector.broadcast %add3A_1397 : i32 to vector<16xi32>
        %add3A_1399 = arith.addi %add3A_1380, %add3A_1398 : vector<16xi32>
        %gather3A_1400 = tpu.vector_load_idx %arg10[%add3A_406, %add3A_1399] : memref<128x128xf32, #tpu.memory_space<vmem>>[vector<16xi32>, vector<16xi32>], vector<16xf32>,
        %mul3A_1401 = vector.broadcast %squeeze3A_77 : f32 to vector<16xf32>
        %mul3A_1402 = arith.mulf %mul3A_887, %mul3A_1401 : vector<16xf32>
        %mul3A_1403 = arith.mulf %mul3A_859, %mul3A_1402 : vector<16xf32>
        %sub3A_1404 = vector.broadcast %squeeze3A_205 : f32 to vector<16xf32>
        %sub3A_1405 = arith.subf %sub3A_1404, %mul3A_1403 : vector<16xf32>
        %mul3A_1406 = arith.mulf %gather3A_1400, %mul3A_1402 : vector<16xf32>
        %add3A_1407 = arith.addf %mul3A_1406, %sub3A_1405 : vector<16xf32>
        %mul3A_1408 = arith.constant 16 : i32
        %mul3A_1409 = arith.muli %scan3A_392, %mul3A_1408 : i32
        %swap3A_1410 = arith.constant 3 : i32
        %swap3A_1411 = arith.constant 3 : i32
        %swap3A_1412 = arith.index_cast %swap3A_1410 : i32 to index
        %swap3A_1413 = arith.index_cast %swap3A_1411 : i32 to index
        %swap3A_1414 = arith.index_cast %mul3A_1409 : i32 to index
        %swap3A_1415 = tpu.vector_load %arg12[%swap3A_1412, %swap3A_1413, %swap3A_1414] {strides = array<i32>} : memref<8x8x128xf32, #tpu.memory_space<vmem>>, vector<16xf32>,
        tpu.vector_store %arg12[%swap3A_1412, %swap3A_1413, %swap3A_1414], %add3A_1407 {strides = array<i32>} : memref<8x8x128xf32, #tpu.memory_space<vmem>>, vector<16xf32>,
        %add3A_1416 = arith.constant 1 : i32
        %add3A_1417 = vector.broadcast %add3A_1416 : i32 to vector<16xi32>
        %add3A_1418 = arith.addi %add3A_1399, %add3A_1417 : vector<16xi32>
        %gather3A_1419 = tpu.vector_load_idx %arg10[%add3A_406, %add3A_1418] : memref<128x128xf32, #tpu.memory_space<vmem>>[vector<16xi32>, vector<16xi32>], vector<16xf32>,
        %mul3A_1420 = vector.broadcast %squeeze3A_79 : f32 to vector<16xf32>
        %mul3A_1421 = arith.mulf %mul3A_887, %mul3A_1420 : vector<16xf32>
        %mul3A_1422 = arith.mulf %mul3A_859, %mul3A_1421 : vector<16xf32>
        %sub3A_1423 = vector.broadcast %squeeze3A_207 : f32 to vector<16xf32>
        %sub3A_1424 = arith.subf %sub3A_1423, %mul3A_1422 : vector<16xf32>
        %mul3A_1425 = arith.mulf %gather3A_1419, %mul3A_1421 : vector<16xf32>
        %add3A_1426 = arith.addf %mul3A_1425, %sub3A_1424 : vector<16xf32>
        %mul3A_1427 = arith.constant 16 : i32
        %mul3A_1428 = arith.muli %scan3A_392, %mul3A_1427 : i32
        %swap3A_1429 = arith.constant 3 : i32
        %swap3A_1430 = arith.constant 4 : i32
        %swap3A_1431 = arith.index_cast %swap3A_1429 : i32 to index
        %swap3A_1432 = arith.index_cast %swap3A_1430 : i32 to index
        %swap3A_1433 = arith.index_cast %mul3A_1428 : i32 to index
        %swap3A_1434 = tpu.vector_load %arg12[%swap3A_1431, %swap3A_1432, %swap3A_1433] {strides = array<i32>} : memref<8x8x128xf32, #tpu.memory_space<vmem>>, vector<16xf32>,
        tpu.vector_store %arg12[%swap3A_1431, %swap3A_1432, %swap3A_1433], %add3A_1426 {strides = array<i32>} : memref<8x8x128xf32, #tpu.memory_space<vmem>>, vector<16xf32>,
        %add3A_1435 = arith.constant 1 : i32
        %add3A_1436 = vector.broadcast %add3A_1435 : i32 to vector<16xi32>
        %add3A_1437 = arith.addi %add3A_1418, %add3A_1436 : vector<16xi32>
        %gather3A_1438 = tpu.vector_load_idx %arg10[%add3A_406, %add3A_1437] : memref<128x128xf32, #tpu.memory_space<vmem>>[vector<16xi32>, vector<16xi32>], vector<16xf32>,
        %mul3A_1439 = vector.broadcast %squeeze3A_81 : f32 to vector<16xf32>
        %mul3A_1440 = arith.mulf %mul3A_887, %mul3A_1439 : vector<16xf32>
        %mul3A_1441 = arith.mulf %mul3A_859, %mul3A_1440 : vector<16xf32>
        %sub3A_1442 = vector.broadcast %squeeze3A_209 : f32 to vector<16xf32>
        %sub3A_1443 = arith.subf %sub3A_1442, %mul3A_1441 : vector<16xf32>
        %mul3A_1444 = arith.mulf %gather3A_1438, %mul3A_1440 : vector<16xf32>
        %add3A_1445 = arith.addf %mul3A_1444, %sub3A_1443 : vector<16xf32>
        %mul3A_1446 = arith.constant 16 : i32
        %mul3A_1447 = arith.muli %scan3A_392, %mul3A_1446 : i32
        %swap3A_1448 = arith.constant 3 : i32
        %swap3A_1449 = arith.constant 5 : i32
        %swap3A_1450 = arith.index_cast %swap3A_1448 : i32 to index
        %swap3A_1451 = arith.index_cast %swap3A_1449 : i32 to index
        %swap3A_1452 = arith.index_cast %mul3A_1447 : i32 to index
        %swap3A_1453 = tpu.vector_load %arg12[%swap3A_1450, %swap3A_1451, %swap3A_1452] {strides = array<i32>} : memref<8x8x128xf32, #tpu.memory_space<vmem>>, vector<16xf32>,
        tpu.vector_store %arg12[%swap3A_1450, %swap3A_1451, %swap3A_1452], %add3A_1445 {strides = array<i32>} : memref<8x8x128xf32, #tpu.memory_space<vmem>>, vector<16xf32>,
        %add3A_1454 = arith.constant 1 : i32
        %add3A_1455 = vector.broadcast %add3A_1454 : i32 to vector<16xi32>
        %add3A_1456 = arith.addi %add3A_1437, %add3A_1455 : vector<16xi32>
        %gather3A_1457 = tpu.vector_load_idx %arg10[%add3A_406, %add3A_1456] : memref<128x128xf32, #tpu.memory_space<vmem>>[vector<16xi32>, vector<16xi32>], vector<16xf32>,
        %mul3A_1458 = vector.broadcast %squeeze3A_83 : f32 to vector<16xf32>
        %mul3A_1459 = arith.mulf %mul3A_887, %mul3A_1458 : vector<16xf32>
        %mul3A_1460 = arith.mulf %mul3A_859, %mul3A_1459 : vector<16xf32>
        %sub3A_1461 = vector.broadcast %squeeze3A_211 : f32 to vector<16xf32>
        %sub3A_1462 = arith.subf %sub3A_1461, %mul3A_1460 : vector<16xf32>
        %mul3A_1463 = arith.mulf %gather3A_1457, %mul3A_1459 : vector<16xf32>
        %add3A_1464 = arith.addf %mul3A_1463, %sub3A_1462 : vector<16xf32>
        %mul3A_1465 = arith.constant 16 : i32
        %mul3A_1466 = arith.muli %scan3A_392, %mul3A_1465 : i32
        %swap3A_1467 = arith.constant 3 : i32
        %swap3A_1468 = arith.constant 6 : i32
        %swap3A_1469 = arith.index_cast %swap3A_1467 : i32 to index
        %swap3A_1470 = arith.index_cast %swap3A_1468 : i32 to index
        %swap3A_1471 = arith.index_cast %mul3A_1466 : i32 to index
        %swap3A_1472 = tpu.vector_load %arg12[%swap3A_1469, %swap3A_1470, %swap3A_1471] {strides = array<i32>} : memref<8x8x128xf32, #tpu.memory_space<vmem>>, vector<16xf32>,
        tpu.vector_store %arg12[%swap3A_1469, %swap3A_1470, %swap3A_1471], %add3A_1464 {strides = array<i32>} : memref<8x8x128xf32, #tpu.memory_space<vmem>>, vector<16xf32>,
        %add3A_1473 = arith.constant 1 : i32
        %add3A_1474 = vector.broadcast %add3A_1473 : i32 to vector<16xi32>
        %add3A_1475 = arith.addi %add3A_1456, %add3A_1474 : vector<16xi32>
        %gather3A_1476 = tpu.vector_load_idx %arg10[%add3A_406, %add3A_1475] : memref<128x128xf32, #tpu.memory_space<vmem>>[vector<16xi32>, vector<16xi32>], vector<16xf32>,
        %mul3A_1477 = vector.broadcast %squeeze3A_85 : f32 to vector<16xf32>
        %mul3A_1478 = arith.mulf %mul3A_887, %mul3A_1477 : vector<16xf32>
        %mul3A_1479 = arith.mulf %mul3A_859, %mul3A_1478 : vector<16xf32>
        %sub3A_1480 = vector.broadcast %squeeze3A_213 : f32 to vector<16xf32>
        %sub3A_1481 = arith.subf %sub3A_1480, %mul3A_1479 : vector<16xf32>
        %mul3A_1482 = arith.mulf %gather3A_1476, %mul3A_1478 : vector<16xf32>
        %add3A_1483 = arith.addf %mul3A_1482, %sub3A_1481 : vector<16xf32>
        %mul3A_1484 = arith.constant 16 : i32
        %mul3A_1485 = arith.muli %scan3A_392, %mul3A_1484 : i32
        %swap3A_1486 = arith.constant 3 : i32
        %swap3A_1487 = arith.constant 7 : i32
        %swap3A_1488 = arith.index_cast %swap3A_1486 : i32 to index
        %swap3A_1489 = arith.index_cast %swap3A_1487 : i32 to index
        %swap3A_1490 = arith.index_cast %mul3A_1485 : i32 to index
        %swap3A_1491 = tpu.vector_load %arg12[%swap3A_1488, %swap3A_1489, %swap3A_1490] {strides = array<i32>} : memref<8x8x128xf32, #tpu.memory_space<vmem>>, vector<16xf32>,
        tpu.vector_store %arg12[%swap3A_1488, %swap3A_1489, %swap3A_1490], %add3A_1483 {strides = array<i32>} : memref<8x8x128xf32, #tpu.memory_space<vmem>>, vector<16xf32>,
        %add3A_1492 = arith.constant 1 : i32
        %add3A_1493 = vector.broadcast %add3A_1492 : i32 to vector<16xi32>
        %add3A_1494 = arith.addi %add3A_1475, %add3A_1493 : vector<16xi32>
        %gather3A_1495 = tpu.vector_load_idx %arg10[%add3A_406, %add3A_1494] : memref<128x128xf32, #tpu.memory_space<vmem>>[vector<16xi32>, vector<16xi32>], vector<16xf32>,
        %mul3A_1496 = vector.broadcast %squeeze3A_87 : f32 to vector<16xf32>
        %mul3A_1497 = arith.mulf %mul3A_887, %mul3A_1496 : vector<16xf32>
        %mul3A_1498 = arith.mulf %mul3A_859, %mul3A_1497 : vector<16xf32>
        %sub3A_1499 = vector.broadcast %squeeze3A_215 : f32 to vector<16xf32>
        %sub3A_1500 = arith.subf %sub3A_1499, %mul3A_1498 : vector<16xf32>
        %mul3A_1501 = arith.mulf %gather3A_1495, %mul3A_1497 : vector<16xf32>
        %add3A_1502 = arith.addf %mul3A_1501, %sub3A_1500 : vector<16xf32>
        %mul3A_1503 = arith.constant 16 : i32
        %mul3A_1504 = arith.muli %scan3A_392, %mul3A_1503 : i32
        %swap3A_1505 = arith.constant 4 : i32
        %swap3A_1506 = arith.constant 0 : i32
        %swap3A_1507 = arith.index_cast %swap3A_1505 : i32 to index
        %swap3A_1508 = arith.index_cast %swap3A_1506 : i32 to index
        %swap3A_1509 = arith.index_cast %mul3A_1504 : i32 to index
        %swap3A_1510 = tpu.vector_load %arg12[%swap3A_1507, %swap3A_1508, %swap3A_1509] {strides = array<i32>} : memref<8x8x128xf32, #tpu.memory_space<vmem>>, vector<16xf32>,
        tpu.vector_store %arg12[%swap3A_1507, %swap3A_1508, %swap3A_1509], %add3A_1502 {strides = array<i32>} : memref<8x8x128xf32, #tpu.memory_space<vmem>>, vector<16xf32>,
        %add3A_1511 = arith.constant 1 : i32
        %add3A_1512 = vector.broadcast %add3A_1511 : i32 to vector<16xi32>
        %add3A_1513 = arith.addi %add3A_1494, %add3A_1512 : vector<16xi32>
        %gather3A_1514 = tpu.vector_load_idx %arg10[%add3A_406, %add3A_1513] : memref<128x128xf32, #tpu.memory_space<vmem>>[vector<16xi32>, vector<16xi32>], vector<16xf32>,
        %mul3A_1515 = vector.broadcast %squeeze3A_89 : f32 to vector<16xf32>
        %mul3A_1516 = arith.mulf %mul3A_887, %mul3A_1515 : vector<16xf32>
        %mul3A_1517 = arith.mulf %mul3A_859, %mul3A_1516 : vector<16xf32>
        %sub3A_1518 = vector.broadcast %squeeze3A_217 : f32 to vector<16xf32>
        %sub3A_1519 = arith.subf %sub3A_1518, %mul3A_1517 : vector<16xf32>
        %mul3A_1520 = arith.mulf %gather3A_1514, %mul3A_1516 : vector<16xf32>
        %add3A_1521 = arith.addf %mul3A_1520, %sub3A_1519 : vector<16xf32>
        %mul3A_1522 = arith.constant 16 : i32
        %mul3A_1523 = arith.muli %scan3A_392, %mul3A_1522 : i32
        %swap3A_1524 = arith.constant 4 : i32
        %swap3A_1525 = arith.constant 1 : i32
        %swap3A_1526 = arith.index_cast %swap3A_1524 : i32 to index
        %swap3A_1527 = arith.index_cast %swap3A_1525 : i32 to index
        %swap3A_1528 = arith.index_cast %mul3A_1523 : i32 to index
        %swap3A_1529 = tpu.vector_load %arg12[%swap3A_1526, %swap3A_1527, %swap3A_1528] {strides = array<i32>} : memref<8x8x128xf32, #tpu.memory_space<vmem>>, vector<16xf32>,
        tpu.vector_store %arg12[%swap3A_1526, %swap3A_1527, %swap3A_1528], %add3A_1521 {strides = array<i32>} : memref<8x8x128xf32, #tpu.memory_space<vmem>>, vector<16xf32>,
        %add3A_1530 = arith.constant 1 : i32
        %add3A_1531 = vector.broadcast %add3A_1530 : i32 to vector<16xi32>
        %add3A_1532 = arith.addi %add3A_1513, %add3A_1531 : vector<16xi32>
        %gather3A_1533 = tpu.vector_load_idx %arg10[%add3A_406, %add3A_1532] : memref<128x128xf32, #tpu.memory_space<vmem>>[vector<16xi32>, vector<16xi32>], vector<16xf32>,
        %mul3A_1534 = vector.broadcast %squeeze3A_91 : f32 to vector<16xf32>
        %mul3A_1535 = arith.mulf %mul3A_887, %mul3A_1534 : vector<16xf32>
        %mul3A_1536 = arith.mulf %mul3A_859, %mul3A_1535 : vector<16xf32>
        %sub3A_1537 = vector.broadcast %squeeze3A_219 : f32 to vector<16xf32>
        %sub3A_1538 = arith.subf %sub3A_1537, %mul3A_1536 : vector<16xf32>
        %mul3A_1539 = arith.mulf %gather3A_1533, %mul3A_1535 : vector<16xf32>
        %add3A_1540 = arith.addf %mul3A_1539, %sub3A_1538 : vector<16xf32>
        %mul3A_1541 = arith.constant 16 : i32
        %mul3A_1542 = arith.muli %scan3A_392, %mul3A_1541 : i32
        %swap3A_1543 = arith.constant 4 : i32
        %swap3A_1544 = arith.constant 2 : i32
        %swap3A_1545 = arith.index_cast %swap3A_1543 : i32 to index
        %swap3A_1546 = arith.index_cast %swap3A_1544 : i32 to index
        %swap3A_1547 = arith.index_cast %mul3A_1542 : i32 to index
        %swap3A_1548 = tpu.vector_load %arg12[%swap3A_1545, %swap3A_1546, %swap3A_1547] {strides = array<i32>} : memref<8x8x128xf32, #tpu.memory_space<vmem>>, vector<16xf32>,
        tpu.vector_store %arg12[%swap3A_1545, %swap3A_1546, %swap3A_1547], %add3A_1540 {strides = array<i32>} : memref<8x8x128xf32, #tpu.memory_space<vmem>>, vector<16xf32>,
        %add3A_1549 = arith.constant 1 : i32
        %add3A_1550 = vector.broadcast %add3A_1549 : i32 to vector<16xi32>
        %add3A_1551 = arith.addi %add3A_1532, %add3A_1550 : vector<16xi32>
        %gather3A_1552 = tpu.vector_load_idx %arg10[%add3A_406, %add3A_1551] : memref<128x128xf32, #tpu.memory_space<vmem>>[vector<16xi32>, vector<16xi32>], vector<16xf32>,
        %mul3A_1553 = vector.broadcast %squeeze3A_93 : f32 to vector<16xf32>
        %mul3A_1554 = arith.mulf %mul3A_887, %mul3A_1553 : vector<16xf32>
        %mul3A_1555 = arith.mulf %mul3A_859, %mul3A_1554 : vector<16xf32>
        %sub3A_1556 = vector.broadcast %squeeze3A_221 : f32 to vector<16xf32>
        %sub3A_1557 = arith.subf %sub3A_1556, %mul3A_1555 : vector<16xf32>
        %mul3A_1558 = arith.mulf %gather3A_1552, %mul3A_1554 : vector<16xf32>
        %add3A_1559 = arith.addf %mul3A_1558, %sub3A_1557 : vector<16xf32>
        %mul3A_1560 = arith.constant 16 : i32
        %mul3A_1561 = arith.muli %scan3A_392, %mul3A_1560 : i32
        %swap3A_1562 = arith.constant 4 : i32
        %swap3A_1563 = arith.constant 3 : i32
        %swap3A_1564 = arith.index_cast %swap3A_1562 : i32 to index
        %swap3A_1565 = arith.index_cast %swap3A_1563 : i32 to index
        %swap3A_1566 = arith.index_cast %mul3A_1561 : i32 to index
        %swap3A_1567 = tpu.vector_load %arg12[%swap3A_1564, %swap3A_1565, %swap3A_1566] {strides = array<i32>} : memref<8x8x128xf32, #tpu.memory_space<vmem>>, vector<16xf32>,
        tpu.vector_store %arg12[%swap3A_1564, %swap3A_1565, %swap3A_1566], %add3A_1559 {strides = array<i32>} : memref<8x8x128xf32, #tpu.memory_space<vmem>>, vector<16xf32>,
        %add3A_1568 = arith.constant 1 : i32
        %add3A_1569 = vector.broadcast %add3A_1568 : i32 to vector<16xi32>
        %add3A_1570 = arith.addi %add3A_1551, %add3A_1569 : vector<16xi32>
        %gather3A_1571 = tpu.vector_load_idx %arg10[%add3A_406, %add3A_1570] : memref<128x128xf32, #tpu.memory_space<vmem>>[vector<16xi32>, vector<16xi32>], vector<16xf32>,
        %mul3A_1572 = vector.broadcast %squeeze3A_95 : f32 to vector<16xf32>
        %mul3A_1573 = arith.mulf %mul3A_887, %mul3A_1572 : vector<16xf32>
        %mul3A_1574 = arith.mulf %mul3A_859, %mul3A_1573 : vector<16xf32>
        %sub3A_1575 = vector.broadcast %squeeze3A_223 : f32 to vector<16xf32>
        %sub3A_1576 = arith.subf %sub3A_1575, %mul3A_1574 : vector<16xf32>
        %mul3A_1577 = arith.mulf %gather3A_1571, %mul3A_1573 : vector<16xf32>
        %add3A_1578 = arith.addf %mul3A_1577, %sub3A_1576 : vector<16xf32>
        %mul3A_1579 = arith.constant 16 : i32
        %mul3A_1580 = arith.muli %scan3A_392, %mul3A_1579 : i32
        %swap3A_1581 = arith.constant 4 : i32
        %swap3A_1582 = arith.constant 4 : i32
        %swap3A_1583 = arith.index_cast %swap3A_1581 : i32 to index
        %swap3A_1584 = arith.index_cast %swap3A_1582 : i32 to index
        %swap3A_1585 = arith.index_cast %mul3A_1580 : i32 to index
        %swap3A_1586 = tpu.vector_load %arg12[%swap3A_1583, %swap3A_1584, %swap3A_1585] {strides = array<i32>} : memref<8x8x128xf32, #tpu.memory_space<vmem>>, vector<16xf32>,
        tpu.vector_store %arg12[%swap3A_1583, %swap3A_1584, %swap3A_1585], %add3A_1578 {strides = array<i32>} : memref<8x8x128xf32, #tpu.memory_space<vmem>>, vector<16xf32>,
        %add3A_1587 = arith.constant 1 : i32
        %add3A_1588 = vector.broadcast %add3A_1587 : i32 to vector<16xi32>
        %add3A_1589 = arith.addi %add3A_1570, %add3A_1588 : vector<16xi32>
        %gather3A_1590 = tpu.vector_load_idx %arg10[%add3A_406, %add3A_1589] : memref<128x128xf32, #tpu.memory_space<vmem>>[vector<16xi32>, vector<16xi32>], vector<16xf32>,
        %mul3A_1591 = vector.broadcast %squeeze3A_97 : f32 to vector<16xf32>
        %mul3A_1592 = arith.mulf %mul3A_887, %mul3A_1591 : vector<16xf32>
        %mul3A_1593 = arith.mulf %mul3A_859, %mul3A_1592 : vector<16xf32>
        %sub3A_1594 = vector.broadcast %squeeze3A_225 : f32 to vector<16xf32>
        %sub3A_1595 = arith.subf %sub3A_1594, %mul3A_1593 : vector<16xf32>
        %mul3A_1596 = arith.mulf %gather3A_1590, %mul3A_1592 : vector<16xf32>
        %add3A_1597 = arith.addf %mul3A_1596, %sub3A_1595 : vector<16xf32>
        %mul3A_1598 = arith.constant 16 : i32
        %mul3A_1599 = arith.muli %scan3A_392, %mul3A_1598 : i32
        %swap3A_1600 = arith.constant 4 : i32
        %swap3A_1601 = arith.constant 5 : i32
        %swap3A_1602 = arith.index_cast %swap3A_1600 : i32 to index
        %swap3A_1603 = arith.index_cast %swap3A_1601 : i32 to index
        %swap3A_1604 = arith.index_cast %mul3A_1599 : i32 to index
        %swap3A_1605 = tpu.vector_load %arg12[%swap3A_1602, %swap3A_1603, %swap3A_1604] {strides = array<i32>} : memref<8x8x128xf32, #tpu.memory_space<vmem>>, vector<16xf32>,
        tpu.vector_store %arg12[%swap3A_1602, %swap3A_1603, %swap3A_1604], %add3A_1597 {strides = array<i32>} : memref<8x8x128xf32, #tpu.memory_space<vmem>>, vector<16xf32>,
        %add3A_1606 = arith.constant 1 : i32
        %add3A_1607 = vector.broadcast %add3A_1606 : i32 to vector<16xi32>
        %add3A_1608 = arith.addi %add3A_1589, %add3A_1607 : vector<16xi32>
        %gather3A_1609 = tpu.vector_load_idx %arg10[%add3A_406, %add3A_1608] : memref<128x128xf32, #tpu.memory_space<vmem>>[vector<16xi32>, vector<16xi32>], vector<16xf32>,
        %mul3A_1610 = vector.broadcast %squeeze3A_99 : f32 to vector<16xf32>
        %mul3A_1611 = arith.mulf %mul3A_887, %mul3A_1610 : vector<16xf32>
        %mul3A_1612 = arith.mulf %mul3A_859, %mul3A_1611 : vector<16xf32>
        %sub3A_1613 = vector.broadcast %squeeze3A_227 : f32 to vector<16xf32>
        %sub3A_1614 = arith.subf %sub3A_1613, %mul3A_1612 : vector<16xf32>
        %mul3A_1615 = arith.mulf %gather3A_1609, %mul3A_1611 : vector<16xf32>
        %add3A_1616 = arith.addf %mul3A_1615, %sub3A_1614 : vector<16xf32>
        %mul3A_1617 = arith.constant 16 : i32
        %mul3A_1618 = arith.muli %scan3A_392, %mul3A_1617 : i32
        %swap3A_1619 = arith.constant 4 : i32
        %swap3A_1620 = arith.constant 6 : i32
        %swap3A_1621 = arith.index_cast %swap3A_1619 : i32 to index
        %swap3A_1622 = arith.index_cast %swap3A_1620 : i32 to index
        %swap3A_1623 = arith.index_cast %mul3A_1618 : i32 to index
        %swap3A_1624 = tpu.vector_load %arg12[%swap3A_1621, %swap3A_1622, %swap3A_1623] {strides = array<i32>} : memref<8x8x128xf32, #tpu.memory_space<vmem>>, vector<16xf32>,
        tpu.vector_store %arg12[%swap3A_1621, %swap3A_1622, %swap3A_1623], %add3A_1616 {strides = array<i32>} : memref<8x8x128xf32, #tpu.memory_space<vmem>>, vector<16xf32>,
        %add3A_1625 = arith.constant 1 : i32
        %add3A_1626 = vector.broadcast %add3A_1625 : i32 to vector<16xi32>
        %add3A_1627 = arith.addi %add3A_1608, %add3A_1626 : vector<16xi32>
        %gather3A_1628 = tpu.vector_load_idx %arg10[%add3A_406, %add3A_1627] : memref<128x128xf32, #tpu.memory_space<vmem>>[vector<16xi32>, vector<16xi32>], vector<16xf32>,
        %mul3A_1629 = vector.broadcast %squeeze3A_101 : f32 to vector<16xf32>
        %mul3A_1630 = arith.mulf %mul3A_887, %mul3A_1629 : vector<16xf32>
        %mul3A_1631 = arith.mulf %mul3A_859, %mul3A_1630 : vector<16xf32>
        %sub3A_1632 = vector.broadcast %squeeze3A_229 : f32 to vector<16xf32>
        %sub3A_1633 = arith.subf %sub3A_1632, %mul3A_1631 : vector<16xf32>
        %mul3A_1634 = arith.mulf %gather3A_1628, %mul3A_1630 : vector<16xf32>
        %add3A_1635 = arith.addf %mul3A_1634, %sub3A_1633 : vector<16xf32>
        %mul3A_1636 = arith.constant 16 : i32
        %mul3A_1637 = arith.muli %scan3A_392, %mul3A_1636 : i32
        %swap3A_1638 = arith.constant 4 : i32
        %swap3A_1639 = arith.constant 7 : i32
        %swap3A_1640 = arith.index_cast %swap3A_1638 : i32 to index
        %swap3A_1641 = arith.index_cast %swap3A_1639 : i32 to index
        %swap3A_1642 = arith.index_cast %mul3A_1637 : i32 to index
        %swap3A_1643 = tpu.vector_load %arg12[%swap3A_1640, %swap3A_1641, %swap3A_1642] {strides = array<i32>} : memref<8x8x128xf32, #tpu.memory_space<vmem>>, vector<16xf32>,
        tpu.vector_store %arg12[%swap3A_1640, %swap3A_1641, %swap3A_1642], %add3A_1635 {strides = array<i32>} : memref<8x8x128xf32, #tpu.memory_space<vmem>>, vector<16xf32>,
        %add3A_1644 = arith.constant 1 : i32
        %add3A_1645 = vector.broadcast %add3A_1644 : i32 to vector<16xi32>
        %add3A_1646 = arith.addi %add3A_1627, %add3A_1645 : vector<16xi32>
        %gather3A_1647 = tpu.vector_load_idx %arg10[%add3A_406, %add3A_1646] : memref<128x128xf32, #tpu.memory_space<vmem>>[vector<16xi32>, vector<16xi32>], vector<16xf32>,
        %mul3A_1648 = vector.broadcast %squeeze3A_103 : f32 to vector<16xf32>
        %mul3A_1649 = arith.mulf %mul3A_887, %mul3A_1648 : vector<16xf32>
        %mul3A_1650 = arith.mulf %mul3A_859, %mul3A_1649 : vector<16xf32>
        %sub3A_1651 = vector.broadcast %squeeze3A_231 : f32 to vector<16xf32>
        %sub3A_1652 = arith.subf %sub3A_1651, %mul3A_1650 : vector<16xf32>
        %mul3A_1653 = arith.mulf %gather3A_1647, %mul3A_1649 : vector<16xf32>
        %add3A_1654 = arith.addf %mul3A_1653, %sub3A_1652 : vector<16xf32>
        %mul3A_1655 = arith.constant 16 : i32
        %mul3A_1656 = arith.muli %scan3A_392, %mul3A_1655 : i32
        %swap3A_1657 = arith.constant 5 : i32
        %swap3A_1658 = arith.constant 0 : i32
        %swap3A_1659 = arith.index_cast %swap3A_1657 : i32 to index
        %swap3A_1660 = arith.index_cast %swap3A_1658 : i32 to index
        %swap3A_1661 = arith.index_cast %mul3A_1656 : i32 to index
        %swap3A_1662 = tpu.vector_load %arg12[%swap3A_1659, %swap3A_1660, %swap3A_1661] {strides = array<i32>} : memref<8x8x128xf32, #tpu.memory_space<vmem>>, vector<16xf32>,
        tpu.vector_store %arg12[%swap3A_1659, %swap3A_1660, %swap3A_1661], %add3A_1654 {strides = array<i32>} : memref<8x8x128xf32, #tpu.memory_space<vmem>>, vector<16xf32>,
        %add3A_1663 = arith.constant 1 : i32
        %add3A_1664 = vector.broadcast %add3A_1663 : i32 to vector<16xi32>
        %add3A_1665 = arith.addi %add3A_1646, %add3A_1664 : vector<16xi32>
        %gather3A_1666 = tpu.vector_load_idx %arg10[%add3A_406, %add3A_1665] : memref<128x128xf32, #tpu.memory_space<vmem>>[vector<16xi32>, vector<16xi32>], vector<16xf32>,
        %mul3A_1667 = vector.broadcast %squeeze3A_105 : f32 to vector<16xf32>
        %mul3A_1668 = arith.mulf %mul3A_887, %mul3A_1667 : vector<16xf32>
        %mul3A_1669 = arith.mulf %mul3A_859, %mul3A_1668 : vector<16xf32>
        %sub3A_1670 = vector.broadcast %squeeze3A_233 : f32 to vector<16xf32>
        %sub3A_1671 = arith.subf %sub3A_1670, %mul3A_1669 : vector<16xf32>
        %mul3A_1672 = arith.mulf %gather3A_1666, %mul3A_1668 : vector<16xf32>
        %add3A_1673 = arith.addf %mul3A_1672, %sub3A_1671 : vector<16xf32>
        %mul3A_1674 = arith.constant 16 : i32
        %mul3A_1675 = arith.muli %scan3A_392, %mul3A_1674 : i32
        %swap3A_1676 = arith.constant 5 : i32
        %swap3A_1677 = arith.constant 1 : i32
        %swap3A_1678 = arith.index_cast %swap3A_1676 : i32 to index
        %swap3A_1679 = arith.index_cast %swap3A_1677 : i32 to index
        %swap3A_1680 = arith.index_cast %mul3A_1675 : i32 to index
        %swap3A_1681 = tpu.vector_load %arg12[%swap3A_1678, %swap3A_1679, %swap3A_1680] {strides = array<i32>} : memref<8x8x128xf32, #tpu.memory_space<vmem>>, vector<16xf32>,
        tpu.vector_store %arg12[%swap3A_1678, %swap3A_1679, %swap3A_1680], %add3A_1673 {strides = array<i32>} : memref<8x8x128xf32, #tpu.memory_space<vmem>>, vector<16xf32>,
        %add3A_1682 = arith.constant 1 : i32
        %add3A_1683 = vector.broadcast %add3A_1682 : i32 to vector<16xi32>
        %add3A_1684 = arith.addi %add3A_1665, %add3A_1683 : vector<16xi32>
        %gather3A_1685 = tpu.vector_load_idx %arg10[%add3A_406, %add3A_1684] : memref<128x128xf32, #tpu.memory_space<vmem>>[vector<16xi32>, vector<16xi32>], vector<16xf32>,
        %mul3A_1686 = vector.broadcast %squeeze3A_107 : f32 to vector<16xf32>
        %mul3A_1687 = arith.mulf %mul3A_887, %mul3A_1686 : vector<16xf32>
        %mul3A_1688 = arith.mulf %mul3A_859, %mul3A_1687 : vector<16xf32>
        %sub3A_1689 = vector.broadcast %squeeze3A_235 : f32 to vector<16xf32>
        %sub3A_1690 = arith.subf %sub3A_1689, %mul3A_1688 : vector<16xf32>
        %mul3A_1691 = arith.mulf %gather3A_1685, %mul3A_1687 : vector<16xf32>
        %add3A_1692 = arith.addf %mul3A_1691, %sub3A_1690 : vector<16xf32>
        %mul3A_1693 = arith.constant 16 : i32
        %mul3A_1694 = arith.muli %scan3A_392, %mul3A_1693 : i32
        %swap3A_1695 = arith.constant 5 : i32
        %swap3A_1696 = arith.constant 2 : i32
        %swap3A_1697 = arith.index_cast %swap3A_1695 : i32 to index
        %swap3A_1698 = arith.index_cast %swap3A_1696 : i32 to index
        %swap3A_1699 = arith.index_cast %mul3A_1694 : i32 to index
        %swap3A_1700 = tpu.vector_load %arg12[%swap3A_1697, %swap3A_1698, %swap3A_1699] {strides = array<i32>} : memref<8x8x128xf32, #tpu.memory_space<vmem>>, vector<16xf32>,
        tpu.vector_store %arg12[%swap3A_1697, %swap3A_1698, %swap3A_1699], %add3A_1692 {strides = array<i32>} : memref<8x8x128xf32, #tpu.memory_space<vmem>>, vector<16xf32>,
        %add3A_1701 = arith.constant 1 : i32
        %add3A_1702 = vector.broadcast %add3A_1701 : i32 to vector<16xi32>
        %add3A_1703 = arith.addi %add3A_1684, %add3A_1702 : vector<16xi32>
        %gather3A_1704 = tpu.vector_load_idx %arg10[%add3A_406, %add3A_1703] : memref<128x128xf32, #tpu.memory_space<vmem>>[vector<16xi32>, vector<16xi32>], vector<16xf32>,
        %mul3A_1705 = vector.broadcast %squeeze3A_109 : f32 to vector<16xf32>
        %mul3A_1706 = arith.mulf %mul3A_887, %mul3A_1705 : vector<16xf32>
        %mul3A_1707 = arith.mulf %mul3A_859, %mul3A_1706 : vector<16xf32>
        %sub3A_1708 = vector.broadcast %squeeze3A_237 : f32 to vector<16xf32>
        %sub3A_1709 = arith.subf %sub3A_1708, %mul3A_1707 : vector<16xf32>
        %mul3A_1710 = arith.mulf %gather3A_1704, %mul3A_1706 : vector<16xf32>
        %add3A_1711 = arith.addf %mul3A_1710, %sub3A_1709 : vector<16xf32>
        %mul3A_1712 = arith.constant 16 : i32
        %mul3A_1713 = arith.muli %scan3A_392, %mul3A_1712 : i32
        %swap3A_1714 = arith.constant 5 : i32
        %swap3A_1715 = arith.constant 3 : i32
        %swap3A_1716 = arith.index_cast %swap3A_1714 : i32 to index
        %swap3A_1717 = arith.index_cast %swap3A_1715 : i32 to index
        %swap3A_1718 = arith.index_cast %mul3A_1713 : i32 to index
        %swap3A_1719 = tpu.vector_load %arg12[%swap3A_1716, %swap3A_1717, %swap3A_1718] {strides = array<i32>} : memref<8x8x128xf32, #tpu.memory_space<vmem>>, vector<16xf32>,
        tpu.vector_store %arg12[%swap3A_1716, %swap3A_1717, %swap3A_1718], %add3A_1711 {strides = array<i32>} : memref<8x8x128xf32, #tpu.memory_space<vmem>>, vector<16xf32>,
        %add3A_1720 = arith.constant 1 : i32
        %add3A_1721 = vector.broadcast %add3A_1720 : i32 to vector<16xi32>
        %add3A_1722 = arith.addi %add3A_1703, %add3A_1721 : vector<16xi32>
        %gather3A_1723 = tpu.vector_load_idx %arg10[%add3A_406, %add3A_1722] : memref<128x128xf32, #tpu.memory_space<vmem>>[vector<16xi32>, vector<16xi32>], vector<16xf32>,
        %mul3A_1724 = vector.broadcast %squeeze3A_111 : f32 to vector<16xf32>
        %mul3A_1725 = arith.mulf %mul3A_887, %mul3A_1724 : vector<16xf32>
        %mul3A_1726 = arith.mulf %mul3A_859, %mul3A_1725 : vector<16xf32>
        %sub3A_1727 = vector.broadcast %squeeze3A_239 : f32 to vector<16xf32>
        %sub3A_1728 = arith.subf %sub3A_1727, %mul3A_1726 : vector<16xf32>
        %mul3A_1729 = arith.mulf %gather3A_1723, %mul3A_1725 : vector<16xf32>
        %add3A_1730 = arith.addf %mul3A_1729, %sub3A_1728 : vector<16xf32>
        %mul3A_1731 = arith.constant 16 : i32
        %mul3A_1732 = arith.muli %scan3A_392, %mul3A_1731 : i32
        %swap3A_1733 = arith.constant 5 : i32
        %swap3A_1734 = arith.constant 4 : i32
        %swap3A_1735 = arith.index_cast %swap3A_1733 : i32 to index
        %swap3A_1736 = arith.index_cast %swap3A_1734 : i32 to index
        %swap3A_1737 = arith.index_cast %mul3A_1732 : i32 to index
        %swap3A_1738 = tpu.vector_load %arg12[%swap3A_1735, %swap3A_1736, %swap3A_1737] {strides = array<i32>} : memref<8x8x128xf32, #tpu.memory_space<vmem>>, vector<16xf32>,
        tpu.vector_store %arg12[%swap3A_1735, %swap3A_1736, %swap3A_1737], %add3A_1730 {strides = array<i32>} : memref<8x8x128xf32, #tpu.memory_space<vmem>>, vector<16xf32>,
        %add3A_1739 = arith.constant 1 : i32
        %add3A_1740 = vector.broadcast %add3A_1739 : i32 to vector<16xi32>
        %add3A_1741 = arith.addi %add3A_1722, %add3A_1740 : vector<16xi32>
        %gather3A_1742 = tpu.vector_load_idx %arg10[%add3A_406, %add3A_1741] : memref<128x128xf32, #tpu.memory_space<vmem>>[vector<16xi32>, vector<16xi32>], vector<16xf32>,
        %mul3A_1743 = vector.broadcast %squeeze3A_113 : f32 to vector<16xf32>
        %mul3A_1744 = arith.mulf %mul3A_887, %mul3A_1743 : vector<16xf32>
        %mul3A_1745 = arith.mulf %mul3A_859, %mul3A_1744 : vector<16xf32>
        %sub3A_1746 = vector.broadcast %squeeze3A_241 : f32 to vector<16xf32>
        %sub3A_1747 = arith.subf %sub3A_1746, %mul3A_1745 : vector<16xf32>
        %mul3A_1748 = arith.mulf %gather3A_1742, %mul3A_1744 : vector<16xf32>
        %add3A_1749 = arith.addf %mul3A_1748, %sub3A_1747 : vector<16xf32>
        %mul3A_1750 = arith.constant 16 : i32
        %mul3A_1751 = arith.muli %scan3A_392, %mul3A_1750 : i32
        %swap3A_1752 = arith.constant 5 : i32
        %swap3A_1753 = arith.constant 5 : i32
        %swap3A_1754 = arith.index_cast %swap3A_1752 : i32 to index
        %swap3A_1755 = arith.index_cast %swap3A_1753 : i32 to index
        %swap3A_1756 = arith.index_cast %mul3A_1751 : i32 to index
        %swap3A_1757 = tpu.vector_load %arg12[%swap3A_1754, %swap3A_1755, %swap3A_1756] {strides = array<i32>} : memref<8x8x128xf32, #tpu.memory_space<vmem>>, vector<16xf32>,
        tpu.vector_store %arg12[%swap3A_1754, %swap3A_1755, %swap3A_1756], %add3A_1749 {strides = array<i32>} : memref<8x8x128xf32, #tpu.memory_space<vmem>>, vector<16xf32>,
        %add3A_1758 = arith.constant 1 : i32
        %add3A_1759 = vector.broadcast %add3A_1758 : i32 to vector<16xi32>
        %add3A_1760 = arith.addi %add3A_1741, %add3A_1759 : vector<16xi32>
        %gather3A_1761 = tpu.vector_load_idx %arg10[%add3A_406, %add3A_1760] : memref<128x128xf32, #tpu.memory_space<vmem>>[vector<16xi32>, vector<16xi32>], vector<16xf32>,
        %mul3A_1762 = vector.broadcast %squeeze3A_115 : f32 to vector<16xf32>
        %mul3A_1763 = arith.mulf %mul3A_887, %mul3A_1762 : vector<16xf32>
        %mul3A_1764 = arith.mulf %mul3A_859, %mul3A_1763 : vector<16xf32>
        %sub3A_1765 = vector.broadcast %squeeze3A_243 : f32 to vector<16xf32>
        %sub3A_1766 = arith.subf %sub3A_1765, %mul3A_1764 : vector<16xf32>
        %mul3A_1767 = arith.mulf %gather3A_1761, %mul3A_1763 : vector<16xf32>
        %add3A_1768 = arith.addf %mul3A_1767, %sub3A_1766 : vector<16xf32>
        %mul3A_1769 = arith.constant 16 : i32
        %mul3A_1770 = arith.muli %scan3A_392, %mul3A_1769 : i32
        %swap3A_1771 = arith.constant 5 : i32
        %swap3A_1772 = arith.constant 6 : i32
        %swap3A_1773 = arith.index_cast %swap3A_1771 : i32 to index
        %swap3A_1774 = arith.index_cast %swap3A_1772 : i32 to index
        %swap3A_1775 = arith.index_cast %mul3A_1770 : i32 to index
        %swap3A_1776 = tpu.vector_load %arg12[%swap3A_1773, %swap3A_1774, %swap3A_1775] {strides = array<i32>} : memref<8x8x128xf32, #tpu.memory_space<vmem>>, vector<16xf32>,
        tpu.vector_store %arg12[%swap3A_1773, %swap3A_1774, %swap3A_1775], %add3A_1768 {strides = array<i32>} : memref<8x8x128xf32, #tpu.memory_space<vmem>>, vector<16xf32>,
        %add3A_1777 = arith.constant 1 : i32
        %add3A_1778 = vector.broadcast %add3A_1777 : i32 to vector<16xi32>
        %add3A_1779 = arith.addi %add3A_1760, %add3A_1778 : vector<16xi32>
        %gather3A_1780 = tpu.vector_load_idx %arg10[%add3A_406, %add3A_1779] : memref<128x128xf32, #tpu.memory_space<vmem>>[vector<16xi32>, vector<16xi32>], vector<16xf32>,
        %mul3A_1781 = vector.broadcast %squeeze3A_117 : f32 to vector<16xf32>
        %mul3A_1782 = arith.mulf %mul3A_887, %mul3A_1781 : vector<16xf32>
        %mul3A_1783 = arith.mulf %mul3A_859, %mul3A_1782 : vector<16xf32>
        %sub3A_1784 = vector.broadcast %squeeze3A_245 : f32 to vector<16xf32>
        %sub3A_1785 = arith.subf %sub3A_1784, %mul3A_1783 : vector<16xf32>
        %mul3A_1786 = arith.mulf %gather3A_1780, %mul3A_1782 : vector<16xf32>
        %add3A_1787 = arith.addf %mul3A_1786, %sub3A_1785 : vector<16xf32>
        %mul3A_1788 = arith.constant 16 : i32
        %mul3A_1789 = arith.muli %scan3A_392, %mul3A_1788 : i32
        %swap3A_1790 = arith.constant 5 : i32
        %swap3A_1791 = arith.constant 7 : i32
        %swap3A_1792 = arith.index_cast %swap3A_1790 : i32 to index
        %swap3A_1793 = arith.index_cast %swap3A_1791 : i32 to index
        %swap3A_1794 = arith.index_cast %mul3A_1789 : i32 to index
        %swap3A_1795 = tpu.vector_load %arg12[%swap3A_1792, %swap3A_1793, %swap3A_1794] {strides = array<i32>} : memref<8x8x128xf32, #tpu.memory_space<vmem>>, vector<16xf32>,
        tpu.vector_store %arg12[%swap3A_1792, %swap3A_1793, %swap3A_1794], %add3A_1787 {strides = array<i32>} : memref<8x8x128xf32, #tpu.memory_space<vmem>>, vector<16xf32>,
        %add3A_1796 = arith.constant 1 : i32
        %add3A_1797 = vector.broadcast %add3A_1796 : i32 to vector<16xi32>
        %add3A_1798 = arith.addi %add3A_1779, %add3A_1797 : vector<16xi32>
        %gather3A_1799 = tpu.vector_load_idx %arg10[%add3A_406, %add3A_1798] : memref<128x128xf32, #tpu.memory_space<vmem>>[vector<16xi32>, vector<16xi32>], vector<16xf32>,
        %mul3A_1800 = vector.broadcast %squeeze3A_119 : f32 to vector<16xf32>
        %mul3A_1801 = arith.mulf %mul3A_887, %mul3A_1800 : vector<16xf32>
        %mul3A_1802 = arith.mulf %mul3A_859, %mul3A_1801 : vector<16xf32>
        %sub3A_1803 = vector.broadcast %squeeze3A_247 : f32 to vector<16xf32>
        %sub3A_1804 = arith.subf %sub3A_1803, %mul3A_1802 : vector<16xf32>
        %mul3A_1805 = arith.mulf %gather3A_1799, %mul3A_1801 : vector<16xf32>
        %add3A_1806 = arith.addf %mul3A_1805, %sub3A_1804 : vector<16xf32>
        %mul3A_1807 = arith.constant 16 : i32
        %mul3A_1808 = arith.muli %scan3A_392, %mul3A_1807 : i32
        %swap3A_1809 = arith.constant 6 : i32
        %swap3A_1810 = arith.constant 0 : i32
        %swap3A_1811 = arith.index_cast %swap3A_1809 : i32 to index
        %swap3A_1812 = arith.index_cast %swap3A_1810 : i32 to index
        %swap3A_1813 = arith.index_cast %mul3A_1808 : i32 to index
        %swap3A_1814 = tpu.vector_load %arg12[%swap3A_1811, %swap3A_1812, %swap3A_1813] {strides = array<i32>} : memref<8x8x128xf32, #tpu.memory_space<vmem>>, vector<16xf32>,
        tpu.vector_store %arg12[%swap3A_1811, %swap3A_1812, %swap3A_1813], %add3A_1806 {strides = array<i32>} : memref<8x8x128xf32, #tpu.memory_space<vmem>>, vector<16xf32>,
        %add3A_1815 = arith.constant 1 : i32
        %add3A_1816 = vector.broadcast %add3A_1815 : i32 to vector<16xi32>
        %add3A_1817 = arith.addi %add3A_1798, %add3A_1816 : vector<16xi32>
        %gather3A_1818 = tpu.vector_load_idx %arg10[%add3A_406, %add3A_1817] : memref<128x128xf32, #tpu.memory_space<vmem>>[vector<16xi32>, vector<16xi32>], vector<16xf32>,
        %mul3A_1819 = vector.broadcast %squeeze3A_121 : f32 to vector<16xf32>
        %mul3A_1820 = arith.mulf %mul3A_887, %mul3A_1819 : vector<16xf32>
        %mul3A_1821 = arith.mulf %mul3A_859, %mul3A_1820 : vector<16xf32>
        %sub3A_1822 = vector.broadcast %squeeze3A_249 : f32 to vector<16xf32>
        %sub3A_1823 = arith.subf %sub3A_1822, %mul3A_1821 : vector<16xf32>
        %mul3A_1824 = arith.mulf %gather3A_1818, %mul3A_1820 : vector<16xf32>
        %add3A_1825 = arith.addf %mul3A_1824, %sub3A_1823 : vector<16xf32>
        %mul3A_1826 = arith.constant 16 : i32
        %mul3A_1827 = arith.muli %scan3A_392, %mul3A_1826 : i32
        %swap3A_1828 = arith.constant 6 : i32
        %swap3A_1829 = arith.constant 1 : i32
        %swap3A_1830 = arith.index_cast %swap3A_1828 : i32 to index
        %swap3A_1831 = arith.index_cast %swap3A_1829 : i32 to index
        %swap3A_1832 = arith.index_cast %mul3A_1827 : i32 to index
        %swap3A_1833 = tpu.vector_load %arg12[%swap3A_1830, %swap3A_1831, %swap3A_1832] {strides = array<i32>} : memref<8x8x128xf32, #tpu.memory_space<vmem>>, vector<16xf32>,
        tpu.vector_store %arg12[%swap3A_1830, %swap3A_1831, %swap3A_1832], %add3A_1825 {strides = array<i32>} : memref<8x8x128xf32, #tpu.memory_space<vmem>>, vector<16xf32>,
        %add3A_1834 = arith.constant 1 : i32
        %add3A_1835 = vector.broadcast %add3A_1834 : i32 to vector<16xi32>
        %add3A_1836 = arith.addi %add3A_1817, %add3A_1835 : vector<16xi32>
        %gather3A_1837 = tpu.vector_load_idx %arg10[%add3A_406, %add3A_1836] : memref<128x128xf32, #tpu.memory_space<vmem>>[vector<16xi32>, vector<16xi32>], vector<16xf32>,
        %mul3A_1838 = vector.broadcast %squeeze3A_123 : f32 to vector<16xf32>
        %mul3A_1839 = arith.mulf %mul3A_887, %mul3A_1838 : vector<16xf32>
        %mul3A_1840 = arith.mulf %mul3A_859, %mul3A_1839 : vector<16xf32>
        %sub3A_1841 = vector.broadcast %squeeze3A_251 : f32 to vector<16xf32>
        %sub3A_1842 = arith.subf %sub3A_1841, %mul3A_1840 : vector<16xf32>
        %mul3A_1843 = arith.mulf %gather3A_1837, %mul3A_1839 : vector<16xf32>
        %add3A_1844 = arith.addf %mul3A_1843, %sub3A_1842 : vector<16xf32>
        %mul3A_1845 = arith.constant 16 : i32
        %mul3A_1846 = arith.muli %scan3A_392, %mul3A_1845 : i32
        %swap3A_1847 = arith.constant 6 : i32
        %swap3A_1848 = arith.constant 2 : i32
        %swap3A_1849 = arith.index_cast %swap3A_1847 : i32 to index
        %swap3A_1850 = arith.index_cast %swap3A_1848 : i32 to index
        %swap3A_1851 = arith.index_cast %mul3A_1846 : i32 to index
        %swap3A_1852 = tpu.vector_load %arg12[%swap3A_1849, %swap3A_1850, %swap3A_1851] {strides = array<i32>} : memref<8x8x128xf32, #tpu.memory_space<vmem>>, vector<16xf32>,
        tpu.vector_store %arg12[%swap3A_1849, %swap3A_1850, %swap3A_1851], %add3A_1844 {strides = array<i32>} : memref<8x8x128xf32, #tpu.memory_space<vmem>>, vector<16xf32>,
        %add3A_1853 = arith.constant 1 : i32
        %add3A_1854 = vector.broadcast %add3A_1853 : i32 to vector<16xi32>
        %add3A_1855 = arith.addi %add3A_1836, %add3A_1854 : vector<16xi32>
        %gather3A_1856 = tpu.vector_load_idx %arg10[%add3A_406, %add3A_1855] : memref<128x128xf32, #tpu.memory_space<vmem>>[vector<16xi32>, vector<16xi32>], vector<16xf32>,
        %mul3A_1857 = vector.broadcast %squeeze3A_125 : f32 to vector<16xf32>
        %mul3A_1858 = arith.mulf %mul3A_887, %mul3A_1857 : vector<16xf32>
        %mul3A_1859 = arith.mulf %mul3A_859, %mul3A_1858 : vector<16xf32>
        %sub3A_1860 = vector.broadcast %squeeze3A_253 : f32 to vector<16xf32>
        %sub3A_1861 = arith.subf %sub3A_1860, %mul3A_1859 : vector<16xf32>
        %mul3A_1862 = arith.mulf %gather3A_1856, %mul3A_1858 : vector<16xf32>
        %add3A_1863 = arith.addf %mul3A_1862, %sub3A_1861 : vector<16xf32>
        %mul3A_1864 = arith.constant 16 : i32
        %mul3A_1865 = arith.muli %scan3A_392, %mul3A_1864 : i32
        %swap3A_1866 = arith.constant 6 : i32
        %swap3A_1867 = arith.constant 3 : i32
        %swap3A_1868 = arith.index_cast %swap3A_1866 : i32 to index
        %swap3A_1869 = arith.index_cast %swap3A_1867 : i32 to index
        %swap3A_1870 = arith.index_cast %mul3A_1865 : i32 to index
        %swap3A_1871 = tpu.vector_load %arg12[%swap3A_1868, %swap3A_1869, %swap3A_1870] {strides = array<i32>} : memref<8x8x128xf32, #tpu.memory_space<vmem>>, vector<16xf32>,
        tpu.vector_store %arg12[%swap3A_1868, %swap3A_1869, %swap3A_1870], %add3A_1863 {strides = array<i32>} : memref<8x8x128xf32, #tpu.memory_space<vmem>>, vector<16xf32>,
        %add3A_1872 = arith.constant 1 : i32
        %add3A_1873 = vector.broadcast %add3A_1872 : i32 to vector<16xi32>
        %add3A_1874 = arith.addi %add3A_1855, %add3A_1873 : vector<16xi32>
        %gather3A_1875 = tpu.vector_load_idx %arg10[%add3A_406, %add3A_1874] : memref<128x128xf32, #tpu.memory_space<vmem>>[vector<16xi32>, vector<16xi32>], vector<16xf32>,
        %mul3A_1876 = vector.broadcast %squeeze3A_127 : f32 to vector<16xf32>
        %mul3A_1877 = arith.mulf %mul3A_887, %mul3A_1876 : vector<16xf32>
        %mul3A_1878 = arith.mulf %mul3A_859, %mul3A_1877 : vector<16xf32>
        %sub3A_1879 = vector.broadcast %squeeze3A_255 : f32 to vector<16xf32>
        %sub3A_1880 = arith.subf %sub3A_1879, %mul3A_1878 : vector<16xf32>
        %mul3A_1881 = arith.mulf %gather3A_1875, %mul3A_1877 : vector<16xf32>
        %add3A_1882 = arith.addf %mul3A_1881, %sub3A_1880 : vector<16xf32>
        %mul3A_1883 = arith.constant 16 : i32
        %mul3A_1884 = arith.muli %scan3A_392, %mul3A_1883 : i32
        %swap3A_1885 = arith.constant 6 : i32
        %swap3A_1886 = arith.constant 4 : i32
        %swap3A_1887 = arith.index_cast %swap3A_1885 : i32 to index
        %swap3A_1888 = arith.index_cast %swap3A_1886 : i32 to index
        %swap3A_1889 = arith.index_cast %mul3A_1884 : i32 to index
        %swap3A_1890 = tpu.vector_load %arg12[%swap3A_1887, %swap3A_1888, %swap3A_1889] {strides = array<i32>} : memref<8x8x128xf32, #tpu.memory_space<vmem>>, vector<16xf32>,
        tpu.vector_store %arg12[%swap3A_1887, %swap3A_1888, %swap3A_1889], %add3A_1882 {strides = array<i32>} : memref<8x8x128xf32, #tpu.memory_space<vmem>>, vector<16xf32>,
        %add3A_1891 = arith.constant 1 : i32
        %add3A_1892 = vector.broadcast %add3A_1891 : i32 to vector<16xi32>
        %add3A_1893 = arith.addi %add3A_1874, %add3A_1892 : vector<16xi32>
        %gather3A_1894 = tpu.vector_load_idx %arg10[%add3A_406, %add3A_1893] : memref<128x128xf32, #tpu.memory_space<vmem>>[vector<16xi32>, vector<16xi32>], vector<16xf32>,
        %mul3A_1895 = vector.broadcast %squeeze3A_129 : f32 to vector<16xf32>
        %mul3A_1896 = arith.mulf %mul3A_887, %mul3A_1895 : vector<16xf32>
        %mul3A_1897 = arith.mulf %mul3A_859, %mul3A_1896 : vector<16xf32>
        %sub3A_1898 = vector.broadcast %squeeze3A_257 : f32 to vector<16xf32>
        %sub3A_1899 = arith.subf %sub3A_1898, %mul3A_1897 : vector<16xf32>
        %mul3A_1900 = arith.mulf %gather3A_1894, %mul3A_1896 : vector<16xf32>
        %add3A_1901 = arith.addf %mul3A_1900, %sub3A_1899 : vector<16xf32>
        %mul3A_1902 = arith.constant 16 : i32
        %mul3A_1903 = arith.muli %scan3A_392, %mul3A_1902 : i32
        %swap3A_1904 = arith.constant 6 : i32
        %swap3A_1905 = arith.constant 5 : i32
        %swap3A_1906 = arith.index_cast %swap3A_1904 : i32 to index
        %swap3A_1907 = arith.index_cast %swap3A_1905 : i32 to index
        %swap3A_1908 = arith.index_cast %mul3A_1903 : i32 to index
        %swap3A_1909 = tpu.vector_load %arg12[%swap3A_1906, %swap3A_1907, %swap3A_1908] {strides = array<i32>} : memref<8x8x128xf32, #tpu.memory_space<vmem>>, vector<16xf32>,
        tpu.vector_store %arg12[%swap3A_1906, %swap3A_1907, %swap3A_1908], %add3A_1901 {strides = array<i32>} : memref<8x8x128xf32, #tpu.memory_space<vmem>>, vector<16xf32>,
        %add3A_1910 = arith.constant 1 : i32
        %add3A_1911 = vector.broadcast %add3A_1910 : i32 to vector<16xi32>
        %add3A_1912 = arith.addi %add3A_1893, %add3A_1911 : vector<16xi32>
        %gather3A_1913 = tpu.vector_load_idx %arg10[%add3A_406, %add3A_1912] : memref<128x128xf32, #tpu.memory_space<vmem>>[vector<16xi32>, vector<16xi32>], vector<16xf32>,
        %mul3A_1914 = vector.broadcast %squeeze3A_131 : f32 to vector<16xf32>
        %mul3A_1915 = arith.mulf %mul3A_887, %mul3A_1914 : vector<16xf32>
        %mul3A_1916 = arith.mulf %mul3A_859, %mul3A_1915 : vector<16xf32>
        %sub3A_1917 = vector.broadcast %squeeze3A_259 : f32 to vector<16xf32>
        %sub3A_1918 = arith.subf %sub3A_1917, %mul3A_1916 : vector<16xf32>
        %mul3A_1919 = arith.mulf %gather3A_1913, %mul3A_1915 : vector<16xf32>
        %add3A_1920 = arith.addf %mul3A_1919, %sub3A_1918 : vector<16xf32>
        %mul3A_1921 = arith.constant 16 : i32
        %mul3A_1922 = arith.muli %scan3A_392, %mul3A_1921 : i32
        %swap3A_1923 = arith.constant 6 : i32
        %swap3A_1924 = arith.constant 6 : i32
        %swap3A_1925 = arith.index_cast %swap3A_1923 : i32 to index
        %swap3A_1926 = arith.index_cast %swap3A_1924 : i32 to index
        %swap3A_1927 = arith.index_cast %mul3A_1922 : i32 to index
        %swap3A_1928 = tpu.vector_load %arg12[%swap3A_1925, %swap3A_1926, %swap3A_1927] {strides = array<i32>} : memref<8x8x128xf32, #tpu.memory_space<vmem>>, vector<16xf32>,
        tpu.vector_store %arg12[%swap3A_1925, %swap3A_1926, %swap3A_1927], %add3A_1920 {strides = array<i32>} : memref<8x8x128xf32, #tpu.memory_space<vmem>>, vector<16xf32>,
        %add3A_1929 = arith.constant 1 : i32
        %add3A_1930 = vector.broadcast %add3A_1929 : i32 to vector<16xi32>
        %add3A_1931 = arith.addi %add3A_1912, %add3A_1930 : vector<16xi32>
        %gather3A_1932 = tpu.vector_load_idx %arg10[%add3A_406, %add3A_1931] : memref<128x128xf32, #tpu.memory_space<vmem>>[vector<16xi32>, vector<16xi32>], vector<16xf32>,
        %mul3A_1933 = vector.broadcast %squeeze3A_133 : f32 to vector<16xf32>
        %mul3A_1934 = arith.mulf %mul3A_887, %mul3A_1933 : vector<16xf32>
        %mul3A_1935 = arith.mulf %mul3A_859, %mul3A_1934 : vector<16xf32>
        %sub3A_1936 = vector.broadcast %squeeze3A_261 : f32 to vector<16xf32>
        %sub3A_1937 = arith.subf %sub3A_1936, %mul3A_1935 : vector<16xf32>
        %mul3A_1938 = arith.mulf %gather3A_1932, %mul3A_1934 : vector<16xf32>
        %add3A_1939 = arith.addf %mul3A_1938, %sub3A_1937 : vector<16xf32>
        %mul3A_1940 = arith.constant 16 : i32
        %mul3A_1941 = arith.muli %scan3A_392, %mul3A_1940 : i32
        %swap3A_1942 = arith.constant 6 : i32
        %swap3A_1943 = arith.constant 7 : i32
        %swap3A_1944 = arith.index_cast %swap3A_1942 : i32 to index
        %swap3A_1945 = arith.index_cast %swap3A_1943 : i32 to index
        %swap3A_1946 = arith.index_cast %mul3A_1941 : i32 to index
        %swap3A_1947 = tpu.vector_load %arg12[%swap3A_1944, %swap3A_1945, %swap3A_1946] {strides = array<i32>} : memref<8x8x128xf32, #tpu.memory_space<vmem>>, vector<16xf32>,
        tpu.vector_store %arg12[%swap3A_1944, %swap3A_1945, %swap3A_1946], %add3A_1939 {strides = array<i32>} : memref<8x8x128xf32, #tpu.memory_space<vmem>>, vector<16xf32>,
        %add3A_1948 = arith.constant 1 : i32
        %add3A_1949 = vector.broadcast %add3A_1948 : i32 to vector<16xi32>
        %add3A_1950 = arith.addi %add3A_1931, %add3A_1949 : vector<16xi32>
        %gather3A_1951 = tpu.vector_load_idx %arg10[%add3A_406, %add3A_1950] : memref<128x128xf32, #tpu.memory_space<vmem>>[vector<16xi32>, vector<16xi32>], vector<16xf32>,
        %mul3A_1952 = vector.broadcast %squeeze3A_135 : f32 to vector<16xf32>
        %mul3A_1953 = arith.mulf %mul3A_887, %mul3A_1952 : vector<16xf32>
        %mul3A_1954 = arith.mulf %mul3A_859, %mul3A_1953 : vector<16xf32>
        %sub3A_1955 = vector.broadcast %squeeze3A_263 : f32 to vector<16xf32>
        %sub3A_1956 = arith.subf %sub3A_1955, %mul3A_1954 : vector<16xf32>
        %mul3A_1957 = arith.mulf %gather3A_1951, %mul3A_1953 : vector<16xf32>
        %add3A_1958 = arith.addf %mul3A_1957, %sub3A_1956 : vector<16xf32>
        %mul3A_1959 = arith.constant 16 : i32
        %mul3A_1960 = arith.muli %scan3A_392, %mul3A_1959 : i32
        %swap3A_1961 = arith.constant 7 : i32
        %swap3A_1962 = arith.constant 0 : i32
        %swap3A_1963 = arith.index_cast %swap3A_1961 : i32 to index
        %swap3A_1964 = arith.index_cast %swap3A_1962 : i32 to index
        %swap3A_1965 = arith.index_cast %mul3A_1960 : i32 to index
        %swap3A_1966 = tpu.vector_load %arg12[%swap3A_1963, %swap3A_1964, %swap3A_1965] {strides = array<i32>} : memref<8x8x128xf32, #tpu.memory_space<vmem>>, vector<16xf32>,
        tpu.vector_store %arg12[%swap3A_1963, %swap3A_1964, %swap3A_1965], %add3A_1958 {strides = array<i32>} : memref<8x8x128xf32, #tpu.memory_space<vmem>>, vector<16xf32>,
        %add3A_1967 = arith.constant 1 : i32
        %add3A_1968 = vector.broadcast %add3A_1967 : i32 to vector<16xi32>
        %add3A_1969 = arith.addi %add3A_1950, %add3A_1968 : vector<16xi32>
        %gather3A_1970 = tpu.vector_load_idx %arg10[%add3A_406, %add3A_1969] : memref<128x128xf32, #tpu.memory_space<vmem>>[vector<16xi32>, vector<16xi32>], vector<16xf32>,
        %mul3A_1971 = vector.broadcast %squeeze3A_137 : f32 to vector<16xf32>
        %mul3A_1972 = arith.mulf %mul3A_887, %mul3A_1971 : vector<16xf32>
        %mul3A_1973 = arith.mulf %mul3A_859, %mul3A_1972 : vector<16xf32>
        %sub3A_1974 = vector.broadcast %squeeze3A_265 : f32 to vector<16xf32>
        %sub3A_1975 = arith.subf %sub3A_1974, %mul3A_1973 : vector<16xf32>
        %mul3A_1976 = arith.mulf %gather3A_1970, %mul3A_1972 : vector<16xf32>
        %add3A_1977 = arith.addf %mul3A_1976, %sub3A_1975 : vector<16xf32>
        %mul3A_1978 = arith.constant 16 : i32
        %mul3A_1979 = arith.muli %scan3A_392, %mul3A_1978 : i32
        %swap3A_1980 = arith.constant 7 : i32
        %swap3A_1981 = arith.constant 1 : i32
        %swap3A_1982 = arith.index_cast %swap3A_1980 : i32 to index
        %swap3A_1983 = arith.index_cast %swap3A_1981 : i32 to index
        %swap3A_1984 = arith.index_cast %mul3A_1979 : i32 to index
        %swap3A_1985 = tpu.vector_load %arg12[%swap3A_1982, %swap3A_1983, %swap3A_1984] {strides = array<i32>} : memref<8x8x128xf32, #tpu.memory_space<vmem>>, vector<16xf32>,
        tpu.vector_store %arg12[%swap3A_1982, %swap3A_1983, %swap3A_1984], %add3A_1977 {strides = array<i32>} : memref<8x8x128xf32, #tpu.memory_space<vmem>>, vector<16xf32>,
        %add3A_1986 = arith.constant 1 : i32
        %add3A_1987 = vector.broadcast %add3A_1986 : i32 to vector<16xi32>
        %add3A_1988 = arith.addi %add3A_1969, %add3A_1987 : vector<16xi32>
        %gather3A_1989 = tpu.vector_load_idx %arg10[%add3A_406, %add3A_1988] : memref<128x128xf32, #tpu.memory_space<vmem>>[vector<16xi32>, vector<16xi32>], vector<16xf32>,
        %mul3A_1990 = vector.broadcast %squeeze3A_139 : f32 to vector<16xf32>
        %mul3A_1991 = arith.mulf %mul3A_887, %mul3A_1990 : vector<16xf32>
        %mul3A_1992 = arith.mulf %mul3A_859, %mul3A_1991 : vector<16xf32>
        %sub3A_1993 = vector.broadcast %squeeze3A_267 : f32 to vector<16xf32>
        %sub3A_1994 = arith.subf %sub3A_1993, %mul3A_1992 : vector<16xf32>
        %mul3A_1995 = arith.mulf %gather3A_1989, %mul3A_1991 : vector<16xf32>
        %add3A_1996 = arith.addf %mul3A_1995, %sub3A_1994 : vector<16xf32>
        %mul3A_1997 = arith.constant 16 : i32
        %mul3A_1998 = arith.muli %scan3A_392, %mul3A_1997 : i32
        %swap3A_1999 = arith.constant 7 : i32
        %swap3A_2000 = arith.constant 2 : i32
        %swap3A_2001 = arith.index_cast %swap3A_1999 : i32 to index
        %swap3A_2002 = arith.index_cast %swap3A_2000 : i32 to index
        %swap3A_2003 = arith.index_cast %mul3A_1998 : i32 to index
        %swap3A_2004 = tpu.vector_load %arg12[%swap3A_2001, %swap3A_2002, %swap3A_2003] {strides = array<i32>} : memref<8x8x128xf32, #tpu.memory_space<vmem>>, vector<16xf32>,
        tpu.vector_store %arg12[%swap3A_2001, %swap3A_2002, %swap3A_2003], %add3A_1996 {strides = array<i32>} : memref<8x8x128xf32, #tpu.memory_space<vmem>>, vector<16xf32>,
        %add3A_2005 = arith.constant 1 : i32
        %add3A_2006 = vector.broadcast %add3A_2005 : i32 to vector<16xi32>
        %add3A_2007 = arith.addi %add3A_1988, %add3A_2006 : vector<16xi32>
        %gather3A_2008 = tpu.vector_load_idx %arg10[%add3A_406, %add3A_2007] : memref<128x128xf32, #tpu.memory_space<vmem>>[vector<16xi32>, vector<16xi32>], vector<16xf32>,
        %mul3A_2009 = vector.broadcast %squeeze3A_141 : f32 to vector<16xf32>
        %mul3A_2010 = arith.mulf %mul3A_887, %mul3A_2009 : vector<16xf32>
        %mul3A_2011 = arith.mulf %mul3A_859, %mul3A_2010 : vector<16xf32>
        %sub3A_2012 = vector.broadcast %squeeze3A_269 : f32 to vector<16xf32>
        %sub3A_2013 = arith.subf %sub3A_2012, %mul3A_2011 : vector<16xf32>
        %mul3A_2014 = arith.mulf %gather3A_2008, %mul3A_2010 : vector<16xf32>
        %add3A_2015 = arith.addf %mul3A_2014, %sub3A_2013 : vector<16xf32>
        %mul3A_2016 = arith.constant 16 : i32
        %mul3A_2017 = arith.muli %scan3A_392, %mul3A_2016 : i32
        %swap3A_2018 = arith.constant 7 : i32
        %swap3A_2019 = arith.constant 3 : i32
        %swap3A_2020 = arith.index_cast %swap3A_2018 : i32 to index
        %swap3A_2021 = arith.index_cast %swap3A_2019 : i32 to index
        %swap3A_2022 = arith.index_cast %mul3A_2017 : i32 to index
        %swap3A_2023 = tpu.vector_load %arg12[%swap3A_2020, %swap3A_2021, %swap3A_2022] {strides = array<i32>} : memref<8x8x128xf32, #tpu.memory_space<vmem>>, vector<16xf32>,
        tpu.vector_store %arg12[%swap3A_2020, %swap3A_2021, %swap3A_2022], %add3A_2015 {strides = array<i32>} : memref<8x8x128xf32, #tpu.memory_space<vmem>>, vector<16xf32>,
        %add3A_2024 = arith.constant 1 : i32
        %add3A_2025 = vector.broadcast %add3A_2024 : i32 to vector<16xi32>
        %add3A_2026 = arith.addi %add3A_2007, %add3A_2025 : vector<16xi32>
        %gather3A_2027 = tpu.vector_load_idx %arg10[%add3A_406, %add3A_2026] : memref<128x128xf32, #tpu.memory_space<vmem>>[vector<16xi32>, vector<16xi32>], vector<16xf32>,
        %mul3A_2028 = vector.broadcast %squeeze3A_143 : f32 to vector<16xf32>
        %mul3A_2029 = arith.mulf %mul3A_887, %mul3A_2028 : vector<16xf32>
        %mul3A_2030 = arith.mulf %mul3A_859, %mul3A_2029 : vector<16xf32>
        %sub3A_2031 = vector.broadcast %squeeze3A_271 : f32 to vector<16xf32>
        %sub3A_2032 = arith.subf %sub3A_2031, %mul3A_2030 : vector<16xf32>
        %mul3A_2033 = arith.mulf %gather3A_2027, %mul3A_2029 : vector<16xf32>
        %add3A_2034 = arith.addf %mul3A_2033, %sub3A_2032 : vector<16xf32>
        %mul3A_2035 = arith.constant 16 : i32
        %mul3A_2036 = arith.muli %scan3A_392, %mul3A_2035 : i32
        %swap3A_2037 = arith.constant 7 : i32
        %swap3A_2038 = arith.constant 4 : i32
        %swap3A_2039 = arith.index_cast %swap3A_2037 : i32 to index
        %swap3A_2040 = arith.index_cast %swap3A_2038 : i32 to index
        %swap3A_2041 = arith.index_cast %mul3A_2036 : i32 to index
        %swap3A_2042 = tpu.vector_load %arg12[%swap3A_2039, %swap3A_2040, %swap3A_2041] {strides = array<i32>} : memref<8x8x128xf32, #tpu.memory_space<vmem>>, vector<16xf32>,
        tpu.vector_store %arg12[%swap3A_2039, %swap3A_2040, %swap3A_2041], %add3A_2034 {strides = array<i32>} : memref<8x8x128xf32, #tpu.memory_space<vmem>>, vector<16xf32>,
        %add3A_2043 = arith.constant 1 : i32
        %add3A_2044 = vector.broadcast %add3A_2043 : i32 to vector<16xi32>
        %add3A_2045 = arith.addi %add3A_2026, %add3A_2044 : vector<16xi32>
        %gather3A_2046 = tpu.vector_load_idx %arg10[%add3A_406, %add3A_2045] : memref<128x128xf32, #tpu.memory_space<vmem>>[vector<16xi32>, vector<16xi32>], vector<16xf32>,
        %mul3A_2047 = vector.broadcast %squeeze3A_145 : f32 to vector<16xf32>
        %mul3A_2048 = arith.mulf %mul3A_887, %mul3A_2047 : vector<16xf32>
        %mul3A_2049 = arith.mulf %mul3A_859, %mul3A_2048 : vector<16xf32>
        %sub3A_2050 = vector.broadcast %squeeze3A_273 : f32 to vector<16xf32>
        %sub3A_2051 = arith.subf %sub3A_2050, %mul3A_2049 : vector<16xf32>
        %mul3A_2052 = arith.mulf %gather3A_2046, %mul3A_2048 : vector<16xf32>
        %add3A_2053 = arith.addf %mul3A_2052, %sub3A_2051 : vector<16xf32>
        %mul3A_2054 = arith.constant 16 : i32
        %mul3A_2055 = arith.muli %scan3A_392, %mul3A_2054 : i32
        %swap3A_2056 = arith.constant 7 : i32
        %swap3A_2057 = arith.constant 5 : i32
        %swap3A_2058 = arith.index_cast %swap3A_2056 : i32 to index
        %swap3A_2059 = arith.index_cast %swap3A_2057 : i32 to index
        %swap3A_2060 = arith.index_cast %mul3A_2055 : i32 to index
        %swap3A_2061 = tpu.vector_load %arg12[%swap3A_2058, %swap3A_2059, %swap3A_2060] {strides = array<i32>} : memref<8x8x128xf32, #tpu.memory_space<vmem>>, vector<16xf32>,
        tpu.vector_store %arg12[%swap3A_2058, %swap3A_2059, %swap3A_2060], %add3A_2053 {strides = array<i32>} : memref<8x8x128xf32, #tpu.memory_space<vmem>>, vector<16xf32>,
        %add3A_2062 = arith.constant 1 : i32
        %add3A_2063 = vector.broadcast %add3A_2062 : i32 to vector<16xi32>
        %add3A_2064 = arith.addi %add3A_2045, %add3A_2063 : vector<16xi32>
        %gather3A_2065 = tpu.vector_load_idx %arg10[%add3A_406, %add3A_2064] : memref<128x128xf32, #tpu.memory_space<vmem>>[vector<16xi32>, vector<16xi32>], vector<16xf32>,
        %mul3A_2066 = vector.broadcast %squeeze3A_147 : f32 to vector<16xf32>
        %mul3A_2067 = arith.mulf %mul3A_887, %mul3A_2066 : vector<16xf32>
        %mul3A_2068 = arith.mulf %mul3A_859, %mul3A_2067 : vector<16xf32>
        %sub3A_2069 = vector.broadcast %squeeze3A_275 : f32 to vector<16xf32>
        %sub3A_2070 = arith.subf %sub3A_2069, %mul3A_2068 : vector<16xf32>
        %mul3A_2071 = arith.mulf %gather3A_2065, %mul3A_2067 : vector<16xf32>
        %add3A_2072 = arith.addf %mul3A_2071, %sub3A_2070 : vector<16xf32>
        %mul3A_2073 = arith.constant 16 : i32
        %mul3A_2074 = arith.muli %scan3A_392, %mul3A_2073 : i32
        %swap3A_2075 = arith.constant 7 : i32
        %swap3A_2076 = arith.constant 6 : i32
        %swap3A_2077 = arith.index_cast %swap3A_2075 : i32 to index
        %swap3A_2078 = arith.index_cast %swap3A_2076 : i32 to index
        %swap3A_2079 = arith.index_cast %mul3A_2074 : i32 to index
        %swap3A_2080 = tpu.vector_load %arg12[%swap3A_2077, %swap3A_2078, %swap3A_2079] {strides = array<i32>} : memref<8x8x128xf32, #tpu.memory_space<vmem>>, vector<16xf32>,
        tpu.vector_store %arg12[%swap3A_2077, %swap3A_2078, %swap3A_2079], %add3A_2072 {strides = array<i32>} : memref<8x8x128xf32, #tpu.memory_space<vmem>>, vector<16xf32>,
        %add3A_2081 = arith.constant 1 : i32
        %add3A_2082 = vector.broadcast %add3A_2081 : i32 to vector<16xi32>
        %add3A_2083 = arith.addi %add3A_2064, %add3A_2082 : vector<16xi32>
        %gather3A_2084 = tpu.vector_load_idx %arg10[%add3A_406, %add3A_2083] : memref<128x128xf32, #tpu.memory_space<vmem>>[vector<16xi32>, vector<16xi32>], vector<16xf32>,
        %mul3A_2085 = vector.broadcast %squeeze3A_149 : f32 to vector<16xf32>
        %mul3A_2086 = arith.mulf %mul3A_887, %mul3A_2085 : vector<16xf32>
        %mul3A_2087 = arith.mulf %mul3A_859, %mul3A_2086 : vector<16xf32>
        %sub3A_2088 = vector.broadcast %squeeze3A_277 : f32 to vector<16xf32>
        %sub3A_2089 = arith.subf %sub3A_2088, %mul3A_2087 : vector<16xf32>
        %mul3A_2090 = arith.mulf %gather3A_2084, %mul3A_2086 : vector<16xf32>
        %add3A_2091 = arith.addf %mul3A_2090, %sub3A_2089 : vector<16xf32>
        %mul3A_2092 = arith.constant 16 : i32
        %mul3A_2093 = arith.muli %scan3A_392, %mul3A_2092 : i32
        %swap3A_2094 = arith.constant 7 : i32
        %swap3A_2095 = arith.constant 7 : i32
        %swap3A_2096 = arith.index_cast %swap3A_2094 : i32 to index
        %swap3A_2097 = arith.index_cast %swap3A_2095 : i32 to index
        %swap3A_2098 = arith.index_cast %mul3A_2093 : i32 to index
        %swap3A_2099 = tpu.vector_load %arg12[%swap3A_2096, %swap3A_2097, %swap3A_2098] {strides = array<i32>} : memref<8x8x128xf32, #tpu.memory_space<vmem>>, vector<16xf32>,
        tpu.vector_store %arg12[%swap3A_2096, %swap3A_2097, %swap3A_2098], %add3A_2091 {strides = array<i32>} : memref<8x8x128xf32, #tpu.memory_space<vmem>>, vector<16xf32>,
        %add3A_2100 = arith.constant 1 : i32
        %add3A_2101 = vector.broadcast %add3A_2100 : i32 to vector<16xi32>
        %add3A_2102 = arith.addi %add3A_2083, %add3A_2101 : vector<16xi32>
        %scan3A_2103 = arith.constant 0 : i32
        scf.yield %scan3A_2103 : i32
      }
      %scan3A_375 = arith.constant 8 : i32
      %lt3A_376 = arith.constant 99 : i32
      %lt3A_377 = arith.cmpi slt, %scan3A_319, %lt3A_376 : i32
      %convert_element_type3A_378 = arith.extui %lt3A_377 : i1 to i32
      %cond3A_379 = arith.constant 0 : i32
      %cond3A_380 = arith.cmpi ne, %convert_element_type3A_378, %cond3A_379 : i32
      scf.if %cond3A_380 {
        %add3A_392 = arith.constant 2 : i32
        %add3A_393 = arith.addi %add3A_357, %add3A_392 : i32
        %dma_start3A_394 = arith.constant 0 : i32
        %dma_start3A_395 = tpu.memref_slice %arg8[%add3A_393, %dma_start3A_394] : memref<200x128xi32, #tpu.memory_space<vmem>> -> memref<1x128xi32, #tpu.memory_space<vmem>>
        %dma_start3A_396 = tpu.memref_squeeze %dma_start3A_395 : memref<1x128xi32, #tpu.memory_space<vmem>> -> memref<128xi32, #tpu.memory_space<vmem>>
        %dma_start3A_397 = arith.constant 0 : i32
        %dma_start3A_398 = arith.constant 0 : i32
        %dma_start3A_399 = tpu.memref_slice %arg3[%dma_start3A_397, %dma_start3A_398] : memref<500000x128xf32, #tpu.memory_space<hbm>> -> memref<500000x128xf32, #tpu.memory_space<hbm>>
        tpu.enqueue_indirect_dma source(%dma_start3A_399 : memref<500000x128xf32, #tpu.memory_space<hbm>>) target(%arg10 : memref<128x128xf32, #tpu.memory_space<vmem>>) offsets(%dma_start3A_396 : memref<128xi32, #tpu.memory_space<vmem>>) semaphore(%arg16 : memref<!tpu.dma_semaphore, #tpu.memory_space<semaphore_mem>>)
      } else {
      }
      %dma_start3A_381 = arith.constant 0 : i32
      %dma_start3A_382 = arith.constant 0 : i32
      %dma_start3A_383 = arith.constant 0 : i32
      %dma_start3A_384 = tpu.memref_slice %arg6[%add3A_357, %dma_start3A_381, %add3A, %dma_start3A_382, %dma_start3A_383] : memref<200x8x32x8x128xf32, #tpu.memory_space<hbm>> -> memref<1x8x1x8x128xf32, #tpu.memory_space<hbm>>
      %dma_start3A_385 = tpu.memref_squeeze %dma_start3A_384 : memref<1x8x1x8x128xf32, #tpu.memory_space<hbm>> -> memref<8x8x128xf32, #tpu.memory_space<hbm>>
      %dma_start3A_386 = arith.constant 0 : i32
      %dma_start3A_387 = arith.constant 0 : i32
      %dma_start3A_388 = arith.constant 0 : i32
      %dma_start3A_389 = tpu.memref_slice %arg6[%add3A_357, %dma_start3A_386, %add3A, %dma_start3A_387, %dma_start3A_388] : memref<200x8x32x8x128xf32, #tpu.memory_space<hbm>> -> memref<1x8x1x8x128xf32, #tpu.memory_space<hbm>>
      %dma_start3A_390 = tpu.memref_squeeze %dma_start3A_389 : memref<1x8x1x8x128xf32, #tpu.memory_space<hbm>> -> memref<8x8x128xf32, #tpu.memory_space<hbm>>
      tpu.enqueue_dma source(%arg12 : memref<8x8x128xf32, #tpu.memory_space<vmem>>) target(%dma_start3A_390 : memref<8x8x128xf32, #tpu.memory_space<hbm>>) target_semaphore(%arg18 : memref<!tpu.dma_semaphore, #tpu.memory_space<semaphore_mem>>)
      %scan3A_391 = arith.constant 0 : i32
      scf.yield %scan3A_391 : i32
    }
    %scan3A_297 = arith.constant 100 : i32
    %dma_wait3A = arith.constant 198 : i32
    %dma_wait3A_298 = arith.constant 0 : i32
    %dma_wait3A_299 = arith.constant 0 : i32
    %dma_wait3A_300 = arith.constant 0 : i32
    %dma_wait3A_301 = tpu.memref_slice %arg6[%dma_wait3A, %dma_wait3A_298, %add3A, %dma_wait3A_299, %dma_wait3A_300] : memref<200x8x32x8x128xf32, #tpu.memory_space<hbm>> -> memref<1x8x1x8x128xf32, #tpu.memory_space<hbm>>
    %dma_wait3A_302 = tpu.memref_squeeze %dma_wait3A_301 : memref<1x8x1x8x128xf32, #tpu.memory_space<hbm>> -> memref<8x8x128xf32, #tpu.memory_space<hbm>>
    %dma_wait3A_303 = arith.constant 0 : i32
    %dma_wait3A_304 = arith.constant 0 : i32
    %dma_wait3A_305 = arith.constant 0 : i32
    %dma_wait3A_306 = tpu.memref_slice %arg6[%dma_wait3A, %dma_wait3A_303, %add3A, %dma_wait3A_304, %dma_wait3A_305] : memref<200x8x32x8x128xf32, #tpu.memory_space<hbm>> -> memref<1x8x1x8x128xf32, #tpu.memory_space<hbm>>
    %dma_wait3A_307 = tpu.memref_squeeze %dma_wait3A_306 : memref<1x8x1x8x128xf32, #tpu.memory_space<hbm>> -> memref<8x8x128xf32, #tpu.memory_space<hbm>>
    tpu.wait_dma2 semaphore(%arg17 : memref<!tpu.dma_semaphore, #tpu.memory_space<semaphore_mem>>) src(%arg11 : memref<8x8x128xf32, #tpu.memory_space<vmem>>) dst(%dma_wait3A_307 : memref<8x8x128xf32, #tpu.memory_space<hbm>>)
    %dma_wait3A_308 = arith.constant 199 : i32
    %dma_wait3A_309 = arith.constant 0 : i32
    %dma_wait3A_310 = arith.constant 0 : i32
    %dma_wait3A_311 = arith.constant 0 : i32
    %dma_wait3A_312 = tpu.memref_slice %arg6[%dma_wait3A_308, %dma_wait3A_309, %add3A, %dma_wait3A_310, %dma_wait3A_311] : memref<200x8x32x8x128xf32, #tpu.memory_space<hbm>> -> memref<1x8x1x8x128xf32, #tpu.memory_space<hbm>>
    %dma_wait3A_313 = tpu.memref_squeeze %dma_wait3A_312 : memref<1x8x1x8x128xf32, #tpu.memory_space<hbm>> -> memref<8x8x128xf32, #tpu.memory_space<hbm>>
    %dma_wait3A_314 = arith.constant 0 : i32
    %dma_wait3A_315 = arith.constant 0 : i32
    %dma_wait3A_316 = arith.constant 0 : i32
    %dma_wait3A_317 = tpu.memref_slice %arg6[%dma_wait3A_308, %dma_wait3A_314, %add3A, %dma_wait3A_315, %dma_wait3A_316] : memref<200x8x32x8x128xf32, #tpu.memory_space<hbm>> -> memref<1x8x1x8x128xf32, #tpu.memory_space<hbm>>
    %dma_wait3A_318 = tpu.memref_squeeze %dma_wait3A_317 : memref<1x8x1x8x128xf32, #tpu.memory_space<hbm>> -> memref<8x8x128xf32, #tpu.memory_space<hbm>>
    tpu.wait_dma2 semaphore(%arg18 : memref<!tpu.dma_semaphore, #tpu.memory_space<semaphore_mem>>) src(%arg12 : memref<8x8x128xf32, #tpu.memory_space<vmem>>) dst(%dma_wait3A_318 : memref<8x8x128xf32, #tpu.memory_space<hbm>>)
    return
  }
}

</mosaic_0001>

<sc_bundles>
// kernel: kernel.3.cloned.1.call-start
scs
__scs_entry_jumppad:
0x0: {  	(pc) =	sbr.rel $0x88, $3  }
0x1: {  	(tag) =	ssettag $0x0;
	lr =	simm.s32 $0x1  }
0x2: {  	[smem:$0x3F9D] =	sst lr;
	_ =	strace $0xD0000000  }
0x3: {  	_ = 	snop  }
0x4: {  	_ = 	snop  }
0x5: {  	_ = 	snop  }
0x6: {  	_ = 	snop  }
0x7: {  	_ = 	snop  }
__scs_overlays_trampoline_lowered:
0x8: {  	[smem:$0x3FAC] =	sst s0  }
0x9: {  	[smem:$0x3FAD] =	sst s1  }
0xa: {  	[smem:$0x3FAE] =	sst s2  }
0xb: {  	[smem:$0x3FAF] =	sst s3  }
0xc: {  	[smem:$0x3FB0] =	sst s4  }
0xd: {  	[smem:$0x3FB1] =	sst s5  }
0xe: {  	[smem:$0x3FB2] =	sst s6  }
0xf: {  	[smem:$0x3FB3] =	sst s7  }
0x10: {  	[smem:$0x3FB4] =	sst s8  }
0x11: {  	[smem:$0x3FB5] =	sst s9;
	s0 =	simm.s32 @!p0 $0x0  }
0x12: {  	s1 =	sld [smem:$0x3F9B];
	s0 =	simm.s32 @p0 $0x1  }
0x13: {  	[smem:$0x3FB6] =	sst s0;
	s0 =	simm.s32 @!p1 $0x0  }
0x14: {  	s2 =	sld [smem:$0x3F9A];
	s0 =	simm.s32 @p1 $0x1  }
0x15: {  	[smem:$0x3FB7] =	sst s0;
	s0 =	simm.s32 @!p2 $0x0  }
0x16: {  	s3 =	sld [smem:$0x3FDB];
	s0 =	simm.s32 @p2 $0x1  }
0x17: {  	s4 =	simm.s32 $0x1BF5;
	[smem:$0x3FB9] =	sst s0  }
0x18: {  	s0 =	sld [smem:$0x3F9C];
	_ =	swait.ge [sflag:s4], $0x0  }
0x19: {  	s7 =	sld [smem:$0x3F9D]  }
0x1a: {  	s8 =	sadd.s32 $0xFFFFE003, lr  }
0x1b: {  	s9 =	sadd.s32 $0xFFFFFEF7, lr;
	s5 =	simm.s32 $0xFFFFFFFF;
	p2 =	slt.u32 s8, $0xFFFFF086  }
0x1c: {  	p1 =	slt.u32 s9, $0xF7A;
	s5 =	simm.s32 @!p2 $0x0  }
0x1d: {  	s5 =	simm.s32 @p1 $0x1;
	p0 =	seq.s32 s7, s2  }
0x1e: {  	s7 =	smul.u32 @!p0 $0xF7A, s2;
	p2 =	seq.s32 @!p0 s5, $0x0  }
0x1f: {  	s9 =	smul.u32 $0xF7A, s1;
	s8 =	simm.s32 @!p0 $0x1BF5;
	p2 =	por !p2, p0  }
0x20: {  	[sflag:s8] =	ssyncset.s32 @!p0 $0xFFFFF086;
	s6 =	sadd.s32 @!p0 s3, s7;
	s7 =	simm.s32 @!p0 $0x108  }
0x21: {  	s3 =	sadd.s32 s3, s9;
	s6 =	sadd.s32 @!p0 $0x88, s6;
	s7 =	simm.s32 @p2 $0x1082  }
0x22: {  	[simem:s7], [sflag:s8] =	dma.local @!p0 [hbm:s6], $0xF7A  }
0x23: {  	s9 =	sor.u32 $0xD0000000, s2;
	s6 =	simm.s32 $0x108;
	_ =	swait.ge @!p0 [sflag:s8], $0x0  }
0x24: {  	s3 =	sadd.s32 $0x88, s3;
	s6 =	simm.s32 @!p1 $0x1082;
	[sflag:s4] =	ssyncset.s32 $0xFFFFF086  }
0x25: {  	[simem:s6], [sflag:s4] =	dma.local [hbm:s3], $0xF7A  }
0x26: {  	[smem:$0x3F9D] =	sst s1;
	(tag) =	ssettag s2;
	_ =	strace s9  }
0x27: {  	s1 =	sld [smem:$0x3FAD]  }
0x28: {  	s2 =	sld [smem:$0x3FAE]  }
0x29: {  	s4 =	sld [smem:$0x3FB0]  }
0x2a: {  	p0 =	seq.s32 s5, $0x0;
	s5 =	sld [smem:$0x3FB1]  }
0x2b: {  	s6 =	sld [smem:$0x3FB2]  }
0x2c: {  	s7 =	sld [smem:$0x3FB3]  }
0x2d: {  	s3 =	simm.s32 $0x108;
	s8 =	sld [smem:$0x3FB4]  }
0x2e: {  	s3 =	simm.s32 @!p0 $0x1082;
	s9 =	sld [smem:$0x3FB5]  }
0x2f: {  	lr =	sadd.s32 s0, s3;
	s0 =	sld [smem:$0x3FAC]  }
0x30: {  	s3 =	sld [smem:$0x3FAF]  }
0x31: {  	[smem:$0x3FB8] =	sst s10  }
0x32: {  	s10 =	sld [smem:$0x3FB6];
	_ =	sdelay $0x3  }
0x33: {  	p0 =	seq.s32 s10, $0x1;
	s10 =	sld [smem:$0x3FB8];
	_ =	sdelay $0x3  }
0x34: {  	[smem:$0x3FB8] =	sst s10  }
0x35: {  	s10 =	sld [smem:$0x3FB7];
	_ =	sdelay $0x3  }
0x36: {  	p1 =	seq.s32 s10, $0x1;
	s10 =	sld [smem:$0x3FB8];
	_ =	sdelay $0x3  }
0x37: {  	[smem:$0x3FB8] =	sst s10  }
0x38: {  	s10 =	sld [smem:$0x3FB9]  }
0x39: {  	_ = 	snop;
	(pc) =	sbr.ind lr, $3  }
0x3a: {  	_ = 	snop  }
0x3b: {  	_ = 	snop  }
0x3c: {  	p2 =	seq.s32 s10, $0x1;
	s10 =	sld [smem:$0x3FB8]  }
0x3d: {  	_ =	shalt  }
0x3e: {  	_ =	shalt  }
0x3f: {  	_ =	shalt  }
0x40: {  	_ =	shalt  }
0x41: {  	_ =	shalt  }
0x42: {  	_ =	shalt  }
0x43: {  	_ =	shalt  }
0x44: {  	_ =	shalt  }
0x45: {  	_ =	shalt  }
0x46: {  	_ =	shalt  }
0x47: {  	_ =	shalt  }
0x48: {  	_ =	shalt  }
0x49: {  	_ =	shalt  }
0x4a: {  	_ =	shalt  }
0x4b: {  	_ =	shalt  }
0x4c: {  	_ =	shalt  }
0x4d: {  	_ =	shalt  }
0x4e: {  	_ =	shalt  }
0x4f: {  	_ =	shalt  }
0x50: {  	_ =	shalt  }
0x51: {  	_ =	shalt  }
0x52: {  	_ =	shalt  }
0x53: {  	_ =	shalt  }
0x54: {  	_ =	shalt  }
0x55: {  	_ =	shalt  }
0x56: {  	_ =	shalt  }
0x57: {  	_ =	shalt  }
0x58: {  	_ =	shalt  }
0x59: {  	_ =	shalt  }
0x5a: {  	_ =	shalt  }
0x5b: {  	_ =	shalt  }
0x5c: {  	_ =	shalt  }
0x5d: {  	_ =	shalt  }
0x5e: {  	_ =	shalt  }
0x5f: {  	_ =	shalt  }
0x60: {  	_ =	shalt  }
0x61: {  	_ =	shalt  }
0x62: {  	_ =	shalt  }
0x63: {  	_ =	shalt  }
0x64: {  	_ =	shalt  }
0x65: {  	_ =	shalt  }
0x66: {  	_ =	shalt  }
0x67: {  	_ =	shalt  }
0x68: {  	_ =	shalt  }
0x69: {  	_ =	shalt  }
0x6a: {  	_ =	shalt  }
0x6b: {  	_ =	shalt  }
0x6c: {  	_ =	shalt  }
0x6d: {  	_ =	shalt  }
0x6e: {  	_ =	shalt  }
0x6f: {  	_ =	shalt  }
0x70: {  	_ =	shalt  }
0x71: {  	_ =	shalt  }
0x72: {  	_ =	shalt  }
0x73: {  	_ =	shalt  }
0x74: {  	_ =	shalt  }
0x75: {  	_ =	shalt  }
0x76: {  	_ =	shalt  }
0x77: {  	_ =	shalt  }
0x78: {  	_ =	shalt  }
0x79: {  	_ =	shalt  }
0x7a: {  	_ =	shalt  }
0x7b: {  	_ =	shalt  }
0x7c: {  	_ =	shalt  }
0x7d: {  	_ =	shalt  }
0x7e: {  	_ =	shalt  }
0x7f: {  	_ =	shalt  }
0x80: {  	_ =	shalt  }
0x81: {  	_ =	shalt  }
0x82: {  	_ =	shalt  }
0x83: {  	_ =	shalt  }
0x84: {  	_ =	shalt  }
0x85: {  	_ =	shalt  }
0x86: {  	_ =	shalt  }
0x87: {  	_ =	shalt  }
.Lfunc_end0:
.L_simem_size_0:
called_computation_lowered:
.L_overlay_start_0:
0x88: {  	s2 =	sld [smem:$0x3FD9]  }
0x89: {  	s3 =	sld [smem:$0x3FFE];
	_ =	sdelay $0x1  }
0x8a: {  	s1 =	srdreg.scid  }
0x8b: {  	s0 =	sand.u32 $0x1, s1  }
0x8c: {  	s17 =	sshll.u32 s0, $0xA;
	s2 =	sadd.s32 s3, s2  }
0x8d: {  	s2 =	sadd.s32 s2, s17  }
0x8e: {  	[smem:$0x3FC4] =	sst s2  }
0x8f: {  	_ = 	snop  }
0x90: {  	s2 =	sld [smem:$0x3FC7]  }
0x91: {  	s18 =	sld [smem:$0x3FC6]  }
0x92: {  	s4 =	sld [smem:$0x3FD0];
	(tm) =	ssettm $0x1  }
0x93: {  	s5 =	sld [smem:$0x3FFB];
	_ =	sdelay $0x3  }
0x94: {  	_ =	strace s5  }
0x95: {  	s5 =	sld [smem:$0x3FFC];
	_ =	sdelay $0x3  }
0x96: {  	_ =	strace s5  }
0x97: {  	s5 =	sld [smem:$0x3FFD];
	_ =	sdelay $0x3  }
0x98: {  	_ =	strace s5  }
0x99: {  	_ =	strace $0x8FFFFFFF  }
0x9a: {  	s19 =	sld [smem:$0x3FDB];
	_ =	sdelay $0x1  }
0x9b: {  	s6 =	simm.s32 $_scs_section_size  }
0x9c: {  	s7 =	simm.s32 $_size__tile_overlayer_lowered;
	s8 =	simm.s32 $_tile_overlayer_lowered  }
0x9d: {  	s22 =	simm.s32 $0x1BFF;
	s21 =	sshll.u32 s8, $0x1;
	s5 =	sadd.s32 s6, s19  }
0x9e: {  	s9 =	simm.s32 $0x0;
	s20 =	sshll.u32 s7, $0x1;
	s7 =	sadd.s32 s21, s5  }
0x9f: {  	[timem:s9], [sflag:s22] =	dma.local [hbm:s7], s20  }
0xa0: {  	_ =	swait.ge [sflag:s22], s20  }
0xa1: {  	s6 =	ssub.s32 $0x0, s20;
	[sflag:s22] =	ssyncset.done $0x0  }
0xa2: {  	[sflag:s22] =	ssyncadd.s32 s6;
	_ =	sdelay $0x1  }
0xa3: {  	s23 =	simm.s32 $0x1B8B  }
0xa4: {  	_ =	swait.ge [sflag:s23], $0x1  }
0xa5: {  	[sflag:s23] =	ssyncset.done $0x0  }
0xa6: {  	s25 =	simm.s32 $0x1B8E;
	s24 =	sld [smem:$0x3FFE];
	[sflag:s23] =	ssyncadd.s32 $0xFFFFFFFF  }
0xa7: {  	s26 =	simm.s32 $execute0_lowered;
	[smem:$0x3FD2] =	sst s25  }
0xa8: {  	s7 =	sshll.u32 s26, $0x1;
	_ =	strace $0x80000046;
	[dreg:$0x1] =	wrdreg $0xFFFFFFFF  }
0xa9: {  	s28 =	simm.s32 $_size_execute0_lowered;
	s5 =	sadd.s32 s5, s7;
	[dreg:$0x0] =	wrdreg $0x0  }
0xaa: {  	s7 =	sshll.u32 s28, $0x1;
	[dreg:$0x2] =	wrdreg s5  }
0xab: {  	[dreg:$0x3] =	wrdreg s7  }
0xac: {  	[dreg:$0x4] =	wrdreg $0xC0  }
0xad: {  	_ =	task [dreg:s9], $0x5FFFF  }
0xae: {  	[dreg:$0x1] =	wrdreg $0xFFFFFFFF  }
0xaf: {  	[dreg:$0x0] =	wrdreg $0x60  }
0xb0: {  	[dreg:$0x2] =	wrdreg s24  }
0xb1: {  	[dreg:$0x3] =	wrdreg s2  }
0xb2: {  	[dreg:$0x4] =	wrdreg s18  }
0xb3: {  	[dreg:$0x5] =	wrdreg s4  }
0xb4: {  	[dreg:$0x6] =	wrdreg $0x9  }
0xb5: {  	_ =	task.clear_ibuf [dreg:s9], $0x7FFFF;
	_ =	strace $0x90000046  }
0xb6: {  	s29 =	simm.s32 $0x9;
	_ =	strace $0x80000048  }
0xb7: {  	_ =	swait.ge [sflag:s29], $0x1  }
0xb8: {  	[sflag:s29] =	ssyncadd.s32 $0xFFFFFFFF  }
0xb9: {  	_ =	strace $0x90000048  }
0xba: {  	_ =	sfence  }
0xbb: {  	s30 =	sld [smem:$0x0];
	_ =	sdelay $0x2  }
0xbc: {  	s31 =	sshll.u32 s1, $0xD;
	s1 =	sshrl.u32 s1, $0x2  }
0xbd: {  	s3 =	sand.u32 $0x4000, s31;
	s1 =	sadd.s32 s1, s30  }
0xbe: {  	s0 =	sor.u32 s3, s0;
	s1 =	sshll.u32 s1, $0x11  }
0xbf: {  	s0 =	sor.u32 s1, s0  }
0xc0: {  	s0 =	sadd.s32 $0x8F2B, s0  }
0xc1: {  	[sflag:s0] =	ssyncadd.remote.s32 $0x1  }
0xc2: {  	_ =	sfence.sel $0xFFFF  }
0xc3: {  	[dreg:$0x0] =	wrdreg $0xFFFFFFFF;
	(pc) =	sbr.abs _section_cstart, $3  }
0xc4: {  	[dreg:$0x1] =	wrdreg $0xFFFFFFFF  }
0xc5: {  	_ =	task.clear_ibuf [dreg:s9], $0x2FFFF;
	_ =	strace $0x9FFFFFFF  }
0xc6: {  	(tm) =	ssettm $0x7FFFFFFF  }
0xc7: {  	_ =	shalt  }
tec
execute0_lowered:
.L_overlay_start_1:
0x0: {  	(tag) =	ssettag $0x1  }
0x1: {  	s0 =	rddreg [dreg:$0x0]  }
0x2: {  	s4 =	rddreg [dreg:$0x3];
	s1 =	srdreg.scid  }
0x3: {  	s2 =	stileid.u32;
	s5 =	simm.s32 $0x0;
	s11 =	simm.s32 $0x5  }
0x4: {  	s12 =	simm.s32 $0x18840;
	s13 =	simm.s32 $0x80;
	s14 =	simm.s32 $0x1000  }
0x5: {  	s15 =	simm.s32 $0x6400;
	s16 =	simm.s32 $0xC800;
	s17 =	simm.s32 $0x6480  }
0x6: {  	s18 =	simm.s32 $0x10800;
	s19 =	simm.s32 $0x1;
	s20 =	simm.s32 $0x400  }
0x7: {  	s21 =	simm.s32 $0x8000;
	s22 =	simm.s32 $0x14800;
	s23 =	simm.s32 $0x2  }
0x8: {  	s24 =	simm.s32 $0x16800;
	s25 =	simm.s32 $0x3;
	s26 =	simm.s32 $0x4  }
0x9: {  	s28 =	simm.s32 $0x0;
	s1 =	sand.u32 $0x1, s1;
	s2 =	sshll.u32 s2, $0x1  }
0xa: {  	v0 =	vlaneseq.u32;
	[smem:$0x7FF] =	sst s5;
	s2 =	sor.u32 s1, s2;
	s1 =	ssub.s32 $0x2, s1  }
0xb: {  	s6 =	sadd.s32 $0xF42A00, s0;
	v8 =	vmul.u32 $0x80, v0;
	s3 =	sshll.u32 s2, $0x4;
	s7 =	sshrl.u32 s1, $0x1  }
0xc: {  	_ =	strace $0x80000047;
	s3 =	sadd.s32 s3, s0;
	s31 =	ssub.s32 s1, s7  }
0xd: {  	s8 =	sshll.u32 s2, $0xA;
	[tilespmem:$0x1FFF0] =	vst v8;
	s7 =	sadd.s32 $0x600, s3;
	s9 =	smax.u32 s31, $0x1  }
.LBB2_1:
0xe: {  	s0 =	rddreg [dreg:$0x1];
	s1 =	simm.s32 $0x18800  }
0xf: {  	[tilespmem:s1], [sflag:$0x5] =	stream.linear.gather [hbm4b:s0+s5], $0x40, $0x38;
	[tilespmem:$0x18880] =	vst v63  }
0x10: {  	_ =	swait.ge [sflag:s11], $0x40  }
0x11: {  	[sflag:s11] =	ssyncset.done $0x0  }
0x12: {  	[sflag:s11] =	ssyncadd.s32 $0xFFFFFFC0  }
0x13: {  	s31 =	rddreg [dreg:$0x2]  }
0x14: {  	[tilespmem:s12], [sflag:$0x5] =	stream.linear.gather [hbm4b:s31+s5], $0x40, $0x38;
	[tilespmem:$0x18880] =	vst v63  }
0x15: {  	_ =	swait.ge [sflag:s11], $0x40  }
0x16: {  	[sflag:s11] =	ssyncset.done $0x0  }
0x17: {  	[sflag:s11] =	ssyncadd.s32 $0xFFFFFFC0  }
0x18: {  	[tilespmem:s5], [sflag:$0x5] =	stream.strided.gather [hbm4b:s7+s13], $0x6400, s14, s13, $0x38;
	[tilespmem:$0x18880] =	vst v63  }
0x19: {  	_ =	swait.ge [sflag:s11], $0x6400  }
0x1a: {  	[sflag:s11] =	ssyncset.done $0x0  }
0x1b: {  	s1 =	simm.s32 $0x0;
	[sflag:s11] =	ssyncadd.s32 $0xFFFF9C00  }
0x1c: {  	v1 =	vld [tilespmem:s1+$0x70]  }
0x1d: {  	v4 =	vld [tilespmem:s1+$0x0]  }
0x1e: {  	v5 =	vld [tilespmem:s1+$0x10]  }
0x1f: {  	v3 =	vld [tilespmem:s1+$0x20]  }
0x20: {  	v2 =	vld [tilespmem:s1+$0x30]  }
0x21: {  	v0 =	vld [tilespmem:s1+$0x40];
	v6 =	vshrl.u32 v1, $0x1  }
0x22: {  	v1 =	vld [tilespmem:s1+$0x50];
	v4 =	vshrl.u32 v4, $0x1;
	[tilespmem:s1+$0x6470] =	vst v6  }
0x23: {  	s2 =	simm.s32 $0x400;
	s0 =	simm.s32 $0x80;
	v5 =	vshrl.u32 v5, $0x1;
	[tilespmem:s1+$0x6400] =	vst v4;
	v4 =	vld [tilespmem:s1+$0x60]  }
.LBB2_2:
0x24: {  	p0 =	sne.s32 s2, $0x18E00;
	v6 =	vld [tilespmem:s0+$0x70];
	[tilespmem:s1+$0x6410] =	vst v5;
	v3 =	vshrl.u32 v3, $0x1  }
0x25: {  	v5 =	vld [tilespmem:s0+$0x0];
	[tilespmem:s1+$0x6420] =	vst v3;
	v2 =	vshrl.u32 v2, $0x1  }
0x26: {  	v7 =	vld [tilespmem:s0+$0x10];
	[tilespmem:s1+$0x6430] =	vst v2;
	v0 =	vshrl.u32 v0, $0x1  }
.Ltmp0:
0x27: {  	v3 =	vld [tilespmem:s0+$0x20];
	[tilespmem:s1+$0x6440] =	vst v0;
	v0 =	vshrl.u32 v1, $0x1;
	(pc) =	sbr.rel @p0 .LBB2_2-.Ltmp0, $4  }
0x28: {  	v2 =	vld [tilespmem:s0+$0x30];
	[tilespmem:s1+$0x6450] =	vst v0;
	v1 =	vshrl.u32 v4, $0x1  }
0x29: {  	v0 =	vld [tilespmem:s0+$0x40];
	v4 =	vshrl.u32 v6, $0x1;
	[tilespmem:s1+$0x6460] =	vst v1;
	s1 =	smov.u32 s0  }
0x2a: {  	v5 =	vshrl.u32 v5, $0x1;
	v1 =	vld [tilespmem:s1+$0x50];
	[tilespmem:s1+$0x6470] =	vst v4  }
0x2b: {  	s0 =	sshra.s32 s2, $0x2;
	s2 =	sadd.s32 $0x200, s2;
	[tilespmem:s1+$0x6400] =	vst v5;
	v5 =	vshrl.u32 v7, $0x1;
	v4 =	vld [tilespmem:s1+$0x60]  }
0x2c: {  	v6 =	vld [tilespmem:s0+$0x70];
	[tilespmem:s1+$0x6410] =	vst v5;
	v3 =	vshrl.u32 v3, $0x1  }
0x2d: {  	v5 =	vld [tilespmem:s0+$0x0];
	[tilespmem:s1+$0x6420] =	vst v3;
	v2 =	vshrl.u32 v2, $0x1  }
0x2e: {  	v3 =	vld [tilespmem:s0+$0x10];
	[tilespmem:s1+$0x6430] =	vst v2;
	v0 =	vshrl.u32 v0, $0x1  }
0x2f: {  	v2 =	vld [tilespmem:s0+$0x20];
	[tilespmem:s1+$0x6440] =	vst v0;
	v57 =	vshrl.u32 v1, $0x1  }
0x30: {  	v58 =	vld [tilespmem:s0+$0x30];
	[tilespmem:s1+$0x6450] =	vst v57;
	v59 =	vshrl.u32 v4, $0x1  }
0x31: {  	v60 =	vld [tilespmem:s0+$0x40];
	[tilespmem:s1+$0x6460] =	vst v59;
	v61 =	vshrl.u32 v6, $0x1  }
0x32: {  	v6 =	vld [tilespmem:s0+$0x50];
	v5 =	vshrl.u32 v5, $0x1;
	[tilespmem:s0+$0x6470] =	vst v61  }
0x33: {  	v63 =	vld [tilespmem:s0+$0x60];
	[tilespmem:s0+$0x6400] =	vst v5;
	v62 =	vshrl.u32 v3, $0x1  }
0x34: {  	[tilespmem:s0+$0x6410] =	vst v62;
	v12 =	vshrl.u32 v2, $0x1  }
0x35: {  	[tilespmem:s0+$0x6420] =	vst v12;
	v13 =	vshrl.u32 v58, $0x1  }
0x36: {  	[tilespmem:s0+$0x6430] =	vst v13;
	v14 =	vshrl.u32 v60, $0x1  }
0x37: {  	[tilespmem:s0+$0x6440] =	vst v14;
	v15 =	vshrl.u32 v6, $0x1  }
0x38: {  	v16 =	vshrl.u32 v63, $0x1;
	[tilespmem:s0+$0x6450] =	vst v15  }
0x39: {  	[tilespmem:s0+$0x6460] =	vst v16  }
0x3a: {  	v17 =	vld [tilespmem:$0x18840];
	_ =	sdelay $0x4  }
0x3b: {  	v18 =	vbroadcast v17, $0x1  }
0x3c: {  	v19 =	vbroadcast v17, $0x2  }
0x3d: {  	v20 =	vbroadcast v17, $0x3;
	[tilespmem:$0x1F7F0] =	vst v18  }
0x3e: {  	v21 =	vbroadcast v17, $0x4;
	[tilespmem:$0x1F800] =	vst v19  }
0x3f: {  	v22 =	vbroadcast v17, $0x5;
	[tilespmem:$0x1F810] =	vst v20  }
0x40: {  	v23 =	vbroadcast v17, $0x6;
	[tilespmem:$0x1F820] =	vst v21  }
0x41: {  	v24 =	vbroadcast v17, $0x7;
	[tilespmem:$0x1F830] =	vst v22  }
0x42: {  	v25 =	vbroadcast v17, $0x8;
	[tilespmem:$0x1F840] =	vst v23  }
0x43: {  	v26 =	vbroadcast v17, $0x9;
	[tilespmem:$0x1F850] =	vst v24  }
0x44: {  	v28 =	vbroadcast v17, $0xA;
	[tilespmem:$0x1F860] =	vst v25  }
0x45: {  	v29 =	vld [tilespmem:$0x18850];
	v30 =	vbroadcast v17, $0xB;
	[tilespmem:$0x1F870] =	vst v26  }
0x46: {  	v31 =	vbroadcast v17, $0xC;
	[tilespmem:$0x1F880] =	vst v28  }
0x47: {  	v32 =	vbroadcast v17, $0xD;
	[tilespmem:$0x1F890] =	vst v30  }
0x48: {  	v33 =	vbroadcast v17, $0xE;
	[tilespmem:$0x1F8A0] =	vst v31  }
0x49: {  	v34 =	vbroadcast v17, $0xF;
	[tilespmem:$0x1F8B0] =	vst v32  }
0x4a: {  	v35 =	vbroadcast v29, $0x0;
	[tilespmem:$0x1F8C0] =	vst v33  }
0x4b: {  	v36 =	vbroadcast v29, $0x1;
	[tilespmem:$0x1F8D0] =	vst v34  }
0x4c: {  	v37 =	vbroadcast v29, $0x2;
	[tilespmem:$0x1F8E0] =	vst v35  }
0x4d: {  	v38 =	vbroadcast v29, $0x3;
	[tilespmem:$0x1F8F0] =	vst v36  }
0x4e: {  	v39 =	vbroadcast v29, $0x4;
	[tilespmem:$0x1F900] =	vst v37  }
0x4f: {  	v40 =	vbroadcast v29, $0x5;
	[tilespmem:$0x1F910] =	vst v38  }
0x50: {  	v41 =	vbroadcast v29, $0x6;
	[tilespmem:$0x1F920] =	vst v39  }
0x51: {  	v42 =	vbroadcast v29, $0x7;
	[tilespmem:$0x1F930] =	vst v40  }
0x52: {  	v0 =	vld [tilespmem:$0x18800];
	v5 =	vbroadcast v29, $0x8;
	[tilespmem:$0x1F940] =	vst v41  }
0x53: {  	v13 =	vbroadcast v29, $0x9;
	[tilespmem:$0x1F950] =	vst v42  }
0x54: {  	v14 =	vbroadcast v29, $0xA;
	[tilespmem:$0x1F960] =	vst v5  }
0x55: {  	v16 =	vbroadcast v29, $0xB;
	[tilespmem:$0x1F970] =	vst v13  }
0x56: {  	v9 =	vbroadcast v17, $0x0;
	v17 =	vbroadcast v29, $0xC;
	[tilespmem:$0x1F980] =	vst v14  }
0x57: {  	v4 =	vbroadcast v0, $0x0;
	[tilespmem:$0x1F990] =	vst v16  }
0x58: {  	[tilespmem:$0x1F9A0] =	vst v17  }
0x59: {  	v10 =	vbroadcast v0, $0x1;
	[tilespmem:$0x1FC30] =	vst v4  }
0x5a: {  	v12 =	vbroadcast v0, $0x2;
	[tilespmem:$0x1FC40] =	vst v9  }
0x5b: {  	v63 =	vbroadcast v0, $0x3;
	[tilespmem:$0x1FC50] =	vst v10  }
0x5c: {  	v62 =	vbroadcast v0, $0x4;
	[tilespmem:$0x1FC60] =	vst v12  }
0x5d: {  	v61 =	vbroadcast v0, $0x5;
	[tilespmem:$0x1FC70] =	vst v63  }
0x5e: {  	v60 =	vbroadcast v0, $0x6;
	[tilespmem:$0x1FC80] =	vst v62  }
0x5f: {  	v59 =	vbroadcast v0, $0x7;
	[tilespmem:$0x1FC90] =	vst v61  }
0x60: {  	v58 =	vbroadcast v0, $0x8;
	[tilespmem:$0x1FCA0] =	vst v60  }
0x61: {  	v57 =	vbroadcast v0, $0x9;
	[tilespmem:$0x1FCB0] =	vst v59  }
0x62: {  	v56 =	vbroadcast v0, $0xA;
	[tilespmem:$0x1FCC0] =	vst v58  }
0x63: {  	v27 =	vld [tilespmem:$0x18810];
	v55 =	vbroadcast v0, $0xB;
	[tilespmem:$0x1FCD0] =	vst v57  }
0x64: {  	v54 =	vbroadcast v0, $0xC;
	[tilespmem:$0x1FCE0] =	vst v56  }
0x65: {  	v53 =	vbroadcast v0, $0xD;
	[tilespmem:$0x1FCF0] =	vst v55  }
0x66: {  	v52 =	vbroadcast v0, $0xE;
	[tilespmem:$0x1FD00] =	vst v54  }
0x67: {  	v51 =	vbroadcast v0, $0xF;
	[tilespmem:$0x1FD10] =	vst v53  }
0x68: {  	v50 =	vbroadcast v27, $0x0;
	[tilespmem:$0x1FD20] =	vst v52  }
0x69: {  	v49 =	vbroadcast v27, $0x1;
	[tilespmem:$0x1FD30] =	vst v51  }
0x6a: {  	v48 =	vbroadcast v27, $0x2;
	[tilespmem:$0x1FD40] =	vst v50  }
0x6b: {  	v47 =	vbroadcast v27, $0x3;
	[tilespmem:$0x1FD50] =	vst v49  }
0x6c: {  	v46 =	vbroadcast v27, $0x4;
	[tilespmem:$0x1FD60] =	vst v48  }
0x6d: {  	v45 =	vbroadcast v27, $0x5;
	[tilespmem:$0x1FD70] =	vst v47  }
0x6e: {  	v1 =	vld [tilespmem:$0x18860];
	v44 =	vbroadcast v27, $0x6;
	[tilespmem:$0x1FD80] =	vst v46  }
0x6f: {  	v43 =	vbroadcast v27, $0x7;
	[tilespmem:$0x1FD90] =	vst v45  }
0x70: {  	v3 =	vbroadcast v29, $0xF;
	[tilespmem:$0x1FDA0] =	vst v44  }
0x71: {  	v18 =	vbroadcast v29, $0xD;
	[tilespmem:$0x1FDB0] =	vst v43  }
0x72: {  	v19 =	vbroadcast v29, $0xE;
	[tilespmem:$0x1FE40] =	vst v3  }
0x73: {  	v20 =	vbroadcast v1, $0x0;
	[tilespmem:$0x1F9B0] =	vst v18  }
0x74: {  	v5 =	vbroadcast v1, $0x1;
	[tilespmem:$0x1F9C0] =	vst v19  }
0x75: {  	v13 =	vbroadcast v1, $0x2;
	[tilespmem:$0x1F9D0] =	vst v20  }
0x76: {  	v14 =	vbroadcast v1, $0x3;
	[tilespmem:$0x1F9E0] =	vst v5  }
0x77: {  	v16 =	vbroadcast v1, $0x5;
	[tilespmem:$0x1F9F0] =	vst v13  }
0x78: {  	v17 =	vbroadcast v1, $0x6;
	[tilespmem:$0x1FA00] =	vst v14  }
0x79: {  	v42 =	vbroadcast v27, $0x8;
	[tilespmem:$0x1FA20] =	vst v16  }
0x7a: {  	v41 =	vbroadcast v27, $0x9;
	[tilespmem:$0x1FA30] =	vst v17  }
0x7b: {  	v40 =	vbroadcast v27, $0xA;
	[tilespmem:$0x1FDC0] =	vst v42  }
0x7c: {  	v15 =	vld [tilespmem:$0x18820];
	v39 =	vbroadcast v27, $0xB;
	[tilespmem:$0x1FDD0] =	vst v41  }
0x7d: {  	v38 =	vbroadcast v27, $0xC;
	[tilespmem:$0x1FDE0] =	vst v40  }
0x7e: {  	v37 =	vbroadcast v27, $0xD;
	[tilespmem:$0x1FDF0] =	vst v39  }
0x7f: {  	v36 =	vbroadcast v27, $0xE;
	[tilespmem:$0x1FE00] =	vst v38  }
0x80: {  	v35 =	vbroadcast v27, $0xF;
	[tilespmem:$0x1FE10] =	vst v37  }
0x81: {  	v34 =	vbroadcast v15, $0x0;
	[tilespmem:$0x1FE20] =	vst v36  }
0x82: {  	v33 =	vbroadcast v15, $0x1;
	[tilespmem:$0x1FE30] =	vst v35  }
0x83: {  	v32 =	vbroadcast v15, $0x2;
	[tilespmem:$0x1FE50] =	vst v34  }
0x84: {  	v31 =	vbroadcast v15, $0x3;
	[tilespmem:$0x1FE60] =	vst v33  }
0x85: {  	v30 =	vbroadcast v15, $0x4;
	[tilespmem:$0x1FE70] =	vst v32  }
0x86: {  	v29 =	vbroadcast v15, $0x5;
	[tilespmem:$0x1FE80] =	vst v31  }
0x87: {  	v28 =	vbroadcast v15, $0x6;
	[tilespmem:$0x1FE90] =	vst v30  }
0x88: {  	v27 =	vbroadcast v15, $0x7;
	[tilespmem:$0x1FEA0] =	vst v29  }
0x89: {  	v26 =	vbroadcast v15, $0x8;
	[tilespmem:$0x1FEB0] =	vst v28  }
0x8a: {  	v25 =	vbroadcast v15, $0x9;
	[tilespmem:$0x1FEC0] =	vst v27  }
0x8b: {  	v24 =	vbroadcast v15, $0xA;
	[tilespmem:$0x1FED0] =	vst v26  }
0x8c: {  	v23 =	vbroadcast v15, $0xB;
	v22 =	vbroadcast v15, $0xC;
	[tilespmem:$0x1FEE0] =	vst v25  }
0x8d: {  	v21 =	vbroadcast v15, $0xD;
	v19 =	vbroadcast v15, $0xE;
	[tilespmem:$0x1FEF0] =	vst v24  }
0x8e: {  	v18 =	vbroadcast v15, $0xF;
	v15 =	vbroadcast v1, $0x4;
	[tilespmem:$0x1FF00] =	vst v23  }
0x8f: {  	v20 =	vbroadcast v1, $0x7;
	[tilespmem:$0x1FF10] =	vst v22  }
0x90: {  	v5 =	vbroadcast v1, $0x8;
	[tilespmem:$0x1FA10] =	vst v15  }
0x91: {  	v13 =	vbroadcast v1, $0x9;
	[tilespmem:$0x1FA40] =	vst v20  }
0x92: {  	v14 =	vbroadcast v1, $0xA;
	[tilespmem:$0x1FA50] =	vst v5  }
0x93: {  	v0 =	vld [tilespmem:$0x18830];
	v16 =	vbroadcast v1, $0xC;
	[tilespmem:$0x1FA60] =	vst v13  }
0x94: {  	v17 =	vbroadcast v1, $0xD;
	[tilespmem:$0x1FA70] =	vst v14  }
0x95: {  	v15 =	vbroadcast v1, $0xB;
	[tilespmem:$0x1FA90] =	vst v16  }
0x96: {  	[tilespmem:$0x1FAA0] =	vst v17;
	v20 =	vbroadcast v1, $0xE  }
0x97: {  	v1 =	vbroadcast v1, $0xF;
	[tilespmem:$0x1FA80] =	vst v15  }
0x98: {  	[tilespmem:$0x1FAB0] =	vst v20;
	v20 =	vbroadcast v0, $0x6  }
0x99: {  	v6 =	vbroadcast v0, $0x9;
	v5 =	vbroadcast v0, $0x5;
	[tilespmem:$0x1FAC0] =	vst v1  }
0x9a: {  	v7 =	vbroadcast v0, $0xA;
	[tilespmem:$0x1FAE0] =	vst v20;
	v20 =	vbroadcast v0, $0x8  }
0x9b: {  	v17 =	vbroadcast v0, $0x0;
	[tilespmem:$0x1FAD0] =	vst v5;
	v1 =	vld [tilespmem:$0x18870];
	v5 =	vbroadcast v0, $0x7  }
0x9c: {  	v16 =	vbroadcast v0, $0x1;
	[tilespmem:$0x1FB00] =	vst v20;
	v20 =	vbroadcast v0, $0xD  }
0x9d: {  	v14 =	vbroadcast v0, $0x3;
	[tilespmem:$0x1FAF0] =	vst v5;
	v5 =	vbroadcast v0, $0xB  }
0x9e: {  	v13 =	vbroadcast v0, $0x4;
	[tilespmem:$0x1FB20] =	vst v20;
	v20 =	vbroadcast v0, $0xE  }
0x9f: {  	v15 =	vbroadcast v0, $0x2;
	[tilespmem:$0x1FB10] =	vst v5;
	v5 =	vbroadcast v0, $0xC  }
0xa0: {  	[tilespmem:$0x1FB30] =	vst v20;
	v20 =	vbroadcast v0, $0xF;
	v0 =	vbroadcast v1, $0x0  }
0xa1: {  	[tilespmem:$0x1FF20] =	vst v21  }
0xa2: {  	[tilespmem:$0x1FB40] =	vst v0;
	v0 =	vbroadcast v1, $0x1  }
0xa3: {  	[tilespmem:$0x1FF30] =	vst v19  }
0xa4: {  	[tilespmem:$0x1FB50] =	vst v0;
	v0 =	vbroadcast v1, $0x2  }
0xa5: {  	[tilespmem:$0x1FF40] =	vst v18  }
0xa6: {  	[tilespmem:$0x1FB60] =	vst v0;
	v0 =	vbroadcast v1, $0x3  }
0xa7: {  	[tilespmem:$0x1FFA0] =	vst v6  }
0xa8: {  	[tilespmem:$0x1FB70] =	vst v0;
	v0 =	vbroadcast v1, $0x4  }
0xa9: {  	[tilespmem:$0x1FFB0] =	vst v7  }
0xaa: {  	s29 =	simm.s32 $0x80;
	[tilespmem:$0x1FB80] =	vst v0;
	v0 =	vbroadcast v1, $0x5  }
0xab: {  	[tilespmem:s16], [sflag:$0x1] =	stream.indirect.gather [hbm4b:s6+s29], $0x80, s15, s29, $0xb8;
	[tilespmem:$0x18880] =	vst v63  }
0xac: {  	[tilespmem:$0x1FB90] =	vst v0;
	v0 =	vbroadcast v1, $0x6  }
0xad: {  	[tilespmem:$0x1FF50] =	vst v17  }
0xae: {  	[tilespmem:$0x1FBA0] =	vst v0;
	v0 =	vbroadcast v1, $0x7  }
0xaf: {  	[tilespmem:$0x1FF60] =	vst v16  }
0xb0: {  	[tilespmem:$0x1FBB0] =	vst v0;
	v0 =	vbroadcast v1, $0x8  }
0xb1: {  	[tilespmem:$0x1FF80] =	vst v14  }
0xb2: {  	[tilespmem:$0x1FBC0] =	vst v0;
	v0 =	vbroadcast v1, $0x9  }
0xb3: {  	[tilespmem:$0x1FF90] =	vst v13  }
0xb4: {  	[tilespmem:$0x1FBD0] =	vst v0;
	v0 =	vbroadcast v1, $0xA  }
0xb5: {  	[tilespmem:s18], [sflag:$0x2] =	stream.indirect.gather [hbm4b:s6+s29], $0x80, s17, s29, $0xb8;
	[tilespmem:$0x18880] =	vst v63  }
0xb6: {  	[tilespmem:$0x1FBE0] =	vst v0;
	v0 =	vbroadcast v1, $0xB  }
0xb7: {  	[tilespmem:$0x1FF70] =	vst v15  }
0xb8: {  	[tilespmem:$0x1FBF0] =	vst v0;
	v0 =	vbroadcast v1, $0xC  }
0xb9: {  	v2 =	vbroadcast v1, $0xF;
	[tilespmem:$0x1FFC0] =	vst v5  }
0xba: {  	[tilespmem:$0x1FC00] =	vst v0;
	v0 =	vbroadcast v1, $0xD  }
0xbb: {  	[tilespmem:$0x1FFE0] =	vst v2  }
0xbc: {  	[tilespmem:$0x1FC10] =	vst v0;
	v0 =	vbroadcast v1, $0xE  }
0xbd: {  	[tilespmem:$0x1FFD0] =	vst v20  }
0xbe: {  	s3 =	simm.s32 $0x0;
	s31 =	simm.s32 $0x0;
	[tilespmem:$0x1FC20] =	vst v0  }
.LBB2_4:
0xbf: {  	_ =	swait.ge [sflag:s19], $0x4000  }
0xc0: {  	p0 =	seq.s32 s31, $0x0;
	[sflag:s19] =	ssyncset.done $0x0  }
0xc1: {  	s1 =	simm.s32 @!p0 $0x3;
	[sflag:s19] =	ssyncadd.s32 $0xFFFFC000  }
0xc2: {  	s0 =	sshll.u32 s31, $0x1;
	_ =	swait.ge @!p0 [sflag:s1], $0x2000  }
0xc3: {  	s2 =	sshll.u32 s31, $0xA;
	s30 =	smov.u32 s3;
	[sflag:s1] =	ssyncset.done @!p0 $0x0  }
0xc4: {  	s10 =	simm.s32 $0x0;
	[sflag:s1] =	ssyncadd.s32 @!p0 $0xFFFFE000;
	s1 =	simm.s32 $0x15800  }
.LBB2_5:
0xc5: {  	v0 =	vld [tilespmem:s30+$0x0];
	_ =	sdelay $0x3  }
0xc6: {  	v1 =	vmov s10  }
0xc7: {  	v1 =	vshll.u32 v1, $0x7;
	v0 =	vshll.u32 v0, $0x6  }
0xc8: {  	v1 =	vor.u32 v8, v1;
	v0 =	vand.u32 $0x40, v0  }
0xc9: {  	v11 =	vor.u32 v1, v0  }
0xca: {  	v10 =	vor.u32 $0x1, v11;
	_ =	sdelay $0x1  }
0xcb: {  	v12 =	vor.u32 $0x2, v11;
	_ =	sdelay $0x1  }
0xcc: {  	v63 =	vor.u32 $0x3, v11;
	v9 =	vld.idx.msk [tilespmem:v11+s16+$0x0], $0xffff  }
0xcd: {  	v3 =	vld.idx.msk [tilespmem:v10+s16+$0x0], $0xffff  }
0xce: {  	v62 =	vor.u32 $0x4, v11  }
0xcf: {  	v4 =	vld.idx.msk [tilespmem:v12+s16+$0x0], $0xffff  }
0xd0: {  	v61 =	vor.u32 $0x5, v11  }
0xd1: {  	v6 =	vld.idx.msk [tilespmem:v63+s16+$0x0], $0xffff;
	v5 =	vadd.f32 $0.0e+00, v9  }
0xd2: {  	v60 =	vor.u32 $0x6, v11;
	v7 =	vmul.f32 v9, v9;
	v8 =	vmul.f32 v3, v3  }
0xd3: {  	v27 =	vld.idx.msk [tilespmem:v62+s16+$0x0], $0xffff;
	v3 =	vadd.f32 v3, v5  }
0xd4: {  	v59 =	vor.u32 $0x7, v11;
	v7 =	vadd.f32 v8, v7;
	v8 =	vmul.f32 v4, v4  }
0xd5: {  	v28 =	vld.idx.msk [tilespmem:v61+s16+$0x0], $0xffff;
	v3 =	vadd.f32 v4, v3  }
0xd6: {  	v58 =	vor.u32 $0x8, v11;
	v7 =	vadd.f32 v8, v7;
	v8 =	vmul.f32 v6, v6  }
0xd7: {  	v3 =	vadd.f32 v6, v3;
	v6 =	vld.idx.msk [tilespmem:v60+s16+$0x0], $0xffff  }
0xd8: {  	v57 =	vor.u32 $0x9, v11;
	v7 =	vadd.f32 v8, v7;
	v8 =	vmul.f32 v27, v27  }
0xd9: {  	v29 =	vld.idx.msk [tilespmem:v59+s16+$0x0], $0xffff;
	v3 =	vadd.f32 v27, v3  }
0xda: {  	v56 =	vor.u32 $0xA, v11;
	v7 =	vadd.f32 v8, v7;
	v8 =	vmul.f32 v28, v28  }
0xdb: {  	v30 =	vld.idx.msk [tilespmem:v58+s16+$0x0], $0xffff;
	v3 =	vadd.f32 v28, v3  }
0xdc: {  	v55 =	vor.u32 $0xB, v11;
	v7 =	vadd.f32 v8, v7;
	v8 =	vmul.f32 v6, v6  }
0xdd: {  	v3 =	vadd.f32 v6, v3;
	v6 =	vld.idx.msk [tilespmem:v57+s16+$0x0], $0xffff  }
0xde: {  	v54 =	vor.u32 $0xC, v11;
	v7 =	vadd.f32 v8, v7;
	v8 =	vmul.f32 v29, v29  }
0xdf: {  	v31 =	vld.idx.msk [tilespmem:v56+s16+$0x0], $0xffff;
	v3 =	vadd.f32 v29, v3  }
0xe0: {  	v53 =	vor.u32 $0xD, v11;
	v7 =	vadd.f32 v8, v7;
	v8 =	vmul.f32 v30, v30  }
0xe1: {  	v32 =	vld.idx.msk [tilespmem:v55+s16+$0x0], $0xffff;
	v3 =	vadd.f32 v30, v3  }
0xe2: {  	v52 =	vor.u32 $0xE, v11;
	v7 =	vadd.f32 v8, v7;
	v8 =	vmul.f32 v6, v6  }
0xe3: {  	v3 =	vadd.f32 v6, v3;
	v6 =	vld.idx.msk [tilespmem:v54+s16+$0x0], $0xffff  }
0xe4: {  	v51 =	vor.u32 $0xF, v11;
	v7 =	vadd.f32 v8, v7;
	v8 =	vmul.f32 v31, v31  }
0xe5: {  	v33 =	vld.idx.msk [tilespmem:v53+s16+$0x0], $0xffff;
	v3 =	vadd.f32 v31, v3  }
0xe6: {  	v50 =	vor.u32 $0x10, v11;
	v7 =	vadd.f32 v8, v7;
	v8 =	vmul.f32 v32, v32  }
0xe7: {  	v34 =	vld.idx.msk [tilespmem:v52+s16+$0x0], $0xffff;
	v3 =	vadd.f32 v32, v3  }
0xe8: {  	v49 =	vor.u32 $0x11, v11;
	v7 =	vadd.f32 v8, v7;
	v8 =	vmul.f32 v6, v6  }
0xe9: {  	v3 =	vadd.f32 v6, v3;
	v6 =	vld.idx.msk [tilespmem:v51+s16+$0x0], $0xffff  }
0xea: {  	v48 =	vor.u32 $0x12, v11;
	v7 =	vadd.f32 v8, v7;
	v8 =	vmul.f32 v33, v33  }
0xeb: {  	v35 =	vld.idx.msk [tilespmem:v50+s16+$0x0], $0xffff;
	v3 =	vadd.f32 v33, v3  }
0xec: {  	v47 =	vor.u32 $0x13, v11;
	v7 =	vadd.f32 v8, v7;
	v8 =	vmul.f32 v34, v34  }
0xed: {  	v36 =	vld.idx.msk [tilespmem:v49+s16+$0x0], $0xffff;
	v3 =	vadd.f32 v34, v3  }
0xee: {  	v46 =	vor.u32 $0x14, v11;
	v7 =	vadd.f32 v8, v7;
	v8 =	vmul.f32 v6, v6  }
0xef: {  	v3 =	vadd.f32 v6, v3;
	v6 =	vld.idx.msk [tilespmem:v48+s16+$0x0], $0xffff  }
0xf0: {  	v45 =	vor.u32 $0x15, v11;
	v7 =	vadd.f32 v8, v7;
	v8 =	vmul.f32 v35, v35  }
0xf1: {  	v37 =	vld.idx.msk [tilespmem:v47+s16+$0x0], $0xffff;
	v3 =	vadd.f32 v35, v3  }
0xf2: {  	v44 =	vor.u32 $0x16, v11;
	v7 =	vadd.f32 v8, v7;
	v8 =	vmul.f32 v36, v36  }
0xf3: {  	v38 =	vld.idx.msk [tilespmem:v46+s16+$0x0], $0xffff;
	v3 =	vadd.f32 v36, v3  }
0xf4: {  	v43 =	vor.u32 $0x17, v11;
	v7 =	vadd.f32 v8, v7;
	v8 =	vmul.f32 v6, v6  }
0xf5: {  	v3 =	vadd.f32 v6, v3;
	v6 =	vld.idx.msk [tilespmem:v45+s16+$0x0], $0xffff  }
0xf6: {  	v42 =	vor.u32 $0x18, v11;
	v7 =	vadd.f32 v8, v7;
	v8 =	vmul.f32 v37, v37  }
0xf7: {  	v13 =	vld.idx.msk [tilespmem:v44+s16+$0x0], $0xffff;
	v3 =	vadd.f32 v37, v3  }
0xf8: {  	v41 =	vor.u32 $0x19, v11;
	v7 =	vadd.f32 v8, v7;
	v8 =	vmul.f32 v38, v38  }
0xf9: {  	v14 =	vld.idx.msk [tilespmem:v43+s16+$0x0], $0xffff;
	v3 =	vadd.f32 v38, v3  }
0xfa: {  	v40 =	vor.u32 $0x1A, v11;
	v7 =	vadd.f32 v8, v7;
	v8 =	vmul.f32 v6, v6  }
0xfb: {  	v3 =	vadd.f32 v6, v3;
	v6 =	vld.idx.msk [tilespmem:v42+s16+$0x0], $0xffff  }
0xfc: {  	v39 =	vor.u32 $0x1B, v11;
	v7 =	vadd.f32 v8, v7;
	v8 =	vmul.f32 v13, v13  }
0xfd: {  	v15 =	vld.idx.msk [tilespmem:v41+s16+$0x0], $0xffff;
	v3 =	vadd.f32 v13, v3  }
0xfe: {  	v38 =	vor.u32 $0x1C, v11;
	v7 =	vadd.f32 v8, v7;
	v8 =	vmul.f32 v14, v14  }
0xff: {  	v16 =	vld.idx.msk [tilespmem:v40+s16+$0x0], $0xffff;
	v3 =	vadd.f32 v14, v3  }
0x100: {  	v37 =	vor.u32 $0x1D, v11;
	v7 =	vadd.f32 v8, v7;
	v8 =	vmul.f32 v6, v6  }
0x101: {  	v3 =	vadd.f32 v6, v3;
	v6 =	vld.idx.msk [tilespmem:v39+s16+$0x0], $0xffff  }
0x102: {  	v36 =	vor.u32 $0x1E, v11;
	v7 =	vadd.f32 v8, v7;
	v8 =	vmul.f32 v15, v15  }
0x103: {  	v17 =	vld.idx.msk [tilespmem:v38+s16+$0x0], $0xffff;
	v3 =	vadd.f32 v15, v3  }
0x104: {  	v35 =	vor.u32 $0x1F, v11;
	v7 =	vadd.f32 v8, v7;
	v8 =	vmul.f32 v16, v16  }
0x105: {  	v18 =	vld.idx.msk [tilespmem:v37+s16+$0x0], $0xffff;
	v3 =	vadd.f32 v16, v3  }
0x106: {  	v34 =	vor.u32 $0x20, v11;
	v7 =	vadd.f32 v8, v7;
	v8 =	vmul.f32 v6, v6  }
0x107: {  	v3 =	vadd.f32 v6, v3;
	v6 =	vld.idx.msk [tilespmem:v36+s16+$0x0], $0xffff  }
0x108: {  	v33 =	vor.u32 $0x21, v11;
	v7 =	vadd.f32 v8, v7;
	v8 =	vmul.f32 v17, v17  }
0x109: {  	v19 =	vld.idx.msk [tilespmem:v35+s16+$0x0], $0xffff;
	v3 =	vadd.f32 v17, v3  }
0x10a: {  	v32 =	vor.u32 $0x22, v11;
	v7 =	vadd.f32 v8, v7;
	v8 =	vmul.f32 v18, v18  }
0x10b: {  	v20 =	vld.idx.msk [tilespmem:v34+s16+$0x0], $0xffff;
	v3 =	vadd.f32 v18, v3  }
0x10c: {  	v31 =	vor.u32 $0x23, v11;
	v7 =	vadd.f32 v8, v7;
	v8 =	vmul.f32 v6, v6  }
0x10d: {  	v3 =	vadd.f32 v6, v3;
	v6 =	vld.idx.msk [tilespmem:v33+s16+$0x0], $0xffff  }
0x10e: {  	v30 =	vor.u32 $0x24, v11;
	v7 =	vadd.f32 v8, v7;
	v8 =	vmul.f32 v19, v19  }
0x10f: {  	v21 =	vld.idx.msk [tilespmem:v32+s16+$0x0], $0xffff;
	v3 =	vadd.f32 v19, v3  }
0x110: {  	v29 =	vor.u32 $0x25, v11;
	v7 =	vadd.f32 v8, v7;
	v8 =	vmul.f32 v20, v20  }
0x111: {  	v22 =	vld.idx.msk [tilespmem:v31+s16+$0x0], $0xffff;
	v3 =	vadd.f32 v20, v3  }
0x112: {  	v28 =	vor.u32 $0x26, v11;
	v7 =	vadd.f32 v8, v7;
	v8 =	vmul.f32 v6, v6  }
0x113: {  	v3 =	vadd.f32 v6, v3;
	v6 =	vld.idx.msk [tilespmem:v30+s16+$0x0], $0xffff  }
0x114: {  	v27 =	vor.u32 $0x27, v11;
	v7 =	vadd.f32 v8, v7;
	v8 =	vmul.f32 v21, v21  }
0x115: {  	v23 =	vld.idx.msk [tilespmem:v29+s16+$0x0], $0xffff;
	v3 =	vadd.f32 v21, v3  }
0x116: {  	v26 =	vor.u32 $0x28, v11;
	v7 =	vadd.f32 v8, v7;
	v8 =	vmul.f32 v22, v22  }
0x117: {  	v13 =	vld.idx.msk [tilespmem:v28+s16+$0x0], $0xffff;
	v3 =	vadd.f32 v22, v3  }
0x118: {  	v25 =	vor.u32 $0x29, v11;
	v7 =	vadd.f32 v8, v7;
	v8 =	vmul.f32 v6, v6  }
0x119: {  	v3 =	vadd.f32 v6, v3;
	v6 =	vld.idx.msk [tilespmem:v27+s16+$0x0], $0xffff  }
0x11a: {  	v24 =	vor.u32 $0x2A, v11;
	v7 =	vadd.f32 v8, v7;
	v8 =	vmul.f32 v23, v23  }
0x11b: {  	v14 =	vld.idx.msk [tilespmem:v26+s16+$0x0], $0xffff;
	v3 =	vadd.f32 v23, v3  }
0x11c: {  	v23 =	vor.u32 $0x2B, v11;
	v7 =	vadd.f32 v8, v7;
	v8 =	vmul.f32 v13, v13  }
0x11d: {  	v15 =	vld.idx.msk [tilespmem:v25+s16+$0x0], $0xffff;
	v3 =	vadd.f32 v13, v3  }
0x11e: {  	v22 =	vor.u32 $0x2C, v11;
	v7 =	vadd.f32 v8, v7;
	v8 =	vmul.f32 v6, v6  }
0x11f: {  	v3 =	vadd.f32 v6, v3;
	v6 =	vld.idx.msk [tilespmem:v24+s16+$0x0], $0xffff  }
0x120: {  	v21 =	vor.u32 $0x2D, v11;
	v7 =	vadd.f32 v8, v7;
	v8 =	vmul.f32 v14, v14  }
0x121: {  	v13 =	vld.idx.msk [tilespmem:v23+s16+$0x0], $0xffff;
	v3 =	vadd.f32 v14, v3  }
0x122: {  	v19 =	vor.u32 $0x2E, v11;
	v7 =	vadd.f32 v8, v7;
	v8 =	vmul.f32 v15, v15  }
0x123: {  	v14 =	vld.idx.msk [tilespmem:v22+s16+$0x0], $0xffff;
	v3 =	vadd.f32 v15, v3  }
0x124: {  	v18 =	vor.u32 $0x2F, v11;
	v7 =	vadd.f32 v8, v7;
	v8 =	vmul.f32 v6, v6  }
0x125: {  	v3 =	vadd.f32 v6, v3;
	v6 =	vld.idx.msk [tilespmem:v21+s16+$0x0], $0xffff  }
0x126: {  	v17 =	vor.u32 $0x30, v11;
	v7 =	vadd.f32 v8, v7;
	v8 =	vmul.f32 v13, v13  }
0x127: {  	v5 =	vld.idx.msk [tilespmem:v19+s16+$0x0], $0xffff;
	v3 =	vadd.f32 v13, v3  }
0x128: {  	v16 =	vor.u32 $0x31, v11;
	v7 =	vadd.f32 v8, v7;
	v8 =	vmul.f32 v14, v14  }
0x129: {  	v20 =	vld.idx.msk [tilespmem:v18+s16+$0x0], $0xffff;
	v3 =	vadd.f32 v14, v3  }
0x12a: {  	v15 =	vor.u32 $0x32, v11;
	v7 =	vadd.f32 v8, v7;
	v8 =	vmul.f32 v6, v6  }
0x12b: {  	v3 =	vadd.f32 v6, v3;
	v6 =	vld.idx.msk [tilespmem:v17+s16+$0x0], $0xffff  }
0x12c: {  	v14 =	vor.u32 $0x33, v11;
	v7 =	vadd.f32 v8, v7;
	v8 =	vmul.f32 v5, v5  }
0x12d: {  	v3 =	vadd.f32 v5, v3;
	v5 =	vld.idx.msk [tilespmem:v16+s16+$0x0], $0xffff  }
0x12e: {  	v13 =	vor.u32 $0x34, v11;
	v7 =	vadd.f32 v8, v7;
	v8 =	vmul.f32 v20, v20  }
0x12f: {  	v3 =	vadd.f32 v20, v3;
	v20 =	vld.idx.msk [tilespmem:v15+s16+$0x0], $0xffff  }
0x130: {  	v0 =	vor.u32 $0x35, v11;
	v7 =	vadd.f32 v8, v7;
	v8 =	vmul.f32 v6, v6  }
0x131: {  	v3 =	vadd.f32 v6, v3;
	v6 =	vld.idx.msk [tilespmem:v14+s16+$0x0], $0xffff  }
0x132: {  	v2 =	vor.u32 $0x36, v11;
	v7 =	vadd.f32 v8, v7;
	v8 =	vmul.f32 v5, v5  }
0x133: {  	v3 =	vadd.f32 v5, v3;
	v5 =	vld.idx.msk [tilespmem:v13+s16+$0x0], $0xffff  }
0x134: {  	v1 =	vor.u32 $0x37, v11;
	v7 =	vadd.f32 v8, v7;
	v8 =	vmul.f32 v20, v20  }
0x135: {  	v4 =	vld.idx.msk [tilespmem:v0+s16+$0x0], $0xffff;
	v3 =	vadd.f32 v20, v3  }
0x136: {  	v7 =	vadd.f32 v8, v7;
	v20 =	vmul.f32 v6, v6;
	v8 =	vor.u32 $0x38, v11  }
0x137: {  	[tilespmem:$0x1F740] =	vst v0;
	v0 =	vld.idx.msk [tilespmem:v2+s16+$0x0], $0xffff;
	v3 =	vadd.f32 v6, v3  }
0x138: {  	[tilespmem:$0x1F750] =	vst v2;
	v2 =	vor.u32 $0x39, v11;
	v7 =	vadd.f32 v20, v7;
	v20 =	vmul.f32 v5, v5  }
0x139: {  	v3 =	vadd.f32 v5, v3;
	v5 =	vld.idx.msk [tilespmem:v1+s16+$0x0], $0xffff  }
0x13a: {  	[tilespmem:$0x1F760] =	vst v1;
	v1 =	vmul.f32 v4, v4;
	v20 =	vadd.f32 v20, v7  }
0x13b: {  	[tilespmem:$0x1F770] =	vst v8;
	v3 =	vadd.f32 v4, v3;
	v4 =	vld.idx.msk [tilespmem:v8+s16+$0x0], $0xffff;
	v8 =	vor.u32 $0x3A, v11  }
0x13c: {  	v1 =	vadd.f32 v1, v20;
	v20 =	vmul.f32 v0, v0  }
0x13d: {  	v6 =	vld.idx.msk [tilespmem:v2+s16+$0x0], $0xffff;
	v3 =	vadd.f32 v0, v3;
	v0 =	vor.u32 $0x3B, v11  }
0x13e: {  	v20 =	vadd.f32 v20, v1;
	v1 =	vmul.f32 v5, v5  }
0x13f: {  	v7 =	vor.u32 $0x3C, v11;
	v3 =	vadd.f32 v5, v3  }
0x140: {  	[tilespmem:$0x1F780] =	vst v2;
	v1 =	vadd.f32 v1, v20;
	v20 =	vmul.f32 v4, v4;
	v2 =	vld.idx.msk [tilespmem:v8+s16+$0x0], $0xffff  }
0x141: {  	v4 =	vadd.f32 v4, v3;
	v3 =	vor.u32 $0x3D, v11  }
0x142: {  	[tilespmem:$0x1F790] =	vst v8;
	v8 =	vadd.f32 v20, v1;
	v20 =	vmul.f32 v6, v6;
	v1 =	vld.idx.msk [tilespmem:v0+s16+$0x0], $0xffff  }
0x143: {  	[tilespmem:$0x1F7A0] =	vst v0;
	v0 =	vor.u32 $0x3E, v11;
	v5 =	vadd.f32 v6, v4  }
0x144: {  	v4 =	vld.idx.msk [tilespmem:v7+s16+$0x0], $0xffff;
	v6 =	vadd.f32 v20, v8  }
0x145: {  	[tilespmem:$0x1F7B0] =	vst v7;
	v8 =	vor.u32 $0x3F, v11;
	v7 =	vadd.f32 v2, v5;
	v2 =	vmul.f32 v2, v2  }
0x146: {  	v11 =	vld.idx.msk [tilespmem:v3+s16+$0x0], $0xffff  }
0x147: {  	v5 =	vadd.f32 v2, v6;
	v20 =	vadd.f32 v1, v7;
	v1 =	vmul.f32 v1, v1  }
0x148: {  	[tilespmem:$0x1F7C0] =	vst v3;
	v3 =	vld.idx.msk [tilespmem:v0+s16+$0x0], $0xffff  }
0x149: {  	[tilespmem:$0x1F7D0] =	vst v0;
	v0 =	vadd.f32 v1, v5;
	v1 =	vadd.f32 v4, v20;
	v20 =	vmul.f32 v4, v4  }
0x14a: {  	v4 =	vld.idx.msk [tilespmem:v8+s16+$0x0], $0xffff  }
0x14b: {  	v0 =	vadd.f32 v20, v0;
	v1 =	vadd.f32 v11, v1;
	v5 =	vmul.f32 v11, v11;
	_ =	sdelay $0x1  }
0x14c: {  	v20 =	vmul.f32 v3, v3;
	v0 =	vadd.f32 v5, v0;
	v1 =	vadd.f32 v3, v1;
	_ =	sdelay $0x1  }
0x14d: {  	v0 =	vadd.f32 v20, v0;
	v1 =	vadd.f32 v4, v1;
	v20 =	vmul.f32 v4, v4;
	_ =	sdelay $0x1  }
0x14e: {  	v0 =	vadd.f32 v20, v0;
	v11 =	vmul.f32 $1.562500000e-02, v1;
	_ =	sdelay $0x1  }
0x14f: {  	v0 =	vmul.f32 $1.562500000e-02, v0;
	v1 =	vmul.f32 v11, v11;
	_ =	sdelay $0x1  }
0x150: {  	v0 =	vsub.f32 v0, v1;
	_ =	sdelay $0x1  }
0x151: {  	v0 =	vadd.f32 $9.999999740e-06, v0;
	_ =	sdelay $0x1  }
0x152: {  	v5 =	vshrl.u32 v0, $0x1;
	v0 =	vmul.f32 $5.000000000e-01, v0  }
0x153: {  	v1 =	vsub.s32 $0x5F3759DF, v5  }
0x154: {  	v20 =	vmul.f32 v1, v0;
	_ =	sdelay $0x1  }
0x155: {  	v2 =	vmul.f32 v1, v20;
	_ =	sdelay $0x1  }
0x156: {  	v2 =	vsub.f32 $1.500000000e+00, v2;
	_ =	sdelay $0x1  }
0x157: {  	v1 =	vmul.f32 v1, v2;
	_ =	sdelay $0x1  }
0x158: {  	v0 =	vmul.f32 v1, v0;
	_ =	sdelay $0x1  }
0x159: {  	v0 =	vmul.f32 v0, v1  }
0x15a: {  	v4 =	vld [tilespmem:$0x1FC30]  }
0x15b: {  	v0 =	vsub.f32 $1.500000000e+00, v0;
	_ =	sdelay $0x1  }
0x15c: {  	v20 =	vmul.f32 v0, v1;
	_ =	sdelay $0x1  }
0x15d: {  	v0 =	vmul.f32 v20, v4;
	_ =	sdelay $0x1  }
0x15e: {  	v5 =	vmul.f32 v0, v11;
	v0 =	vmul.f32 v0, v9;
	v9 =	vld [tilespmem:$0x1FC40];
	_ =	sdelay $0x4  }
0x15f: {  	v1 =	vsub.f32 v9, v5;
	_ =	sdelay $0x1  }
0x160: {  	v0 =	vadd.f32 v1, v0;
	_ =	sdelay $0x1  }
0x161: {  	[tilespmem:s1+$0xFFFFF000] =	vst v0  }
0x162: {  	v0 =	vld.idx.msk [tilespmem:v10+s16+$0x0], $0xffff  }
0x163: {  	v10 =	vld [tilespmem:$0x1FC50];
	_ =	sdelay $0x4  }
0x164: {  	v4 =	vmul.f32 v20, v10;
	_ =	sdelay $0x1  }
0x165: {  	v5 =	vmul.f32 v4, v11;
	v0 =	vmul.f32 v4, v0;
	v4 =	vld [tilespmem:$0x1F7F0];
	_ =	sdelay $0x4  }
0x166: {  	v1 =	vsub.f32 v4, v5  }
0x167: {  	v5 =	vld [tilespmem:$0x1FC60]  }
0x168: {  	v0 =	vadd.f32 v1, v0;
	_ =	sdelay $0x1  }
0x169: {  	[tilespmem:s1+$0xFFFFF080] =	vst v0  }
0x16a: {  	v0 =	vld.idx.msk [tilespmem:v12+s16+$0x0], $0xffff  }
0x16b: {  	v12 =	vmul.f32 v20, v5;
	v5 =	vld [tilespmem:$0x1F800];
	_ =	sdelay $0x2  }
0x16c: {  	v4 =	vmul.f32 v12, v11;
	_ =	sdelay $0x1  }
0x16d: {  	v0 =	vmul.f32 v12, v0;
	v1 =	vsub.f32 v5, v4  }
0x16e: {  	v12 =	vld [tilespmem:$0x1FC70]  }
0x16f: {  	v0 =	vadd.f32 v1, v0;
	_ =	sdelay $0x1  }
0x170: {  	v5 =	vld [tilespmem:$0x1F810];
	[tilespmem:s1+$0xFFFFF100] =	vst v0  }
0x171: {  	v0 =	vld.idx.msk [tilespmem:v63+s16+$0x0], $0xffff  }
0x172: {  	v63 =	vmul.f32 v20, v12;
	_ =	sdelay $0x1  }
0x173: {  	v4 =	vmul.f32 v63, v11;
	_ =	sdelay $0x1  }
0x174: {  	v1 =	vsub.f32 v5, v4;
	v0 =	vmul.f32 v63, v0  }
0x175: {  	v12 =	vld [tilespmem:$0x1FC80]  }
0x176: {  	v0 =	vadd.f32 v1, v0;
	_ =	sdelay $0x1  }
0x177: {  	v5 =	vld [tilespmem:$0x1F820];
	[tilespmem:s1+$0xFFFFF180] =	vst v0  }
0x178: {  	v0 =	vld.idx.msk [tilespmem:v62+s16+$0x0], $0xffff  }
0x179: {  	v63 =	vmul.f32 v20, v12;
	_ =	sdelay $0x1  }
0x17a: {  	v4 =	vmul.f32 v63, v11;
	_ =	sdelay $0x1  }
0x17b: {  	v1 =	vsub.f32 v5, v4;
	v0 =	vmul.f32 v63, v0  }
0x17c: {  	v12 =	vld [tilespmem:$0x1FC90]  }
0x17d: {  	v0 =	vadd.f32 v1, v0;
	_ =	sdelay $0x1  }
0x17e: {  	v5 =	vld [tilespmem:$0x1F830];
	[tilespmem:s1+$0xFFFFF200] =	vst v0  }
0x17f: {  	v0 =	vld.idx.msk [tilespmem:v61+s16+$0x0], $0xffff  }
0x180: {  	v63 =	vmul.f32 v20, v12;
	_ =	sdelay $0x1  }
0x181: {  	v4 =	vmul.f32 v63, v11;
	_ =	sdelay $0x1  }
0x182: {  	v1 =	vsub.f32 v5, v4;
	v0 =	vmul.f32 v63, v0  }
0x183: {  	v12 =	vld [tilespmem:$0x1FCA0]  }
0x184: {  	v0 =	vadd.f32 v1, v0;
	_ =	sdelay $0x1  }
0x185: {  	v5 =	vld [tilespmem:$0x1F840];
	[tilespmem:s1+$0xFFFFF280] =	vst v0  }
0x186: {  	v0 =	vld.idx.msk [tilespmem:v60+s16+$0x0], $0xffff  }
0x187: {  	v63 =	vmul.f32 v20, v12;
	_ =	sdelay $0x1  }
0x188: {  	v4 =	vmul.f32 v63, v11;
	_ =	sdelay $0x1  }
0x189: {  	v1 =	vsub.f32 v5, v4;
	v0 =	vmul.f32 v63, v0  }
0x18a: {  	v12 =	vld [tilespmem:$0x1FCB0]  }
0x18b: {  	v0 =	vadd.f32 v1, v0;
	_ =	sdelay $0x1  }
0x18c: {  	v61 =	vld [tilespmem:$0x1F850];
	[tilespmem:s1+$0xFFFFF300] =	vst v0  }
0x18d: {  	v0 =	vld.idx.msk [tilespmem:v59+s16+$0x0], $0xffff  }
0x18e: {  	v59 =	vmul.f32 v20, v12;
	_ =	sdelay $0x1  }
0x18f: {  	v60 =	vmul.f32 v59, v11;
	_ =	sdelay $0x1  }
0x190: {  	v1 =	vsub.f32 v61, v60;
	v0 =	vmul.f32 v59, v0  }
0x191: {  	v62 =	vld [tilespmem:$0x1FCC0]  }
0x192: {  	v0 =	vadd.f32 v1, v0;
	_ =	sdelay $0x1  }
0x193: {  	v5 =	vld [tilespmem:$0x1F860];
	[tilespmem:s1+$0xFFFFF380] =	vst v0  }
0x194: {  	v0 =	vld.idx.msk [tilespmem:v58+s16+$0x0], $0xffff  }
0x195: {  	v63 =	vmul.f32 v20, v62;
	_ =	sdelay $0x1  }
0x196: {  	v4 =	vmul.f32 v63, v11;
	_ =	sdelay $0x1  }
0x197: {  	v1 =	vsub.f32 v5, v4;
	v0 =	vmul.f32 v63, v0  }
0x198: {  	v12 =	vld [tilespmem:$0x1FCD0]  }
0x199: {  	v0 =	vadd.f32 v1, v0;
	_ =	sdelay $0x1  }
0x19a: {  	v60 =	vld [tilespmem:$0x1F870];
	[tilespmem:s1+$0xFFFFF400] =	vst v0  }
0x19b: {  	v0 =	vld.idx.msk [tilespmem:v57+s16+$0x0], $0xffff  }
0x19c: {  	v58 =	vmul.f32 v20, v12;
	_ =	sdelay $0x1  }
0x19d: {  	v59 =	vmul.f32 v58, v11;
	_ =	sdelay $0x1  }
0x19e: {  	v1 =	vsub.f32 v60, v59;
	v0 =	vmul.f32 v58, v0  }
0x19f: {  	v61 =	vld [tilespmem:$0x1FCE0]  }
0x1a0: {  	v0 =	vadd.f32 v1, v0;
	_ =	sdelay $0x1  }
0x1a1: {  	v4 =	vld [tilespmem:$0x1F880];
	[tilespmem:s1+$0xFFFFF480] =	vst v0  }
0x1a2: {  	v0 =	vld.idx.msk [tilespmem:v56+s16+$0x0], $0xffff  }
0x1a3: {  	v62 =	vmul.f32 v20, v61;
	_ =	sdelay $0x1  }
0x1a4: {  	v63 =	vmul.f32 v62, v11;
	_ =	sdelay $0x1  }
0x1a5: {  	v1 =	vsub.f32 v4, v63;
	v0 =	vmul.f32 v0, v62  }
0x1a6: {  	v5 =	vld [tilespmem:$0x1FCF0]  }
0x1a7: {  	v0 =	vadd.f32 v0, v1;
	_ =	sdelay $0x1  }
0x1a8: {  	v56 =	vld [tilespmem:$0x1F890];
	[tilespmem:s1+$0xFFFFF500] =	vst v0  }
0x1a9: {  	v0 =	vld.idx.msk [tilespmem:v55+s16+$0x0], $0xffff  }
0x1aa: {  	v12 =	vmul.f32 v20, v5;
	_ =	sdelay $0x1  }
0x1ab: {  	v55 =	vmul.f32 v12, v11;
	_ =	sdelay $0x1  }
0x1ac: {  	v1 =	vsub.f32 v56, v55;
	v0 =	vmul.f32 v0, v12  }
0x1ad: {  	v57 =	vld [tilespmem:$0x1FD00]  }
0x1ae: {  	v0 =	vadd.f32 v0, v1;
	_ =	sdelay $0x1  }
0x1af: {  	v60 =	vld [tilespmem:$0x1F8A0];
	[tilespmem:s1+$0xFFFFF580] =	vst v0  }
0x1b0: {  	v0 =	vld.idx.msk [tilespmem:v54+s16+$0x0], $0xffff  }
0x1b1: {  	v58 =	vmul.f32 v20, v57;
	_ =	sdelay $0x1  }
0x1b2: {  	v59 =	vmul.f32 v58, v11;
	_ =	sdelay $0x1  }
0x1b3: {  	v1 =	vsub.f32 v60, v59;
	v0 =	vmul.f32 v0, v58  }
0x1b4: {  	v61 =	vld [tilespmem:$0x1FD10]  }
0x1b5: {  	v0 =	vadd.f32 v0, v1;
	_ =	sdelay $0x1  }
0x1b6: {  	v4 =	vld [tilespmem:$0x1F8B0];
	[tilespmem:s1+$0xFFFFF600] =	vst v0  }
0x1b7: {  	v0 =	vld.idx.msk [tilespmem:v53+s16+$0x0], $0xffff  }
0x1b8: {  	v62 =	vmul.f32 v20, v61;
	_ =	sdelay $0x1  }
0x1b9: {  	v63 =	vmul.f32 v62, v11;
	_ =	sdelay $0x1  }
0x1ba: {  	v1 =	vsub.f32 v4, v63;
	v0 =	vmul.f32 v0, v62  }
0x1bb: {  	v5 =	vld [tilespmem:$0x1FD20]  }
0x1bc: {  	v0 =	vadd.f32 v0, v1;
	_ =	sdelay $0x1  }
0x1bd: {  	v53 =	vld [tilespmem:$0x1F8C0];
	[tilespmem:s1+$0xFFFFF680] =	vst v0  }
0x1be: {  	v0 =	vld.idx.msk [tilespmem:v52+s16+$0x0], $0xffff  }
0x1bf: {  	v12 =	vmul.f32 v20, v5;
	_ =	sdelay $0x1  }
0x1c0: {  	v52 =	vmul.f32 v12, v11;
	_ =	sdelay $0x1  }
0x1c1: {  	v1 =	vsub.f32 v53, v52;
	v0 =	vmul.f32 v0, v12  }
0x1c2: {  	v54 =	vld [tilespmem:$0x1FD30]  }
0x1c3: {  	v0 =	vadd.f32 v0, v1;
	_ =	sdelay $0x1  }
0x1c4: {  	v57 =	vld [tilespmem:$0x1F8D0];
	[tilespmem:s1+$0xFFFFF700] =	vst v0  }
0x1c5: {  	v0 =	vld.idx.msk [tilespmem:v51+s16+$0x0], $0xffff  }
0x1c6: {  	v55 =	vmul.f32 v20, v54;
	_ =	sdelay $0x1  }
0x1c7: {  	v56 =	vmul.f32 v55, v11;
	_ =	sdelay $0x1  }
0x1c8: {  	v1 =	vsub.f32 v57, v56;
	v0 =	vmul.f32 v0, v55  }
0x1c9: {  	v58 =	vld [tilespmem:$0x1FD40]  }
0x1ca: {  	v0 =	vadd.f32 v0, v1;
	_ =	sdelay $0x1  }
0x1cb: {  	v61 =	vld [tilespmem:$0x1F8E0];
	[tilespmem:s1+$0xFFFFF780] =	vst v0  }
0x1cc: {  	v0 =	vld.idx.msk [tilespmem:v50+s16+$0x0], $0xffff  }
0x1cd: {  	v59 =	vmul.f32 v20, v58;
	_ =	sdelay $0x1  }
0x1ce: {  	v60 =	vmul.f32 v59, v11;
	_ =	sdelay $0x1  }
0x1cf: {  	v1 =	vsub.f32 v61, v60;
	v0 =	vmul.f32 v0, v59  }
0x1d0: {  	v62 =	vld [tilespmem:$0x1FD50]  }
0x1d1: {  	v0 =	vadd.f32 v0, v1;
	_ =	sdelay $0x1  }
0x1d2: {  	v5 =	vld [tilespmem:$0x1F8F0];
	[tilespmem:s1+$0xFFFFF800] =	vst v0  }
0x1d3: {  	v0 =	vld.idx.msk [tilespmem:v49+s16+$0x0], $0xffff  }
0x1d4: {  	v63 =	vmul.f32 v20, v62;
	_ =	sdelay $0x1  }
0x1d5: {  	v4 =	vmul.f32 v63, v11;
	_ =	sdelay $0x1  }
0x1d6: {  	v1 =	vsub.f32 v5, v4;
	v0 =	vmul.f32 v0, v63  }
0x1d7: {  	v12 =	vld [tilespmem:$0x1FD60]  }
0x1d8: {  	v0 =	vadd.f32 v0, v1;
	_ =	sdelay $0x1  }
0x1d9: {  	v53 =	vld [tilespmem:$0x1F900];
	[tilespmem:s1+$0xFFFFF880] =	vst v0  }
0x1da: {  	v0 =	vld.idx.msk [tilespmem:v48+s16+$0x0], $0xffff  }
0x1db: {  	v51 =	vmul.f32 v20, v12;
	_ =	sdelay $0x1  }
0x1dc: {  	v52 =	vmul.f32 v51, v11;
	_ =	sdelay $0x1  }
0x1dd: {  	v1 =	vsub.f32 v53, v52;
	v0 =	vmul.f32 v0, v51  }
0x1de: {  	v54 =	vld [tilespmem:$0x1FD70]  }
0x1df: {  	v0 =	vadd.f32 v0, v1;
	_ =	sdelay $0x1  }
0x1e0: {  	v57 =	vld [tilespmem:$0x1F910];
	[tilespmem:s1+$0xFFFFF900] =	vst v0  }
0x1e1: {  	v0 =	vld.idx.msk [tilespmem:v47+s16+$0x0], $0xffff  }
0x1e2: {  	v55 =	vmul.f32 v20, v54;
	_ =	sdelay $0x1  }
0x1e3: {  	v56 =	vmul.f32 v55, v11;
	_ =	sdelay $0x1  }
0x1e4: {  	v1 =	vsub.f32 v57, v56;
	v0 =	vmul.f32 v0, v55  }
0x1e5: {  	v58 =	vld [tilespmem:$0x1FD80]  }
0x1e6: {  	v0 =	vadd.f32 v0, v1;
	_ =	sdelay $0x1  }
0x1e7: {  	v61 =	vld [tilespmem:$0x1F920];
	[tilespmem:s1+$0xFFFFF980] =	vst v0  }
0x1e8: {  	v0 =	vld.idx.msk [tilespmem:v46+s16+$0x0], $0xffff  }
0x1e9: {  	v59 =	vmul.f32 v20, v58;
	_ =	sdelay $0x1  }
0x1ea: {  	v60 =	vmul.f32 v59, v11;
	_ =	sdelay $0x1  }
0x1eb: {  	v1 =	vsub.f32 v61, v60;
	v0 =	vmul.f32 v0, v59  }
0x1ec: {  	v62 =	vld [tilespmem:$0x1FD90]  }
0x1ed: {  	v0 =	vadd.f32 v0, v1;
	_ =	sdelay $0x1  }
0x1ee: {  	v5 =	vld [tilespmem:$0x1F930];
	[tilespmem:s1+$0xFFFFFA00] =	vst v0  }
0x1ef: {  	v0 =	vld.idx.msk [tilespmem:v45+s16+$0x0], $0xffff  }
0x1f0: {  	v63 =	vmul.f32 v20, v62;
	_ =	sdelay $0x1  }
0x1f1: {  	v4 =	vmul.f32 v63, v11;
	_ =	sdelay $0x1  }
0x1f2: {  	v1 =	vsub.f32 v5, v4;
	v0 =	vmul.f32 v0, v63  }
0x1f3: {  	v12 =	vld [tilespmem:$0x1FDA0]  }
0x1f4: {  	v0 =	vadd.f32 v0, v1;
	_ =	sdelay $0x1  }
0x1f5: {  	v49 =	vld [tilespmem:$0x1F940];
	[tilespmem:s1+$0xFFFFFA80] =	vst v0  }
0x1f6: {  	v0 =	vld.idx.msk [tilespmem:v44+s16+$0x0], $0xffff  }
0x1f7: {  	v47 =	vmul.f32 v20, v12;
	_ =	sdelay $0x1  }
0x1f8: {  	v48 =	vmul.f32 v47, v11;
	_ =	sdelay $0x1  }
0x1f9: {  	v1 =	vsub.f32 v49, v48;
	v0 =	vmul.f32 v0, v47  }
0x1fa: {  	v50 =	vld [tilespmem:$0x1FDB0]  }
0x1fb: {  	v0 =	vadd.f32 v0, v1;
	_ =	sdelay $0x1  }
0x1fc: {  	v53 =	vld [tilespmem:$0x1F950];
	[tilespmem:s1+$0xFFFFFB00] =	vst v0  }
0x1fd: {  	v0 =	vld.idx.msk [tilespmem:v43+s16+$0x0], $0xffff  }
0x1fe: {  	v51 =	vmul.f32 v20, v50;
	_ =	sdelay $0x1  }
0x1ff: {  	v52 =	vmul.f32 v51, v11;
	_ =	sdelay $0x1  }
0x200: {  	v1 =	vsub.f32 v53, v52;
	v0 =	vmul.f32 v0, v51  }
0x201: {  	v54 =	vld [tilespmem:$0x1FDC0]  }
0x202: {  	v0 =	vadd.f32 v0, v1;
	_ =	sdelay $0x1  }
0x203: {  	v57 =	vld [tilespmem:$0x1F960];
	[tilespmem:s1+$0xFFFFFB80] =	vst v0  }
0x204: {  	v0 =	vld.idx.msk [tilespmem:v42+s16+$0x0], $0xffff  }
0x205: {  	v55 =	vmul.f32 v20, v54;
	_ =	sdelay $0x1  }
0x206: {  	v56 =	vmul.f32 v55, v11;
	_ =	sdelay $0x1  }
0x207: {  	v1 =	vsub.f32 v57, v56;
	v0 =	vmul.f32 v0, v55  }
0x208: {  	v58 =	vld [tilespmem:$0x1FDD0]  }
0x209: {  	v0 =	vadd.f32 v0, v1;
	_ =	sdelay $0x1  }
0x20a: {  	v61 =	vld [tilespmem:$0x1F970];
	[tilespmem:s1+$0xFFFFFC00] =	vst v0  }
0x20b: {  	v0 =	vld.idx.msk [tilespmem:v41+s16+$0x0], $0xffff  }
0x20c: {  	v59 =	vmul.f32 v20, v58;
	_ =	sdelay $0x1  }
0x20d: {  	v60 =	vmul.f32 v59, v11;
	_ =	sdelay $0x1  }
0x20e: {  	v1 =	vsub.f32 v61, v60;
	v0 =	vmul.f32 v0, v59  }
0x20f: {  	v62 =	vld [tilespmem:$0x1FDE0]  }
0x210: {  	v0 =	vadd.f32 v0, v1;
	_ =	sdelay $0x1  }
0x211: {  	v5 =	vld [tilespmem:$0x1F980];
	[tilespmem:s1+$0xFFFFFC80] =	vst v0  }
0x212: {  	v0 =	vld.idx.msk [tilespmem:v40+s16+$0x0], $0xffff  }
0x213: {  	v63 =	vmul.f32 v20, v62;
	_ =	sdelay $0x1  }
0x214: {  	v4 =	vmul.f32 v63, v11;
	_ =	sdelay $0x1  }
0x215: {  	v1 =	vsub.f32 v5, v4;
	v0 =	vmul.f32 v0, v63  }
0x216: {  	v12 =	vld [tilespmem:$0x1FDF0]  }
0x217: {  	v0 =	vadd.f32 v0, v1;
	_ =	sdelay $0x1  }
0x218: {  	v41 =	vld [tilespmem:$0x1F990];
	[tilespmem:s1+$0xFFFFFD00] =	vst v0  }
0x219: {  	v0 =	vld.idx.msk [tilespmem:v39+s16+$0x0], $0xffff  }
0x21a: {  	v39 =	vmul.f32 v20, v12;
	_ =	sdelay $0x1  }
0x21b: {  	v40 =	vmul.f32 v39, v11;
	_ =	sdelay $0x1  }
0x21c: {  	v1 =	vsub.f32 v41, v40;
	v0 =	vmul.f32 v0, v39  }
0x21d: {  	v42 =	vld [tilespmem:$0x1FE00]  }
0x21e: {  	v0 =	vadd.f32 v0, v1;
	_ =	sdelay $0x1  }
0x21f: {  	v45 =	vld [tilespmem:$0x1F9A0];
	[tilespmem:s1+$0xFFFFFD80] =	vst v0  }
0x220: {  	v0 =	vld.idx.msk [tilespmem:v38+s16+$0x0], $0xffff  }
0x221: {  	v43 =	vmul.f32 v20, v42;
	_ =	sdelay $0x1  }
0x222: {  	v44 =	vmul.f32 v43, v11;
	_ =	sdelay $0x1  }
0x223: {  	v1 =	vsub.f32 v45, v44;
	v0 =	vmul.f32 v0, v43  }
0x224: {  	v46 =	vld [tilespmem:$0x1FE10]  }
0x225: {  	v0 =	vadd.f32 v0, v1;
	_ =	sdelay $0x1  }
0x226: {  	v49 =	vld [tilespmem:$0x1F9B0];
	[tilespmem:s1+$0xFFFFFE00] =	vst v0  }
0x227: {  	v0 =	vld.idx.msk [tilespmem:v37+s16+$0x0], $0xffff  }
0x228: {  	v47 =	vmul.f32 v20, v46;
	_ =	sdelay $0x1  }
0x229: {  	v48 =	vmul.f32 v47, v11;
	_ =	sdelay $0x1  }
0x22a: {  	v1 =	vsub.f32 v49, v48;
	v0 =	vmul.f32 v0, v47  }
0x22b: {  	v50 =	vld [tilespmem:$0x1FE20]  }
0x22c: {  	v0 =	vadd.f32 v0, v1;
	_ =	sdelay $0x1  }
0x22d: {  	v53 =	vld [tilespmem:$0x1F9C0];
	[tilespmem:s1+$0xFFFFFE80] =	vst v0  }
0x22e: {  	v0 =	vld.idx.msk [tilespmem:v36+s16+$0x0], $0xffff  }
0x22f: {  	v51 =	vmul.f32 v20, v50;
	_ =	sdelay $0x1  }
0x230: {  	v52 =	vmul.f32 v51, v11;
	_ =	sdelay $0x1  }
0x231: {  	v1 =	vsub.f32 v53, v52;
	v0 =	vmul.f32 v0, v51  }
0x232: {  	v54 =	vld [tilespmem:$0x1FE30]  }
0x233: {  	v0 =	vadd.f32 v0, v1;
	_ =	sdelay $0x1  }
0x234: {  	v3 =	vld [tilespmem:$0x1FE40];
	[tilespmem:s1+$0xFFFFFF00] =	vst v0  }
0x235: {  	v0 =	vld.idx.msk [tilespmem:v35+s16+$0x0], $0xffff  }
0x236: {  	v55 =	vmul.f32 v20, v54;
	_ =	sdelay $0x1  }
0x237: {  	v56 =	vmul.f32 v55, v11;
	_ =	sdelay $0x1  }
0x238: {  	v57 =	vsub.f32 v3, v56;
	v0 =	vmul.f32 v0, v55  }
0x239: {  	v58 =	vld [tilespmem:$0x1FE50]  }
0x23a: {  	v0 =	vadd.f32 v0, v57;
	_ =	sdelay $0x1  }
0x23b: {  	v61 =	vld [tilespmem:$0x1F9D0];
	[tilespmem:s1+$0xFFFFFF80] =	vst v0  }
0x23c: {  	v0 =	vld.idx.msk [tilespmem:v34+s16+$0x0], $0xffff  }
0x23d: {  	v59 =	vmul.f32 v20, v58;
	_ =	sdelay $0x1  }
0x23e: {  	v60 =	vmul.f32 v59, v11;
	_ =	sdelay $0x1  }
0x23f: {  	v1 =	vsub.f32 v61, v60;
	v0 =	vmul.f32 v0, v59  }
0x240: {  	v62 =	vld [tilespmem:$0x1FE60]  }
0x241: {  	v0 =	vadd.f32 v0, v1;
	_ =	sdelay $0x1  }
0x242: {  	v5 =	vld [tilespmem:$0x1F9E0];
	[tilespmem:s1+$0x0] =	vst v0  }
0x243: {  	v0 =	vld.idx.msk [tilespmem:v33+s16+$0x0], $0xffff  }
0x244: {  	v63 =	vmul.f32 v20, v62;
	_ =	sdelay $0x1  }
0x245: {  	v4 =	vmul.f32 v63, v11;
	_ =	sdelay $0x1  }
0x246: {  	v1 =	vsub.f32 v5, v4;
	v0 =	vmul.f32 v0, v63  }
0x247: {  	v12 =	vld [tilespmem:$0x1FE70]  }
0x248: {  	v0 =	vadd.f32 v0, v1;
	_ =	sdelay $0x1  }
0x249: {  	v37 =	vld [tilespmem:$0x1F9F0];
	[tilespmem:s1+$0x80] =	vst v0  }
0x24a: {  	v0 =	vld.idx.msk [tilespmem:v32+s16+$0x0], $0xffff  }
0x24b: {  	v35 =	vmul.f32 v20, v12;
	_ =	sdelay $0x1  }
0x24c: {  	v36 =	vmul.f32 v35, v11;
	_ =	sdelay $0x1  }
0x24d: {  	v1 =	vsub.f32 v37, v36;
	v0 =	vmul.f32 v0, v35  }
0x24e: {  	v38 =	vld [tilespmem:$0x1FE80]  }
0x24f: {  	v0 =	vadd.f32 v0, v1;
	_ =	sdelay $0x1  }
0x250: {  	v41 =	vld [tilespmem:$0x1FA00];
	[tilespmem:s1+$0x100] =	vst v0  }
0x251: {  	v0 =	vld.idx.msk [tilespmem:v31+s16+$0x0], $0xffff  }
0x252: {  	v39 =	vmul.f32 v20, v38;
	_ =	sdelay $0x1  }
0x253: {  	v40 =	vmul.f32 v39, v11;
	_ =	sdelay $0x1  }
0x254: {  	v1 =	vsub.f32 v41, v40;
	v0 =	vmul.f32 v0, v39  }
0x255: {  	v42 =	vld [tilespmem:$0x1FE90]  }
0x256: {  	v0 =	vadd.f32 v0, v1;
	_ =	sdelay $0x1  }
0x257: {  	v45 =	vld [tilespmem:$0x1FA10];
	[tilespmem:s1+$0x180] =	vst v0  }
0x258: {  	v0 =	vld.idx.msk [tilespmem:v30+s16+$0x0], $0xffff  }
0x259: {  	v43 =	vmul.f32 v20, v42;
	_ =	sdelay $0x1  }
0x25a: {  	v44 =	vmul.f32 v43, v11;
	_ =	sdelay $0x1  }
0x25b: {  	v1 =	vsub.f32 v45, v44;
	v0 =	vmul.f32 v0, v43  }
0x25c: {  	v46 =	vld [tilespmem:$0x1FEA0]  }
0x25d: {  	v0 =	vadd.f32 v0, v1;
	_ =	sdelay $0x1  }
0x25e: {  	v49 =	vld [tilespmem:$0x1FA20];
	[tilespmem:s1+$0x200] =	vst v0  }
0x25f: {  	v0 =	vld.idx.msk [tilespmem:v29+s16+$0x0], $0xffff  }
0x260: {  	v47 =	vmul.f32 v20, v46;
	_ =	sdelay $0x1  }
0x261: {  	v48 =	vmul.f32 v47, v11;
	_ =	sdelay $0x1  }
0x262: {  	v1 =	vsub.f32 v49, v48;
	v0 =	vmul.f32 v0, v47  }
0x263: {  	v50 =	vld [tilespmem:$0x1FEB0]  }
0x264: {  	v0 =	vadd.f32 v0, v1;
	_ =	sdelay $0x1  }
0x265: {  	v53 =	vld [tilespmem:$0x1FA30];
	[tilespmem:s1+$0x280] =	vst v0  }
0x266: {  	v0 =	vld.idx.msk [tilespmem:v28+s16+$0x0], $0xffff  }
0x267: {  	v51 =	vmul.f32 v20, v50;
	_ =	sdelay $0x1  }
0x268: {  	v52 =	vmul.f32 v51, v11;
	_ =	sdelay $0x1  }
0x269: {  	v1 =	vsub.f32 v53, v52;
	v0 =	vmul.f32 v0, v51  }
0x26a: {  	v54 =	vld [tilespmem:$0x1FEC0]  }
0x26b: {  	v0 =	vadd.f32 v0, v1;
	_ =	sdelay $0x1  }
0x26c: {  	v57 =	vld [tilespmem:$0x1FA40];
	[tilespmem:s1+$0x300] =	vst v0  }
0x26d: {  	v0 =	vld.idx.msk [tilespmem:v27+s16+$0x0], $0xffff  }
0x26e: {  	v55 =	vmul.f32 v20, v54;
	_ =	sdelay $0x1  }
0x26f: {  	v56 =	vmul.f32 v55, v11;
	_ =	sdelay $0x1  }
0x270: {  	v1 =	vsub.f32 v57, v56;
	v0 =	vmul.f32 v0, v55  }
0x271: {  	v58 =	vld [tilespmem:$0x1FED0]  }
0x272: {  	v0 =	vadd.f32 v0, v1;
	_ =	sdelay $0x1  }
0x273: {  	v61 =	vld [tilespmem:$0x1FA50];
	[tilespmem:s1+$0x380] =	vst v0  }
0x274: {  	v0 =	vld.idx.msk [tilespmem:v26+s16+$0x0], $0xffff  }
0x275: {  	v59 =	vmul.f32 v20, v58;
	_ =	sdelay $0x1  }
0x276: {  	v60 =	vmul.f32 v59, v11;
	_ =	sdelay $0x1  }
0x277: {  	v1 =	vsub.f32 v61, v60;
	v0 =	vmul.f32 v0, v59  }
0x278: {  	v62 =	vld [tilespmem:$0x1FEE0]  }
0x279: {  	v0 =	vadd.f32 v0, v1;
	_ =	sdelay $0x1  }
0x27a: {  	v5 =	vld [tilespmem:$0x1FA60];
	[tilespmem:s1+$0x400] =	vst v0  }
0x27b: {  	v0 =	vld.idx.msk [tilespmem:v25+s16+$0x0], $0xffff  }
0x27c: {  	v63 =	vmul.f32 v20, v62;
	_ =	sdelay $0x1  }
0x27d: {  	v4 =	vmul.f32 v63, v11;
	_ =	sdelay $0x1  }
0x27e: {  	v1 =	vsub.f32 v5, v4;
	v0 =	vmul.f32 v0, v63  }
0x27f: {  	v12 =	vld [tilespmem:$0x1FEF0]  }
0x280: {  	v0 =	vadd.f32 v0, v1;
	_ =	sdelay $0x1  }
0x281: {  	v28 =	vld [tilespmem:$0x1FA70];
	[tilespmem:s1+$0x480] =	vst v0  }
0x282: {  	v0 =	vld.idx.msk [tilespmem:v24+s16+$0x0], $0xffff  }
0x283: {  	v26 =	vmul.f32 v20, v12;
	_ =	sdelay $0x1  }
0x284: {  	v27 =	vmul.f32 v26, v11;
	_ =	sdelay $0x1  }
0x285: {  	v1 =	vsub.f32 v28, v27;
	v0 =	vmul.f32 v0, v26  }
0x286: {  	v29 =	vld [tilespmem:$0x1FF00]  }
0x287: {  	v0 =	vadd.f32 v0, v1;
	_ =	sdelay $0x1  }
0x288: {  	v32 =	vld [tilespmem:$0x1FA80];
	[tilespmem:s1+$0x500] =	vst v0  }
0x289: {  	v0 =	vld.idx.msk [tilespmem:v23+s16+$0x0], $0xffff  }
0x28a: {  	v30 =	vmul.f32 v20, v29;
	_ =	sdelay $0x1  }
0x28b: {  	v31 =	vmul.f32 v30, v11;
	_ =	sdelay $0x1  }
0x28c: {  	v1 =	vsub.f32 v32, v31;
	v0 =	vmul.f32 v0, v30  }
0x28d: {  	v33 =	vld [tilespmem:$0x1FF10]  }
0x28e: {  	v0 =	vadd.f32 v0, v1;
	_ =	sdelay $0x1  }
0x28f: {  	v36 =	vld [tilespmem:$0x1FA90];
	[tilespmem:s1+$0x580] =	vst v0  }
0x290: {  	v0 =	vld.idx.msk [tilespmem:v22+s16+$0x0], $0xffff  }
0x291: {  	v34 =	vmul.f32 v20, v33;
	_ =	sdelay $0x1  }
0x292: {  	v35 =	vmul.f32 v34, v11;
	_ =	sdelay $0x1  }
0x293: {  	v1 =	vsub.f32 v36, v35;
	v0 =	vmul.f32 v0, v34  }
0x294: {  	v37 =	vld [tilespmem:$0x1FF20]  }
0x295: {  	v0 =	vadd.f32 v0, v1;
	_ =	sdelay $0x1  }
0x296: {  	v40 =	vld [tilespmem:$0x1FAA0];
	[tilespmem:s1+$0x600] =	vst v0  }
0x297: {  	v0 =	vld.idx.msk [tilespmem:v21+s16+$0x0], $0xffff  }
0x298: {  	v38 =	vmul.f32 v20, v37;
	_ =	sdelay $0x1  }
0x299: {  	v39 =	vmul.f32 v38, v11;
	_ =	sdelay $0x1  }
0x29a: {  	v1 =	vsub.f32 v40, v39;
	v0 =	vmul.f32 v0, v38  }
0x29b: {  	v41 =	vld [tilespmem:$0x1FF30]  }
0x29c: {  	v0 =	vadd.f32 v0, v1;
	_ =	sdelay $0x1  }
0x29d: {  	v44 =	vld [tilespmem:$0x1FAB0];
	[tilespmem:s1+$0x680] =	vst v0  }
0x29e: {  	v0 =	vld.idx.msk [tilespmem:v19+s16+$0x0], $0xffff  }
0x29f: {  	v42 =	vmul.f32 v20, v41;
	_ =	sdelay $0x1  }
0x2a0: {  	v43 =	vmul.f32 v42, v11;
	_ =	sdelay $0x1  }
0x2a1: {  	v1 =	vsub.f32 v44, v43;
	v0 =	vmul.f32 v0, v42  }
0x2a2: {  	v45 =	vld [tilespmem:$0x1FF40]  }
0x2a3: {  	v0 =	vadd.f32 v0, v1;
	_ =	sdelay $0x1  }
0x2a4: {  	v48 =	vld [tilespmem:$0x1FAC0];
	[tilespmem:s1+$0x700] =	vst v0  }
0x2a5: {  	v0 =	vld.idx.msk [tilespmem:v18+s16+$0x0], $0xffff  }
0x2a6: {  	v46 =	vmul.f32 v20, v45;
	_ =	sdelay $0x1  }
0x2a7: {  	v47 =	vmul.f32 v46, v11;
	_ =	sdelay $0x1  }
0x2a8: {  	v1 =	vsub.f32 v48, v47;
	v0 =	vmul.f32 v0, v46  }
0x2a9: {  	v49 =	vld [tilespmem:$0x1FF50]  }
0x2aa: {  	v0 =	vadd.f32 v0, v1;
	_ =	sdelay $0x1  }
0x2ab: {  	v52 =	vld [tilespmem:$0x1FB40];
	[tilespmem:s1+$0x780] =	vst v0  }
0x2ac: {  	v0 =	vld.idx.msk [tilespmem:v17+s16+$0x0], $0xffff  }
0x2ad: {  	v50 =	vmul.f32 v20, v49;
	_ =	sdelay $0x1  }
0x2ae: {  	v51 =	vmul.f32 v50, v11;
	_ =	sdelay $0x1  }
0x2af: {  	v1 =	vsub.f32 v52, v51;
	v0 =	vmul.f32 v0, v50  }
0x2b0: {  	v53 =	vld [tilespmem:$0x1FF60]  }
0x2b1: {  	v0 =	vadd.f32 v0, v1;
	_ =	sdelay $0x1  }
0x2b2: {  	v56 =	vld [tilespmem:$0x1FB50];
	[tilespmem:s1+$0x800] =	vst v0  }
0x2b3: {  	v0 =	vld.idx.msk [tilespmem:v16+s16+$0x0], $0xffff  }
0x2b4: {  	v54 =	vmul.f32 v20, v53;
	_ =	sdelay $0x1  }
0x2b5: {  	v55 =	vmul.f32 v54, v11;
	_ =	sdelay $0x1  }
0x2b6: {  	v1 =	vsub.f32 v56, v55;
	v0 =	vmul.f32 v0, v54  }
0x2b7: {  	v57 =	vld [tilespmem:$0x1FF70]  }
0x2b8: {  	v0 =	vadd.f32 v0, v1;
	_ =	sdelay $0x1  }
0x2b9: {  	v60 =	vld [tilespmem:$0x1FB60];
	[tilespmem:s1+$0x880] =	vst v0  }
0x2ba: {  	v0 =	vld.idx.msk [tilespmem:v15+s16+$0x0], $0xffff  }
0x2bb: {  	v58 =	vmul.f32 v20, v57;
	_ =	sdelay $0x1  }
0x2bc: {  	v59 =	vmul.f32 v58, v11;
	_ =	sdelay $0x1  }
0x2bd: {  	v1 =	vsub.f32 v60, v59;
	v0 =	vmul.f32 v0, v58  }
0x2be: {  	v61 =	vld [tilespmem:$0x1FF80]  }
0x2bf: {  	v0 =	vadd.f32 v0, v1;
	_ =	sdelay $0x1  }
0x2c0: {  	v4 =	vld [tilespmem:$0x1FB70];
	[tilespmem:s1+$0x900] =	vst v0  }
0x2c1: {  	v0 =	vld.idx.msk [tilespmem:v14+s16+$0x0], $0xffff  }
0x2c2: {  	v62 =	vmul.f32 v20, v61;
	_ =	sdelay $0x1  }
0x2c3: {  	v63 =	vmul.f32 v62, v11;
	_ =	sdelay $0x1  }
0x2c4: {  	v1 =	vsub.f32 v4, v63;
	v0 =	vmul.f32 v0, v62  }
0x2c5: {  	v5 =	vld [tilespmem:$0x1FF90]  }
0x2c6: {  	v0 =	vadd.f32 v0, v1;
	_ =	sdelay $0x1  }
0x2c7: {  	v17 =	vld [tilespmem:$0x1FB80];
	[tilespmem:s1+$0x980] =	vst v0  }
0x2c8: {  	v0 =	vld.idx.msk [tilespmem:v13+s16+$0x0], $0xffff  }
0x2c9: {  	v15 =	vmul.f32 v20, v5  }
0x2ca: {  	v18 =	vld [tilespmem:$0x1F740]  }
0x2cb: {  	v16 =	vmul.f32 v15, v11;
	_ =	sdelay $0x1  }
0x2cc: {  	v1 =	vsub.f32 v17, v16;
	v0 =	vmul.f32 v0, v15  }
0x2cd: {  	v19 =	vld [tilespmem:$0x1FAD0]  }
0x2ce: {  	v0 =	vadd.f32 v0, v1;
	_ =	sdelay $0x1  }
0x2cf: {  	v22 =	vld [tilespmem:$0x1FB90];
	[tilespmem:s1+$0xA00] =	vst v0  }
0x2d0: {  	v0 =	vld.idx.msk [tilespmem:v18+s16+$0x0], $0xffff  }
0x2d1: {  	v1 =	vmul.f32 v20, v19  }
0x2d2: {  	v23 =	vld [tilespmem:$0x1F750]  }
0x2d3: {  	v21 =	vmul.f32 v1, v11;
	_ =	sdelay $0x1  }
0x2d4: {  	v0 =	vmul.f32 v0, v1;
	v1 =	vsub.f32 v22, v21  }
0x2d5: {  	v24 =	vld [tilespmem:$0x1FAE0]  }
0x2d6: {  	v0 =	vadd.f32 v0, v1;
	_ =	sdelay $0x1  }
0x2d7: {  	v26 =	vld [tilespmem:$0x1FBA0];
	[tilespmem:s1+$0xA80] =	vst v0  }
0x2d8: {  	v0 =	vld.idx.msk [tilespmem:v23+s16+$0x0], $0xffff  }
0x2d9: {  	v1 =	vmul.f32 v20, v24  }
0x2da: {  	v27 =	vld [tilespmem:$0x1F760]  }
0x2db: {  	v25 =	vmul.f32 v1, v11;
	_ =	sdelay $0x1  }
0x2dc: {  	v0 =	vmul.f32 v0, v1;
	v1 =	vsub.f32 v26, v25  }
0x2dd: {  	v28 =	vld [tilespmem:$0x1FAF0]  }
0x2de: {  	v0 =	vadd.f32 v0, v1;
	_ =	sdelay $0x1  }
0x2df: {  	v30 =	vld [tilespmem:$0x1FBB0];
	[tilespmem:s1+$0xB00] =	vst v0  }
0x2e0: {  	v0 =	vld.idx.msk [tilespmem:v27+s16+$0x0], $0xffff  }
0x2e1: {  	v1 =	vmul.f32 v20, v28  }
0x2e2: {  	v31 =	vld [tilespmem:$0x1F770]  }
0x2e3: {  	v29 =	vmul.f32 v1, v11;
	_ =	sdelay $0x1  }
0x2e4: {  	v0 =	vmul.f32 v0, v1;
	v1 =	vsub.f32 v30, v29  }
0x2e5: {  	v32 =	vld [tilespmem:$0x1FB00]  }
0x2e6: {  	v0 =	vadd.f32 v0, v1;
	_ =	sdelay $0x1  }
0x2e7: {  	v34 =	vld [tilespmem:$0x1FBC0];
	[tilespmem:s1+$0xB80] =	vst v0  }
0x2e8: {  	v0 =	vld.idx.msk [tilespmem:v31+s16+$0x0], $0xffff  }
0x2e9: {  	v1 =	vmul.f32 v20, v32  }
0x2ea: {  	v35 =	vld [tilespmem:$0x1F780]  }
0x2eb: {  	v33 =	vmul.f32 v1, v11;
	_ =	sdelay $0x1  }
0x2ec: {  	v0 =	vmul.f32 v0, v1;
	v1 =	vsub.f32 v34, v33  }
0x2ed: {  	v6 =	vld [tilespmem:$0x1FFA0]  }
0x2ee: {  	v0 =	vadd.f32 v0, v1;
	_ =	sdelay $0x1  }
0x2ef: {  	v38 =	vld [tilespmem:$0x1FBD0];
	[tilespmem:s1+$0xC00] =	vst v0  }
0x2f0: {  	v0 =	vld.idx.msk [tilespmem:v35+s16+$0x0], $0xffff  }
0x2f1: {  	v36 =	vmul.f32 v20, v6  }
0x2f2: {  	v39 =	vld [tilespmem:$0x1F790]  }
0x2f3: {  	v37 =	vmul.f32 v36, v11;
	_ =	sdelay $0x1  }
0x2f4: {  	v1 =	vsub.f32 v38, v37;
	v0 =	vmul.f32 v0, v36  }
0x2f5: {  	v7 =	vld [tilespmem:$0x1FFB0]  }
0x2f6: {  	v0 =	vadd.f32 v0, v1;
	_ =	sdelay $0x1  }
0x2f7: {  	v42 =	vld [tilespmem:$0x1FBE0];
	[tilespmem:s1+$0xC80] =	vst v0  }
0x2f8: {  	v0 =	vld.idx.msk [tilespmem:v39+s16+$0x0], $0xffff  }
0x2f9: {  	v40 =	vmul.f32 v20, v7  }
0x2fa: {  	v43 =	vld [tilespmem:$0x1F7A0]  }
0x2fb: {  	v41 =	vmul.f32 v40, v11;
	_ =	sdelay $0x1  }
0x2fc: {  	v1 =	vsub.f32 v42, v41;
	v0 =	vmul.f32 v0, v40  }
0x2fd: {  	v44 =	vld [tilespmem:$0x1FB10]  }
0x2fe: {  	v0 =	vadd.f32 v0, v1;
	_ =	sdelay $0x1  }
0x2ff: {  	v46 =	vld [tilespmem:$0x1FBF0];
	[tilespmem:s1+$0xD00] =	vst v0  }
0x300: {  	v0 =	vld.idx.msk [tilespmem:v43+s16+$0x0], $0xffff  }
0x301: {  	v1 =	vmul.f32 v20, v44  }
0x302: {  	v47 =	vld [tilespmem:$0x1F7B0]  }
0x303: {  	v45 =	vmul.f32 v1, v11;
	_ =	sdelay $0x1  }
0x304: {  	v0 =	vmul.f32 v0, v1;
	v1 =	vsub.f32 v46, v45  }
0x305: {  	v48 =	vld [tilespmem:$0x1FFC0]  }
0x306: {  	v0 =	vadd.f32 v0, v1;
	_ =	sdelay $0x1  }
0x307: {  	v51 =	vld [tilespmem:$0x1FC00];
	[tilespmem:s1+$0xD80] =	vst v0  }
0x308: {  	v0 =	vld.idx.msk [tilespmem:v47+s16+$0x0], $0xffff  }
0x309: {  	v49 =	vmul.f32 v20, v48  }
0x30a: {  	v52 =	vld [tilespmem:$0x1F7C0]  }
0x30b: {  	v50 =	vmul.f32 v49, v11;
	_ =	sdelay $0x1  }
0x30c: {  	v1 =	vsub.f32 v51, v50;
	v0 =	vmul.f32 v0, v49  }
0x30d: {  	v53 =	vld [tilespmem:$0x1FB20]  }
0x30e: {  	v0 =	vadd.f32 v0, v1;
	_ =	sdelay $0x1  }
0x30f: {  	v55 =	vld [tilespmem:$0x1FC10];
	[tilespmem:s1+$0xE00] =	vst v0  }
0x310: {  	v0 =	vld.idx.msk [tilespmem:v52+s16+$0x0], $0xffff  }
0x311: {  	v1 =	vmul.f32 v20, v53  }
0x312: {  	v56 =	vld [tilespmem:$0x1F7D0]  }
0x313: {  	v54 =	vmul.f32 v1, v11;
	_ =	sdelay $0x1  }
0x314: {  	v0 =	vmul.f32 v0, v1;
	v1 =	vsub.f32 v55, v54  }
0x315: {  	v57 =	vld [tilespmem:$0x1FB30]  }
0x316: {  	v0 =	vadd.f32 v0, v1;
	_ =	sdelay $0x1  }
0x317: {  	v59 =	vld [tilespmem:$0x1FC20];
	[tilespmem:s1+$0xE80] =	vst v0  }
0x318: {  	v0 =	vld.idx.msk [tilespmem:v56+s16+$0x0], $0xffff  }
0x319: {  	[tilespmem:$0x1F7E0] =	vst v8;
	v1 =	vmul.f32 v20, v57  }
0x31a: {  	v60 =	vld [tilespmem:$0x1F7E0]  }
0x31b: {  	v58 =	vmul.f32 v1, v11;
	_ =	sdelay $0x1  }
0x31c: {  	v0 =	vmul.f32 v0, v1;
	v1 =	vsub.f32 v59, v58  }
0x31d: {  	v61 =	vld [tilespmem:$0x1FFD0]  }
0x31e: {  	v0 =	vadd.f32 v0, v1;
	_ =	sdelay $0x1  }
0x31f: {  	v63 =	vld [tilespmem:$0x1FFE0];
	[tilespmem:s1+$0xF00] =	vst v0  }
0x320: {  	v0 =	vld.idx.msk [tilespmem:v60+s16+$0x0], $0xffff  }
0x321: {  	v1 =	vmul.f32 v20, v61;
	_ =	sdelay $0x1  }
0x322: {  	v62 =	vmul.f32 v1, v11  }
0x323: {  	p1 =	sne.s32 s10, $0x70  }
.Ltmp1:
0x324: {  	v0 =	vmul.f32 v0, v1;
	v1 =	vsub.f32 v63, v62;
	(pc) =	sbr.rel @p1 .LBB2_5-.Ltmp1, $3  }
0x325: {  	_ = 	snop  }
0x326: {  	v0 =	vadd.f32 v0, v1;
	_ =	sdelay $0x1  }
0x327: {  	s30 =	sadd.s32 $0x10, s30;
	s10 =	sadd.s32 $0x10, s10;
	v8 =	vld [tilespmem:$0x1FFF0];
	[tilespmem:s1+$0xF80] =	vst v0;
	s1 =	sadd.s32 $0x10, s1  }
0x328: {  	p1 =	seq.s32 s31, $0x63  }
0x329: {  	s2 =	sshrl.u32 @!p1 s2, $0x2  }
0x32a: {  	s10 =	simm.s32 @!p1 $0x80;
	s30 =	simm.s32 @!p1 $0xC800;
	s1 =	sadd.s32 @!p1 $0x6500, s2  }
0x32b: {  	[tilespmem:s30], [sflag:$0x1] =	stream.indirect.gather @!p1 [hbm4b:s6+s10], $0x80, s1, s10, $0xb8;
	[tilespmem:$0x18880] =	vst v63  }
0x32c: {  	s10 =	sshll.u32 s31, $0x13  }
0x32d: {  	s1 =	sor.u32 s8, s10  }
0x32e: {  	s1 =	sshrl.u32 s1, $0x3  }
0x32f: {  	s1 =	sadd.s32 s4, s1  }
0x330: {  	[hbm4b:s1+s20] =	stream.strided.scatter [tilespmem:s22], [sflag:$0x3], $0x2000, s21, s20, $0x38;
	[tilespmem:$0x18880] =	vst v63  }
0x331: {  	_ =	swait.ge [sflag:s23], $0x4000  }
0x332: {  	[sflag:s23] =	ssyncset.done $0x0  }
0x333: {  	s1 =	simm.s32 @!p0 $0x4;
	[sflag:s23] =	ssyncadd.s32 $0xFFFFC000  }
0x334: {  	_ =	swait.ge @!p0 [sflag:s1], $0x2000  }
0x335: {  	s0 =	sor.u32 $0x1, s0;
	s30 =	simm.s32 $0x17800;
	[sflag:s1] =	ssyncset.done @!p0 $0x0  }
0x336: {  	s10 =	smov.u32 s29;
	[sflag:s1] =	ssyncadd.s32 @!p0 $0xFFFFE000;
	s1 =	simm.s32 $0x0  }
.LBB2_7:
0x337: {  	v0 =	vld [tilespmem:s10+$0x0];
	_ =	sdelay $0x3  }
0x338: {  	v1 =	vmov s1  }
0x339: {  	v1 =	vshll.u32 v1, $0x7;
	v0 =	vshll.u32 v0, $0x6  }
0x33a: {  	v1 =	vor.u32 v8, v1;
	v0 =	vand.u32 $0x40, v0  }
0x33b: {  	v11 =	vor.u32 v1, v0  }
0x33c: {  	v10 =	vor.u32 $0x1, v11;
	_ =	sdelay $0x1  }
0x33d: {  	v12 =	vor.u32 $0x2, v11;
	_ =	sdelay $0x1  }
0x33e: {  	v63 =	vor.u32 $0x3, v11;
	v9 =	vld.idx.msk [tilespmem:v11+s18+$0x0], $0xffff  }
0x33f: {  	v3 =	vld.idx.msk [tilespmem:v10+s18+$0x0], $0xffff  }
0x340: {  	v62 =	vor.u32 $0x4, v11  }
0x341: {  	v4 =	vld.idx.msk [tilespmem:v12+s18+$0x0], $0xffff  }
0x342: {  	v61 =	vor.u32 $0x5, v11  }
0x343: {  	v6 =	vld.idx.msk [tilespmem:v63+s18+$0x0], $0xffff;
	v5 =	vadd.f32 $0.0e+00, v9  }
0x344: {  	v60 =	vor.u32 $0x6, v11;
	v7 =	vmul.f32 v9, v9;
	v8 =	vmul.f32 v3, v3  }
0x345: {  	v27 =	vld.idx.msk [tilespmem:v62+s18+$0x0], $0xffff;
	v3 =	vadd.f32 v3, v5  }
0x346: {  	v59 =	vor.u32 $0x7, v11;
	v7 =	vadd.f32 v8, v7;
	v8 =	vmul.f32 v4, v4  }
0x347: {  	v28 =	vld.idx.msk [tilespmem:v61+s18+$0x0], $0xffff;
	v3 =	vadd.f32 v4, v3  }
0x348: {  	v58 =	vor.u32 $0x8, v11;
	v7 =	vadd.f32 v8, v7;
	v8 =	vmul.f32 v6, v6  }
0x349: {  	v3 =	vadd.f32 v6, v3;
	v6 =	vld.idx.msk [tilespmem:v60+s18+$0x0], $0xffff  }
0x34a: {  	v57 =	vor.u32 $0x9, v11;
	v7 =	vadd.f32 v8, v7;
	v8 =	vmul.f32 v27, v27  }
0x34b: {  	v29 =	vld.idx.msk [tilespmem:v59+s18+$0x0], $0xffff;
	v3 =	vadd.f32 v27, v3  }
0x34c: {  	v56 =	vor.u32 $0xA, v11;
	v7 =	vadd.f32 v8, v7;
	v8 =	vmul.f32 v28, v28  }
0x34d: {  	v30 =	vld.idx.msk [tilespmem:v58+s18+$0x0], $0xffff;
	v3 =	vadd.f32 v28, v3  }
0x34e: {  	v55 =	vor.u32 $0xB, v11;
	v7 =	vadd.f32 v8, v7;
	v8 =	vmul.f32 v6, v6  }
0x34f: {  	v3 =	vadd.f32 v6, v3;
	v6 =	vld.idx.msk [tilespmem:v57+s18+$0x0], $0xffff  }
0x350: {  	v54 =	vor.u32 $0xC, v11;
	v7 =	vadd.f32 v8, v7;
	v8 =	vmul.f32 v29, v29  }
0x351: {  	v31 =	vld.idx.msk [tilespmem:v56+s18+$0x0], $0xffff;
	v3 =	vadd.f32 v29, v3  }
0x352: {  	v53 =	vor.u32 $0xD, v11;
	v7 =	vadd.f32 v8, v7;
	v8 =	vmul.f32 v30, v30  }
0x353: {  	v32 =	vld.idx.msk [tilespmem:v55+s18+$0x0], $0xffff;
	v3 =	vadd.f32 v30, v3  }
0x354: {  	v52 =	vor.u32 $0xE, v11;
	v7 =	vadd.f32 v8, v7;
	v8 =	vmul.f32 v6, v6  }
0x355: {  	v3 =	vadd.f32 v6, v3;
	v6 =	vld.idx.msk [tilespmem:v54+s18+$0x0], $0xffff  }
0x356: {  	v51 =	vor.u32 $0xF, v11;
	v7 =	vadd.f32 v8, v7;
	v8 =	vmul.f32 v31, v31  }
0x357: {  	v33 =	vld.idx.msk [tilespmem:v53+s18+$0x0], $0xffff;
	v3 =	vadd.f32 v31, v3  }
0x358: {  	v50 =	vor.u32 $0x10, v11;
	v7 =	vadd.f32 v8, v7;
	v8 =	vmul.f32 v32, v32  }
0x359: {  	v34 =	vld.idx.msk [tilespmem:v52+s18+$0x0], $0xffff;
	v3 =	vadd.f32 v32, v3  }
0x35a: {  	v49 =	vor.u32 $0x11, v11;
	v7 =	vadd.f32 v8, v7;
	v8 =	vmul.f32 v6, v6  }
0x35b: {  	v3 =	vadd.f32 v6, v3;
	v6 =	vld.idx.msk [tilespmem:v51+s18+$0x0], $0xffff  }
0x35c: {  	v48 =	vor.u32 $0x12, v11;
	v7 =	vadd.f32 v8, v7;
	v8 =	vmul.f32 v33, v33  }
0x35d: {  	v35 =	vld.idx.msk [tilespmem:v50+s18+$0x0], $0xffff;
	v3 =	vadd.f32 v33, v3  }
0x35e: {  	v47 =	vor.u32 $0x13, v11;
	v7 =	vadd.f32 v8, v7;
	v8 =	vmul.f32 v34, v34  }
0x35f: {  	v36 =	vld.idx.msk [tilespmem:v49+s18+$0x0], $0xffff;
	v3 =	vadd.f32 v34, v3  }
0x360: {  	v46 =	vor.u32 $0x14, v11;
	v7 =	vadd.f32 v8, v7;
	v8 =	vmul.f32 v6, v6  }
0x361: {  	v3 =	vadd.f32 v6, v3;
	v6 =	vld.idx.msk [tilespmem:v48+s18+$0x0], $0xffff  }
0x362: {  	v45 =	vor.u32 $0x15, v11;
	v7 =	vadd.f32 v8, v7;
	v8 =	vmul.f32 v35, v35  }
0x363: {  	v37 =	vld.idx.msk [tilespmem:v47+s18+$0x0], $0xffff;
	v3 =	vadd.f32 v35, v3  }
0x364: {  	v44 =	vor.u32 $0x16, v11;
	v7 =	vadd.f32 v8, v7;
	v8 =	vmul.f32 v36, v36  }
0x365: {  	v38 =	vld.idx.msk [tilespmem:v46+s18+$0x0], $0xffff;
	v3 =	vadd.f32 v36, v3  }
0x366: {  	v43 =	vor.u32 $0x17, v11;
	v7 =	vadd.f32 v8, v7;
	v8 =	vmul.f32 v6, v6  }
0x367: {  	v3 =	vadd.f32 v6, v3;
	v6 =	vld.idx.msk [tilespmem:v45+s18+$0x0], $0xffff  }
0x368: {  	v42 =	vor.u32 $0x18, v11;
	v7 =	vadd.f32 v8, v7;
	v8 =	vmul.f32 v37, v37  }
0x369: {  	v13 =	vld.idx.msk [tilespmem:v44+s18+$0x0], $0xffff;
	v3 =	vadd.f32 v37, v3  }
0x36a: {  	v41 =	vor.u32 $0x19, v11;
	v7 =	vadd.f32 v8, v7;
	v8 =	vmul.f32 v38, v38  }
0x36b: {  	v14 =	vld.idx.msk [tilespmem:v43+s18+$0x0], $0xffff;
	v3 =	vadd.f32 v38, v3  }
0x36c: {  	v40 =	vor.u32 $0x1A, v11;
	v7 =	vadd.f32 v8, v7;
	v8 =	vmul.f32 v6, v6  }
0x36d: {  	v3 =	vadd.f32 v6, v3;
	v6 =	vld.idx.msk [tilespmem:v42+s18+$0x0], $0xffff  }
0x36e: {  	v39 =	vor.u32 $0x1B, v11;
	v7 =	vadd.f32 v8, v7;
	v8 =	vmul.f32 v13, v13  }
0x36f: {  	v15 =	vld.idx.msk [tilespmem:v41+s18+$0x0], $0xffff;
	v3 =	vadd.f32 v13, v3  }
0x370: {  	v38 =	vor.u32 $0x1C, v11;
	v7 =	vadd.f32 v8, v7;
	v8 =	vmul.f32 v14, v14  }
0x371: {  	v16 =	vld.idx.msk [tilespmem:v40+s18+$0x0], $0xffff;
	v3 =	vadd.f32 v14, v3  }
0x372: {  	v37 =	vor.u32 $0x1D, v11;
	v7 =	vadd.f32 v8, v7;
	v8 =	vmul.f32 v6, v6  }
0x373: {  	v3 =	vadd.f32 v6, v3;
	v6 =	vld.idx.msk [tilespmem:v39+s18+$0x0], $0xffff  }
0x374: {  	v36 =	vor.u32 $0x1E, v11;
	v7 =	vadd.f32 v8, v7;
	v8 =	vmul.f32 v15, v15  }
0x375: {  	v17 =	vld.idx.msk [tilespmem:v38+s18+$0x0], $0xffff;
	v3 =	vadd.f32 v15, v3  }
0x376: {  	v35 =	vor.u32 $0x1F, v11;
	v7 =	vadd.f32 v8, v7;
	v8 =	vmul.f32 v16, v16  }
0x377: {  	v18 =	vld.idx.msk [tilespmem:v37+s18+$0x0], $0xffff;
	v3 =	vadd.f32 v16, v3  }
0x378: {  	v34 =	vor.u32 $0x20, v11;
	v7 =	vadd.f32 v8, v7;
	v8 =	vmul.f32 v6, v6  }
0x379: {  	v3 =	vadd.f32 v6, v3;
	v6 =	vld.idx.msk [tilespmem:v36+s18+$0x0], $0xffff  }
0x37a: {  	v33 =	vor.u32 $0x21, v11;
	v7 =	vadd.f32 v8, v7;
	v8 =	vmul.f32 v17, v17  }
0x37b: {  	v19 =	vld.idx.msk [tilespmem:v35+s18+$0x0], $0xffff;
	v3 =	vadd.f32 v17, v3  }
0x37c: {  	v32 =	vor.u32 $0x22, v11;
	v7 =	vadd.f32 v8, v7;
	v8 =	vmul.f32 v18, v18  }
0x37d: {  	v20 =	vld.idx.msk [tilespmem:v34+s18+$0x0], $0xffff;
	v3 =	vadd.f32 v18, v3  }
0x37e: {  	v31 =	vor.u32 $0x23, v11;
	v7 =	vadd.f32 v8, v7;
	v8 =	vmul.f32 v6, v6  }
0x37f: {  	v3 =	vadd.f32 v6, v3;
	v6 =	vld.idx.msk [tilespmem:v33+s18+$0x0], $0xffff  }
0x380: {  	v30 =	vor.u32 $0x24, v11;
	v7 =	vadd.f32 v8, v7;
	v8 =	vmul.f32 v19, v19  }
0x381: {  	v21 =	vld.idx.msk [tilespmem:v32+s18+$0x0], $0xffff;
	v3 =	vadd.f32 v19, v3  }
0x382: {  	v29 =	vor.u32 $0x25, v11;
	v7 =	vadd.f32 v8, v7;
	v8 =	vmul.f32 v20, v20  }
0x383: {  	v22 =	vld.idx.msk [tilespmem:v31+s18+$0x0], $0xffff;
	v3 =	vadd.f32 v20, v3  }
0x384: {  	v28 =	vor.u32 $0x26, v11;
	v7 =	vadd.f32 v8, v7;
	v8 =	vmul.f32 v6, v6  }
0x385: {  	v3 =	vadd.f32 v6, v3;
	v6 =	vld.idx.msk [tilespmem:v30+s18+$0x0], $0xffff  }
0x386: {  	v27 =	vor.u32 $0x27, v11;
	v7 =	vadd.f32 v8, v7;
	v8 =	vmul.f32 v21, v21  }
0x387: {  	v23 =	vld.idx.msk [tilespmem:v29+s18+$0x0], $0xffff;
	v3 =	vadd.f32 v21, v3  }
0x388: {  	v26 =	vor.u32 $0x28, v11;
	v7 =	vadd.f32 v8, v7;
	v8 =	vmul.f32 v22, v22  }
0x389: {  	v13 =	vld.idx.msk [tilespmem:v28+s18+$0x0], $0xffff;
	v3 =	vadd.f32 v22, v3  }
0x38a: {  	v25 =	vor.u32 $0x29, v11;
	v7 =	vadd.f32 v8, v7;
	v8 =	vmul.f32 v6, v6  }
0x38b: {  	v3 =	vadd.f32 v6, v3;
	v6 =	vld.idx.msk [tilespmem:v27+s18+$0x0], $0xffff  }
0x38c: {  	v24 =	vor.u32 $0x2A, v11;
	v7 =	vadd.f32 v8, v7;
	v8 =	vmul.f32 v23, v23  }
0x38d: {  	v14 =	vld.idx.msk [tilespmem:v26+s18+$0x0], $0xffff;
	v3 =	vadd.f32 v23, v3  }
0x38e: {  	v23 =	vor.u32 $0x2B, v11;
	v7 =	vadd.f32 v8, v7;
	v8 =	vmul.f32 v13, v13  }
0x38f: {  	v15 =	vld.idx.msk [tilespmem:v25+s18+$0x0], $0xffff;
	v3 =	vadd.f32 v13, v3  }
0x390: {  	v22 =	vor.u32 $0x2C, v11;
	v7 =	vadd.f32 v8, v7;
	v8 =	vmul.f32 v6, v6  }
0x391: {  	v3 =	vadd.f32 v6, v3;
	v6 =	vld.idx.msk [tilespmem:v24+s18+$0x0], $0xffff  }
0x392: {  	v21 =	vor.u32 $0x2D, v11;
	v7 =	vadd.f32 v8, v7;
	v8 =	vmul.f32 v14, v14  }
0x393: {  	v13 =	vld.idx.msk [tilespmem:v23+s18+$0x0], $0xffff;
	v3 =	vadd.f32 v14, v3  }
0x394: {  	v19 =	vor.u32 $0x2E, v11;
	v7 =	vadd.f32 v8, v7;
	v8 =	vmul.f32 v15, v15  }
0x395: {  	v14 =	vld.idx.msk [tilespmem:v22+s18+$0x0], $0xffff;
	v3 =	vadd.f32 v15, v3  }
0x396: {  	v18 =	vor.u32 $0x2F, v11;
	v7 =	vadd.f32 v8, v7;
	v8 =	vmul.f32 v6, v6  }
0x397: {  	v3 =	vadd.f32 v6, v3;
	v6 =	vld.idx.msk [tilespmem:v21+s18+$0x0], $0xffff  }
0x398: {  	v17 =	vor.u32 $0x30, v11;
	v7 =	vadd.f32 v8, v7;
	v8 =	vmul.f32 v13, v13  }
0x399: {  	v5 =	vld.idx.msk [tilespmem:v19+s18+$0x0], $0xffff;
	v3 =	vadd.f32 v13, v3  }
0x39a: {  	v16 =	vor.u32 $0x31, v11;
	v7 =	vadd.f32 v8, v7;
	v8 =	vmul.f32 v14, v14  }
0x39b: {  	v20 =	vld.idx.msk [tilespmem:v18+s18+$0x0], $0xffff;
	v3 =	vadd.f32 v14, v3  }
0x39c: {  	v15 =	vor.u32 $0x32, v11;
	v7 =	vadd.f32 v8, v7;
	v8 =	vmul.f32 v6, v6  }
0x39d: {  	v3 =	vadd.f32 v6, v3;
	v6 =	vld.idx.msk [tilespmem:v17+s18+$0x0], $0xffff  }
0x39e: {  	v14 =	vor.u32 $0x33, v11;
	v7 =	vadd.f32 v8, v7;
	v8 =	vmul.f32 v5, v5  }
0x39f: {  	v3 =	vadd.f32 v5, v3;
	v5 =	vld.idx.msk [tilespmem:v16+s18+$0x0], $0xffff  }
0x3a0: {  	v13 =	vor.u32 $0x34, v11;
	v7 =	vadd.f32 v8, v7;
	v8 =	vmul.f32 v20, v20  }
0x3a1: {  	v3 =	vadd.f32 v20, v3;
	v20 =	vld.idx.msk [tilespmem:v15+s18+$0x0], $0xffff  }
0x3a2: {  	v0 =	vor.u32 $0x35, v11;
	v7 =	vadd.f32 v8, v7;
	v8 =	vmul.f32 v6, v6  }
0x3a3: {  	v3 =	vadd.f32 v6, v3;
	v6 =	vld.idx.msk [tilespmem:v14+s18+$0x0], $0xffff  }
0x3a4: {  	v2 =	vor.u32 $0x36, v11;
	v7 =	vadd.f32 v8, v7;
	v8 =	vmul.f32 v5, v5  }
0x3a5: {  	v3 =	vadd.f32 v5, v3;
	v5 =	vld.idx.msk [tilespmem:v13+s18+$0x0], $0xffff  }
0x3a6: {  	v1 =	vor.u32 $0x37, v11;
	v7 =	vadd.f32 v8, v7;
	v8 =	vmul.f32 v20, v20  }
0x3a7: {  	v4 =	vld.idx.msk [tilespmem:v0+s18+$0x0], $0xffff;
	v3 =	vadd.f32 v20, v3  }
0x3a8: {  	v7 =	vadd.f32 v8, v7;
	v20 =	vmul.f32 v6, v6;
	v8 =	vor.u32 $0x38, v11  }
0x3a9: {  	[tilespmem:$0x1F690] =	vst v0;
	v0 =	vld.idx.msk [tilespmem:v2+s18+$0x0], $0xffff;
	v3 =	vadd.f32 v6, v3  }
0x3aa: {  	[tilespmem:$0x1F6A0] =	vst v2;
	v2 =	vor.u32 $0x39, v11;
	v7 =	vadd.f32 v20, v7;
	v20 =	vmul.f32 v5, v5  }
0x3ab: {  	v3 =	vadd.f32 v5, v3;
	v5 =	vld.idx.msk [tilespmem:v1+s18+$0x0], $0xffff  }
0x3ac: {  	[tilespmem:$0x1F6B0] =	vst v1;
	v1 =	vmul.f32 v4, v4;
	v20 =	vadd.f32 v20, v7  }
0x3ad: {  	[tilespmem:$0x1F6C0] =	vst v8;
	v3 =	vadd.f32 v4, v3;
	v4 =	vld.idx.msk [tilespmem:v8+s18+$0x0], $0xffff;
	v8 =	vor.u32 $0x3A, v11  }
0x3ae: {  	v1 =	vadd.f32 v1, v20;
	v20 =	vmul.f32 v0, v0  }
0x3af: {  	v6 =	vld.idx.msk [tilespmem:v2+s18+$0x0], $0xffff;
	v3 =	vadd.f32 v0, v3;
	v0 =	vor.u32 $0x3B, v11  }
0x3b0: {  	v20 =	vadd.f32 v20, v1;
	v1 =	vmul.f32 v5, v5  }
0x3b1: {  	v7 =	vor.u32 $0x3C, v11;
	v3 =	vadd.f32 v5, v3  }
0x3b2: {  	[tilespmem:$0x1F6D0] =	vst v2;
	v1 =	vadd.f32 v1, v20;
	v20 =	vmul.f32 v4, v4;
	v2 =	vld.idx.msk [tilespmem:v8+s18+$0x0], $0xffff  }
0x3b3: {  	v4 =	vadd.f32 v4, v3;
	v3 =	vor.u32 $0x3D, v11  }
0x3b4: {  	[tilespmem:$0x1F6E0] =	vst v8;
	v8 =	vadd.f32 v20, v1;
	v20 =	vmul.f32 v6, v6;
	v1 =	vld.idx.msk [tilespmem:v0+s18+$0x0], $0xffff  }
0x3b5: {  	[tilespmem:$0x1F6F0] =	vst v0;
	v0 =	vor.u32 $0x3E, v11;
	v5 =	vadd.f32 v6, v4  }
0x3b6: {  	v4 =	vld.idx.msk [tilespmem:v7+s18+$0x0], $0xffff;
	v6 =	vadd.f32 v20, v8  }
0x3b7: {  	[tilespmem:$0x1F700] =	vst v7;
	v8 =	vor.u32 $0x3F, v11;
	v7 =	vadd.f32 v2, v5;
	v2 =	vmul.f32 v2, v2  }
0x3b8: {  	v11 =	vld.idx.msk [tilespmem:v3+s18+$0x0], $0xffff  }
0x3b9: {  	v5 =	vadd.f32 v2, v6;
	v20 =	vadd.f32 v1, v7;
	v1 =	vmul.f32 v1, v1  }
0x3ba: {  	[tilespmem:$0x1F710] =	vst v3;
	v3 =	vld.idx.msk [tilespmem:v0+s18+$0x0], $0xffff  }
0x3bb: {  	[tilespmem:$0x1F720] =	vst v0;
	v0 =	vadd.f32 v1, v5;
	v1 =	vadd.f32 v4, v20;
	v20 =	vmul.f32 v4, v4  }
0x3bc: {  	v4 =	vld.idx.msk [tilespmem:v8+s18+$0x0], $0xffff  }
0x3bd: {  	v0 =	vadd.f32 v20, v0;
	v1 =	vadd.f32 v11, v1;
	v5 =	vmul.f32 v11, v11;
	_ =	sdelay $0x1  }
0x3be: {  	v20 =	vmul.f32 v3, v3;
	v0 =	vadd.f32 v5, v0;
	v1 =	vadd.f32 v3, v1;
	_ =	sdelay $0x1  }
0x3bf: {  	v0 =	vadd.f32 v20, v0;
	v1 =	vadd.f32 v4, v1;
	v20 =	vmul.f32 v4, v4;
	_ =	sdelay $0x1  }
0x3c0: {  	v0 =	vadd.f32 v20, v0;
	v11 =	vmul.f32 $1.562500000e-02, v1;
	_ =	sdelay $0x1  }
0x3c1: {  	v0 =	vmul.f32 $1.562500000e-02, v0;
	v1 =	vmul.f32 v11, v11;
	_ =	sdelay $0x1  }
0x3c2: {  	v0 =	vsub.f32 v0, v1;
	_ =	sdelay $0x1  }
0x3c3: {  	v0 =	vadd.f32 $9.999999740e-06, v0;
	_ =	sdelay $0x1  }
0x3c4: {  	v5 =	vshrl.u32 v0, $0x1;
	v0 =	vmul.f32 $5.000000000e-01, v0  }
0x3c5: {  	v1 =	vsub.s32 $0x5F3759DF, v5  }
0x3c6: {  	v20 =	vmul.f32 v1, v0;
	_ =	sdelay $0x1  }
0x3c7: {  	v2 =	vmul.f32 v1, v20;
	_ =	sdelay $0x1  }
0x3c8: {  	v2 =	vsub.f32 $1.500000000e+00, v2;
	_ =	sdelay $0x1  }
0x3c9: {  	v1 =	vmul.f32 v1, v2;
	_ =	sdelay $0x1  }
0x3ca: {  	v0 =	vmul.f32 v1, v0;
	_ =	sdelay $0x1  }
0x3cb: {  	v0 =	vmul.f32 v0, v1  }
0x3cc: {  	v4 =	vld [tilespmem:$0x1FC30]  }
0x3cd: {  	v0 =	vsub.f32 $1.500000000e+00, v0;
	_ =	sdelay $0x1  }
0x3ce: {  	v20 =	vmul.f32 v0, v1;
	_ =	sdelay $0x1  }
0x3cf: {  	v0 =	vmul.f32 v20, v4;
	_ =	sdelay $0x1  }
0x3d0: {  	v5 =	vmul.f32 v0, v11;
	v0 =	vmul.f32 v0, v9;
	v9 =	vld [tilespmem:$0x1FC40];
	_ =	sdelay $0x4  }
0x3d1: {  	v1 =	vsub.f32 v9, v5;
	_ =	sdelay $0x1  }
0x3d2: {  	v0 =	vadd.f32 v1, v0;
	_ =	sdelay $0x1  }
0x3d3: {  	[tilespmem:s30+$0xFFFFF000] =	vst v0  }
0x3d4: {  	v0 =	vld.idx.msk [tilespmem:v10+s18+$0x0], $0xffff  }
0x3d5: {  	v10 =	vld [tilespmem:$0x1FC50];
	_ =	sdelay $0x4  }
0x3d6: {  	v4 =	vmul.f32 v20, v10;
	_ =	sdelay $0x1  }
0x3d7: {  	v5 =	vmul.f32 v4, v11;
	v0 =	vmul.f32 v4, v0;
	v4 =	vld [tilespmem:$0x1F7F0];
	_ =	sdelay $0x4  }
0x3d8: {  	v1 =	vsub.f32 v4, v5  }
0x3d9: {  	v5 =	vld [tilespmem:$0x1FC60]  }
0x3da: {  	v0 =	vadd.f32 v1, v0;
	_ =	sdelay $0x1  }
0x3db: {  	[tilespmem:s30+$0xFFFFF080] =	vst v0  }
0x3dc: {  	v0 =	vld.idx.msk [tilespmem:v12+s18+$0x0], $0xffff  }
0x3dd: {  	v12 =	vmul.f32 v20, v5;
	v5 =	vld [tilespmem:$0x1F800];
	_ =	sdelay $0x2  }
0x3de: {  	v4 =	vmul.f32 v12, v11;
	_ =	sdelay $0x1  }
0x3df: {  	v0 =	vmul.f32 v12, v0;
	v1 =	vsub.f32 v5, v4  }
0x3e0: {  	v12 =	vld [tilespmem:$0x1FC70]  }
0x3e1: {  	v0 =	vadd.f32 v1, v0;
	_ =	sdelay $0x1  }
0x3e2: {  	v5 =	vld [tilespmem:$0x1F810];
	[tilespmem:s30+$0xFFFFF100] =	vst v0  }
0x3e3: {  	v0 =	vld.idx.msk [tilespmem:v63+s18+$0x0], $0xffff  }
0x3e4: {  	v63 =	vmul.f32 v20, v12;
	_ =	sdelay $0x1  }
0x3e5: {  	v4 =	vmul.f32 v63, v11;
	_ =	sdelay $0x1  }
0x3e6: {  	v1 =	vsub.f32 v5, v4;
	v0 =	vmul.f32 v63, v0  }
0x3e7: {  	v12 =	vld [tilespmem:$0x1FC80]  }
0x3e8: {  	v0 =	vadd.f32 v1, v0;
	_ =	sdelay $0x1  }
0x3e9: {  	v5 =	vld [tilespmem:$0x1F820];
	[tilespmem:s30+$0xFFFFF180] =	vst v0  }
0x3ea: {  	v0 =	vld.idx.msk [tilespmem:v62+s18+$0x0], $0xffff  }
0x3eb: {  	v63 =	vmul.f32 v20, v12;
	_ =	sdelay $0x1  }
0x3ec: {  	v4 =	vmul.f32 v63, v11;
	_ =	sdelay $0x1  }
0x3ed: {  	v1 =	vsub.f32 v5, v4;
	v0 =	vmul.f32 v63, v0  }
0x3ee: {  	v12 =	vld [tilespmem:$0x1FC90]  }
0x3ef: {  	v0 =	vadd.f32 v1, v0;
	_ =	sdelay $0x1  }
0x3f0: {  	v5 =	vld [tilespmem:$0x1F830];
	[tilespmem:s30+$0xFFFFF200] =	vst v0  }
0x3f1: {  	v0 =	vld.idx.msk [tilespmem:v61+s18+$0x0], $0xffff  }
0x3f2: {  	v63 =	vmul.f32 v20, v12;
	_ =	sdelay $0x1  }
0x3f3: {  	v4 =	vmul.f32 v63, v11;
	_ =	sdelay $0x1  }
0x3f4: {  	v1 =	vsub.f32 v5, v4;
	v0 =	vmul.f32 v63, v0  }
0x3f5: {  	v12 =	vld [tilespmem:$0x1FCA0]  }
0x3f6: {  	v0 =	vadd.f32 v1, v0;
	_ =	sdelay $0x1  }
0x3f7: {  	v5 =	vld [tilespmem:$0x1F840];
	[tilespmem:s30+$0xFFFFF280] =	vst v0  }
0x3f8: {  	v0 =	vld.idx.msk [tilespmem:v60+s18+$0x0], $0xffff  }
0x3f9: {  	v63 =	vmul.f32 v20, v12;
	_ =	sdelay $0x1  }
0x3fa: {  	v4 =	vmul.f32 v63, v11;
	_ =	sdelay $0x1  }
0x3fb: {  	v1 =	vsub.f32 v5, v4;
	v0 =	vmul.f32 v63, v0  }
0x3fc: {  	v12 =	vld [tilespmem:$0x1FCB0]  }
0x3fd: {  	v0 =	vadd.f32 v1, v0;
	_ =	sdelay $0x1  }
0x3fe: {  	v61 =	vld [tilespmem:$0x1F850];
	[tilespmem:s30+$0xFFFFF300] =	vst v0  }
0x3ff: {  	v0 =	vld.idx.msk [tilespmem:v59+s18+$0x0], $0xffff  }
0x400: {  	v59 =	vmul.f32 v20, v12;
	_ =	sdelay $0x1  }
0x401: {  	v60 =	vmul.f32 v59, v11;
	_ =	sdelay $0x1  }
0x402: {  	v1 =	vsub.f32 v61, v60;
	v0 =	vmul.f32 v59, v0  }
0x403: {  	v62 =	vld [tilespmem:$0x1FCC0]  }
0x404: {  	v0 =	vadd.f32 v1, v0;
	_ =	sdelay $0x1  }
0x405: {  	v5 =	vld [tilespmem:$0x1F860];
	[tilespmem:s30+$0xFFFFF380] =	vst v0  }
0x406: {  	v0 =	vld.idx.msk [tilespmem:v58+s18+$0x0], $0xffff  }
0x407: {  	v63 =	vmul.f32 v20, v62;
	_ =	sdelay $0x1  }
0x408: {  	v4 =	vmul.f32 v63, v11;
	_ =	sdelay $0x1  }
0x409: {  	v1 =	vsub.f32 v5, v4;
	v0 =	vmul.f32 v63, v0  }
0x40a: {  	v12 =	vld [tilespmem:$0x1FCD0]  }
0x40b: {  	v0 =	vadd.f32 v1, v0;
	_ =	sdelay $0x1  }
0x40c: {  	v60 =	vld [tilespmem:$0x1F870];
	[tilespmem:s30+$0xFFFFF400] =	vst v0  }
0x40d: {  	v0 =	vld.idx.msk [tilespmem:v57+s18+$0x0], $0xffff  }
0x40e: {  	v58 =	vmul.f32 v20, v12;
	_ =	sdelay $0x1  }
0x40f: {  	v59 =	vmul.f32 v58, v11;
	_ =	sdelay $0x1  }
0x410: {  	v1 =	vsub.f32 v60, v59;
	v0 =	vmul.f32 v58, v0  }
0x411: {  	v61 =	vld [tilespmem:$0x1FCE0]  }
0x412: {  	v0 =	vadd.f32 v1, v0;
	_ =	sdelay $0x1  }
0x413: {  	v4 =	vld [tilespmem:$0x1F880];
	[tilespmem:s30+$0xFFFFF480] =	vst v0  }
0x414: {  	v0 =	vld.idx.msk [tilespmem:v56+s18+$0x0], $0xffff  }
0x415: {  	v62 =	vmul.f32 v20, v61;
	_ =	sdelay $0x1  }
0x416: {  	v63 =	vmul.f32 v62, v11;
	_ =	sdelay $0x1  }
0x417: {  	v1 =	vsub.f32 v4, v63;
	v0 =	vmul.f32 v0, v62  }
0x418: {  	v5 =	vld [tilespmem:$0x1FCF0]  }
0x419: {  	v0 =	vadd.f32 v0, v1;
	_ =	sdelay $0x1  }
0x41a: {  	v56 =	vld [tilespmem:$0x1F890];
	[tilespmem:s30+$0xFFFFF500] =	vst v0  }
0x41b: {  	v0 =	vld.idx.msk [tilespmem:v55+s18+$0x0], $0xffff  }
0x41c: {  	v12 =	vmul.f32 v20, v5;
	_ =	sdelay $0x1  }
0x41d: {  	v55 =	vmul.f32 v12, v11;
	_ =	sdelay $0x1  }
0x41e: {  	v1 =	vsub.f32 v56, v55;
	v0 =	vmul.f32 v0, v12  }
0x41f: {  	v57 =	vld [tilespmem:$0x1FD00]  }
0x420: {  	v0 =	vadd.f32 v0, v1;
	_ =	sdelay $0x1  }
0x421: {  	v60 =	vld [tilespmem:$0x1F8A0];
	[tilespmem:s30+$0xFFFFF580] =	vst v0  }
0x422: {  	v0 =	vld.idx.msk [tilespmem:v54+s18+$0x0], $0xffff  }
0x423: {  	v58 =	vmul.f32 v20, v57;
	_ =	sdelay $0x1  }
0x424: {  	v59 =	vmul.f32 v58, v11;
	_ =	sdelay $0x1  }
0x425: {  	v1 =	vsub.f32 v60, v59;
	v0 =	vmul.f32 v0, v58  }
0x426: {  	v61 =	vld [tilespmem:$0x1FD10]  }
0x427: {  	v0 =	vadd.f32 v0, v1;
	_ =	sdelay $0x1  }
0x428: {  	v4 =	vld [tilespmem:$0x1F8B0];
	[tilespmem:s30+$0xFFFFF600] =	vst v0  }
0x429: {  	v0 =	vld.idx.msk [tilespmem:v53+s18+$0x0], $0xffff  }
0x42a: {  	v62 =	vmul.f32 v20, v61;
	_ =	sdelay $0x1  }
0x42b: {  	v63 =	vmul.f32 v62, v11;
	_ =	sdelay $0x1  }
0x42c: {  	v1 =	vsub.f32 v4, v63;
	v0 =	vmul.f32 v0, v62  }
0x42d: {  	v5 =	vld [tilespmem:$0x1FD20]  }
0x42e: {  	v0 =	vadd.f32 v0, v1;
	_ =	sdelay $0x1  }
0x42f: {  	v53 =	vld [tilespmem:$0x1F8C0];
	[tilespmem:s30+$0xFFFFF680] =	vst v0  }
0x430: {  	v0 =	vld.idx.msk [tilespmem:v52+s18+$0x0], $0xffff  }
0x431: {  	v12 =	vmul.f32 v20, v5;
	_ =	sdelay $0x1  }
0x432: {  	v52 =	vmul.f32 v12, v11;
	_ =	sdelay $0x1  }
0x433: {  	v1 =	vsub.f32 v53, v52;
	v0 =	vmul.f32 v0, v12  }
0x434: {  	v54 =	vld [tilespmem:$0x1FD30]  }
0x435: {  	v0 =	vadd.f32 v0, v1;
	_ =	sdelay $0x1  }
0x436: {  	v57 =	vld [tilespmem:$0x1F8D0];
	[tilespmem:s30+$0xFFFFF700] =	vst v0  }
0x437: {  	v0 =	vld.idx.msk [tilespmem:v51+s18+$0x0], $0xffff  }
0x438: {  	v55 =	vmul.f32 v20, v54;
	_ =	sdelay $0x1  }
0x439: {  	v56 =	vmul.f32 v55, v11;
	_ =	sdelay $0x1  }
0x43a: {  	v1 =	vsub.f32 v57, v56;
	v0 =	vmul.f32 v0, v55  }
0x43b: {  	v58 =	vld [tilespmem:$0x1FD40]  }
0x43c: {  	v0 =	vadd.f32 v0, v1;
	_ =	sdelay $0x1  }
0x43d: {  	v61 =	vld [tilespmem:$0x1F8E0];
	[tilespmem:s30+$0xFFFFF780] =	vst v0  }
0x43e: {  	v0 =	vld.idx.msk [tilespmem:v50+s18+$0x0], $0xffff  }
0x43f: {  	v59 =	vmul.f32 v20, v58;
	_ =	sdelay $0x1  }
0x440: {  	v60 =	vmul.f32 v59, v11;
	_ =	sdelay $0x1  }
0x441: {  	v1 =	vsub.f32 v61, v60;
	v0 =	vmul.f32 v0, v59  }
0x442: {  	v62 =	vld [tilespmem:$0x1FD50]  }
0x443: {  	v0 =	vadd.f32 v0, v1;
	_ =	sdelay $0x1  }
0x444: {  	v5 =	vld [tilespmem:$0x1F8F0];
	[tilespmem:s30+$0xFFFFF800] =	vst v0  }
0x445: {  	v0 =	vld.idx.msk [tilespmem:v49+s18+$0x0], $0xffff  }
0x446: {  	v63 =	vmul.f32 v20, v62;
	_ =	sdelay $0x1  }
0x447: {  	v4 =	vmul.f32 v63, v11;
	_ =	sdelay $0x1  }
0x448: {  	v1 =	vsub.f32 v5, v4;
	v0 =	vmul.f32 v0, v63  }
0x449: {  	v12 =	vld [tilespmem:$0x1FD60]  }
0x44a: {  	v0 =	vadd.f32 v0, v1;
	_ =	sdelay $0x1  }
0x44b: {  	v53 =	vld [tilespmem:$0x1F900];
	[tilespmem:s30+$0xFFFFF880] =	vst v0  }
0x44c: {  	v0 =	vld.idx.msk [tilespmem:v48+s18+$0x0], $0xffff  }
0x44d: {  	v51 =	vmul.f32 v20, v12;
	_ =	sdelay $0x1  }
0x44e: {  	v52 =	vmul.f32 v51, v11;
	_ =	sdelay $0x1  }
0x44f: {  	v1 =	vsub.f32 v53, v52;
	v0 =	vmul.f32 v0, v51  }
0x450: {  	v54 =	vld [tilespmem:$0x1FD70]  }
0x451: {  	v0 =	vadd.f32 v0, v1;
	_ =	sdelay $0x1  }
0x452: {  	v57 =	vld [tilespmem:$0x1F910];
	[tilespmem:s30+$0xFFFFF900] =	vst v0  }
0x453: {  	v0 =	vld.idx.msk [tilespmem:v47+s18+$0x0], $0xffff  }
0x454: {  	v55 =	vmul.f32 v20, v54;
	_ =	sdelay $0x1  }
0x455: {  	v56 =	vmul.f32 v55, v11;
	_ =	sdelay $0x1  }
0x456: {  	v1 =	vsub.f32 v57, v56;
	v0 =	vmul.f32 v0, v55  }
0x457: {  	v58 =	vld [tilespmem:$0x1FD80]  }
0x458: {  	v0 =	vadd.f32 v0, v1;
	_ =	sdelay $0x1  }
0x459: {  	v61 =	vld [tilespmem:$0x1F920];
	[tilespmem:s30+$0xFFFFF980] =	vst v0  }
0x45a: {  	v0 =	vld.idx.msk [tilespmem:v46+s18+$0x0], $0xffff  }
0x45b: {  	v59 =	vmul.f32 v20, v58;
	_ =	sdelay $0x1  }
0x45c: {  	v60 =	vmul.f32 v59, v11;
	_ =	sdelay $0x1  }
0x45d: {  	v1 =	vsub.f32 v61, v60;
	v0 =	vmul.f32 v0, v59  }
0x45e: {  	v62 =	vld [tilespmem:$0x1FD90]  }
0x45f: {  	v0 =	vadd.f32 v0, v1;
	_ =	sdelay $0x1  }
0x460: {  	v5 =	vld [tilespmem:$0x1F930];
	[tilespmem:s30+$0xFFFFFA00] =	vst v0  }
0x461: {  	v0 =	vld.idx.msk [tilespmem:v45+s18+$0x0], $0xffff  }
0x462: {  	v63 =	vmul.f32 v20, v62;
	_ =	sdelay $0x1  }
0x463: {  	v4 =	vmul.f32 v63, v11;
	_ =	sdelay $0x1  }
0x464: {  	v1 =	vsub.f32 v5, v4;
	v0 =	vmul.f32 v0, v63  }
0x465: {  	v12 =	vld [tilespmem:$0x1FDA0]  }
0x466: {  	v0 =	vadd.f32 v0, v1;
	_ =	sdelay $0x1  }
0x467: {  	v49 =	vld [tilespmem:$0x1F940];
	[tilespmem:s30+$0xFFFFFA80] =	vst v0  }
0x468: {  	v0 =	vld.idx.msk [tilespmem:v44+s18+$0x0], $0xffff  }
0x469: {  	v47 =	vmul.f32 v20, v12;
	_ =	sdelay $0x1  }
0x46a: {  	v48 =	vmul.f32 v47, v11;
	_ =	sdelay $0x1  }
0x46b: {  	v1 =	vsub.f32 v49, v48;
	v0 =	vmul.f32 v0, v47  }
0x46c: {  	v50 =	vld [tilespmem:$0x1FDB0]  }
0x46d: {  	v0 =	vadd.f32 v0, v1;
	_ =	sdelay $0x1  }
0x46e: {  	v53 =	vld [tilespmem:$0x1F950];
	[tilespmem:s30+$0xFFFFFB00] =	vst v0  }
0x46f: {  	v0 =	vld.idx.msk [tilespmem:v43+s18+$0x0], $0xffff  }
0x470: {  	v51 =	vmul.f32 v20, v50;
	_ =	sdelay $0x1  }
0x471: {  	v52 =	vmul.f32 v51, v11;
	_ =	sdelay $0x1  }
0x472: {  	v1 =	vsub.f32 v53, v52;
	v0 =	vmul.f32 v0, v51  }
0x473: {  	v54 =	vld [tilespmem:$0x1FDC0]  }
0x474: {  	v0 =	vadd.f32 v0, v1;
	_ =	sdelay $0x1  }
0x475: {  	v57 =	vld [tilespmem:$0x1F960];
	[tilespmem:s30+$0xFFFFFB80] =	vst v0  }
0x476: {  	v0 =	vld.idx.msk [tilespmem:v42+s18+$0x0], $0xffff  }
0x477: {  	v55 =	vmul.f32 v20, v54;
	_ =	sdelay $0x1  }
0x478: {  	v56 =	vmul.f32 v55, v11;
	_ =	sdelay $0x1  }
0x479: {  	v1 =	vsub.f32 v57, v56;
	v0 =	vmul.f32 v0, v55  }
0x47a: {  	v58 =	vld [tilespmem:$0x1FDD0]  }
0x47b: {  	v0 =	vadd.f32 v0, v1;
	_ =	sdelay $0x1  }
0x47c: {  	v61 =	vld [tilespmem:$0x1F970];
	[tilespmem:s30+$0xFFFFFC00] =	vst v0  }
0x47d: {  	v0 =	vld.idx.msk [tilespmem:v41+s18+$0x0], $0xffff  }
0x47e: {  	v59 =	vmul.f32 v20, v58;
	_ =	sdelay $0x1  }
0x47f: {  	v60 =	vmul.f32 v59, v11;
	_ =	sdelay $0x1  }
0x480: {  	v1 =	vsub.f32 v61, v60;
	v0 =	vmul.f32 v0, v59  }
0x481: {  	v62 =	vld [tilespmem:$0x1FDE0]  }
0x482: {  	v0 =	vadd.f32 v0, v1;
	_ =	sdelay $0x1  }
0x483: {  	v5 =	vld [tilespmem:$0x1F980];
	[tilespmem:s30+$0xFFFFFC80] =	vst v0  }
0x484: {  	v0 =	vld.idx.msk [tilespmem:v40+s18+$0x0], $0xffff  }
0x485: {  	v63 =	vmul.f32 v20, v62;
	_ =	sdelay $0x1  }
0x486: {  	v4 =	vmul.f32 v63, v11;
	_ =	sdelay $0x1  }
0x487: {  	v1 =	vsub.f32 v5, v4;
	v0 =	vmul.f32 v0, v63  }
0x488: {  	v12 =	vld [tilespmem:$0x1FDF0]  }
0x489: {  	v0 =	vadd.f32 v0, v1;
	_ =	sdelay $0x1  }
0x48a: {  	v41 =	vld [tilespmem:$0x1F990];
	[tilespmem:s30+$0xFFFFFD00] =	vst v0  }
0x48b: {  	v0 =	vld.idx.msk [tilespmem:v39+s18+$0x0], $0xffff  }
0x48c: {  	v39 =	vmul.f32 v20, v12;
	_ =	sdelay $0x1  }
0x48d: {  	v40 =	vmul.f32 v39, v11;
	_ =	sdelay $0x1  }
0x48e: {  	v1 =	vsub.f32 v41, v40;
	v0 =	vmul.f32 v0, v39  }
0x48f: {  	v42 =	vld [tilespmem:$0x1FE00]  }
0x490: {  	v0 =	vadd.f32 v0, v1;
	_ =	sdelay $0x1  }
0x491: {  	v45 =	vld [tilespmem:$0x1F9A0];
	[tilespmem:s30+$0xFFFFFD80] =	vst v0  }
0x492: {  	v0 =	vld.idx.msk [tilespmem:v38+s18+$0x0], $0xffff  }
0x493: {  	v43 =	vmul.f32 v20, v42;
	_ =	sdelay $0x1  }
0x494: {  	v44 =	vmul.f32 v43, v11;
	_ =	sdelay $0x1  }
0x495: {  	v1 =	vsub.f32 v45, v44;
	v0 =	vmul.f32 v0, v43  }
0x496: {  	v46 =	vld [tilespmem:$0x1FE10]  }
0x497: {  	v0 =	vadd.f32 v0, v1;
	_ =	sdelay $0x1  }
0x498: {  	v49 =	vld [tilespmem:$0x1F9B0];
	[tilespmem:s30+$0xFFFFFE00] =	vst v0  }
0x499: {  	v0 =	vld.idx.msk [tilespmem:v37+s18+$0x0], $0xffff  }
0x49a: {  	v47 =	vmul.f32 v20, v46;
	_ =	sdelay $0x1  }
0x49b: {  	v48 =	vmul.f32 v47, v11;
	_ =	sdelay $0x1  }
0x49c: {  	v1 =	vsub.f32 v49, v48;
	v0 =	vmul.f32 v0, v47  }
0x49d: {  	v50 =	vld [tilespmem:$0x1FE20]  }
0x49e: {  	v0 =	vadd.f32 v0, v1;
	_ =	sdelay $0x1  }
0x49f: {  	v53 =	vld [tilespmem:$0x1F9C0];
	[tilespmem:s30+$0xFFFFFE80] =	vst v0  }
0x4a0: {  	v0 =	vld.idx.msk [tilespmem:v36+s18+$0x0], $0xffff  }
0x4a1: {  	v51 =	vmul.f32 v20, v50;
	_ =	sdelay $0x1  }
0x4a2: {  	v52 =	vmul.f32 v51, v11;
	_ =	sdelay $0x1  }
0x4a3: {  	v1 =	vsub.f32 v53, v52;
	v0 =	vmul.f32 v0, v51  }
0x4a4: {  	v54 =	vld [tilespmem:$0x1FE30]  }
0x4a5: {  	v0 =	vadd.f32 v0, v1;
	_ =	sdelay $0x1  }
0x4a6: {  	v3 =	vld [tilespmem:$0x1FE40];
	[tilespmem:s30+$0xFFFFFF00] =	vst v0  }
0x4a7: {  	v0 =	vld.idx.msk [tilespmem:v35+s18+$0x0], $0xffff  }
0x4a8: {  	v55 =	vmul.f32 v20, v54;
	_ =	sdelay $0x1  }
0x4a9: {  	v56 =	vmul.f32 v55, v11;
	_ =	sdelay $0x1  }
0x4aa: {  	v57 =	vsub.f32 v3, v56;
	v0 =	vmul.f32 v0, v55  }
0x4ab: {  	v58 =	vld [tilespmem:$0x1FE50]  }
0x4ac: {  	v0 =	vadd.f32 v0, v57;
	_ =	sdelay $0x1  }
0x4ad: {  	v61 =	vld [tilespmem:$0x1F9D0];
	[tilespmem:s30+$0xFFFFFF80] =	vst v0  }
0x4ae: {  	v0 =	vld.idx.msk [tilespmem:v34+s18+$0x0], $0xffff  }
0x4af: {  	v59 =	vmul.f32 v20, v58;
	_ =	sdelay $0x1  }
0x4b0: {  	v60 =	vmul.f32 v59, v11;
	_ =	sdelay $0x1  }
0x4b1: {  	v1 =	vsub.f32 v61, v60;
	v0 =	vmul.f32 v0, v59  }
0x4b2: {  	v62 =	vld [tilespmem:$0x1FE60]  }
0x4b3: {  	v0 =	vadd.f32 v0, v1;
	_ =	sdelay $0x1  }
0x4b4: {  	v5 =	vld [tilespmem:$0x1F9E0];
	[tilespmem:s30+$0x0] =	vst v0  }
0x4b5: {  	v0 =	vld.idx.msk [tilespmem:v33+s18+$0x0], $0xffff  }
0x4b6: {  	v63 =	vmul.f32 v20, v62;
	_ =	sdelay $0x1  }
0x4b7: {  	v4 =	vmul.f32 v63, v11;
	_ =	sdelay $0x1  }
0x4b8: {  	v1 =	vsub.f32 v5, v4;
	v0 =	vmul.f32 v0, v63  }
0x4b9: {  	v12 =	vld [tilespmem:$0x1FE70]  }
0x4ba: {  	v0 =	vadd.f32 v0, v1;
	_ =	sdelay $0x1  }
0x4bb: {  	v37 =	vld [tilespmem:$0x1F9F0];
	[tilespmem:s30+$0x80] =	vst v0  }
0x4bc: {  	v0 =	vld.idx.msk [tilespmem:v32+s18+$0x0], $0xffff  }
0x4bd: {  	v35 =	vmul.f32 v20, v12;
	_ =	sdelay $0x1  }
0x4be: {  	v36 =	vmul.f32 v35, v11;
	_ =	sdelay $0x1  }
0x4bf: {  	v1 =	vsub.f32 v37, v36;
	v0 =	vmul.f32 v0, v35  }
0x4c0: {  	v38 =	vld [tilespmem:$0x1FE80]  }
0x4c1: {  	v0 =	vadd.f32 v0, v1;
	_ =	sdelay $0x1  }
0x4c2: {  	v41 =	vld [tilespmem:$0x1FA00];
	[tilespmem:s30+$0x100] =	vst v0  }
0x4c3: {  	v0 =	vld.idx.msk [tilespmem:v31+s18+$0x0], $0xffff  }
0x4c4: {  	v39 =	vmul.f32 v20, v38;
	_ =	sdelay $0x1  }
0x4c5: {  	v40 =	vmul.f32 v39, v11;
	_ =	sdelay $0x1  }
0x4c6: {  	v1 =	vsub.f32 v41, v40;
	v0 =	vmul.f32 v0, v39  }
0x4c7: {  	v42 =	vld [tilespmem:$0x1FE90]  }
0x4c8: {  	v0 =	vadd.f32 v0, v1;
	_ =	sdelay $0x1  }
0x4c9: {  	v45 =	vld [tilespmem:$0x1FA10];
	[tilespmem:s30+$0x180] =	vst v0  }
0x4ca: {  	v0 =	vld.idx.msk [tilespmem:v30+s18+$0x0], $0xffff  }
0x4cb: {  	v43 =	vmul.f32 v20, v42;
	_ =	sdelay $0x1  }
0x4cc: {  	v44 =	vmul.f32 v43, v11;
	_ =	sdelay $0x1  }
0x4cd: {  	v1 =	vsub.f32 v45, v44;
	v0 =	vmul.f32 v0, v43  }
0x4ce: {  	v46 =	vld [tilespmem:$0x1FEA0]  }
0x4cf: {  	v0 =	vadd.f32 v0, v1;
	_ =	sdelay $0x1  }
0x4d0: {  	v49 =	vld [tilespmem:$0x1FA20];
	[tilespmem:s30+$0x200] =	vst v0  }
0x4d1: {  	v0 =	vld.idx.msk [tilespmem:v29+s18+$0x0], $0xffff  }
0x4d2: {  	v47 =	vmul.f32 v20, v46;
	_ =	sdelay $0x1  }
0x4d3: {  	v48 =	vmul.f32 v47, v11;
	_ =	sdelay $0x1  }
0x4d4: {  	v1 =	vsub.f32 v49, v48;
	v0 =	vmul.f32 v0, v47  }
0x4d5: {  	v50 =	vld [tilespmem:$0x1FEB0]  }
0x4d6: {  	v0 =	vadd.f32 v0, v1;
	_ =	sdelay $0x1  }
0x4d7: {  	v53 =	vld [tilespmem:$0x1FA30];
	[tilespmem:s30+$0x280] =	vst v0  }
0x4d8: {  	v0 =	vld.idx.msk [tilespmem:v28+s18+$0x0], $0xffff  }
0x4d9: {  	v51 =	vmul.f32 v20, v50;
	_ =	sdelay $0x1  }
0x4da: {  	v52 =	vmul.f32 v51, v11;
	_ =	sdelay $0x1  }
0x4db: {  	v1 =	vsub.f32 v53, v52;
	v0 =	vmul.f32 v0, v51  }
0x4dc: {  	v54 =	vld [tilespmem:$0x1FEC0]  }
0x4dd: {  	v0 =	vadd.f32 v0, v1;
	_ =	sdelay $0x1  }
0x4de: {  	v57 =	vld [tilespmem:$0x1FA40];
	[tilespmem:s30+$0x300] =	vst v0  }
0x4df: {  	v0 =	vld.idx.msk [tilespmem:v27+s18+$0x0], $0xffff  }
0x4e0: {  	v55 =	vmul.f32 v20, v54;
	_ =	sdelay $0x1  }
0x4e1: {  	v56 =	vmul.f32 v55, v11;
	_ =	sdelay $0x1  }
0x4e2: {  	v1 =	vsub.f32 v57, v56;
	v0 =	vmul.f32 v0, v55  }
0x4e3: {  	v58 =	vld [tilespmem:$0x1FED0]  }
0x4e4: {  	v0 =	vadd.f32 v0, v1;
	_ =	sdelay $0x1  }
0x4e5: {  	v61 =	vld [tilespmem:$0x1FA50];
	[tilespmem:s30+$0x380] =	vst v0  }
0x4e6: {  	v0 =	vld.idx.msk [tilespmem:v26+s18+$0x0], $0xffff  }
0x4e7: {  	v59 =	vmul.f32 v20, v58;
	_ =	sdelay $0x1  }
0x4e8: {  	v60 =	vmul.f32 v59, v11;
	_ =	sdelay $0x1  }
0x4e9: {  	v1 =	vsub.f32 v61, v60;
	v0 =	vmul.f32 v0, v59  }
0x4ea: {  	v62 =	vld [tilespmem:$0x1FEE0]  }
0x4eb: {  	v0 =	vadd.f32 v0, v1;
	_ =	sdelay $0x1  }
0x4ec: {  	v5 =	vld [tilespmem:$0x1FA60];
	[tilespmem:s30+$0x400] =	vst v0  }
0x4ed: {  	v0 =	vld.idx.msk [tilespmem:v25+s18+$0x0], $0xffff  }
0x4ee: {  	v63 =	vmul.f32 v20, v62;
	_ =	sdelay $0x1  }
0x4ef: {  	v4 =	vmul.f32 v63, v11;
	_ =	sdelay $0x1  }
0x4f0: {  	v1 =	vsub.f32 v5, v4;
	v0 =	vmul.f32 v0, v63  }
0x4f1: {  	v12 =	vld [tilespmem:$0x1FEF0]  }
0x4f2: {  	v0 =	vadd.f32 v0, v1;
	_ =	sdelay $0x1  }
0x4f3: {  	v28 =	vld [tilespmem:$0x1FA70];
	[tilespmem:s30+$0x480] =	vst v0  }
0x4f4: {  	v0 =	vld.idx.msk [tilespmem:v24+s18+$0x0], $0xffff  }
0x4f5: {  	v26 =	vmul.f32 v20, v12;
	_ =	sdelay $0x1  }
0x4f6: {  	v27 =	vmul.f32 v26, v11;
	_ =	sdelay $0x1  }
0x4f7: {  	v1 =	vsub.f32 v28, v27;
	v0 =	vmul.f32 v0, v26  }
0x4f8: {  	v29 =	vld [tilespmem:$0x1FF00]  }
0x4f9: {  	v0 =	vadd.f32 v0, v1;
	_ =	sdelay $0x1  }
0x4fa: {  	v32 =	vld [tilespmem:$0x1FA80];
	[tilespmem:s30+$0x500] =	vst v0  }
0x4fb: {  	v0 =	vld.idx.msk [tilespmem:v23+s18+$0x0], $0xffff  }
0x4fc: {  	v30 =	vmul.f32 v20, v29;
	_ =	sdelay $0x1  }
0x4fd: {  	v31 =	vmul.f32 v30, v11;
	_ =	sdelay $0x1  }
0x4fe: {  	v1 =	vsub.f32 v32, v31;
	v0 =	vmul.f32 v0, v30  }
0x4ff: {  	v33 =	vld [tilespmem:$0x1FF10]  }
0x500: {  	v0 =	vadd.f32 v0, v1;
	_ =	sdelay $0x1  }
0x501: {  	v36 =	vld [tilespmem:$0x1FA90];
	[tilespmem:s30+$0x580] =	vst v0  }
0x502: {  	v0 =	vld.idx.msk [tilespmem:v22+s18+$0x0], $0xffff  }
0x503: {  	v34 =	vmul.f32 v20, v33;
	_ =	sdelay $0x1  }
0x504: {  	v35 =	vmul.f32 v34, v11;
	_ =	sdelay $0x1  }
0x505: {  	v1 =	vsub.f32 v36, v35;
	v0 =	vmul.f32 v0, v34  }
0x506: {  	v37 =	vld [tilespmem:$0x1FF20]  }
0x507: {  	v0 =	vadd.f32 v0, v1;
	_ =	sdelay $0x1  }
0x508: {  	v40 =	vld [tilespmem:$0x1FAA0];
	[tilespmem:s30+$0x600] =	vst v0  }
0x509: {  	v0 =	vld.idx.msk [tilespmem:v21+s18+$0x0], $0xffff  }
0x50a: {  	v38 =	vmul.f32 v20, v37;
	_ =	sdelay $0x1  }
0x50b: {  	v39 =	vmul.f32 v38, v11;
	_ =	sdelay $0x1  }
0x50c: {  	v1 =	vsub.f32 v40, v39;
	v0 =	vmul.f32 v0, v38  }
0x50d: {  	v41 =	vld [tilespmem:$0x1FF30]  }
0x50e: {  	v0 =	vadd.f32 v0, v1;
	_ =	sdelay $0x1  }
0x50f: {  	v44 =	vld [tilespmem:$0x1FAB0];
	[tilespmem:s30+$0x680] =	vst v0  }
0x510: {  	v0 =	vld.idx.msk [tilespmem:v19+s18+$0x0], $0xffff  }
0x511: {  	v42 =	vmul.f32 v20, v41;
	_ =	sdelay $0x1  }
0x512: {  	v43 =	vmul.f32 v42, v11;
	_ =	sdelay $0x1  }
0x513: {  	v1 =	vsub.f32 v44, v43;
	v0 =	vmul.f32 v0, v42  }
0x514: {  	v45 =	vld [tilespmem:$0x1FF40]  }
0x515: {  	v0 =	vadd.f32 v0, v1;
	_ =	sdelay $0x1  }
0x516: {  	v48 =	vld [tilespmem:$0x1FAC0];
	[tilespmem:s30+$0x700] =	vst v0  }
0x517: {  	v0 =	vld.idx.msk [tilespmem:v18+s18+$0x0], $0xffff  }
0x518: {  	v46 =	vmul.f32 v20, v45;
	_ =	sdelay $0x1  }
0x519: {  	v47 =	vmul.f32 v46, v11;
	_ =	sdelay $0x1  }
0x51a: {  	v1 =	vsub.f32 v48, v47;
	v0 =	vmul.f32 v0, v46  }
0x51b: {  	v49 =	vld [tilespmem:$0x1FF50]  }
0x51c: {  	v0 =	vadd.f32 v0, v1;
	_ =	sdelay $0x1  }
0x51d: {  	v52 =	vld [tilespmem:$0x1FB40];
	[tilespmem:s30+$0x780] =	vst v0  }
0x51e: {  	v0 =	vld.idx.msk [tilespmem:v17+s18+$0x0], $0xffff  }
0x51f: {  	v50 =	vmul.f32 v20, v49;
	_ =	sdelay $0x1  }
0x520: {  	v51 =	vmul.f32 v50, v11;
	_ =	sdelay $0x1  }
0x521: {  	v1 =	vsub.f32 v52, v51;
	v0 =	vmul.f32 v0, v50  }
0x522: {  	v53 =	vld [tilespmem:$0x1FF60]  }
0x523: {  	v0 =	vadd.f32 v0, v1;
	_ =	sdelay $0x1  }
0x524: {  	v56 =	vld [tilespmem:$0x1FB50];
	[tilespmem:s30+$0x800] =	vst v0  }
0x525: {  	v0 =	vld.idx.msk [tilespmem:v16+s18+$0x0], $0xffff  }
0x526: {  	v54 =	vmul.f32 v20, v53;
	_ =	sdelay $0x1  }
0x527: {  	v55 =	vmul.f32 v54, v11;
	_ =	sdelay $0x1  }
0x528: {  	v1 =	vsub.f32 v56, v55;
	v0 =	vmul.f32 v0, v54  }
0x529: {  	v57 =	vld [tilespmem:$0x1FF70]  }
0x52a: {  	v0 =	vadd.f32 v0, v1;
	_ =	sdelay $0x1  }
0x52b: {  	v60 =	vld [tilespmem:$0x1FB60];
	[tilespmem:s30+$0x880] =	vst v0  }
0x52c: {  	v0 =	vld.idx.msk [tilespmem:v15+s18+$0x0], $0xffff  }
0x52d: {  	v58 =	vmul.f32 v20, v57;
	_ =	sdelay $0x1  }
0x52e: {  	v59 =	vmul.f32 v58, v11;
	_ =	sdelay $0x1  }
0x52f: {  	v1 =	vsub.f32 v60, v59;
	v0 =	vmul.f32 v0, v58  }
0x530: {  	v61 =	vld [tilespmem:$0x1FF80]  }
0x531: {  	v0 =	vadd.f32 v0, v1;
	_ =	sdelay $0x1  }
0x532: {  	v4 =	vld [tilespmem:$0x1FB70];
	[tilespmem:s30+$0x900] =	vst v0  }
0x533: {  	v0 =	vld.idx.msk [tilespmem:v14+s18+$0x0], $0xffff  }
0x534: {  	v62 =	vmul.f32 v20, v61;
	_ =	sdelay $0x1  }
0x535: {  	v63 =	vmul.f32 v62, v11;
	_ =	sdelay $0x1  }
0x536: {  	v1 =	vsub.f32 v4, v63;
	v0 =	vmul.f32 v0, v62  }
0x537: {  	v5 =	vld [tilespmem:$0x1FF90]  }
0x538: {  	v0 =	vadd.f32 v0, v1;
	_ =	sdelay $0x1  }
0x539: {  	v17 =	vld [tilespmem:$0x1FB80];
	[tilespmem:s30+$0x980] =	vst v0  }
0x53a: {  	v0 =	vld.idx.msk [tilespmem:v13+s18+$0x0], $0xffff  }
0x53b: {  	v15 =	vmul.f32 v20, v5  }
0x53c: {  	v18 =	vld [tilespmem:$0x1F690]  }
0x53d: {  	v16 =	vmul.f32 v15, v11;
	_ =	sdelay $0x1  }
0x53e: {  	v1 =	vsub.f32 v17, v16;
	v0 =	vmul.f32 v0, v15  }
0x53f: {  	v19 =	vld [tilespmem:$0x1FAD0]  }
0x540: {  	v0 =	vadd.f32 v0, v1;
	_ =	sdelay $0x1  }
0x541: {  	v22 =	vld [tilespmem:$0x1FB90];
	[tilespmem:s30+$0xA00] =	vst v0  }
0x542: {  	v0 =	vld.idx.msk [tilespmem:v18+s18+$0x0], $0xffff  }
0x543: {  	v1 =	vmul.f32 v20, v19  }
0x544: {  	v23 =	vld [tilespmem:$0x1F6A0]  }
0x545: {  	v21 =	vmul.f32 v1, v11;
	_ =	sdelay $0x1  }
0x546: {  	v0 =	vmul.f32 v0, v1;
	v1 =	vsub.f32 v22, v21  }
0x547: {  	v24 =	vld [tilespmem:$0x1FAE0]  }
0x548: {  	v0 =	vadd.f32 v0, v1;
	_ =	sdelay $0x1  }
0x549: {  	v26 =	vld [tilespmem:$0x1FBA0];
	[tilespmem:s30+$0xA80] =	vst v0  }
0x54a: {  	v0 =	vld.idx.msk [tilespmem:v23+s18+$0x0], $0xffff  }
0x54b: {  	v1 =	vmul.f32 v20, v24  }
0x54c: {  	v27 =	vld [tilespmem:$0x1F6B0]  }
0x54d: {  	v25 =	vmul.f32 v1, v11;
	_ =	sdelay $0x1  }
0x54e: {  	v0 =	vmul.f32 v0, v1;
	v1 =	vsub.f32 v26, v25  }
0x54f: {  	v28 =	vld [tilespmem:$0x1FAF0]  }
0x550: {  	v0 =	vadd.f32 v0, v1;
	_ =	sdelay $0x1  }
0x551: {  	v30 =	vld [tilespmem:$0x1FBB0];
	[tilespmem:s30+$0xB00] =	vst v0  }
0x552: {  	v0 =	vld.idx.msk [tilespmem:v27+s18+$0x0], $0xffff  }
0x553: {  	v1 =	vmul.f32 v20, v28  }
0x554: {  	v31 =	vld [tilespmem:$0x1F6C0]  }
0x555: {  	v29 =	vmul.f32 v1, v11;
	_ =	sdelay $0x1  }
0x556: {  	v0 =	vmul.f32 v0, v1;
	v1 =	vsub.f32 v30, v29  }
0x557: {  	v32 =	vld [tilespmem:$0x1FB00]  }
0x558: {  	v0 =	vadd.f32 v0, v1;
	_ =	sdelay $0x1  }
0x559: {  	v34 =	vld [tilespmem:$0x1FBC0];
	[tilespmem:s30+$0xB80] =	vst v0  }
0x55a: {  	v0 =	vld.idx.msk [tilespmem:v31+s18+$0x0], $0xffff  }
0x55b: {  	v1 =	vmul.f32 v20, v32  }
0x55c: {  	v35 =	vld [tilespmem:$0x1F6D0]  }
0x55d: {  	v33 =	vmul.f32 v1, v11;
	_ =	sdelay $0x1  }
0x55e: {  	v0 =	vmul.f32 v0, v1;
	v1 =	vsub.f32 v34, v33  }
0x55f: {  	v6 =	vld [tilespmem:$0x1FFA0]  }
0x560: {  	v0 =	vadd.f32 v0, v1;
	_ =	sdelay $0x1  }
0x561: {  	v38 =	vld [tilespmem:$0x1FBD0];
	[tilespmem:s30+$0xC00] =	vst v0  }
0x562: {  	v0 =	vld.idx.msk [tilespmem:v35+s18+$0x0], $0xffff  }
0x563: {  	v36 =	vmul.f32 v20, v6  }
0x564: {  	v39 =	vld [tilespmem:$0x1F6E0]  }
0x565: {  	v37 =	vmul.f32 v36, v11;
	_ =	sdelay $0x1  }
0x566: {  	v1 =	vsub.f32 v38, v37;
	v0 =	vmul.f32 v0, v36  }
0x567: {  	v7 =	vld [tilespmem:$0x1FFB0]  }
0x568: {  	v0 =	vadd.f32 v0, v1;
	_ =	sdelay $0x1  }
0x569: {  	v42 =	vld [tilespmem:$0x1FBE0];
	[tilespmem:s30+$0xC80] =	vst v0  }
0x56a: {  	v0 =	vld.idx.msk [tilespmem:v39+s18+$0x0], $0xffff  }
0x56b: {  	v40 =	vmul.f32 v20, v7  }
0x56c: {  	v43 =	vld [tilespmem:$0x1F6F0]  }
0x56d: {  	v41 =	vmul.f32 v40, v11;
	_ =	sdelay $0x1  }
0x56e: {  	v1 =	vsub.f32 v42, v41;
	v0 =	vmul.f32 v0, v40  }
0x56f: {  	v44 =	vld [tilespmem:$0x1FB10]  }
0x570: {  	v0 =	vadd.f32 v0, v1;
	_ =	sdelay $0x1  }
0x571: {  	v46 =	vld [tilespmem:$0x1FBF0];
	[tilespmem:s30+$0xD00] =	vst v0  }
0x572: {  	v0 =	vld.idx.msk [tilespmem:v43+s18+$0x0], $0xffff  }
0x573: {  	v1 =	vmul.f32 v20, v44  }
0x574: {  	v47 =	vld [tilespmem:$0x1F700]  }
0x575: {  	v45 =	vmul.f32 v1, v11;
	_ =	sdelay $0x1  }
0x576: {  	v0 =	vmul.f32 v0, v1;
	v1 =	vsub.f32 v46, v45  }
0x577: {  	v48 =	vld [tilespmem:$0x1FFC0]  }
0x578: {  	v0 =	vadd.f32 v0, v1;
	_ =	sdelay $0x1  }
0x579: {  	v51 =	vld [tilespmem:$0x1FC00];
	[tilespmem:s30+$0xD80] =	vst v0  }
0x57a: {  	v0 =	vld.idx.msk [tilespmem:v47+s18+$0x0], $0xffff  }
0x57b: {  	v49 =	vmul.f32 v20, v48  }
0x57c: {  	v52 =	vld [tilespmem:$0x1F710]  }
0x57d: {  	v50 =	vmul.f32 v49, v11;
	_ =	sdelay $0x1  }
0x57e: {  	v1 =	vsub.f32 v51, v50;
	v0 =	vmul.f32 v0, v49  }
0x57f: {  	v53 =	vld [tilespmem:$0x1FB20]  }
0x580: {  	v0 =	vadd.f32 v0, v1;
	_ =	sdelay $0x1  }
0x581: {  	v55 =	vld [tilespmem:$0x1FC10];
	[tilespmem:s30+$0xE00] =	vst v0  }
0x582: {  	v0 =	vld.idx.msk [tilespmem:v52+s18+$0x0], $0xffff  }
0x583: {  	v1 =	vmul.f32 v20, v53  }
0x584: {  	v56 =	vld [tilespmem:$0x1F720]  }
0x585: {  	v54 =	vmul.f32 v1, v11;
	_ =	sdelay $0x1  }
0x586: {  	v0 =	vmul.f32 v0, v1;
	v1 =	vsub.f32 v55, v54  }
0x587: {  	v57 =	vld [tilespmem:$0x1FB30]  }
0x588: {  	v0 =	vadd.f32 v0, v1;
	_ =	sdelay $0x1  }
0x589: {  	v59 =	vld [tilespmem:$0x1FC20];
	[tilespmem:s30+$0xE80] =	vst v0  }
0x58a: {  	v0 =	vld.idx.msk [tilespmem:v56+s18+$0x0], $0xffff  }
0x58b: {  	[tilespmem:$0x1F730] =	vst v8;
	v1 =	vmul.f32 v20, v57  }
0x58c: {  	v60 =	vld [tilespmem:$0x1F730]  }
0x58d: {  	v58 =	vmul.f32 v1, v11;
	_ =	sdelay $0x1  }
0x58e: {  	v0 =	vmul.f32 v0, v1;
	v1 =	vsub.f32 v59, v58  }
0x58f: {  	v61 =	vld [tilespmem:$0x1FFD0]  }
0x590: {  	v0 =	vadd.f32 v0, v1;
	_ =	sdelay $0x1  }
0x591: {  	v63 =	vld [tilespmem:$0x1FFE0];
	[tilespmem:s30+$0xF00] =	vst v0  }
0x592: {  	v0 =	vld.idx.msk [tilespmem:v60+s18+$0x0], $0xffff  }
0x593: {  	v1 =	vmul.f32 v20, v61;
	_ =	sdelay $0x1  }
0x594: {  	v62 =	vmul.f32 v1, v11  }
0x595: {  	p0 =	sne.s32 s1, $0x70  }
.Ltmp2:
0x596: {  	v0 =	vmul.f32 v0, v1;
	v1 =	vsub.f32 v63, v62;
	(pc) =	sbr.rel @p0 .LBB2_7-.Ltmp2, $3  }
0x597: {  	_ = 	snop  }
0x598: {  	v0 =	vadd.f32 v0, v1;
	_ =	sdelay $0x1  }
0x599: {  	s10 =	sadd.s32 $0x10, s10;
	s1 =	sadd.s32 $0x10, s1;
	v8 =	vld [tilespmem:$0x1FFF0];
	[tilespmem:s30+$0xF80] =	vst v0;
	s30 =	sadd.s32 $0x10, s30  }
0x59a: {  	s1 =	sadd.s32 @!p1 $0x6580, s2  }
0x59b: {  	s2 =	simm.s32 @!p1 $0x80;
	s10 =	simm.s32 @!p1 $0x10800;
	s31 =	sadd.s32 $0x1, s31  }
0x59c: {  	[tilespmem:s10], [sflag:$0x2] =	stream.indirect.gather @!p1 [hbm4b:s6+s2], $0x80, s1, s2, $0xb8;
	[tilespmem:$0x18880] =	vst v63  }
0x59d: {  	p0 =	sne.s32 s31, $0x64  }
.Ltmp3:
0x59e: {  	s0 =	sshll.u32 s0, $0x12;
	(pc) =	sbr.rel @p0 .LBB2_4-.Ltmp3, $4  }
0x59f: {  	s0 =	sor.u32 s8, s0  }
0x5a0: {  	s0 =	sshrl.u32 s0, $0x3  }
0x5a1: {  	s3 =	sadd.s32 $0x100, s3;
	s29 =	sadd.s32 $0x100, s29;
	s0 =	sadd.s32 s4, s0  }
0x5a2: {  	[hbm4b:s0+s20] =	stream.strided.scatter [tilespmem:s24], [sflag:$0x4], $0x2000, s21, s20, $0x38;
	[tilespmem:$0x18880] =	vst v63  }
0x5a3: {  	s28 =	sadd.s32 $0x1, s28  }
0x5a4: {  	_ =	swait.ge [sflag:s25], $0x2000;
	p0 =	sne.s32 s28, s9  }
.Ltmp4:
0x5a5: {  	[sflag:s25] =	ssyncset.done $0x0;
	(pc) =	sbr.rel @p0 .LBB2_1-.Ltmp4, $4  }
0x5a6: {  	[sflag:s25] =	ssyncadd.s32 $0xFFFFE000  }
0x5a7: {  	_ =	swait.ge [sflag:s26], $0x2000  }
0x5a8: {  	[sflag:s26] =	ssyncset.done $0x0  }
0x5a9: {  	[sflag:s26] =	ssyncadd.s32 $0xFFFFE000  }
0x5aa: {  	_ =	sfence.sel $0x180000  }
0x5ab: {  	[bflag:$0x0] =	sbarrier.arrive $0xFFFF  }
0x5ac: {  	_ =	strace $0x90000047  }
0x5ad: {  	s0 =	stileid.u32;
	[bflag:$0x2] =	sbarrier.arrive $0xFFFF  }
0x5ae: {  	p0 =	sne.s32 s0, $0x0;
	s0 =	rddreg [dreg:$0x4]  }
0x5af: {  	s0 =	sadd.s32 @!p0 $0x100000, s0  }
0x5b0: {  	[sflag:s0] =	ssyncadd.tile.s32 @!p0 $0x1;
	_ =	shalt  }
.Lfunc_end2:
_tile_overlayer_lowered:
.L_overlay_start_2:
0x5b1: {  	(tag) =	ssettag $0x2  }
0x5b2: {  	s0 =	rddreg [dreg:$0x0];
	s2 =	stileid.u32  }
0x5b3: {  	s1 =	rddreg [dreg:$0x1];
	p0 =	sne.s32 s2, $0x0  }
0x5b4: {  	s3 =	rddreg [dreg:$0x2];
	[bflag:$0x3] =	sbarrier.arrive $0xFFFF;
	s2 =	simm.s32 @!p0 $0x1C05  }
0x5b5: {  	[timem:s3], [sflag:s2] =	dma.local @!p0 [hbm:s0], s1  }
0x5b6: {  	s0 =	simm.s32 @!p0 $0x5  }
0x5b7: {  	_ =	swait.ge @!p0 [sflag:s0], s1  }
0x5b8: {  	s1 =	ssub.s32 @!p0 $0x0, s1;
	[sflag:s0] =	ssyncset.done @!p0 $0x0  }
0x5b9: {  	[sflag:s0] =	ssyncadd.s32 @!p0 s1  }
0x5ba: {  	[bflag:$0x3] =	sbarrier.arrive $0xFFFF  }
0x5bb: {  	_ =	shalt  }

</sc_bundles>
